<compile_context>
chip_gen: v7x
topology: tpu7x:2x2x1
jax: 0.10.2.dev20260603
libtpu: 0.0.44.dev20260713+nightly
codegen_flags: <defaults>
</compile_context>

<pallas_src>
import functools

import jax
import jax.numpy as jnp
from jax import lax
from jax.experimental import pallas as pl
from jax.experimental.pallas import tpu as pltpu
from jax.experimental.pallas import tpu_sc as plsc

E = 8
NBUF = 8
SC_N = 352
NW = 32
L = 16


def _tc_body(gl_ref, w_hbm, hc_ref, x_ref, win_ref,
             o_ref, wbuf, acc_ref, idx_ref, zs_ref, sems, *, bond, lo, hi):
    def scan(j, p):
        g = gl_ref[j]
        z = jnp.minimum(jnp.maximum(g, 0.0), 1.0)
        idx_ref[p] = j
        zs_ref[p] = z
        return p + (z > 0.0).astype(jnp.int32)

    na = jax.lax.fori_loop(lo, hi, scan, 0, unroll=False)

    lastj = jnp.where(na > 0, idx_ref[jnp.maximum(na - 1, 0)], 0)
    for e in range(E):
        idx_ref[na + e] = lastj
        zs_ref[na + e] = 0.0

    nsteps = (na + E - 1) // E

    def issue(step, slot):
        for e in range(E):
            j = idx_ref[step * E + e]
            pltpu.make_async_copy(
                w_hbm.at[pl.ds(j, 1)], wbuf.at[slot, pl.ds(e, 1)],
                sems.at[slot]).start()

    def wait(step, slot):
        for e in range(E):
            j = idx_ref[step * E + e]
            pltpu.make_async_copy(
                w_hbm.at[pl.ds(j, 1)], wbuf.at[slot, pl.ds(e, 1)],
                sems.at[slot]).wait()

    acc_ref[...] = jnp.zeros_like(acc_ref)

    for k in range(NBUF - 1):
        @pl.when(k < nsteps)
        def _prologue():
            issue(k, k)

    def loop(step, carry):
        slot = jax.lax.rem(step, NBUF)

        @pl.when(step + NBUF - 1 < nsteps)
        def _next():
            issue(step + NBUF - 1, jax.lax.rem(step + NBUF - 1, NBUF))

        wait(step, slot)
        partial = jnp.zeros((1, bond), jnp.float32)
        for e in range(E):
            k = step * E + e
            j = idx_ref[k]
            zv = zs_ref[k]
            y = hc_ref[pl.ds(j, 1), :] * zv
            partial += jax.lax.dot_general(
                y, wbuf[slot, e], (((1,), (1,)), ((), ())),
                preferred_element_type=jnp.float32)
        acc_ref[...] += partial
        return carry

    jax.lax.fori_loop(0, nsteps, loop, 0, unroll=False)

    h = jax.lax.dot_general(
        x_ref[...], win_ref[...], (((1,), (1,)), ((), ())),
        preferred_element_type=jnp.float32)
    o_ref[...] = h + acc_ref[...]


def _sc_body(gl_hbm, hc_hbm, w_hbm, out_hbm, glbuf, ybuf, wbuf, tacc, sem,
             *, bond):
    chunk = SC_N // NW
    QB = 4
    qrows = bond // QB
    blocks = chunk * QB
    wid = lax.axis_index("s") * 2 + lax.axis_index("c")
    start = wid * chunk

    pltpu.sync_copy(gl_hbm, glbuf.at[pl.ds(0, glbuf.shape[0] - L)])
    astart = (start // 8) * 8
    aoff = start - astart
    pltpu.sync_copy(hc_hbm.at[pl.ds(astart, ybuf.shape[0])], ybuf)

    def zinit(k, c):
        tacc[k] = jnp.zeros((L,), jnp.float32)
        return c

    lax.fori_loop(0, bond, zinit, 0, unroll=False)

    def issue(b, slot):
        e = b // QB
        q = lax.rem(b, QB)
        j = start + e
        pltpu.make_async_copy(
            w_hbm.at[j, pl.ds(q * qrows, qrows)], wbuf.at[slot],
            sem.at[slot]).start()

    for k in range(QB - 1):
        issue(k, k)

    def loop(b, carry):
        slot = lax.rem(b, QB)

        @pl.when(b + QB - 1 < blocks)
        def _next():
            issue(b + QB - 1, lax.rem(b + QB - 1, QB))

        e = b // QB
        q = lax.rem(b, QB)
        j = start + e
        pltpu.make_async_copy(
            w_hbm.at[j, pl.ds(q * qrows, qrows)], wbuf.at[slot],
            sem.at[slot]).wait()

        g = glbuf[pl.ds(j, L)][0]
        zsp = jnp.full((L,), jnp.minimum(jnp.maximum(g, 0.0), 1.0), jnp.float32)
        yv = [ybuf[e + aoff, pl.ds(l * L, L)] * zsp for l in range(bond // L)]

        def krow(k, c):
            acc = jnp.zeros((L,), jnp.float32)
            for l in range(bond // L):
                acc = acc + wbuf[slot, k, pl.ds(l * L, L)] * yv[l]
            plsc.addupdate(tacc.at[q * qrows + k], acc)
            return c

        lax.fori_loop(0, qrows, krow, 0, unroll=4)
        return carry

    lax.fori_loop(0, blocks, loop, 0, unroll=False)

    pltpu.sync_copy(tacc, out_hbm.at[wid])


def _fin_body(v_ref, sc_ref, wout_ref, o_ref, *, bond):
    t = jnp.sum(sc_ref[...], axis=0)
    ones = jnp.ones((1, L), jnp.float32)
    v_sc = jax.lax.dot_general(
        ones, t, (((1,), (1,)), ((), ())),
        preferred_element_type=jnp.float32)
    outv = v_ref[...] + v_sc
    o_ref[...] = jax.lax.dot_general(
        outv, wout_ref[...], (((1,), (1,)), ((), ())),
        preferred_element_type=jnp.float32)


def kernel(x, pos, hidden_cache, W_in, W_out, W_edges, gate_logits):
    del pos
    POS, BOND = hidden_cache.shape
    N = x.shape[0]

    v_tc = pl.pallas_call(
        functools.partial(_tc_body, bond=BOND, lo=SC_N, hi=POS),
        in_specs=[
            pl.BlockSpec(memory_space=pltpu.SMEM),
            pl.BlockSpec(memory_space=pl.ANY),
            pl.BlockSpec(memory_space=pltpu.VMEM),
            pl.BlockSpec(memory_space=pltpu.VMEM),
            pl.BlockSpec(memory_space=pltpu.VMEM),
        ],
        out_specs=pl.BlockSpec(memory_space=pltpu.VMEM),
        out_shape=jax.ShapeDtypeStruct((1, BOND), jnp.float32),
        scratch_shapes=[
            pltpu.VMEM((NBUF, E, BOND, BOND), jnp.float32),
            pltpu.VMEM((1, BOND), jnp.float32),
            pltpu.SMEM((POS + E,), jnp.int32),
            pltpu.SMEM((POS + E,), jnp.float32),
            pltpu.SemaphoreType.DMA((NBUF,)),
        ],
    )(gate_logits, W_edges, hidden_cache, x.reshape(1, N), W_in)

    sc_kernel = pl.kernel(
        functools.partial(_sc_body, bond=BOND),
        out_type=jax.ShapeDtypeStruct((NW, BOND, L), jnp.float32),
        mesh=plsc.VectorSubcoreMesh(core_axis_name="c", subcore_axis_name="s"),
        scratch_types=[
            pltpu.VMEM((POS + L,), jnp.float32),
            pltpu.VMEM(((SC_N // NW + 7) // 8 * 8 + 8, BOND), jnp.float32),
            pltpu.VMEM((4, BOND // 4, BOND), jnp.float32),
            pltpu.VMEM((BOND, L), jnp.float32),
            pltpu.SemaphoreType.DMA((4,)),
        ],
    )
    sc_part = sc_kernel(gate_logits, hidden_cache, W_edges)

    out = pl.pallas_call(
        functools.partial(_fin_body, bond=BOND),
        in_specs=[
            pl.BlockSpec(memory_space=pltpu.VMEM),
            pl.BlockSpec(memory_space=pltpu.VMEM),
            pl.BlockSpec(memory_space=pltpu.VMEM),
        ],
        out_specs=pl.BlockSpec(memory_space=pltpu.VMEM),
        out_shape=jax.ShapeDtypeStruct((1, N), jnp.float32),
    )(v_tc, sc_part, W_out)
    return out.reshape(N)

# --- scband reference (transcript-rebuilt; emitter-appended) ---
"""Pipeline reference for scband-tnattention-19559281066176 (READ-ONLY COPY).

The authoritative reference and input builder live on the scoring server;
editing this copy changes nothing except your own understanding.
"""

import jax, jax.numpy as jnp
import numpy as np

N_EMBD = 2048
BOND = 256
POS = 2048

def setup_inputs(seed: int = 0) -> dict:
    key = jax.random.key(seed)
    ks = jax.random.split(key, 6)
    x = jax.random.normal(ks[0], (N_EMBD,), dtype=jnp.float32)
    hidden_cache = jax.random.normal(ks[1], (POS, BOND), dtype=jnp.float32)
    W_in = jax.random.normal(ks[2], (BOND, N_EMBD), dtype=jnp.float32) / np.sqrt(N_EMBD)
    W_out = jax.random.normal(ks[3], (N_EMBD, BOND), dtype=jnp.float32) / np.sqrt(BOND)
    W_edges = jax.random.normal(ks[4], (POS, BOND, BOND), dtype=jnp.float32) / np.sqrt(BOND)
    gate_logits = jax.random.normal(ks[5], (POS,), dtype=jnp.float32)
    return {"x": x, "pos": POS, "hidden_cache": hidden_cache,
            "W_in": W_in, "W_out": W_out, "W_edges": W_edges,
            "gate_logits": gate_logits}

def reference(x, pos, hidden_cache, W_in, W_out, W_edges, gate_logits):
    # h = input_proj(x)
    h = W_in @ x
    # GrowableAdjacency gates: hard-concrete style, exactly zero when clipped.
    # active_edges_to(pos) iterates edges j -> pos for j in [0, pos); the
    # z.item() > 0.0 check is realized as a mask (zero-gated edges contribute 0).
    z = jnp.clip(gate_logits, 0.0, 1.0)
    mask = (z > 0.0).astype(x.dtype)
    # out = h + sum_j z_j * (W_j @ hidden_cache[j])  (per-edge matvec gather)
    contrib = jnp.einsum('jkd,jd->jk', W_edges, hidden_cache)
    out = h + jnp.sum((mask * z)[:, None] * contrib, axis=0)
    # output_proj
    return W_out @ out

if __name__ == "__main__":
    import jax
    _d = setup_inputs()
    print(jax.jit(kernel)(*tuple(_d.values())))

</pallas_src>

<mosaic_0001>
#map = affine_map<(d0, d1) -> (0)>
#map1 = affine_map<(d0, d1) -> (0, 0)>
#map2 = affine_map<(d0, d1) -> (0, 0, 0)>
module attributes {stable_mosaic.version = 14 : i64} {
  func.func @_sc_body(%arg0: i32, %arg1: i32, %arg2: memref<2048xf32, #tpu.memory_space<hbm>>, %arg3: memref<2048x256xf32, #tpu.memory_space<hbm>>, %arg4: memref<2048x256x256xf32, #tpu.memory_space<hbm>>, %arg5: memref<32x256x16xf32, #tpu.memory_space<hbm>>, %arg6: memref<2064xf32, #tpu.memory_space<vmem>>, %arg7: memref<24x256xf32, #tpu.memory_space<vmem>>, %arg8: memref<4x64x256xf32, #tpu.memory_space<vmem>>, %arg9: memref<256x16xf32, #tpu.memory_space<vmem>>, %arg10: memref<4x!tpu.dma_semaphore, #tpu.memory_space<semaphore_mem>>) attributes {dimension_semantics = [#tpu.dimension_semantics<core_parallel>, #tpu.dimension_semantics<subcore_parallel>], iteration_bounds = array<i64: 2, 16>, scalar_prefetch = 0 : i64, scratch_operands = 5 : i64, tpu.core_type = #tpu.core_type<sc_vector_subcore>, window_params = [{transform_indices = #map}, {transform_indices = #map1}, {transform_indices = #map2}, {transform_indices = #map2}]} {
    %mul3A = arith.constant 2 : i32
    %mul3A_0 = arith.muli %arg1, %mul3A : i32
    %add3A = arith.addi %mul3A_0, %arg0 : i32
    %mul3A_1 = arith.constant 11 : i32
    %mul3A_2 = arith.muli %add3A, %mul3A_1 : i32
    "tpu.region"() ({
      %run_scoped3A = tpu.sem_alloc : memref<!tpu.dma_semaphore, #tpu.memory_space<semaphore_mem>>
      %dma_start3A_107 = arith.constant 0 : i32
      %dma_start3A_108 = tpu.memref_slice %arg6[%dma_start3A_107] : memref<2064xf32, #tpu.memory_space<vmem>> -> memref<2048xf32, #tpu.memory_space<vmem>>
      %dma_start3A_109 = arith.constant 0 : i32
      %dma_start3A_110 = tpu.memref_slice %arg6[%dma_start3A_109] : memref<2064xf32, #tpu.memory_space<vmem>> -> memref<2048xf32, #tpu.memory_space<vmem>>
      tpu.enqueue_dma source(%arg2 : memref<2048xf32, #tpu.memory_space<hbm>>) target(%dma_start3A_110 : memref<2048xf32, #tpu.memory_space<vmem>>) target_semaphore(%run_scoped3A : memref<!tpu.dma_semaphore, #tpu.memory_space<semaphore_mem>>)
      %dma_wait3A = arith.constant 0 : i32
      %dma_wait3A_111 = tpu.memref_slice %arg6[%dma_wait3A] : memref<2064xf32, #tpu.memory_space<vmem>> -> memref<2048xf32, #tpu.memory_space<vmem>>
      %dma_wait3A_112 = arith.constant 0 : i32
      %dma_wait3A_113 = tpu.memref_slice %arg6[%dma_wait3A_112] : memref<2064xf32, #tpu.memory_space<vmem>> -> memref<2048xf32, #tpu.memory_space<vmem>>
      tpu.wait_dma2 semaphore(%run_scoped3A : memref<!tpu.dma_semaphore, #tpu.memory_space<semaphore_mem>>) src(%arg2 : memref<2048xf32, #tpu.memory_space<hbm>>) dst(%dma_wait3A_113 : memref<2048xf32, #tpu.memory_space<vmem>>)
      tpu.yield
    }) : () -> ()
    %jit3A = arith.constant 8 : i32
    %div3A = arith.divsi %mul3A_2, %jit3A : i32
    %sign3A = arith.constant 0 : i32
    %sign3A_3 = arith.cmpi sgt, %mul3A_2, %sign3A : i32
    %sign3A_4 = arith.extui %sign3A_3 : i1 to i32
    %sign3A_5 = arith.constant 0 : i32
    %sign3A_6 = arith.cmpi slt, %mul3A_2, %sign3A_5 : i32
    %sign3A_7 = arith.extui %sign3A_6 : i1 to i32
    %sign3A_8 = arith.subi %sign3A_4, %sign3A_7 : i32
    %sign3A_9 = arith.constant 0 : i32
    %sign3A_10 = arith.cmpi sgt, %jit3A, %sign3A_9 : i32
    %sign3A_11 = arith.extui %sign3A_10 : i1 to i32
    %sign3A_12 = arith.constant 0 : i32
    %sign3A_13 = arith.cmpi slt, %jit3A, %sign3A_12 : i32
    %sign3A_14 = arith.extui %sign3A_13 : i1 to i32
    %sign3A_15 = arith.subi %sign3A_11, %sign3A_14 : i32
    %ne3A = arith.cmpi ne, %sign3A_8, %sign3A_15 : i32
    %rem3A = arith.remsi %mul3A_2, %jit3A : i32
    %ne3A_16 = arith.constant 0 : i32
    %ne3A_17 = arith.cmpi ne, %rem3A, %ne3A_16 : i32
    %and3A = arith.andi %ne3A, %ne3A_17 : i1
    %sub3A = arith.constant 1 : i32
    %sub3A_18 = arith.subi %div3A, %sub3A : i32
    %select_n3A = arith.select %and3A, %sub3A_18, %div3A : i32
    %mul3A_19 = arith.constant 8 : i32
    %mul3A_20 = arith.muli %select_n3A, %mul3A_19 : i32
    %sub3A_21 = arith.subi %mul3A_2, %mul3A_20 : i32
    "tpu.region"() ({
      %run_scoped3A = tpu.sem_alloc : memref<!tpu.dma_semaphore, #tpu.memory_space<semaphore_mem>>
      %dma_start3A_107 = arith.constant 0 : i32
      %dma_start3A_108 = tpu.memref_slice %arg3[%mul3A_20, %dma_start3A_107] : memref<2048x256xf32, #tpu.memory_space<hbm>> -> memref<24x256xf32, #tpu.memory_space<hbm>>
      %dma_start3A_109 = arith.constant 0 : i32
      %dma_start3A_110 = tpu.memref_slice %arg3[%mul3A_20, %dma_start3A_109] : memref<2048x256xf32, #tpu.memory_space<hbm>> -> memref<24x256xf32, #tpu.memory_space<hbm>>
      tpu.enqueue_dma source(%dma_start3A_110 : memref<24x256xf32, #tpu.memory_space<hbm>>) target(%arg7 : memref<24x256xf32, #tpu.memory_space<vmem>>) target_semaphore(%run_scoped3A : memref<!tpu.dma_semaphore, #tpu.memory_space<semaphore_mem>>)
      %dma_wait3A = arith.constant 0 : i32
      %dma_wait3A_111 = tpu.memref_slice %arg3[%mul3A_20, %dma_wait3A] : memref<2048x256xf32, #tpu.memory_space<hbm>> -> memref<24x256xf32, #tpu.memory_space<hbm>>
      %dma_wait3A_112 = arith.constant 0 : i32
      %dma_wait3A_113 = tpu.memref_slice %arg3[%mul3A_20, %dma_wait3A_112] : memref<2048x256xf32, #tpu.memory_space<hbm>> -> memref<24x256xf32, #tpu.memory_space<hbm>>
      tpu.wait_dma2 semaphore(%run_scoped3A : memref<!tpu.dma_semaphore, #tpu.memory_space<semaphore_mem>>) src(%dma_wait3A_113 : memref<24x256xf32, #tpu.memory_space<hbm>>) dst(%arg7 : memref<24x256xf32, #tpu.memory_space<vmem>>)
      tpu.yield
    }) : () -> ()
    %scan3A = arith.constant 0 : i32
    %scan3A_22 = arith.constant 0 : i32
    %scan3A_23 = arith.constant 256 : i32
    %scan3A_24 = arith.addi %scan3A_22, %scan3A_23 : i32
    %scan3A_25 = arith.constant 1 : i32
    scf.for %scan3A_107 = %scan3A_22 to %scan3A_24 step %scan3A_25  : i32 {
      %broadcast_in_dim3A = arith.constant 0.000000e+00 : f32
      %broadcast_in_dim3A_108 = vector.broadcast %broadcast_in_dim3A : f32 to vector<16xf32>
      %swap3A = arith.index_cast %scan3A_107 : i32 to index
      %swap3A_109 = arith.constant 0 : index
      %swap3A_110 = tpu.vector_load %arg9[%swap3A, %swap3A_109] {strides = array<i32>} : memref<256x16xf32, #tpu.memory_space<vmem>>, vector<1x16xf32>,
      %swap3A_111 = vector.shape_cast %swap3A_110 : vector<1x16xf32> to vector<16xf32>
      %swap3A_112 = vector.shape_cast %broadcast_in_dim3A_108 : vector<16xf32> to vector<1x16xf32>
      tpu.vector_store %arg9[%swap3A, %swap3A_109], %swap3A_112 {strides = array<i32>} : memref<256x16xf32, #tpu.memory_space<vmem>>, vector<1x16xf32>,
    }
    %scan3A_26 = arith.constant 256 : i32
    %rem3A_27 = arith.constant 0 : i32
    %rem3A_28 = arith.constant 4 : i32
    %rem3A_29 = arith.remsi %rem3A_27, %rem3A_28 : i32
    %add3A_30 = arith.constant 0 : i32
    %add3A_31 = arith.addi %mul3A_2, %add3A_30 : i32
    %mul3A_32 = arith.constant 64 : i32
    %mul3A_33 = arith.muli %rem3A_29, %mul3A_32 : i32
    %dma_start3A = arith.constant 0 : i32
    %dma_start3A_34 = arith.constant 0 : i32
    %dma_start3A_35 = arith.constant 0 : i32
    %dma_start3A_36 = arith.constant 0 : i32
    %dma_start3A_37 = tpu.memref_slice %arg8[%dma_start3A, %dma_start3A_35, %dma_start3A_36] : memref<4x64x256xf32, #tpu.memory_space<vmem>> -> memref<1x64x256xf32, #tpu.memory_space<vmem>>
    %dma_start3A_38 = tpu.memref_squeeze %dma_start3A_37 : memref<1x64x256xf32, #tpu.memory_space<vmem>> -> memref<64x256xf32, #tpu.memory_space<vmem>>
    %dma_start3A_39 = arith.constant 0 : i32
    %dma_start3A_40 = tpu.memref_slice %arg4[%add3A_31, %mul3A_33, %dma_start3A_39] : memref<2048x256x256xf32, #tpu.memory_space<hbm>> -> memref<1x64x256xf32, #tpu.memory_space<hbm>>
    %dma_start3A_41 = tpu.memref_squeeze %dma_start3A_40 : memref<1x64x256xf32, #tpu.memory_space<hbm>> -> memref<64x256xf32, #tpu.memory_space<hbm>>
    %dma_start3A_42 = tpu.memref_slice %arg10[%dma_start3A_34] : memref<4x!tpu.dma_semaphore, #tpu.memory_space<semaphore_mem>> -> memref<1x!tpu.dma_semaphore, #tpu.memory_space<semaphore_mem>>
    %dma_start3A_43 = tpu.memref_squeeze %dma_start3A_42 : memref<1x!tpu.dma_semaphore, #tpu.memory_space<semaphore_mem>> -> memref<!tpu.dma_semaphore, #tpu.memory_space<semaphore_mem>>
    %dma_start3A_44 = arith.constant 0 : i32
    %dma_start3A_45 = arith.constant 0 : i32
    %dma_start3A_46 = tpu.memref_slice %arg8[%dma_start3A, %dma_start3A_44, %dma_start3A_45] : memref<4x64x256xf32, #tpu.memory_space<vmem>> -> memref<1x64x256xf32, #tpu.memory_space<vmem>>
    %dma_start3A_47 = tpu.memref_squeeze %dma_start3A_46 : memref<1x64x256xf32, #tpu.memory_space<vmem>> -> memref<64x256xf32, #tpu.memory_space<vmem>>
    %dma_start3A_48 = arith.constant 0 : i32
    %dma_start3A_49 = tpu.memref_slice %arg4[%add3A_31, %mul3A_33, %dma_start3A_48] : memref<2048x256x256xf32, #tpu.memory_space<hbm>> -> memref<1x64x256xf32, #tpu.memory_space<hbm>>
    %dma_start3A_50 = tpu.memref_squeeze %dma_start3A_49 : memref<1x64x256xf32, #tpu.memory_space<hbm>> -> memref<64x256xf32, #tpu.memory_space<hbm>>
    tpu.enqueue_dma source(%dma_start3A_50 : memref<64x256xf32, #tpu.memory_space<hbm>>) target(%dma_start3A_47 : memref<64x256xf32, #tpu.memory_space<vmem>>) target_semaphore(%dma_start3A_43 : memref<!tpu.dma_semaphore, #tpu.memory_space<semaphore_mem>>)
    %rem3A_51 = arith.constant 1 : i32
    %rem3A_52 = arith.constant 4 : i32
    %rem3A_53 = arith.remsi %rem3A_51, %rem3A_52 : i32
    %add3A_54 = arith.constant 0 : i32
    %add3A_55 = arith.addi %mul3A_2, %add3A_54 : i32
    %mul3A_56 = arith.constant 64 : i32
    %mul3A_57 = arith.muli %rem3A_53, %mul3A_56 : i32
    %dma_start3A_58 = arith.constant 1 : i32
    %dma_start3A_59 = arith.constant 1 : i32
    %dma_start3A_60 = arith.constant 0 : i32
    %dma_start3A_61 = arith.constant 0 : i32
    %dma_start3A_62 = tpu.memref_slice %arg8[%dma_start3A_58, %dma_start3A_60, %dma_start3A_61] : memref<4x64x256xf32, #tpu.memory_space<vmem>> -> memref<1x64x256xf32, #tpu.memory_space<vmem>>
    %dma_start3A_63 = tpu.memref_squeeze %dma_start3A_62 : memref<1x64x256xf32, #tpu.memory_space<vmem>> -> memref<64x256xf32, #tpu.memory_space<vmem>>
    %dma_start3A_64 = arith.constant 0 : i32
    %dma_start3A_65 = tpu.memref_slice %arg4[%add3A_55, %mul3A_57, %dma_start3A_64] : memref<2048x256x256xf32, #tpu.memory_space<hbm>> -> memref<1x64x256xf32, #tpu.memory_space<hbm>>
    %dma_start3A_66 = tpu.memref_squeeze %dma_start3A_65 : memref<1x64x256xf32, #tpu.memory_space<hbm>> -> memref<64x256xf32, #tpu.memory_space<hbm>>
    %dma_start3A_67 = tpu.memref_slice %arg10[%dma_start3A_59] : memref<4x!tpu.dma_semaphore, #tpu.memory_space<semaphore_mem>> -> memref<1x!tpu.dma_semaphore, #tpu.memory_space<semaphore_mem>>
    %dma_start3A_68 = tpu.memref_squeeze %dma_start3A_67 : memref<1x!tpu.dma_semaphore, #tpu.memory_space<semaphore_mem>> -> memref<!tpu.dma_semaphore, #tpu.memory_space<semaphore_mem>>
    %dma_start3A_69 = arith.constant 0 : i32
    %dma_start3A_70 = arith.constant 0 : i32
    %dma_start3A_71 = tpu.memref_slice %arg8[%dma_start3A_58, %dma_start3A_69, %dma_start3A_70] : memref<4x64x256xf32, #tpu.memory_space<vmem>> -> memref<1x64x256xf32, #tpu.memory_space<vmem>>
    %dma_start3A_72 = tpu.memref_squeeze %dma_start3A_71 : memref<1x64x256xf32, #tpu.memory_space<vmem>> -> memref<64x256xf32, #tpu.memory_space<vmem>>
    %dma_start3A_73 = arith.constant 0 : i32
    %dma_start3A_74 = tpu.memref_slice %arg4[%add3A_55, %mul3A_57, %dma_start3A_73] : memref<2048x256x256xf32, #tpu.memory_space<hbm>> -> memref<1x64x256xf32, #tpu.memory_space<hbm>>
    %dma_start3A_75 = tpu.memref_squeeze %dma_start3A_74 : memref<1x64x256xf32, #tpu.memory_space<hbm>> -> memref<64x256xf32, #tpu.memory_space<hbm>>
    tpu.enqueue_dma source(%dma_start3A_75 : memref<64x256xf32, #tpu.memory_space<hbm>>) target(%dma_start3A_72 : memref<64x256xf32, #tpu.memory_space<vmem>>) target_semaphore(%dma_start3A_68 : memref<!tpu.dma_semaphore, #tpu.memory_space<semaphore_mem>>)
    %rem3A_76 = arith.constant 2 : i32
    %rem3A_77 = arith.constant 4 : i32
    %rem3A_78 = arith.remsi %rem3A_76, %rem3A_77 : i32
    %add3A_79 = arith.constant 0 : i32
    %add3A_80 = arith.addi %mul3A_2, %add3A_79 : i32
    %mul3A_81 = arith.constant 64 : i32
    %mul3A_82 = arith.muli %rem3A_78, %mul3A_81 : i32
    %dma_start3A_83 = arith.constant 2 : i32
    %dma_start3A_84 = arith.constant 2 : i32
    %dma_start3A_85 = arith.constant 0 : i32
    %dma_start3A_86 = arith.constant 0 : i32
    %dma_start3A_87 = tpu.memref_slice %arg8[%dma_start3A_83, %dma_start3A_85, %dma_start3A_86] : memref<4x64x256xf32, #tpu.memory_space<vmem>> -> memref<1x64x256xf32, #tpu.memory_space<vmem>>
    %dma_start3A_88 = tpu.memref_squeeze %dma_start3A_87 : memref<1x64x256xf32, #tpu.memory_space<vmem>> -> memref<64x256xf32, #tpu.memory_space<vmem>>
    %dma_start3A_89 = arith.constant 0 : i32
    %dma_start3A_90 = tpu.memref_slice %arg4[%add3A_80, %mul3A_82, %dma_start3A_89] : memref<2048x256x256xf32, #tpu.memory_space<hbm>> -> memref<1x64x256xf32, #tpu.memory_space<hbm>>
    %dma_start3A_91 = tpu.memref_squeeze %dma_start3A_90 : memref<1x64x256xf32, #tpu.memory_space<hbm>> -> memref<64x256xf32, #tpu.memory_space<hbm>>
    %dma_start3A_92 = tpu.memref_slice %arg10[%dma_start3A_84] : memref<4x!tpu.dma_semaphore, #tpu.memory_space<semaphore_mem>> -> memref<1x!tpu.dma_semaphore, #tpu.memory_space<semaphore_mem>>
    %dma_start3A_93 = tpu.memref_squeeze %dma_start3A_92 : memref<1x!tpu.dma_semaphore, #tpu.memory_space<semaphore_mem>> -> memref<!tpu.dma_semaphore, #tpu.memory_space<semaphore_mem>>
    %dma_start3A_94 = arith.constant 0 : i32
    %dma_start3A_95 = arith.constant 0 : i32
    %dma_start3A_96 = tpu.memref_slice %arg8[%dma_start3A_83, %dma_start3A_94, %dma_start3A_95] : memref<4x64x256xf32, #tpu.memory_space<vmem>> -> memref<1x64x256xf32, #tpu.memory_space<vmem>>
    %dma_start3A_97 = tpu.memref_squeeze %dma_start3A_96 : memref<1x64x256xf32, #tpu.memory_space<vmem>> -> memref<64x256xf32, #tpu.memory_space<vmem>>
    %dma_start3A_98 = arith.constant 0 : i32
    %dma_start3A_99 = tpu.memref_slice %arg4[%add3A_80, %mul3A_82, %dma_start3A_98] : memref<2048x256x256xf32, #tpu.memory_space<hbm>> -> memref<1x64x256xf32, #tpu.memory_space<hbm>>
    %dma_start3A_100 = tpu.memref_squeeze %dma_start3A_99 : memref<1x64x256xf32, #tpu.memory_space<hbm>> -> memref<64x256xf32, #tpu.memory_space<hbm>>
    tpu.enqueue_dma source(%dma_start3A_100 : memref<64x256xf32, #tpu.memory_space<hbm>>) target(%dma_start3A_97 : memref<64x256xf32, #tpu.memory_space<vmem>>) target_semaphore(%dma_start3A_93 : memref<!tpu.dma_semaphore, #tpu.memory_space<semaphore_mem>>)
    %scan3A_101 = arith.constant 0 : i32
    %scan3A_102 = arith.constant 0 : i32
    %scan3A_103 = arith.constant 44 : i32
    %scan3A_104 = arith.addi %scan3A_102, %scan3A_103 : i32
    %scan3A_105 = arith.constant 1 : i32
    scf.for %scan3A_107 = %scan3A_102 to %scan3A_104 step %scan3A_105  : i32 {
      %rem3A_108 = arith.constant 4 : i32
      %rem3A_109 = arith.remsi %scan3A_107, %rem3A_108 : i32
      %add3A_110 = arith.constant 4 : i32
      %add3A_111 = arith.addi %scan3A_107, %add3A_110 : i32
      %sub3A_112 = arith.constant 1 : i32
      %sub3A_113 = arith.subi %add3A_111, %sub3A_112 : i32
      %lt3A = arith.constant 44 : i32
      %lt3A_114 = arith.cmpi slt, %sub3A_113, %lt3A : i32
      %convert_element_type3A = arith.extui %lt3A_114 : i1 to i32
      %cond3A = arith.constant 0 : i32
      %cond3A_115 = arith.cmpi ne, %convert_element_type3A, %cond3A : i32
      scf.if %cond3A_115 {
        %add3A_266 = arith.constant 4 : i32
        %add3A_267 = arith.addi %scan3A_107, %add3A_266 : i32
        %sub3A_268 = arith.constant 1 : i32
        %sub3A_269 = arith.subi %add3A_267, %sub3A_268 : i32
        %add3A_270 = arith.constant 4 : i32
        %add3A_271 = arith.addi %scan3A_107, %add3A_270 : i32
        %sub3A_272 = arith.constant 1 : i32
        %sub3A_273 = arith.subi %add3A_271, %sub3A_272 : i32
        %rem3A_274 = arith.constant 4 : i32
        %rem3A_275 = arith.remsi %sub3A_273, %rem3A_274 : i32
        %jit3A_276 = arith.constant 4 : i32
        %div3A_277 = arith.divsi %sub3A_269, %jit3A_276 : i32
        %sign3A_278 = arith.constant 0 : i32
        %sign3A_279 = arith.cmpi sgt, %sub3A_269, %sign3A_278 : i32
        %sign3A_280 = arith.extui %sign3A_279 : i1 to i32
        %sign3A_281 = arith.constant 0 : i32
        %sign3A_282 = arith.cmpi slt, %sub3A_269, %sign3A_281 : i32
        %sign3A_283 = arith.extui %sign3A_282 : i1 to i32
        %sign3A_284 = arith.subi %sign3A_280, %sign3A_283 : i32
        %sign3A_285 = arith.constant 0 : i32
        %sign3A_286 = arith.cmpi sgt, %jit3A_276, %sign3A_285 : i32
        %sign3A_287 = arith.extui %sign3A_286 : i1 to i32
        %sign3A_288 = arith.constant 0 : i32
        %sign3A_289 = arith.cmpi slt, %jit3A_276, %sign3A_288 : i32
        %sign3A_290 = arith.extui %sign3A_289 : i1 to i32
        %sign3A_291 = arith.subi %sign3A_287, %sign3A_290 : i32
        %ne3A_292 = arith.cmpi ne, %sign3A_284, %sign3A_291 : i32
        %rem3A_293 = arith.remsi %sub3A_269, %jit3A_276 : i32
        %ne3A_294 = arith.constant 0 : i32
        %ne3A_295 = arith.cmpi ne, %rem3A_293, %ne3A_294 : i32
        %and3A_296 = arith.andi %ne3A_292, %ne3A_295 : i1
        %sub3A_297 = arith.constant 1 : i32
        %sub3A_298 = arith.subi %div3A_277, %sub3A_297 : i32
        %select_n3A_299 = arith.select %and3A_296, %sub3A_298, %div3A_277 : i32
        %rem3A_300 = arith.constant 4 : i32
        %rem3A_301 = arith.remsi %sub3A_269, %rem3A_300 : i32
        %add3A_302 = arith.addi %mul3A_2, %select_n3A_299 : i32
        %mul3A_303 = arith.constant 64 : i32
        %mul3A_304 = arith.muli %rem3A_301, %mul3A_303 : i32
        %dma_start3A_305 = arith.constant 0 : i32
        %dma_start3A_306 = arith.constant 0 : i32
        %dma_start3A_307 = tpu.memref_slice %arg8[%rem3A_275, %dma_start3A_305, %dma_start3A_306] : memref<4x64x256xf32, #tpu.memory_space<vmem>> -> memref<1x64x256xf32, #tpu.memory_space<vmem>>
        %dma_start3A_308 = tpu.memref_squeeze %dma_start3A_307 : memref<1x64x256xf32, #tpu.memory_space<vmem>> -> memref<64x256xf32, #tpu.memory_space<vmem>>
        %dma_start3A_309 = arith.constant 0 : i32
        %dma_start3A_310 = tpu.memref_slice %arg4[%add3A_302, %mul3A_304, %dma_start3A_309] : memref<2048x256x256xf32, #tpu.memory_space<hbm>> -> memref<1x64x256xf32, #tpu.memory_space<hbm>>
        %dma_start3A_311 = tpu.memref_squeeze %dma_start3A_310 : memref<1x64x256xf32, #tpu.memory_space<hbm>> -> memref<64x256xf32, #tpu.memory_space<hbm>>
        %dma_start3A_312 = tpu.memref_slice %arg10[%rem3A_275] : memref<4x!tpu.dma_semaphore, #tpu.memory_space<semaphore_mem>> -> memref<1x!tpu.dma_semaphore, #tpu.memory_space<semaphore_mem>>
        %dma_start3A_313 = tpu.memref_squeeze %dma_start3A_312 : memref<1x!tpu.dma_semaphore, #tpu.memory_space<semaphore_mem>> -> memref<!tpu.dma_semaphore, #tpu.memory_space<semaphore_mem>>
        %dma_start3A_314 = arith.constant 0 : i32
        %dma_start3A_315 = arith.constant 0 : i32
        %dma_start3A_316 = tpu.memref_slice %arg8[%rem3A_275, %dma_start3A_314, %dma_start3A_315] : memref<4x64x256xf32, #tpu.memory_space<vmem>> -> memref<1x64x256xf32, #tpu.memory_space<vmem>>
        %dma_start3A_317 = tpu.memref_squeeze %dma_start3A_316 : memref<1x64x256xf32, #tpu.memory_space<vmem>> -> memref<64x256xf32, #tpu.memory_space<vmem>>
        %dma_start3A_318 = arith.constant 0 : i32
        %dma_start3A_319 = tpu.memref_slice %arg4[%add3A_302, %mul3A_304, %dma_start3A_318] : memref<2048x256x256xf32, #tpu.memory_space<hbm>> -> memref<1x64x256xf32, #tpu.memory_space<hbm>>
        %dma_start3A_320 = tpu.memref_squeeze %dma_start3A_319 : memref<1x64x256xf32, #tpu.memory_space<hbm>> -> memref<64x256xf32, #tpu.memory_space<hbm>>
        tpu.enqueue_dma source(%dma_start3A_320 : memref<64x256xf32, #tpu.memory_space<hbm>>) target(%dma_start3A_317 : memref<64x256xf32, #tpu.memory_space<vmem>>) target_semaphore(%dma_start3A_313 : memref<!tpu.dma_semaphore, #tpu.memory_space<semaphore_mem>>)
      } else {
      }
      %jit3A_116 = arith.constant 4 : i32
      %div3A_117 = arith.divsi %scan3A_107, %jit3A_116 : i32
      %sign3A_118 = arith.constant 0 : i32
      %sign3A_119 = arith.cmpi sgt, %scan3A_107, %sign3A_118 : i32
      %sign3A_120 = arith.extui %sign3A_119 : i1 to i32
      %sign3A_121 = arith.constant 0 : i32
      %sign3A_122 = arith.cmpi slt, %scan3A_107, %sign3A_121 : i32
      %sign3A_123 = arith.extui %sign3A_122 : i1 to i32
      %sign3A_124 = arith.subi %sign3A_120, %sign3A_123 : i32
      %sign3A_125 = arith.constant 0 : i32
      %sign3A_126 = arith.cmpi sgt, %jit3A_116, %sign3A_125 : i32
      %sign3A_127 = arith.extui %sign3A_126 : i1 to i32
      %sign3A_128 = arith.constant 0 : i32
      %sign3A_129 = arith.cmpi slt, %jit3A_116, %sign3A_128 : i32
      %sign3A_130 = arith.extui %sign3A_129 : i1 to i32
      %sign3A_131 = arith.subi %sign3A_127, %sign3A_130 : i32
      %ne3A_132 = arith.cmpi ne, %sign3A_124, %sign3A_131 : i32
      %rem3A_133 = arith.remsi %scan3A_107, %jit3A_116 : i32
      %ne3A_134 = arith.constant 0 : i32
      %ne3A_135 = arith.cmpi ne, %rem3A_133, %ne3A_134 : i32
      %and3A_136 = arith.andi %ne3A_132, %ne3A_135 : i1
      %sub3A_137 = arith.constant 1 : i32
      %sub3A_138 = arith.subi %div3A_117, %sub3A_137 : i32
      %select_n3A_139 = arith.select %and3A_136, %sub3A_138, %div3A_117 : i32
      %rem3A_140 = arith.constant 4 : i32
      %rem3A_141 = arith.remsi %scan3A_107, %rem3A_140 : i32
      %add3A_142 = arith.addi %mul3A_2, %select_n3A_139 : i32
      %mul3A_143 = arith.constant 64 : i32
      %mul3A_144 = arith.muli %rem3A_141, %mul3A_143 : i32
      %dma_wait3A = arith.constant 0 : i32
      %dma_wait3A_145 = arith.constant 0 : i32
      %dma_wait3A_146 = tpu.memref_slice %arg8[%rem3A_109, %dma_wait3A, %dma_wait3A_145] : memref<4x64x256xf32, #tpu.memory_space<vmem>> -> memref<1x64x256xf32, #tpu.memory_space<vmem>>
      %dma_wait3A_147 = tpu.memref_squeeze %dma_wait3A_146 : memref<1x64x256xf32, #tpu.memory_space<vmem>> -> memref<64x256xf32, #tpu.memory_space<vmem>>
      %dma_wait3A_148 = arith.constant 0 : i32
      %dma_wait3A_149 = tpu.memref_slice %arg4[%add3A_142, %mul3A_144, %dma_wait3A_148] : memref<2048x256x256xf32, #tpu.memory_space<hbm>> -> memref<1x64x256xf32, #tpu.memory_space<hbm>>
      %dma_wait3A_150 = tpu.memref_squeeze %dma_wait3A_149 : memref<1x64x256xf32, #tpu.memory_space<hbm>> -> memref<64x256xf32, #tpu.memory_space<hbm>>
      %dma_wait3A_151 = tpu.memref_slice %arg10[%rem3A_109] : memref<4x!tpu.dma_semaphore, #tpu.memory_space<semaphore_mem>> -> memref<1x!tpu.dma_semaphore, #tpu.memory_space<semaphore_mem>>
      %dma_wait3A_152 = tpu.memref_squeeze %dma_wait3A_151 : memref<1x!tpu.dma_semaphore, #tpu.memory_space<semaphore_mem>> -> memref<!tpu.dma_semaphore, #tpu.memory_space<semaphore_mem>>
      %dma_wait3A_153 = arith.constant 0 : i32
      %dma_wait3A_154 = arith.constant 0 : i32
      %dma_wait3A_155 = tpu.memref_slice %arg8[%rem3A_109, %dma_wait3A_153, %dma_wait3A_154] : memref<4x64x256xf32, #tpu.memory_space<vmem>> -> memref<1x64x256xf32, #tpu.memory_space<vmem>>
      %dma_wait3A_156 = tpu.memref_squeeze %dma_wait3A_155 : memref<1x64x256xf32, #tpu.memory_space<vmem>> -> memref<64x256xf32, #tpu.memory_space<vmem>>
      %dma_wait3A_157 = arith.constant 0 : i32
      %dma_wait3A_158 = tpu.memref_slice %arg4[%add3A_142, %mul3A_144, %dma_wait3A_157] : memref<2048x256x256xf32, #tpu.memory_space<hbm>> -> memref<1x64x256xf32, #tpu.memory_space<hbm>>
      %dma_wait3A_159 = tpu.memref_squeeze %dma_wait3A_158 : memref<1x64x256xf32, #tpu.memory_space<hbm>> -> memref<64x256xf32, #tpu.memory_space<hbm>>
      tpu.wait_dma2 semaphore(%dma_wait3A_152 : memref<!tpu.dma_semaphore, #tpu.memory_space<semaphore_mem>>) src(%dma_wait3A_159 : memref<64x256xf32, #tpu.memory_space<hbm>>) dst(%dma_wait3A_156 : memref<64x256xf32, #tpu.memory_space<vmem>>)
      %get3A = arith.index_cast %add3A_142 : i32 to index
      %get3A_160 = tpu.vector_load %arg6[%get3A] {strides = array<i32>} : memref<2064xf32, #tpu.memory_space<vmem>>, vector<16xf32>,
      %get3A_161 = vector.shape_cast %get3A_160 : vector<16xf32> to vector<16xf32>
      %slice3A = vector.extract_strided_slice %get3A_161 {offsets = [0], sizes = [1], strides = [1]} : vector<16xf32> to vector<1xf32>
      %squeeze3A = vector.extract %slice3A[0] : f32 from vector<1xf32>
      %max3A = arith.constant 0.000000e+00 : f32
      %max3A_162 = arith.maximumf %squeeze3A, %max3A : f32
      %min3A = arith.constant 1.000000e+00 : f32
      %min3A_163 = arith.minimumf %max3A_162, %min3A : f32
      %broadcast_in_dim3A = vector.broadcast %min3A_163 : f32 to vector<16xf32>
      %add3A_164 = arith.addi %select_n3A_139, %sub3A_21 : i32
      %get3A_165 = arith.index_cast %add3A_164 : i32 to index
      %get3A_166 = arith.constant 0 : index
      %get3A_167 = tpu.vector_load %arg7[%get3A_165, %get3A_166] {strides = array<i32>} : memref<24x256xf32, #tpu.memory_space<vmem>>, vector<1x16xf32>,
      %get3A_168 = vector.shape_cast %get3A_167 : vector<1x16xf32> to vector<16xf32>
      %mul3A_169 = arith.mulf %get3A_168, %broadcast_in_dim3A : vector<16xf32>
      %add3A_170 = arith.addi %select_n3A_139, %sub3A_21 : i32
      %get3A_171 = arith.index_cast %add3A_170 : i32 to index
      %get3A_172 = arith.constant 16 : index
      %get3A_173 = tpu.vector_load %arg7[%get3A_171, %get3A_172] {strides = array<i32>} : memref<24x256xf32, #tpu.memory_space<vmem>>, vector<1x16xf32>,
      %get3A_174 = vector.shape_cast %get3A_173 : vector<1x16xf32> to vector<16xf32>
      %mul3A_175 = arith.mulf %get3A_174, %broadcast_in_dim3A : vector<16xf32>
      %add3A_176 = arith.addi %select_n3A_139, %sub3A_21 : i32
      %get3A_177 = arith.index_cast %add3A_176 : i32 to index
      %get3A_178 = arith.constant 32 : index
      %get3A_179 = tpu.vector_load %arg7[%get3A_177, %get3A_178] {strides = array<i32>} : memref<24x256xf32, #tpu.memory_space<vmem>>, vector<1x16xf32>,
      %get3A_180 = vector.shape_cast %get3A_179 : vector<1x16xf32> to vector<16xf32>
      %mul3A_181 = arith.mulf %get3A_180, %broadcast_in_dim3A : vector<16xf32>
      %add3A_182 = arith.addi %select_n3A_139, %sub3A_21 : i32
      %get3A_183 = arith.index_cast %add3A_182 : i32 to index
      %get3A_184 = arith.constant 48 : index
      %get3A_185 = tpu.vector_load %arg7[%get3A_183, %get3A_184] {strides = array<i32>} : memref<24x256xf32, #tpu.memory_space<vmem>>, vector<1x16xf32>,
      %get3A_186 = vector.shape_cast %get3A_185 : vector<1x16xf32> to vector<16xf32>
      %mul3A_187 = arith.mulf %get3A_186, %broadcast_in_dim3A : vector<16xf32>
      %add3A_188 = arith.addi %select_n3A_139, %sub3A_21 : i32
      %get3A_189 = arith.index_cast %add3A_188 : i32 to index
      %get3A_190 = arith.constant 64 : index
      %get3A_191 = tpu.vector_load %arg7[%get3A_189, %get3A_190] {strides = array<i32>} : memref<24x256xf32, #tpu.memory_space<vmem>>, vector<1x16xf32>,
      %get3A_192 = vector.shape_cast %get3A_191 : vector<1x16xf32> to vector<16xf32>
      %mul3A_193 = arith.mulf %get3A_192, %broadcast_in_dim3A : vector<16xf32>
      %add3A_194 = arith.addi %select_n3A_139, %sub3A_21 : i32
      %get3A_195 = arith.index_cast %add3A_194 : i32 to index
      %get3A_196 = arith.constant 80 : index
      %get3A_197 = tpu.vector_load %arg7[%get3A_195, %get3A_196] {strides = array<i32>} : memref<24x256xf32, #tpu.memory_space<vmem>>, vector<1x16xf32>,
      %get3A_198 = vector.shape_cast %get3A_197 : vector<1x16xf32> to vector<16xf32>
      %mul3A_199 = arith.mulf %get3A_198, %broadcast_in_dim3A : vector<16xf32>
      %add3A_200 = arith.addi %select_n3A_139, %sub3A_21 : i32
      %get3A_201 = arith.index_cast %add3A_200 : i32 to index
      %get3A_202 = arith.constant 96 : index
      %get3A_203 = tpu.vector_load %arg7[%get3A_201, %get3A_202] {strides = array<i32>} : memref<24x256xf32, #tpu.memory_space<vmem>>, vector<1x16xf32>,
      %get3A_204 = vector.shape_cast %get3A_203 : vector<1x16xf32> to vector<16xf32>
      %mul3A_205 = arith.mulf %get3A_204, %broadcast_in_dim3A : vector<16xf32>
      %add3A_206 = arith.addi %select_n3A_139, %sub3A_21 : i32
      %get3A_207 = arith.index_cast %add3A_206 : i32 to index
      %get3A_208 = arith.constant 112 : index
      %get3A_209 = tpu.vector_load %arg7[%get3A_207, %get3A_208] {strides = array<i32>} : memref<24x256xf32, #tpu.memory_space<vmem>>, vector<1x16xf32>,
      %get3A_210 = vector.shape_cast %get3A_209 : vector<1x16xf32> to vector<16xf32>
      %mul3A_211 = arith.mulf %get3A_210, %broadcast_in_dim3A : vector<16xf32>
      %add3A_212 = arith.addi %select_n3A_139, %sub3A_21 : i32
      %get3A_213 = arith.index_cast %add3A_212 : i32 to index
      %get3A_214 = arith.constant 128 : index
      %get3A_215 = tpu.vector_load %arg7[%get3A_213, %get3A_214] {strides = array<i32>} : memref<24x256xf32, #tpu.memory_space<vmem>>, vector<1x16xf32>,
      %get3A_216 = vector.shape_cast %get3A_215 : vector<1x16xf32> to vector<16xf32>
      %mul3A_217 = arith.mulf %get3A_216, %broadcast_in_dim3A : vector<16xf32>
      %add3A_218 = arith.addi %select_n3A_139, %sub3A_21 : i32
      %get3A_219 = arith.index_cast %add3A_218 : i32 to index
      %get3A_220 = arith.constant 144 : index
      %get3A_221 = tpu.vector_load %arg7[%get3A_219, %get3A_220] {strides = array<i32>} : memref<24x256xf32, #tpu.memory_space<vmem>>, vector<1x16xf32>,
      %get3A_222 = vector.shape_cast %get3A_221 : vector<1x16xf32> to vector<16xf32>
      %mul3A_223 = arith.mulf %get3A_222, %broadcast_in_dim3A : vector<16xf32>
      %add3A_224 = arith.addi %select_n3A_139, %sub3A_21 : i32
      %get3A_225 = arith.index_cast %add3A_224 : i32 to index
      %get3A_226 = arith.constant 160 : index
      %get3A_227 = tpu.vector_load %arg7[%get3A_225, %get3A_226] {strides = array<i32>} : memref<24x256xf32, #tpu.memory_space<vmem>>, vector<1x16xf32>,
      %get3A_228 = vector.shape_cast %get3A_227 : vector<1x16xf32> to vector<16xf32>
      %mul3A_229 = arith.mulf %get3A_228, %broadcast_in_dim3A : vector<16xf32>
      %add3A_230 = arith.addi %select_n3A_139, %sub3A_21 : i32
      %get3A_231 = arith.index_cast %add3A_230 : i32 to index
      %get3A_232 = arith.constant 176 : index
      %get3A_233 = tpu.vector_load %arg7[%get3A_231, %get3A_232] {strides = array<i32>} : memref<24x256xf32, #tpu.memory_space<vmem>>, vector<1x16xf32>,
      %get3A_234 = vector.shape_cast %get3A_233 : vector<1x16xf32> to vector<16xf32>
      %mul3A_235 = arith.mulf %get3A_234, %broadcast_in_dim3A : vector<16xf32>
      %add3A_236 = arith.addi %select_n3A_139, %sub3A_21 : i32
      %get3A_237 = arith.index_cast %add3A_236 : i32 to index
      %get3A_238 = arith.constant 192 : index
      %get3A_239 = tpu.vector_load %arg7[%get3A_237, %get3A_238] {strides = array<i32>} : memref<24x256xf32, #tpu.memory_space<vmem>>, vector<1x16xf32>,
      %get3A_240 = vector.shape_cast %get3A_239 : vector<1x16xf32> to vector<16xf32>
      %mul3A_241 = arith.mulf %get3A_240, %broadcast_in_dim3A : vector<16xf32>
      %add3A_242 = arith.addi %select_n3A_139, %sub3A_21 : i32
      %get3A_243 = arith.index_cast %add3A_242 : i32 to index
      %get3A_244 = arith.constant 208 : index
      %get3A_245 = tpu.vector_load %arg7[%get3A_243, %get3A_244] {strides = array<i32>} : memref<24x256xf32, #tpu.memory_space<vmem>>, vector<1x16xf32>,
      %get3A_246 = vector.shape_cast %get3A_245 : vector<1x16xf32> to vector<16xf32>
      %mul3A_247 = arith.mulf %get3A_246, %broadcast_in_dim3A : vector<16xf32>
      %add3A_248 = arith.addi %select_n3A_139, %sub3A_21 : i32
      %get3A_249 = arith.index_cast %add3A_248 : i32 to index
      %get3A_250 = arith.constant 224 : index
      %get3A_251 = tpu.vector_load %arg7[%get3A_249, %get3A_250] {strides = array<i32>} : memref<24x256xf32, #tpu.memory_space<vmem>>, vector<1x16xf32>,
      %get3A_252 = vector.shape_cast %get3A_251 : vector<1x16xf32> to vector<16xf32>
      %mul3A_253 = arith.mulf %get3A_252, %broadcast_in_dim3A : vector<16xf32>
      %add3A_254 = arith.addi %select_n3A_139, %sub3A_21 : i32
      %get3A_255 = arith.index_cast %add3A_254 : i32 to index
      %get3A_256 = arith.constant 240 : index
      %get3A_257 = tpu.vector_load %arg7[%get3A_255, %get3A_256] {strides = array<i32>} : memref<24x256xf32, #tpu.memory_space<vmem>>, vector<1x16xf32>,
      %get3A_258 = vector.shape_cast %get3A_257 : vector<1x16xf32> to vector<16xf32>
      %mul3A_259 = arith.mulf %get3A_258, %broadcast_in_dim3A : vector<16xf32>
      %scan3A_260 = arith.constant 0 : i32
      %scan3A_261 = arith.constant 0 : i32
      %scan3A_262 = arith.constant 64 : i32
      %scan3A_263 = arith.addi %scan3A_261, %scan3A_262 : i32
      %scan3A_264 = arith.constant 4 : i32
      scf.for %scan3A_266 = %scan3A_261 to %scan3A_263 step %scan3A_264  : i32 {
        %broadcast_in_dim3A_267 = arith.constant 0.000000e+00 : f32
        %broadcast_in_dim3A_268 = vector.broadcast %broadcast_in_dim3A_267 : f32 to vector<16xf32>
        %get3A_269 = arith.index_cast %rem3A_109 : i32 to index
        %get3A_270 = arith.index_cast %scan3A_266 : i32 to index
        %get3A_271 = arith.constant 0 : index
        %get3A_272 = tpu.vector_load %arg8[%get3A_269, %get3A_270, %get3A_271] {strides = array<i32>} : memref<4x64x256xf32, #tpu.memory_space<vmem>>, vector<1x1x16xf32>,
        %get3A_273 = vector.shape_cast %get3A_272 : vector<1x1x16xf32> to vector<16xf32>
        %mul3A_274 = arith.mulf %get3A_273, %mul3A_169 : vector<16xf32>
        %add3A_275 = arith.addf %broadcast_in_dim3A_268, %mul3A_274 : vector<16xf32>
        %get3A_276 = arith.index_cast %rem3A_109 : i32 to index
        %get3A_277 = arith.index_cast %scan3A_266 : i32 to index
        %get3A_278 = arith.constant 16 : index
        %get3A_279 = tpu.vector_load %arg8[%get3A_276, %get3A_277, %get3A_278] {strides = array<i32>} : memref<4x64x256xf32, #tpu.memory_space<vmem>>, vector<1x1x16xf32>,
        %get3A_280 = vector.shape_cast %get3A_279 : vector<1x1x16xf32> to vector<16xf32>
        %mul3A_281 = arith.mulf %get3A_280, %mul3A_175 : vector<16xf32>
        %add3A_282 = arith.addf %add3A_275, %mul3A_281 : vector<16xf32>
        %get3A_283 = arith.index_cast %rem3A_109 : i32 to index
        %get3A_284 = arith.index_cast %scan3A_266 : i32 to index
        %get3A_285 = arith.constant 32 : index
        %get3A_286 = tpu.vector_load %arg8[%get3A_283, %get3A_284, %get3A_285] {strides = array<i32>} : memref<4x64x256xf32, #tpu.memory_space<vmem>>, vector<1x1x16xf32>,
        %get3A_287 = vector.shape_cast %get3A_286 : vector<1x1x16xf32> to vector<16xf32>
        %mul3A_288 = arith.mulf %get3A_287, %mul3A_181 : vector<16xf32>
        %add3A_289 = arith.addf %add3A_282, %mul3A_288 : vector<16xf32>
        %get3A_290 = arith.index_cast %rem3A_109 : i32 to index
        %get3A_291 = arith.index_cast %scan3A_266 : i32 to index
        %get3A_292 = arith.constant 48 : index
        %get3A_293 = tpu.vector_load %arg8[%get3A_290, %get3A_291, %get3A_292] {strides = array<i32>} : memref<4x64x256xf32, #tpu.memory_space<vmem>>, vector<1x1x16xf32>,
        %get3A_294 = vector.shape_cast %get3A_293 : vector<1x1x16xf32> to vector<16xf32>
        %mul3A_295 = arith.mulf %get3A_294, %mul3A_187 : vector<16xf32>
        %add3A_296 = arith.addf %add3A_289, %mul3A_295 : vector<16xf32>
        %get3A_297 = arith.index_cast %rem3A_109 : i32 to index
        %get3A_298 = arith.index_cast %scan3A_266 : i32 to index
        %get3A_299 = arith.constant 64 : index
        %get3A_300 = tpu.vector_load %arg8[%get3A_297, %get3A_298, %get3A_299] {strides = array<i32>} : memref<4x64x256xf32, #tpu.memory_space<vmem>>, vector<1x1x16xf32>,
        %get3A_301 = vector.shape_cast %get3A_300 : vector<1x1x16xf32> to vector<16xf32>
        %mul3A_302 = arith.mulf %get3A_301, %mul3A_193 : vector<16xf32>
        %add3A_303 = arith.addf %add3A_296, %mul3A_302 : vector<16xf32>
        %get3A_304 = arith.index_cast %rem3A_109 : i32 to index
        %get3A_305 = arith.index_cast %scan3A_266 : i32 to index
        %get3A_306 = arith.constant 80 : index
        %get3A_307 = tpu.vector_load %arg8[%get3A_304, %get3A_305, %get3A_306] {strides = array<i32>} : memref<4x64x256xf32, #tpu.memory_space<vmem>>, vector<1x1x16xf32>,
        %get3A_308 = vector.shape_cast %get3A_307 : vector<1x1x16xf32> to vector<16xf32>
        %mul3A_309 = arith.mulf %get3A_308, %mul3A_199 : vector<16xf32>
        %add3A_310 = arith.addf %add3A_303, %mul3A_309 : vector<16xf32>
        %get3A_311 = arith.index_cast %rem3A_109 : i32 to index
        %get3A_312 = arith.index_cast %scan3A_266 : i32 to index
        %get3A_313 = arith.constant 96 : index
        %get3A_314 = tpu.vector_load %arg8[%get3A_311, %get3A_312, %get3A_313] {strides = array<i32>} : memref<4x64x256xf32, #tpu.memory_space<vmem>>, vector<1x1x16xf32>,
        %get3A_315 = vector.shape_cast %get3A_314 : vector<1x1x16xf32> to vector<16xf32>
        %mul3A_316 = arith.mulf %get3A_315, %mul3A_205 : vector<16xf32>
        %add3A_317 = arith.addf %add3A_310, %mul3A_316 : vector<16xf32>
        %get3A_318 = arith.index_cast %rem3A_109 : i32 to index
        %get3A_319 = arith.index_cast %scan3A_266 : i32 to index
        %get3A_320 = arith.constant 112 : index
        %get3A_321 = tpu.vector_load %arg8[%get3A_318, %get3A_319, %get3A_320] {strides = array<i32>} : memref<4x64x256xf32, #tpu.memory_space<vmem>>, vector<1x1x16xf32>,
        %get3A_322 = vector.shape_cast %get3A_321 : vector<1x1x16xf32> to vector<16xf32>
        %mul3A_323 = arith.mulf %get3A_322, %mul3A_211 : vector<16xf32>
        %add3A_324 = arith.addf %add3A_317, %mul3A_323 : vector<16xf32>
        %get3A_325 = arith.index_cast %rem3A_109 : i32 to index
        %get3A_326 = arith.index_cast %scan3A_266 : i32 to index
        %get3A_327 = arith.constant 128 : index
        %get3A_328 = tpu.vector_load %arg8[%get3A_325, %get3A_326, %get3A_327] {strides = array<i32>} : memref<4x64x256xf32, #tpu.memory_space<vmem>>, vector<1x1x16xf32>,
        %get3A_329 = vector.shape_cast %get3A_328 : vector<1x1x16xf32> to vector<16xf32>
        %mul3A_330 = arith.mulf %get3A_329, %mul3A_217 : vector<16xf32>
        %add3A_331 = arith.addf %add3A_324, %mul3A_330 : vector<16xf32>
        %get3A_332 = arith.index_cast %rem3A_109 : i32 to index
        %get3A_333 = arith.index_cast %scan3A_266 : i32 to index
        %get3A_334 = arith.constant 144 : index
        %get3A_335 = tpu.vector_load %arg8[%get3A_332, %get3A_333, %get3A_334] {strides = array<i32>} : memref<4x64x256xf32, #tpu.memory_space<vmem>>, vector<1x1x16xf32>,
        %get3A_336 = vector.shape_cast %get3A_335 : vector<1x1x16xf32> to vector<16xf32>
        %mul3A_337 = arith.mulf %get3A_336, %mul3A_223 : vector<16xf32>
        %add3A_338 = arith.addf %add3A_331, %mul3A_337 : vector<16xf32>
        %get3A_339 = arith.index_cast %rem3A_109 : i32 to index
        %get3A_340 = arith.index_cast %scan3A_266 : i32 to index
        %get3A_341 = arith.constant 160 : index
        %get3A_342 = tpu.vector_load %arg8[%get3A_339, %get3A_340, %get3A_341] {strides = array<i32>} : memref<4x64x256xf32, #tpu.memory_space<vmem>>, vector<1x1x16xf32>,
        %get3A_343 = vector.shape_cast %get3A_342 : vector<1x1x16xf32> to vector<16xf32>
        %mul3A_344 = arith.mulf %get3A_343, %mul3A_229 : vector<16xf32>
        %add3A_345 = arith.addf %add3A_338, %mul3A_344 : vector<16xf32>
        %get3A_346 = arith.index_cast %rem3A_109 : i32 to index
        %get3A_347 = arith.index_cast %scan3A_266 : i32 to index
        %get3A_348 = arith.constant 176 : index
        %get3A_349 = tpu.vector_load %arg8[%get3A_346, %get3A_347, %get3A_348] {strides = array<i32>} : memref<4x64x256xf32, #tpu.memory_space<vmem>>, vector<1x1x16xf32>,
        %get3A_350 = vector.shape_cast %get3A_349 : vector<1x1x16xf32> to vector<16xf32>
        %mul3A_351 = arith.mulf %get3A_350, %mul3A_235 : vector<16xf32>
        %add3A_352 = arith.addf %add3A_345, %mul3A_351 : vector<16xf32>
        %get3A_353 = arith.index_cast %rem3A_109 : i32 to index
        %get3A_354 = arith.index_cast %scan3A_266 : i32 to index
        %get3A_355 = arith.constant 192 : index
        %get3A_356 = tpu.vector_load %arg8[%get3A_353, %get3A_354, %get3A_355] {strides = array<i32>} : memref<4x64x256xf32, #tpu.memory_space<vmem>>, vector<1x1x16xf32>,
        %get3A_357 = vector.shape_cast %get3A_356 : vector<1x1x16xf32> to vector<16xf32>
        %mul3A_358 = arith.mulf %get3A_357, %mul3A_241 : vector<16xf32>
        %add3A_359 = arith.addf %add3A_352, %mul3A_358 : vector<16xf32>
        %get3A_360 = arith.index_cast %rem3A_109 : i32 to index
        %get3A_361 = arith.index_cast %scan3A_266 : i32 to index
        %get3A_362 = arith.constant 208 : index
        %get3A_363 = tpu.vector_load %arg8[%get3A_360, %get3A_361, %get3A_362] {strides = array<i32>} : memref<4x64x256xf32, #tpu.memory_space<vmem>>, vector<1x1x16xf32>,
        %get3A_364 = vector.shape_cast %get3A_363 : vector<1x1x16xf32> to vector<16xf32>
        %mul3A_365 = arith.mulf %get3A_364, %mul3A_247 : vector<16xf32>
        %add3A_366 = arith.addf %add3A_359, %mul3A_365 : vector<16xf32>
        %get3A_367 = arith.index_cast %rem3A_109 : i32 to index
        %get3A_368 = arith.index_cast %scan3A_266 : i32 to index
        %get3A_369 = arith.constant 224 : index
        %get3A_370 = tpu.vector_load %arg8[%get3A_367, %get3A_368, %get3A_369] {strides = array<i32>} : memref<4x64x256xf32, #tpu.memory_space<vmem>>, vector<1x1x16xf32>,
        %get3A_371 = vector.shape_cast %get3A_370 : vector<1x1x16xf32> to vector<16xf32>
        %mul3A_372 = arith.mulf %get3A_371, %mul3A_253 : vector<16xf32>
        %add3A_373 = arith.addf %add3A_366, %mul3A_372 : vector<16xf32>
        %get3A_374 = arith.index_cast %rem3A_109 : i32 to index
        %get3A_375 = arith.index_cast %scan3A_266 : i32 to index
        %get3A_376 = arith.constant 240 : index
        %get3A_377 = tpu.vector_load %arg8[%get3A_374, %get3A_375, %get3A_376] {strides = array<i32>} : memref<4x64x256xf32, #tpu.memory_space<vmem>>, vector<1x1x16xf32>,
        %get3A_378 = vector.shape_cast %get3A_377 : vector<1x1x16xf32> to vector<16xf32>
        %mul3A_379 = arith.mulf %get3A_378, %mul3A_259 : vector<16xf32>
        %add3A_380 = arith.addf %add3A_373, %mul3A_379 : vector<16xf32>
        %mul3A_381 = arith.constant 64 : i32
        %mul3A_382 = arith.muli %rem3A_141, %mul3A_381 : i32
        %add3A_383 = arith.addi %mul3A_382, %scan3A_266 : i32
        %swap3A = arith.index_cast %add3A_383 : i32 to index
        %swap3A_384 = arith.constant 0 : index
        %swap3A_385 = tpu.vector_load %arg9[%swap3A, %swap3A_384] {strides = array<i32>} : memref<256x16xf32, #tpu.memory_space<vmem>>, vector<1x16xf32>,
        %swap3A_386 = vector.shape_cast %swap3A_385 : vector<1x16xf32> to vector<16xf32>
        %swap3A_387 = vector.shape_cast %add3A_380 : vector<16xf32> to vector<1x16xf32>
        tpu.vector_store %arg9[%swap3A, %swap3A_384], %swap3A_387 {add = true, strides = array<i32>} : memref<256x16xf32, #tpu.memory_space<vmem>>, vector<1x16xf32>,
        %scan3A_388 = arith.constant 1 : i32
        %scan3A_389 = arith.addi %scan3A_266, %scan3A_388 : i32
        %broadcast_in_dim3A_390 = arith.constant 0.000000e+00 : f32
        %broadcast_in_dim3A_391 = vector.broadcast %broadcast_in_dim3A_390 : f32 to vector<16xf32>
        %get3A_392 = arith.index_cast %rem3A_109 : i32 to index
        %get3A_393 = arith.index_cast %scan3A_389 : i32 to index
        %get3A_394 = arith.constant 0 : index
        %get3A_395 = tpu.vector_load %arg8[%get3A_392, %get3A_393, %get3A_394] {strides = array<i32>} : memref<4x64x256xf32, #tpu.memory_space<vmem>>, vector<1x1x16xf32>,
        %get3A_396 = vector.shape_cast %get3A_395 : vector<1x1x16xf32> to vector<16xf32>
        %mul3A_397 = arith.mulf %get3A_396, %mul3A_169 : vector<16xf32>
        %add3A_398 = arith.addf %broadcast_in_dim3A_391, %mul3A_397 : vector<16xf32>
        %get3A_399 = arith.index_cast %rem3A_109 : i32 to index
        %get3A_400 = arith.index_cast %scan3A_389 : i32 to index
        %get3A_401 = arith.constant 16 : index
        %get3A_402 = tpu.vector_load %arg8[%get3A_399, %get3A_400, %get3A_401] {strides = array<i32>} : memref<4x64x256xf32, #tpu.memory_space<vmem>>, vector<1x1x16xf32>,
        %get3A_403 = vector.shape_cast %get3A_402 : vector<1x1x16xf32> to vector<16xf32>
        %mul3A_404 = arith.mulf %get3A_403, %mul3A_175 : vector<16xf32>
        %add3A_405 = arith.addf %add3A_398, %mul3A_404 : vector<16xf32>
        %get3A_406 = arith.index_cast %rem3A_109 : i32 to index
        %get3A_407 = arith.index_cast %scan3A_389 : i32 to index
        %get3A_408 = arith.constant 32 : index
        %get3A_409 = tpu.vector_load %arg8[%get3A_406, %get3A_407, %get3A_408] {strides = array<i32>} : memref<4x64x256xf32, #tpu.memory_space<vmem>>, vector<1x1x16xf32>,
        %get3A_410 = vector.shape_cast %get3A_409 : vector<1x1x16xf32> to vector<16xf32>
        %mul3A_411 = arith.mulf %get3A_410, %mul3A_181 : vector<16xf32>
        %add3A_412 = arith.addf %add3A_405, %mul3A_411 : vector<16xf32>
        %get3A_413 = arith.index_cast %rem3A_109 : i32 to index
        %get3A_414 = arith.index_cast %scan3A_389 : i32 to index
        %get3A_415 = arith.constant 48 : index
        %get3A_416 = tpu.vector_load %arg8[%get3A_413, %get3A_414, %get3A_415] {strides = array<i32>} : memref<4x64x256xf32, #tpu.memory_space<vmem>>, vector<1x1x16xf32>,
        %get3A_417 = vector.shape_cast %get3A_416 : vector<1x1x16xf32> to vector<16xf32>
        %mul3A_418 = arith.mulf %get3A_417, %mul3A_187 : vector<16xf32>
        %add3A_419 = arith.addf %add3A_412, %mul3A_418 : vector<16xf32>
        %get3A_420 = arith.index_cast %rem3A_109 : i32 to index
        %get3A_421 = arith.index_cast %scan3A_389 : i32 to index
        %get3A_422 = arith.constant 64 : index
        %get3A_423 = tpu.vector_load %arg8[%get3A_420, %get3A_421, %get3A_422] {strides = array<i32>} : memref<4x64x256xf32, #tpu.memory_space<vmem>>, vector<1x1x16xf32>,
        %get3A_424 = vector.shape_cast %get3A_423 : vector<1x1x16xf32> to vector<16xf32>
        %mul3A_425 = arith.mulf %get3A_424, %mul3A_193 : vector<16xf32>
        %add3A_426 = arith.addf %add3A_419, %mul3A_425 : vector<16xf32>
        %get3A_427 = arith.index_cast %rem3A_109 : i32 to index
        %get3A_428 = arith.index_cast %scan3A_389 : i32 to index
        %get3A_429 = arith.constant 80 : index
        %get3A_430 = tpu.vector_load %arg8[%get3A_427, %get3A_428, %get3A_429] {strides = array<i32>} : memref<4x64x256xf32, #tpu.memory_space<vmem>>, vector<1x1x16xf32>,
        %get3A_431 = vector.shape_cast %get3A_430 : vector<1x1x16xf32> to vector<16xf32>
        %mul3A_432 = arith.mulf %get3A_431, %mul3A_199 : vector<16xf32>
        %add3A_433 = arith.addf %add3A_426, %mul3A_432 : vector<16xf32>
        %get3A_434 = arith.index_cast %rem3A_109 : i32 to index
        %get3A_435 = arith.index_cast %scan3A_389 : i32 to index
        %get3A_436 = arith.constant 96 : index
        %get3A_437 = tpu.vector_load %arg8[%get3A_434, %get3A_435, %get3A_436] {strides = array<i32>} : memref<4x64x256xf32, #tpu.memory_space<vmem>>, vector<1x1x16xf32>,
        %get3A_438 = vector.shape_cast %get3A_437 : vector<1x1x16xf32> to vector<16xf32>
        %mul3A_439 = arith.mulf %get3A_438, %mul3A_205 : vector<16xf32>
        %add3A_440 = arith.addf %add3A_433, %mul3A_439 : vector<16xf32>
        %get3A_441 = arith.index_cast %rem3A_109 : i32 to index
        %get3A_442 = arith.index_cast %scan3A_389 : i32 to index
        %get3A_443 = arith.constant 112 : index
        %get3A_444 = tpu.vector_load %arg8[%get3A_441, %get3A_442, %get3A_443] {strides = array<i32>} : memref<4x64x256xf32, #tpu.memory_space<vmem>>, vector<1x1x16xf32>,
        %get3A_445 = vector.shape_cast %get3A_444 : vector<1x1x16xf32> to vector<16xf32>
        %mul3A_446 = arith.mulf %get3A_445, %mul3A_211 : vector<16xf32>
        %add3A_447 = arith.addf %add3A_440, %mul3A_446 : vector<16xf32>
        %get3A_448 = arith.index_cast %rem3A_109 : i32 to index
        %get3A_449 = arith.index_cast %scan3A_389 : i32 to index
        %get3A_450 = arith.constant 128 : index
        %get3A_451 = tpu.vector_load %arg8[%get3A_448, %get3A_449, %get3A_450] {strides = array<i32>} : memref<4x64x256xf32, #tpu.memory_space<vmem>>, vector<1x1x16xf32>,
        %get3A_452 = vector.shape_cast %get3A_451 : vector<1x1x16xf32> to vector<16xf32>
        %mul3A_453 = arith.mulf %get3A_452, %mul3A_217 : vector<16xf32>
        %add3A_454 = arith.addf %add3A_447, %mul3A_453 : vector<16xf32>
        %get3A_455 = arith.index_cast %rem3A_109 : i32 to index
        %get3A_456 = arith.index_cast %scan3A_389 : i32 to index
        %get3A_457 = arith.constant 144 : index
        %get3A_458 = tpu.vector_load %arg8[%get3A_455, %get3A_456, %get3A_457] {strides = array<i32>} : memref<4x64x256xf32, #tpu.memory_space<vmem>>, vector<1x1x16xf32>,
        %get3A_459 = vector.shape_cast %get3A_458 : vector<1x1x16xf32> to vector<16xf32>
        %mul3A_460 = arith.mulf %get3A_459, %mul3A_223 : vector<16xf32>
        %add3A_461 = arith.addf %add3A_454, %mul3A_460 : vector<16xf32>
        %get3A_462 = arith.index_cast %rem3A_109 : i32 to index
        %get3A_463 = arith.index_cast %scan3A_389 : i32 to index
        %get3A_464 = arith.constant 160 : index
        %get3A_465 = tpu.vector_load %arg8[%get3A_462, %get3A_463, %get3A_464] {strides = array<i32>} : memref<4x64x256xf32, #tpu.memory_space<vmem>>, vector<1x1x16xf32>,
        %get3A_466 = vector.shape_cast %get3A_465 : vector<1x1x16xf32> to vector<16xf32>
        %mul3A_467 = arith.mulf %get3A_466, %mul3A_229 : vector<16xf32>
        %add3A_468 = arith.addf %add3A_461, %mul3A_467 : vector<16xf32>
        %get3A_469 = arith.index_cast %rem3A_109 : i32 to index
        %get3A_470 = arith.index_cast %scan3A_389 : i32 to index
        %get3A_471 = arith.constant 176 : index
        %get3A_472 = tpu.vector_load %arg8[%get3A_469, %get3A_470, %get3A_471] {strides = array<i32>} : memref<4x64x256xf32, #tpu.memory_space<vmem>>, vector<1x1x16xf32>,
        %get3A_473 = vector.shape_cast %get3A_472 : vector<1x1x16xf32> to vector<16xf32>
        %mul3A_474 = arith.mulf %get3A_473, %mul3A_235 : vector<16xf32>
        %add3A_475 = arith.addf %add3A_468, %mul3A_474 : vector<16xf32>
        %get3A_476 = arith.index_cast %rem3A_109 : i32 to index
        %get3A_477 = arith.index_cast %scan3A_389 : i32 to index
        %get3A_478 = arith.constant 192 : index
        %get3A_479 = tpu.vector_load %arg8[%get3A_476, %get3A_477, %get3A_478] {strides = array<i32>} : memref<4x64x256xf32, #tpu.memory_space<vmem>>, vector<1x1x16xf32>,
        %get3A_480 = vector.shape_cast %get3A_479 : vector<1x1x16xf32> to vector<16xf32>
        %mul3A_481 = arith.mulf %get3A_480, %mul3A_241 : vector<16xf32>
        %add3A_482 = arith.addf %add3A_475, %mul3A_481 : vector<16xf32>
        %get3A_483 = arith.index_cast %rem3A_109 : i32 to index
        %get3A_484 = arith.index_cast %scan3A_389 : i32 to index
        %get3A_485 = arith.constant 208 : index
        %get3A_486 = tpu.vector_load %arg8[%get3A_483, %get3A_484, %get3A_485] {strides = array<i32>} : memref<4x64x256xf32, #tpu.memory_space<vmem>>, vector<1x1x16xf32>,
        %get3A_487 = vector.shape_cast %get3A_486 : vector<1x1x16xf32> to vector<16xf32>
        %mul3A_488 = arith.mulf %get3A_487, %mul3A_247 : vector<16xf32>
        %add3A_489 = arith.addf %add3A_482, %mul3A_488 : vector<16xf32>
        %get3A_490 = arith.index_cast %rem3A_109 : i32 to index
        %get3A_491 = arith.index_cast %scan3A_389 : i32 to index
        %get3A_492 = arith.constant 224 : index
        %get3A_493 = tpu.vector_load %arg8[%get3A_490, %get3A_491, %get3A_492] {strides = array<i32>} : memref<4x64x256xf32, #tpu.memory_space<vmem>>, vector<1x1x16xf32>,
        %get3A_494 = vector.shape_cast %get3A_493 : vector<1x1x16xf32> to vector<16xf32>
        %mul3A_495 = arith.mulf %get3A_494, %mul3A_253 : vector<16xf32>
        %add3A_496 = arith.addf %add3A_489, %mul3A_495 : vector<16xf32>
        %get3A_497 = arith.index_cast %rem3A_109 : i32 to index
        %get3A_498 = arith.index_cast %scan3A_389 : i32 to index
        %get3A_499 = arith.constant 240 : index
        %get3A_500 = tpu.vector_load %arg8[%get3A_497, %get3A_498, %get3A_499] {strides = array<i32>} : memref<4x64x256xf32, #tpu.memory_space<vmem>>, vector<1x1x16xf32>,
        %get3A_501 = vector.shape_cast %get3A_500 : vector<1x1x16xf32> to vector<16xf32>
        %mul3A_502 = arith.mulf %get3A_501, %mul3A_259 : vector<16xf32>
        %add3A_503 = arith.addf %add3A_496, %mul3A_502 : vector<16xf32>
        %mul3A_504 = arith.constant 64 : i32
        %mul3A_505 = arith.muli %rem3A_141, %mul3A_504 : i32
        %add3A_506 = arith.addi %mul3A_505, %scan3A_389 : i32
        %swap3A_507 = arith.index_cast %add3A_506 : i32 to index
        %swap3A_508 = arith.constant 0 : index
        %swap3A_509 = tpu.vector_load %arg9[%swap3A_507, %swap3A_508] {strides = array<i32>} : memref<256x16xf32, #tpu.memory_space<vmem>>, vector<1x16xf32>,
        %swap3A_510 = vector.shape_cast %swap3A_509 : vector<1x16xf32> to vector<16xf32>
        %swap3A_511 = vector.shape_cast %add3A_503 : vector<16xf32> to vector<1x16xf32>
        tpu.vector_store %arg9[%swap3A_507, %swap3A_508], %swap3A_511 {add = true, strides = array<i32>} : memref<256x16xf32, #tpu.memory_space<vmem>>, vector<1x16xf32>,
        %scan3A_512 = arith.constant 2 : i32
        %scan3A_513 = arith.addi %scan3A_266, %scan3A_512 : i32
        %broadcast_in_dim3A_514 = arith.constant 0.000000e+00 : f32
        %broadcast_in_dim3A_515 = vector.broadcast %broadcast_in_dim3A_514 : f32 to vector<16xf32>
        %get3A_516 = arith.index_cast %rem3A_109 : i32 to index
        %get3A_517 = arith.index_cast %scan3A_513 : i32 to index
        %get3A_518 = arith.constant 0 : index
        %get3A_519 = tpu.vector_load %arg8[%get3A_516, %get3A_517, %get3A_518] {strides = array<i32>} : memref<4x64x256xf32, #tpu.memory_space<vmem>>, vector<1x1x16xf32>,
        %get3A_520 = vector.shape_cast %get3A_519 : vector<1x1x16xf32> to vector<16xf32>
        %mul3A_521 = arith.mulf %get3A_520, %mul3A_169 : vector<16xf32>
        %add3A_522 = arith.addf %broadcast_in_dim3A_515, %mul3A_521 : vector<16xf32>
        %get3A_523 = arith.index_cast %rem3A_109 : i32 to index
        %get3A_524 = arith.index_cast %scan3A_513 : i32 to index
        %get3A_525 = arith.constant 16 : index
        %get3A_526 = tpu.vector_load %arg8[%get3A_523, %get3A_524, %get3A_525] {strides = array<i32>} : memref<4x64x256xf32, #tpu.memory_space<vmem>>, vector<1x1x16xf32>,
        %get3A_527 = vector.shape_cast %get3A_526 : vector<1x1x16xf32> to vector<16xf32>
        %mul3A_528 = arith.mulf %get3A_527, %mul3A_175 : vector<16xf32>
        %add3A_529 = arith.addf %add3A_522, %mul3A_528 : vector<16xf32>
        %get3A_530 = arith.index_cast %rem3A_109 : i32 to index
        %get3A_531 = arith.index_cast %scan3A_513 : i32 to index
        %get3A_532 = arith.constant 32 : index
        %get3A_533 = tpu.vector_load %arg8[%get3A_530, %get3A_531, %get3A_532] {strides = array<i32>} : memref<4x64x256xf32, #tpu.memory_space<vmem>>, vector<1x1x16xf32>,
        %get3A_534 = vector.shape_cast %get3A_533 : vector<1x1x16xf32> to vector<16xf32>
        %mul3A_535 = arith.mulf %get3A_534, %mul3A_181 : vector<16xf32>
        %add3A_536 = arith.addf %add3A_529, %mul3A_535 : vector<16xf32>
        %get3A_537 = arith.index_cast %rem3A_109 : i32 to index
        %get3A_538 = arith.index_cast %scan3A_513 : i32 to index
        %get3A_539 = arith.constant 48 : index
        %get3A_540 = tpu.vector_load %arg8[%get3A_537, %get3A_538, %get3A_539] {strides = array<i32>} : memref<4x64x256xf32, #tpu.memory_space<vmem>>, vector<1x1x16xf32>,
        %get3A_541 = vector.shape_cast %get3A_540 : vector<1x1x16xf32> to vector<16xf32>
        %mul3A_542 = arith.mulf %get3A_541, %mul3A_187 : vector<16xf32>
        %add3A_543 = arith.addf %add3A_536, %mul3A_542 : vector<16xf32>
        %get3A_544 = arith.index_cast %rem3A_109 : i32 to index
        %get3A_545 = arith.index_cast %scan3A_513 : i32 to index
        %get3A_546 = arith.constant 64 : index
        %get3A_547 = tpu.vector_load %arg8[%get3A_544, %get3A_545, %get3A_546] {strides = array<i32>} : memref<4x64x256xf32, #tpu.memory_space<vmem>>, vector<1x1x16xf32>,
        %get3A_548 = vector.shape_cast %get3A_547 : vector<1x1x16xf32> to vector<16xf32>
        %mul3A_549 = arith.mulf %get3A_548, %mul3A_193 : vector<16xf32>
        %add3A_550 = arith.addf %add3A_543, %mul3A_549 : vector<16xf32>
        %get3A_551 = arith.index_cast %rem3A_109 : i32 to index
        %get3A_552 = arith.index_cast %scan3A_513 : i32 to index
        %get3A_553 = arith.constant 80 : index
        %get3A_554 = tpu.vector_load %arg8[%get3A_551, %get3A_552, %get3A_553] {strides = array<i32>} : memref<4x64x256xf32, #tpu.memory_space<vmem>>, vector<1x1x16xf32>,
        %get3A_555 = vector.shape_cast %get3A_554 : vector<1x1x16xf32> to vector<16xf32>
        %mul3A_556 = arith.mulf %get3A_555, %mul3A_199 : vector<16xf32>
        %add3A_557 = arith.addf %add3A_550, %mul3A_556 : vector<16xf32>
        %get3A_558 = arith.index_cast %rem3A_109 : i32 to index
        %get3A_559 = arith.index_cast %scan3A_513 : i32 to index
        %get3A_560 = arith.constant 96 : index
        %get3A_561 = tpu.vector_load %arg8[%get3A_558, %get3A_559, %get3A_560] {strides = array<i32>} : memref<4x64x256xf32, #tpu.memory_space<vmem>>, vector<1x1x16xf32>,
        %get3A_562 = vector.shape_cast %get3A_561 : vector<1x1x16xf32> to vector<16xf32>
        %mul3A_563 = arith.mulf %get3A_562, %mul3A_205 : vector<16xf32>
        %add3A_564 = arith.addf %add3A_557, %mul3A_563 : vector<16xf32>
        %get3A_565 = arith.index_cast %rem3A_109 : i32 to index
        %get3A_566 = arith.index_cast %scan3A_513 : i32 to index
        %get3A_567 = arith.constant 112 : index
        %get3A_568 = tpu.vector_load %arg8[%get3A_565, %get3A_566, %get3A_567] {strides = array<i32>} : memref<4x64x256xf32, #tpu.memory_space<vmem>>, vector<1x1x16xf32>,
        %get3A_569 = vector.shape_cast %get3A_568 : vector<1x1x16xf32> to vector<16xf32>
        %mul3A_570 = arith.mulf %get3A_569, %mul3A_211 : vector<16xf32>
        %add3A_571 = arith.addf %add3A_564, %mul3A_570 : vector<16xf32>
        %get3A_572 = arith.index_cast %rem3A_109 : i32 to index
        %get3A_573 = arith.index_cast %scan3A_513 : i32 to index
        %get3A_574 = arith.constant 128 : index
        %get3A_575 = tpu.vector_load %arg8[%get3A_572, %get3A_573, %get3A_574] {strides = array<i32>} : memref<4x64x256xf32, #tpu.memory_space<vmem>>, vector<1x1x16xf32>,
        %get3A_576 = vector.shape_cast %get3A_575 : vector<1x1x16xf32> to vector<16xf32>
        %mul3A_577 = arith.mulf %get3A_576, %mul3A_217 : vector<16xf32>
        %add3A_578 = arith.addf %add3A_571, %mul3A_577 : vector<16xf32>
        %get3A_579 = arith.index_cast %rem3A_109 : i32 to index
        %get3A_580 = arith.index_cast %scan3A_513 : i32 to index
        %get3A_581 = arith.constant 144 : index
        %get3A_582 = tpu.vector_load %arg8[%get3A_579, %get3A_580, %get3A_581] {strides = array<i32>} : memref<4x64x256xf32, #tpu.memory_space<vmem>>, vector<1x1x16xf32>,
        %get3A_583 = vector.shape_cast %get3A_582 : vector<1x1x16xf32> to vector<16xf32>
        %mul3A_584 = arith.mulf %get3A_583, %mul3A_223 : vector<16xf32>
        %add3A_585 = arith.addf %add3A_578, %mul3A_584 : vector<16xf32>
        %get3A_586 = arith.index_cast %rem3A_109 : i32 to index
        %get3A_587 = arith.index_cast %scan3A_513 : i32 to index
        %get3A_588 = arith.constant 160 : index
        %get3A_589 = tpu.vector_load %arg8[%get3A_586, %get3A_587, %get3A_588] {strides = array<i32>} : memref<4x64x256xf32, #tpu.memory_space<vmem>>, vector<1x1x16xf32>,
        %get3A_590 = vector.shape_cast %get3A_589 : vector<1x1x16xf32> to vector<16xf32>
        %mul3A_591 = arith.mulf %get3A_590, %mul3A_229 : vector<16xf32>
        %add3A_592 = arith.addf %add3A_585, %mul3A_591 : vector<16xf32>
        %get3A_593 = arith.index_cast %rem3A_109 : i32 to index
        %get3A_594 = arith.index_cast %scan3A_513 : i32 to index
        %get3A_595 = arith.constant 176 : index
        %get3A_596 = tpu.vector_load %arg8[%get3A_593, %get3A_594, %get3A_595] {strides = array<i32>} : memref<4x64x256xf32, #tpu.memory_space<vmem>>, vector<1x1x16xf32>,
        %get3A_597 = vector.shape_cast %get3A_596 : vector<1x1x16xf32> to vector<16xf32>
        %mul3A_598 = arith.mulf %get3A_597, %mul3A_235 : vector<16xf32>
        %add3A_599 = arith.addf %add3A_592, %mul3A_598 : vector<16xf32>
        %get3A_600 = arith.index_cast %rem3A_109 : i32 to index
        %get3A_601 = arith.index_cast %scan3A_513 : i32 to index
        %get3A_602 = arith.constant 192 : index
        %get3A_603 = tpu.vector_load %arg8[%get3A_600, %get3A_601, %get3A_602] {strides = array<i32>} : memref<4x64x256xf32, #tpu.memory_space<vmem>>, vector<1x1x16xf32>,
        %get3A_604 = vector.shape_cast %get3A_603 : vector<1x1x16xf32> to vector<16xf32>
        %mul3A_605 = arith.mulf %get3A_604, %mul3A_241 : vector<16xf32>
        %add3A_606 = arith.addf %add3A_599, %mul3A_605 : vector<16xf32>
        %get3A_607 = arith.index_cast %rem3A_109 : i32 to index
        %get3A_608 = arith.index_cast %scan3A_513 : i32 to index
        %get3A_609 = arith.constant 208 : index
        %get3A_610 = tpu.vector_load %arg8[%get3A_607, %get3A_608, %get3A_609] {strides = array<i32>} : memref<4x64x256xf32, #tpu.memory_space<vmem>>, vector<1x1x16xf32>,
        %get3A_611 = vector.shape_cast %get3A_610 : vector<1x1x16xf32> to vector<16xf32>
        %mul3A_612 = arith.mulf %get3A_611, %mul3A_247 : vector<16xf32>
        %add3A_613 = arith.addf %add3A_606, %mul3A_612 : vector<16xf32>
        %get3A_614 = arith.index_cast %rem3A_109 : i32 to index
        %get3A_615 = arith.index_cast %scan3A_513 : i32 to index
        %get3A_616 = arith.constant 224 : index
        %get3A_617 = tpu.vector_load %arg8[%get3A_614, %get3A_615, %get3A_616] {strides = array<i32>} : memref<4x64x256xf32, #tpu.memory_space<vmem>>, vector<1x1x16xf32>,
        %get3A_618 = vector.shape_cast %get3A_617 : vector<1x1x16xf32> to vector<16xf32>
        %mul3A_619 = arith.mulf %get3A_618, %mul3A_253 : vector<16xf32>
        %add3A_620 = arith.addf %add3A_613, %mul3A_619 : vector<16xf32>
        %get3A_621 = arith.index_cast %rem3A_109 : i32 to index
        %get3A_622 = arith.index_cast %scan3A_513 : i32 to index
        %get3A_623 = arith.constant 240 : index
        %get3A_624 = tpu.vector_load %arg8[%get3A_621, %get3A_622, %get3A_623] {strides = array<i32>} : memref<4x64x256xf32, #tpu.memory_space<vmem>>, vector<1x1x16xf32>,
        %get3A_625 = vector.shape_cast %get3A_624 : vector<1x1x16xf32> to vector<16xf32>
        %mul3A_626 = arith.mulf %get3A_625, %mul3A_259 : vector<16xf32>
        %add3A_627 = arith.addf %add3A_620, %mul3A_626 : vector<16xf32>
        %mul3A_628 = arith.constant 64 : i32
        %mul3A_629 = arith.muli %rem3A_141, %mul3A_628 : i32
        %add3A_630 = arith.addi %mul3A_629, %scan3A_513 : i32
        %swap3A_631 = arith.index_cast %add3A_630 : i32 to index
        %swap3A_632 = arith.constant 0 : index
        %swap3A_633 = tpu.vector_load %arg9[%swap3A_631, %swap3A_632] {strides = array<i32>} : memref<256x16xf32, #tpu.memory_space<vmem>>, vector<1x16xf32>,
        %swap3A_634 = vector.shape_cast %swap3A_633 : vector<1x16xf32> to vector<16xf32>
        %swap3A_635 = vector.shape_cast %add3A_627 : vector<16xf32> to vector<1x16xf32>
        tpu.vector_store %arg9[%swap3A_631, %swap3A_632], %swap3A_635 {add = true, strides = array<i32>} : memref<256x16xf32, #tpu.memory_space<vmem>>, vector<1x16xf32>,
        %scan3A_636 = arith.constant 3 : i32
        %scan3A_637 = arith.addi %scan3A_266, %scan3A_636 : i32
        %broadcast_in_dim3A_638 = arith.constant 0.000000e+00 : f32
        %broadcast_in_dim3A_639 = vector.broadcast %broadcast_in_dim3A_638 : f32 to vector<16xf32>
        %get3A_640 = arith.index_cast %rem3A_109 : i32 to index
        %get3A_641 = arith.index_cast %scan3A_637 : i32 to index
        %get3A_642 = arith.constant 0 : index
        %get3A_643 = tpu.vector_load %arg8[%get3A_640, %get3A_641, %get3A_642] {strides = array<i32>} : memref<4x64x256xf32, #tpu.memory_space<vmem>>, vector<1x1x16xf32>,
        %get3A_644 = vector.shape_cast %get3A_643 : vector<1x1x16xf32> to vector<16xf32>
        %mul3A_645 = arith.mulf %get3A_644, %mul3A_169 : vector<16xf32>
        %add3A_646 = arith.addf %broadcast_in_dim3A_639, %mul3A_645 : vector<16xf32>
        %get3A_647 = arith.index_cast %rem3A_109 : i32 to index
        %get3A_648 = arith.index_cast %scan3A_637 : i32 to index
        %get3A_649 = arith.constant 16 : index
        %get3A_650 = tpu.vector_load %arg8[%get3A_647, %get3A_648, %get3A_649] {strides = array<i32>} : memref<4x64x256xf32, #tpu.memory_space<vmem>>, vector<1x1x16xf32>,
        %get3A_651 = vector.shape_cast %get3A_650 : vector<1x1x16xf32> to vector<16xf32>
        %mul3A_652 = arith.mulf %get3A_651, %mul3A_175 : vector<16xf32>
        %add3A_653 = arith.addf %add3A_646, %mul3A_652 : vector<16xf32>
        %get3A_654 = arith.index_cast %rem3A_109 : i32 to index
        %get3A_655 = arith.index_cast %scan3A_637 : i32 to index
        %get3A_656 = arith.constant 32 : index
        %get3A_657 = tpu.vector_load %arg8[%get3A_654, %get3A_655, %get3A_656] {strides = array<i32>} : memref<4x64x256xf32, #tpu.memory_space<vmem>>, vector<1x1x16xf32>,
        %get3A_658 = vector.shape_cast %get3A_657 : vector<1x1x16xf32> to vector<16xf32>
        %mul3A_659 = arith.mulf %get3A_658, %mul3A_181 : vector<16xf32>
        %add3A_660 = arith.addf %add3A_653, %mul3A_659 : vector<16xf32>
        %get3A_661 = arith.index_cast %rem3A_109 : i32 to index
        %get3A_662 = arith.index_cast %scan3A_637 : i32 to index
        %get3A_663 = arith.constant 48 : index
        %get3A_664 = tpu.vector_load %arg8[%get3A_661, %get3A_662, %get3A_663] {strides = array<i32>} : memref<4x64x256xf32, #tpu.memory_space<vmem>>, vector<1x1x16xf32>,
        %get3A_665 = vector.shape_cast %get3A_664 : vector<1x1x16xf32> to vector<16xf32>
        %mul3A_666 = arith.mulf %get3A_665, %mul3A_187 : vector<16xf32>
        %add3A_667 = arith.addf %add3A_660, %mul3A_666 : vector<16xf32>
        %get3A_668 = arith.index_cast %rem3A_109 : i32 to index
        %get3A_669 = arith.index_cast %scan3A_637 : i32 to index
        %get3A_670 = arith.constant 64 : index
        %get3A_671 = tpu.vector_load %arg8[%get3A_668, %get3A_669, %get3A_670] {strides = array<i32>} : memref<4x64x256xf32, #tpu.memory_space<vmem>>, vector<1x1x16xf32>,
        %get3A_672 = vector.shape_cast %get3A_671 : vector<1x1x16xf32> to vector<16xf32>
        %mul3A_673 = arith.mulf %get3A_672, %mul3A_193 : vector<16xf32>
        %add3A_674 = arith.addf %add3A_667, %mul3A_673 : vector<16xf32>
        %get3A_675 = arith.index_cast %rem3A_109 : i32 to index
        %get3A_676 = arith.index_cast %scan3A_637 : i32 to index
        %get3A_677 = arith.constant 80 : index
        %get3A_678 = tpu.vector_load %arg8[%get3A_675, %get3A_676, %get3A_677] {strides = array<i32>} : memref<4x64x256xf32, #tpu.memory_space<vmem>>, vector<1x1x16xf32>,
        %get3A_679 = vector.shape_cast %get3A_678 : vector<1x1x16xf32> to vector<16xf32>
        %mul3A_680 = arith.mulf %get3A_679, %mul3A_199 : vector<16xf32>
        %add3A_681 = arith.addf %add3A_674, %mul3A_680 : vector<16xf32>
        %get3A_682 = arith.index_cast %rem3A_109 : i32 to index
        %get3A_683 = arith.index_cast %scan3A_637 : i32 to index
        %get3A_684 = arith.constant 96 : index
        %get3A_685 = tpu.vector_load %arg8[%get3A_682, %get3A_683, %get3A_684] {strides = array<i32>} : memref<4x64x256xf32, #tpu.memory_space<vmem>>, vector<1x1x16xf32>,
        %get3A_686 = vector.shape_cast %get3A_685 : vector<1x1x16xf32> to vector<16xf32>
        %mul3A_687 = arith.mulf %get3A_686, %mul3A_205 : vector<16xf32>
        %add3A_688 = arith.addf %add3A_681, %mul3A_687 : vector<16xf32>
        %get3A_689 = arith.index_cast %rem3A_109 : i32 to index
        %get3A_690 = arith.index_cast %scan3A_637 : i32 to index
        %get3A_691 = arith.constant 112 : index
        %get3A_692 = tpu.vector_load %arg8[%get3A_689, %get3A_690, %get3A_691] {strides = array<i32>} : memref<4x64x256xf32, #tpu.memory_space<vmem>>, vector<1x1x16xf32>,
        %get3A_693 = vector.shape_cast %get3A_692 : vector<1x1x16xf32> to vector<16xf32>
        %mul3A_694 = arith.mulf %get3A_693, %mul3A_211 : vector<16xf32>
        %add3A_695 = arith.addf %add3A_688, %mul3A_694 : vector<16xf32>
        %get3A_696 = arith.index_cast %rem3A_109 : i32 to index
        %get3A_697 = arith.index_cast %scan3A_637 : i32 to index
        %get3A_698 = arith.constant 128 : index
        %get3A_699 = tpu.vector_load %arg8[%get3A_696, %get3A_697, %get3A_698] {strides = array<i32>} : memref<4x64x256xf32, #tpu.memory_space<vmem>>, vector<1x1x16xf32>,
        %get3A_700 = vector.shape_cast %get3A_699 : vector<1x1x16xf32> to vector<16xf32>
        %mul3A_701 = arith.mulf %get3A_700, %mul3A_217 : vector<16xf32>
        %add3A_702 = arith.addf %add3A_695, %mul3A_701 : vector<16xf32>
        %get3A_703 = arith.index_cast %rem3A_109 : i32 to index
        %get3A_704 = arith.index_cast %scan3A_637 : i32 to index
        %get3A_705 = arith.constant 144 : index
        %get3A_706 = tpu.vector_load %arg8[%get3A_703, %get3A_704, %get3A_705] {strides = array<i32>} : memref<4x64x256xf32, #tpu.memory_space<vmem>>, vector<1x1x16xf32>,
        %get3A_707 = vector.shape_cast %get3A_706 : vector<1x1x16xf32> to vector<16xf32>
        %mul3A_708 = arith.mulf %get3A_707, %mul3A_223 : vector<16xf32>
        %add3A_709 = arith.addf %add3A_702, %mul3A_708 : vector<16xf32>
        %get3A_710 = arith.index_cast %rem3A_109 : i32 to index
        %get3A_711 = arith.index_cast %scan3A_637 : i32 to index
        %get3A_712 = arith.constant 160 : index
        %get3A_713 = tpu.vector_load %arg8[%get3A_710, %get3A_711, %get3A_712] {strides = array<i32>} : memref<4x64x256xf32, #tpu.memory_space<vmem>>, vector<1x1x16xf32>,
        %get3A_714 = vector.shape_cast %get3A_713 : vector<1x1x16xf32> to vector<16xf32>
        %mul3A_715 = arith.mulf %get3A_714, %mul3A_229 : vector<16xf32>
        %add3A_716 = arith.addf %add3A_709, %mul3A_715 : vector<16xf32>
        %get3A_717 = arith.index_cast %rem3A_109 : i32 to index
        %get3A_718 = arith.index_cast %scan3A_637 : i32 to index
        %get3A_719 = arith.constant 176 : index
        %get3A_720 = tpu.vector_load %arg8[%get3A_717, %get3A_718, %get3A_719] {strides = array<i32>} : memref<4x64x256xf32, #tpu.memory_space<vmem>>, vector<1x1x16xf32>,
        %get3A_721 = vector.shape_cast %get3A_720 : vector<1x1x16xf32> to vector<16xf32>
        %mul3A_722 = arith.mulf %get3A_721, %mul3A_235 : vector<16xf32>
        %add3A_723 = arith.addf %add3A_716, %mul3A_722 : vector<16xf32>
        %get3A_724 = arith.index_cast %rem3A_109 : i32 to index
        %get3A_725 = arith.index_cast %scan3A_637 : i32 to index
        %get3A_726 = arith.constant 192 : index
        %get3A_727 = tpu.vector_load %arg8[%get3A_724, %get3A_725, %get3A_726] {strides = array<i32>} : memref<4x64x256xf32, #tpu.memory_space<vmem>>, vector<1x1x16xf32>,
        %get3A_728 = vector.shape_cast %get3A_727 : vector<1x1x16xf32> to vector<16xf32>
        %mul3A_729 = arith.mulf %get3A_728, %mul3A_241 : vector<16xf32>
        %add3A_730 = arith.addf %add3A_723, %mul3A_729 : vector<16xf32>
        %get3A_731 = arith.index_cast %rem3A_109 : i32 to index
        %get3A_732 = arith.index_cast %scan3A_637 : i32 to index
        %get3A_733 = arith.constant 208 : index
        %get3A_734 = tpu.vector_load %arg8[%get3A_731, %get3A_732, %get3A_733] {strides = array<i32>} : memref<4x64x256xf32, #tpu.memory_space<vmem>>, vector<1x1x16xf32>,
        %get3A_735 = vector.shape_cast %get3A_734 : vector<1x1x16xf32> to vector<16xf32>
        %mul3A_736 = arith.mulf %get3A_735, %mul3A_247 : vector<16xf32>
        %add3A_737 = arith.addf %add3A_730, %mul3A_736 : vector<16xf32>
        %get3A_738 = arith.index_cast %rem3A_109 : i32 to index
        %get3A_739 = arith.index_cast %scan3A_637 : i32 to index
        %get3A_740 = arith.constant 224 : index
        %get3A_741 = tpu.vector_load %arg8[%get3A_738, %get3A_739, %get3A_740] {strides = array<i32>} : memref<4x64x256xf32, #tpu.memory_space<vmem>>, vector<1x1x16xf32>,
        %get3A_742 = vector.shape_cast %get3A_741 : vector<1x1x16xf32> to vector<16xf32>
        %mul3A_743 = arith.mulf %get3A_742, %mul3A_253 : vector<16xf32>
        %add3A_744 = arith.addf %add3A_737, %mul3A_743 : vector<16xf32>
        %get3A_745 = arith.index_cast %rem3A_109 : i32 to index
        %get3A_746 = arith.index_cast %scan3A_637 : i32 to index
        %get3A_747 = arith.constant 240 : index
        %get3A_748 = tpu.vector_load %arg8[%get3A_745, %get3A_746, %get3A_747] {strides = array<i32>} : memref<4x64x256xf32, #tpu.memory_space<vmem>>, vector<1x1x16xf32>,
        %get3A_749 = vector.shape_cast %get3A_748 : vector<1x1x16xf32> to vector<16xf32>
        %mul3A_750 = arith.mulf %get3A_749, %mul3A_259 : vector<16xf32>
        %add3A_751 = arith.addf %add3A_744, %mul3A_750 : vector<16xf32>
        %mul3A_752 = arith.constant 64 : i32
        %mul3A_753 = arith.muli %rem3A_141, %mul3A_752 : i32
        %add3A_754 = arith.addi %mul3A_753, %scan3A_637 : i32
        %swap3A_755 = arith.index_cast %add3A_754 : i32 to index
        %swap3A_756 = arith.constant 0 : index
        %swap3A_757 = tpu.vector_load %arg9[%swap3A_755, %swap3A_756] {strides = array<i32>} : memref<256x16xf32, #tpu.memory_space<vmem>>, vector<1x16xf32>,
        %swap3A_758 = vector.shape_cast %swap3A_757 : vector<1x16xf32> to vector<16xf32>
        %swap3A_759 = vector.shape_cast %add3A_751 : vector<16xf32> to vector<1x16xf32>
        tpu.vector_store %arg9[%swap3A_755, %swap3A_756], %swap3A_759 {add = true, strides = array<i32>} : memref<256x16xf32, #tpu.memory_space<vmem>>, vector<1x16xf32>,
      }
      %scan3A_265 = arith.constant 64 : i32
    }
    %scan3A_106 = arith.constant 44 : i32
    "tpu.region"() ({
      %run_scoped3A = tpu.sem_alloc : memref<!tpu.dma_semaphore, #tpu.memory_space<semaphore_mem>>
      %dma_start3A_107 = arith.constant 0 : i32
      %dma_start3A_108 = arith.constant 0 : i32
      %dma_start3A_109 = tpu.memref_slice %arg5[%add3A, %dma_start3A_107, %dma_start3A_108] : memref<32x256x16xf32, #tpu.memory_space<hbm>> -> memref<1x256x16xf32, #tpu.memory_space<hbm>>
      %dma_start3A_110 = tpu.memref_squeeze %dma_start3A_109 : memref<1x256x16xf32, #tpu.memory_space<hbm>> -> memref<256x16xf32, #tpu.memory_space<hbm>>
      %dma_start3A_111 = arith.constant 0 : i32
      %dma_start3A_112 = arith.constant 0 : i32
      %dma_start3A_113 = tpu.memref_slice %arg5[%add3A, %dma_start3A_111, %dma_start3A_112] : memref<32x256x16xf32, #tpu.memory_space<hbm>> -> memref<1x256x16xf32, #tpu.memory_space<hbm>>
      %dma_start3A_114 = tpu.memref_squeeze %dma_start3A_113 : memref<1x256x16xf32, #tpu.memory_space<hbm>> -> memref<256x16xf32, #tpu.memory_space<hbm>>
      tpu.enqueue_dma source(%arg9 : memref<256x16xf32, #tpu.memory_space<vmem>>) target(%dma_start3A_114 : memref<256x16xf32, #tpu.memory_space<hbm>>) target_semaphore(%run_scoped3A : memref<!tpu.dma_semaphore, #tpu.memory_space<semaphore_mem>>)
      %dma_wait3A = arith.constant 0 : i32
      %dma_wait3A_115 = arith.constant 0 : i32
      %dma_wait3A_116 = tpu.memref_slice %arg5[%add3A, %dma_wait3A, %dma_wait3A_115] : memref<32x256x16xf32, #tpu.memory_space<hbm>> -> memref<1x256x16xf32, #tpu.memory_space<hbm>>
      %dma_wait3A_117 = tpu.memref_squeeze %dma_wait3A_116 : memref<1x256x16xf32, #tpu.memory_space<hbm>> -> memref<256x16xf32, #tpu.memory_space<hbm>>
      %dma_wait3A_118 = arith.constant 0 : i32
      %dma_wait3A_119 = arith.constant 0 : i32
      %dma_wait3A_120 = tpu.memref_slice %arg5[%add3A, %dma_wait3A_118, %dma_wait3A_119] : memref<32x256x16xf32, #tpu.memory_space<hbm>> -> memref<1x256x16xf32, #tpu.memory_space<hbm>>
      %dma_wait3A_121 = tpu.memref_squeeze %dma_wait3A_120 : memref<1x256x16xf32, #tpu.memory_space<hbm>> -> memref<256x16xf32, #tpu.memory_space<hbm>>
      tpu.wait_dma2 semaphore(%run_scoped3A : memref<!tpu.dma_semaphore, #tpu.memory_space<semaphore_mem>>) src(%arg9 : memref<256x16xf32, #tpu.memory_space<vmem>>) dst(%dma_wait3A_121 : memref<256x16xf32, #tpu.memory_space<hbm>>)
      tpu.yield
    }) : () -> ()
    return
  }
}

module attributes {stable_mosaic.version = 14 : i64} {
  func.func @_fin_body(%arg0: memref<1x256xf32, #tpu.memory_space<vmem>>, %arg1: memref<32x256x16xf32, #tpu.memory_space<vmem>>, %arg2: memref<2048x256xf32, #tpu.memory_space<vmem>>, %arg3: memref<1x2048xf32, #tpu.memory_space<vmem>>) attributes {dimension_semantics = [], scalar_prefetch = 0 : i64, scratch_operands = 0 : i64, tpu.core_type = #tpu.core_type<tc>} {
    %get3A = arith.constant 0 : index
    %get3A_0 = arith.constant 0 : index
    %get3A_1 = arith.constant 0 : index
    %get3A_2 = vector.load %arg1[%get3A, %get3A_0, %get3A_1] : memref<32x256x16xf32, #tpu.memory_space<vmem>>, vector<32x256x16xf32>
    %reduce_sum3A = arith.constant dense<0.000000e+00> : vector<256x16xf32>
    %reduce_sum3A_3 = vector.multi_reduction <add>, %get3A_2, %reduce_sum3A [0] : vector<32x256x16xf32> to vector<256x16xf32>
    %broadcast_in_dim3A = arith.constant 1.000000e+00 : f32
    %broadcast_in_dim3A_4 = vector.broadcast %broadcast_in_dim3A : f32 to vector<1x16xf32>
    %dot_general3A = arith.constant dense<0.000000e+00> : vector<1x256xf32>
    %dot_general3A_5 = tpu.matmul %broadcast_in_dim3A_4, %reduce_sum3A_3, %dot_general3A {dimension_numbers = #tpu.dot_dimension_numbers<[1], [1], [0], [0], [0, 0, 1, 0], [], []>, transpose_lhs_hint = false} : vector<1x16xf32>, vector<256x16xf32>, vector<1x256xf32> -> vector<1x256xf32>
    %get3A_6 = arith.constant 0 : index
    %get3A_7 = arith.constant 0 : index
    %get3A_8 = vector.load %arg0[%get3A_6, %get3A_7] : memref<1x256xf32, #tpu.memory_space<vmem>>, vector<1x256xf32>
    %add3A = arith.addf %get3A_8, %dot_general3A_5 : vector<1x256xf32>
    %get3A_9 = arith.constant 0 : index
    %get3A_10 = arith.constant 0 : index
    %get3A_11 = vector.load %arg2[%get3A_9, %get3A_10] : memref<2048x256xf32, #tpu.memory_space<vmem>>, vector<2048x256xf32>
    %dot_general3A_12 = arith.constant dense<0.000000e+00> : vector<1x2048xf32>
    %dot_general3A_13 = tpu.matmul %add3A, %get3A_11, %dot_general3A_12 {dimension_numbers = #tpu.dot_dimension_numbers<[1], [1], [0], [0], [0, 0, 1, 0], [], []>, transpose_lhs_hint = false} : vector<1x256xf32>, vector<2048x256xf32>, vector<1x2048xf32> -> vector<1x2048xf32>
    %swap3A = arith.constant 0 : index
    %swap3A_14 = arith.constant 0 : index
    %swap3A_15 = vector.load %arg3[%swap3A, %swap3A_14] : memref<1x2048xf32, #tpu.memory_space<vmem>>, vector<1x2048xf32>
    tpu.vector_store %arg3[%swap3A, %swap3A_14], %dot_general3A_13 {strides = array<i32>} : memref<1x2048xf32, #tpu.memory_space<vmem>>, vector<1x2048xf32>,
    return
  }
}

module attributes {stable_mosaic.version = 14 : i64} {
  func.func @_tc_body(%arg0: memref<2048xf32, #tpu.memory_space<smem>>, %arg1: memref<2048x256x256xf32, #tpu.memory_space<any>>, %arg2: memref<2048x256xf32, #tpu.memory_space<vmem>>, %arg3: memref<1x2048xf32, #tpu.memory_space<vmem>>, %arg4: memref<256x2048xf32, #tpu.memory_space<vmem>>, %arg5: memref<1x256xf32, #tpu.memory_space<vmem>>, %arg6: memref<8x8x256x256xf32, #tpu.memory_space<vmem>>, %arg7: memref<1x256xf32, #tpu.memory_space<vmem>>, %arg8: memref<2056xi32, #tpu.memory_space<smem>>, %arg9: memref<2056xf32, #tpu.memory_space<smem>>, %arg10: memref<8x!tpu.dma_semaphore, #tpu.memory_space<semaphore_mem>>) attributes {dimension_semantics = [], scalar_prefetch = 0 : i64, scratch_operands = 5 : i64, tpu.core_type = #tpu.core_type<tc>} {
    %scan3A = arith.constant 0 : i32
    %scan3A_0 = arith.constant 352 : i32
    %scan3A_1 = arith.constant 1696 : i32
    %scan3A_2 = arith.addi %scan3A_0, %scan3A_1 : i32
    %scan3A_3 = arith.constant 1 : i32
    %scan3A_4 = scf.for %scan3A_163 = %scan3A_0 to %scan3A_2 step %scan3A_3 iter_args(%scan3A_164 = %scan3A) -> (i32)  : i32 {
      %get3A_165 = arith.index_cast %scan3A_163 : i32 to index
      %get3A_166 = memref.load %arg0[%get3A_165] : memref<2048xf32, #tpu.memory_space<smem>>
      %max3A_167 = arith.constant 0.000000e+00 : f32
      %max3A_168 = arith.maximumf %get3A_166, %max3A_167 : f32
      %min3A = arith.constant 1.000000e+00 : f32
      %min3A_169 = arith.minimumf %max3A_168, %min3A : f32
      %swap3A_170 = arith.index_cast %scan3A_164 : i32 to index
      %swap3A_171 = memref.load %arg8[%swap3A_170] : memref<2056xi32, #tpu.memory_space<smem>>
      memref.store %scan3A_163, %arg8[%swap3A_170] : memref<2056xi32, #tpu.memory_space<smem>>
      %swap3A_172 = arith.index_cast %scan3A_164 : i32 to index
      %swap3A_173 = memref.load %arg9[%swap3A_172] : memref<2056xf32, #tpu.memory_space<smem>>
      memref.store %min3A_169, %arg9[%swap3A_172] : memref<2056xf32, #tpu.memory_space<smem>>
      %gt3A_174 = arith.constant 0.000000e+00 : f32
      %gt3A_175 = arith.cmpf ogt, %min3A_169, %gt3A_174 : f32
      %convert_element_type3A_176 = arith.extui %gt3A_175 : i1 to i32
      %add3A_177 = arith.addi %scan3A_164, %convert_element_type3A_176 : i32
      scf.yield %add3A_177 : i32
    }
    %scan3A_5 = arith.constant 1696 : i32
    %gt3A = arith.constant 0 : i32
    %gt3A_6 = arith.cmpi sgt, %scan3A_4, %gt3A : i32
    %sub3A = arith.constant 1 : i32
    %sub3A_7 = arith.subi %scan3A_4, %sub3A : i32
    %max3A = arith.constant 0 : i32
    %max3A_8 = arith.maxsi %sub3A_7, %max3A : i32
    %get3A = arith.index_cast %max3A_8 : i32 to index
    %get3A_9 = memref.load %arg8[%get3A] : memref<2056xi32, #tpu.memory_space<smem>>
    %jit3A = arith.constant 0 : i32
    %select_n3A = arith.select %gt3A_6, %get3A_9, %jit3A : i32
    %add3A = arith.constant 0 : i32
    %add3A_10 = arith.addi %scan3A_4, %add3A : i32
    %swap3A = arith.index_cast %add3A_10 : i32 to index
    %swap3A_11 = memref.load %arg8[%swap3A] : memref<2056xi32, #tpu.memory_space<smem>>
    memref.store %select_n3A, %arg8[%swap3A] : memref<2056xi32, #tpu.memory_space<smem>>
    %add3A_12 = arith.constant 0 : i32
    %add3A_13 = arith.addi %scan3A_4, %add3A_12 : i32
    %swap3A_14 = arith.constant 0.000000e+00 : f32
    %swap3A_15 = arith.index_cast %add3A_13 : i32 to index
    %swap3A_16 = memref.load %arg9[%swap3A_15] : memref<2056xf32, #tpu.memory_space<smem>>
    memref.store %swap3A_14, %arg9[%swap3A_15] : memref<2056xf32, #tpu.memory_space<smem>>
    %add3A_17 = arith.constant 1 : i32
    %add3A_18 = arith.addi %scan3A_4, %add3A_17 : i32
    %swap3A_19 = arith.index_cast %add3A_18 : i32 to index
    %swap3A_20 = memref.load %arg8[%swap3A_19] : memref<2056xi32, #tpu.memory_space<smem>>
    memref.store %select_n3A, %arg8[%swap3A_19] : memref<2056xi32, #tpu.memory_space<smem>>
    %add3A_21 = arith.constant 1 : i32
    %add3A_22 = arith.addi %scan3A_4, %add3A_21 : i32
    %swap3A_23 = arith.constant 0.000000e+00 : f32
    %swap3A_24 = arith.index_cast %add3A_22 : i32 to index
    %swap3A_25 = memref.load %arg9[%swap3A_24] : memref<2056xf32, #tpu.memory_space<smem>>
    memref.store %swap3A_23, %arg9[%swap3A_24] : memref<2056xf32, #tpu.memory_space<smem>>
    %add3A_26 = arith.constant 2 : i32
    %add3A_27 = arith.addi %scan3A_4, %add3A_26 : i32
    %swap3A_28 = arith.index_cast %add3A_27 : i32 to index
    %swap3A_29 = memref.load %arg8[%swap3A_28] : memref<2056xi32, #tpu.memory_space<smem>>
    memref.store %select_n3A, %arg8[%swap3A_28] : memref<2056xi32, #tpu.memory_space<smem>>
    %add3A_30 = arith.constant 2 : i32
    %add3A_31 = arith.addi %scan3A_4, %add3A_30 : i32
    %swap3A_32 = arith.constant 0.000000e+00 : f32
    %swap3A_33 = arith.index_cast %add3A_31 : i32 to index
    %swap3A_34 = memref.load %arg9[%swap3A_33] : memref<2056xf32, #tpu.memory_space<smem>>
    memref.store %swap3A_32, %arg9[%swap3A_33] : memref<2056xf32, #tpu.memory_space<smem>>
    %add3A_35 = arith.constant 3 : i32
    %add3A_36 = arith.addi %scan3A_4, %add3A_35 : i32
    %swap3A_37 = arith.index_cast %add3A_36 : i32 to index
    %swap3A_38 = memref.load %arg8[%swap3A_37] : memref<2056xi32, #tpu.memory_space<smem>>
    memref.store %select_n3A, %arg8[%swap3A_37] : memref<2056xi32, #tpu.memory_space<smem>>
    %add3A_39 = arith.constant 3 : i32
    %add3A_40 = arith.addi %scan3A_4, %add3A_39 : i32
    %swap3A_41 = arith.constant 0.000000e+00 : f32
    %swap3A_42 = arith.index_cast %add3A_40 : i32 to index
    %swap3A_43 = memref.load %arg9[%swap3A_42] : memref<2056xf32, #tpu.memory_space<smem>>
    memref.store %swap3A_41, %arg9[%swap3A_42] : memref<2056xf32, #tpu.memory_space<smem>>
    %add3A_44 = arith.constant 4 : i32
    %add3A_45 = arith.addi %scan3A_4, %add3A_44 : i32
    %swap3A_46 = arith.index_cast %add3A_45 : i32 to index
    %swap3A_47 = memref.load %arg8[%swap3A_46] : memref<2056xi32, #tpu.memory_space<smem>>
    memref.store %select_n3A, %arg8[%swap3A_46] : memref<2056xi32, #tpu.memory_space<smem>>
    %add3A_48 = arith.constant 4 : i32
    %add3A_49 = arith.addi %scan3A_4, %add3A_48 : i32
    %swap3A_50 = arith.constant 0.000000e+00 : f32
    %swap3A_51 = arith.index_cast %add3A_49 : i32 to index
    %swap3A_52 = memref.load %arg9[%swap3A_51] : memref<2056xf32, #tpu.memory_space<smem>>
    memref.store %swap3A_50, %arg9[%swap3A_51] : memref<2056xf32, #tpu.memory_space<smem>>
    %add3A_53 = arith.constant 5 : i32
    %add3A_54 = arith.addi %scan3A_4, %add3A_53 : i32
    %swap3A_55 = arith.index_cast %add3A_54 : i32 to index
    %swap3A_56 = memref.load %arg8[%swap3A_55] : memref<2056xi32, #tpu.memory_space<smem>>
    memref.store %select_n3A, %arg8[%swap3A_55] : memref<2056xi32, #tpu.memory_space<smem>>
    %add3A_57 = arith.constant 5 : i32
    %add3A_58 = arith.addi %scan3A_4, %add3A_57 : i32
    %swap3A_59 = arith.constant 0.000000e+00 : f32
    %swap3A_60 = arith.index_cast %add3A_58 : i32 to index
    %swap3A_61 = memref.load %arg9[%swap3A_60] : memref<2056xf32, #tpu.memory_space<smem>>
    memref.store %swap3A_59, %arg9[%swap3A_60] : memref<2056xf32, #tpu.memory_space<smem>>
    %add3A_62 = arith.constant 6 : i32
    %add3A_63 = arith.addi %scan3A_4, %add3A_62 : i32
    %swap3A_64 = arith.index_cast %add3A_63 : i32 to index
    %swap3A_65 = memref.load %arg8[%swap3A_64] : memref<2056xi32, #tpu.memory_space<smem>>
    memref.store %select_n3A, %arg8[%swap3A_64] : memref<2056xi32, #tpu.memory_space<smem>>
    %add3A_66 = arith.constant 6 : i32
    %add3A_67 = arith.addi %scan3A_4, %add3A_66 : i32
    %swap3A_68 = arith.constant 0.000000e+00 : f32
    %swap3A_69 = arith.index_cast %add3A_67 : i32 to index
    %swap3A_70 = memref.load %arg9[%swap3A_69] : memref<2056xf32, #tpu.memory_space<smem>>
    memref.store %swap3A_68, %arg9[%swap3A_69] : memref<2056xf32, #tpu.memory_space<smem>>
    %add3A_71 = arith.constant 7 : i32
    %add3A_72 = arith.addi %scan3A_4, %add3A_71 : i32
    %swap3A_73 = arith.index_cast %add3A_72 : i32 to index
    %swap3A_74 = memref.load %arg8[%swap3A_73] : memref<2056xi32, #tpu.memory_space<smem>>
    memref.store %select_n3A, %arg8[%swap3A_73] : memref<2056xi32, #tpu.memory_space<smem>>
    %add3A_75 = arith.constant 7 : i32
    %add3A_76 = arith.addi %scan3A_4, %add3A_75 : i32
    %swap3A_77 = arith.constant 0.000000e+00 : f32
    %swap3A_78 = arith.index_cast %add3A_76 : i32 to index
    %swap3A_79 = memref.load %arg9[%swap3A_78] : memref<2056xf32, #tpu.memory_space<smem>>
    memref.store %swap3A_77, %arg9[%swap3A_78] : memref<2056xf32, #tpu.memory_space<smem>>
    %add3A_80 = arith.constant 8 : i32
    %add3A_81 = arith.addi %scan3A_4, %add3A_80 : i32
    %sub3A_82 = arith.constant 1 : i32
    %sub3A_83 = arith.subi %add3A_81, %sub3A_82 : i32
    %jit3A_84 = arith.constant 8 : i32
    %div3A = arith.divsi %sub3A_83, %jit3A_84 : i32
    %sign3A = arith.constant 0 : i32
    %sign3A_85 = arith.cmpi sgt, %sub3A_83, %sign3A : i32
    %sign3A_86 = arith.extui %sign3A_85 : i1 to i32
    %sign3A_87 = arith.constant 0 : i32
    %sign3A_88 = arith.cmpi slt, %sub3A_83, %sign3A_87 : i32
    %sign3A_89 = arith.extui %sign3A_88 : i1 to i32
    %sign3A_90 = arith.subi %sign3A_86, %sign3A_89 : i32
    %sign3A_91 = arith.constant 0 : i32
    %sign3A_92 = arith.cmpi sgt, %jit3A_84, %sign3A_91 : i32
    %sign3A_93 = arith.extui %sign3A_92 : i1 to i32
    %sign3A_94 = arith.constant 0 : i32
    %sign3A_95 = arith.cmpi slt, %jit3A_84, %sign3A_94 : i32
    %sign3A_96 = arith.extui %sign3A_95 : i1 to i32
    %sign3A_97 = arith.subi %sign3A_93, %sign3A_96 : i32
    %ne3A = arith.cmpi ne, %sign3A_90, %sign3A_97 : i32
    %rem3A = arith.remsi %sub3A_83, %jit3A_84 : i32
    %ne3A_98 = arith.constant 0 : i32
    %ne3A_99 = arith.cmpi ne, %rem3A, %ne3A_98 : i32
    %and3A = arith.andi %ne3A, %ne3A_99 : i1
    %sub3A_100 = arith.constant 1 : i32
    %sub3A_101 = arith.subi %div3A, %sub3A_100 : i32
    %select_n3A_102 = arith.select %and3A, %sub3A_101, %div3A : i32
    %broadcast_in_dim3A = arith.constant 0.000000e+00 : f32
    %broadcast_in_dim3A_103 = vector.broadcast %broadcast_in_dim3A : f32 to vector<1x256xf32>
    %swap3A_104 = arith.constant 0 : index
    %swap3A_105 = arith.constant 0 : index
    %swap3A_106 = vector.load %arg7[%swap3A_104, %swap3A_105] : memref<1x256xf32, #tpu.memory_space<vmem>>, vector<1x256xf32>
    tpu.vector_store %arg7[%swap3A_104, %swap3A_105], %broadcast_in_dim3A_103 {strides = array<i32>} : memref<1x256xf32, #tpu.memory_space<vmem>>, vector<1x256xf32>,
    %gt3A_107 = arith.constant 0 : i32
    %gt3A_108 = arith.cmpi sgt, %select_n3A_102, %gt3A_107 : i32
    %convert_element_type3A = arith.extui %gt3A_108 : i1 to i32
    %cond3A = arith.constant 0 : i32
    %cond3A_109 = arith.cmpi ne, %convert_element_type3A, %cond3A : i32
    scf.if %cond3A_109 {
      %get3A_163 = arith.constant 0 : index
      %get3A_164 = memref.load %arg8[%get3A_163] : memref<2056xi32, #tpu.memory_space<smem>>
      %dma_start3A = arith.constant 0 : i32
      %dma_start3A_165 = arith.constant 0 : i32
      %dma_start3A_166 = tpu.memref_slice %arg10[%dma_start3A_165] : memref<8x!tpu.dma_semaphore, #tpu.memory_space<semaphore_mem>> -> memref<1x!tpu.dma_semaphore, #tpu.memory_space<semaphore_mem>>
      %dma_start3A_167 = tpu.memref_squeeze %dma_start3A_166 : memref<1x!tpu.dma_semaphore, #tpu.memory_space<semaphore_mem>> -> memref<!tpu.dma_semaphore, #tpu.memory_space<semaphore_mem>>
      %dma_start3A_168 = arith.constant 0 : i32
      %dma_start3A_169 = arith.constant 0 : i32
      %dma_start3A_170 = arith.constant 0 : i32
      %dma_start3A_171 = tpu.memref_slice %arg6[%dma_start3A, %dma_start3A_168, %dma_start3A_169, %dma_start3A_170] : memref<8x8x256x256xf32, #tpu.memory_space<vmem>> -> memref<1x1x256x256xf32, #tpu.memory_space<vmem>>
      %dma_start3A_172 = tpu.memref_squeeze %dma_start3A_171 : memref<1x1x256x256xf32, #tpu.memory_space<vmem>> -> memref<1x256x256xf32, #tpu.memory_space<vmem>>
      %dma_start3A_173 = arith.constant 0 : i32
      %dma_start3A_174 = arith.constant 0 : i32
      %dma_start3A_175 = tpu.memref_slice %arg1[%get3A_164, %dma_start3A_173, %dma_start3A_174] : memref<2048x256x256xf32, #tpu.memory_space<any>> -> memref<1x256x256xf32, #tpu.memory_space<any>>
      tpu.enqueue_dma source(%dma_start3A_175 : memref<1x256x256xf32, #tpu.memory_space<any>>) target(%dma_start3A_172 : memref<1x256x256xf32, #tpu.memory_space<vmem>>) target_semaphore(%dma_start3A_167 : memref<!tpu.dma_semaphore, #tpu.memory_space<semaphore_mem>>)
      %get3A_176 = arith.constant 1 : index
      %get3A_177 = memref.load %arg8[%get3A_176] : memref<2056xi32, #tpu.memory_space<smem>>
      %dma_start3A_178 = arith.constant 0 : i32
      %dma_start3A_179 = arith.constant 0 : i32
      %dma_start3A_180 = tpu.memref_slice %arg10[%dma_start3A_179] : memref<8x!tpu.dma_semaphore, #tpu.memory_space<semaphore_mem>> -> memref<1x!tpu.dma_semaphore, #tpu.memory_space<semaphore_mem>>
      %dma_start3A_181 = tpu.memref_squeeze %dma_start3A_180 : memref<1x!tpu.dma_semaphore, #tpu.memory_space<semaphore_mem>> -> memref<!tpu.dma_semaphore, #tpu.memory_space<semaphore_mem>>
      %dma_start3A_182 = arith.constant 1 : i32
      %dma_start3A_183 = arith.constant 0 : i32
      %dma_start3A_184 = arith.constant 0 : i32
      %dma_start3A_185 = tpu.memref_slice %arg6[%dma_start3A_178, %dma_start3A_182, %dma_start3A_183, %dma_start3A_184] : memref<8x8x256x256xf32, #tpu.memory_space<vmem>> -> memref<1x1x256x256xf32, #tpu.memory_space<vmem>>
      %dma_start3A_186 = tpu.memref_squeeze %dma_start3A_185 : memref<1x1x256x256xf32, #tpu.memory_space<vmem>> -> memref<1x256x256xf32, #tpu.memory_space<vmem>>
      %dma_start3A_187 = arith.constant 0 : i32
      %dma_start3A_188 = arith.constant 0 : i32
      %dma_start3A_189 = tpu.memref_slice %arg1[%get3A_177, %dma_start3A_187, %dma_start3A_188] : memref<2048x256x256xf32, #tpu.memory_space<any>> -> memref<1x256x256xf32, #tpu.memory_space<any>>
      tpu.enqueue_dma source(%dma_start3A_189 : memref<1x256x256xf32, #tpu.memory_space<any>>) target(%dma_start3A_186 : memref<1x256x256xf32, #tpu.memory_space<vmem>>) target_semaphore(%dma_start3A_181 : memref<!tpu.dma_semaphore, #tpu.memory_space<semaphore_mem>>)
      %get3A_190 = arith.constant 2 : index
      %get3A_191 = memref.load %arg8[%get3A_190] : memref<2056xi32, #tpu.memory_space<smem>>
      %dma_start3A_192 = arith.constant 0 : i32
      %dma_start3A_193 = arith.constant 0 : i32
      %dma_start3A_194 = tpu.memref_slice %arg10[%dma_start3A_193] : memref<8x!tpu.dma_semaphore, #tpu.memory_space<semaphore_mem>> -> memref<1x!tpu.dma_semaphore, #tpu.memory_space<semaphore_mem>>
      %dma_start3A_195 = tpu.memref_squeeze %dma_start3A_194 : memref<1x!tpu.dma_semaphore, #tpu.memory_space<semaphore_mem>> -> memref<!tpu.dma_semaphore, #tpu.memory_space<semaphore_mem>>
      %dma_start3A_196 = arith.constant 2 : i32
      %dma_start3A_197 = arith.constant 0 : i32
      %dma_start3A_198 = arith.constant 0 : i32
      %dma_start3A_199 = tpu.memref_slice %arg6[%dma_start3A_192, %dma_start3A_196, %dma_start3A_197, %dma_start3A_198] : memref<8x8x256x256xf32, #tpu.memory_space<vmem>> -> memref<1x1x256x256xf32, #tpu.memory_space<vmem>>
      %dma_start3A_200 = tpu.memref_squeeze %dma_start3A_199 : memref<1x1x256x256xf32, #tpu.memory_space<vmem>> -> memref<1x256x256xf32, #tpu.memory_space<vmem>>
      %dma_start3A_201 = arith.constant 0 : i32
      %dma_start3A_202 = arith.constant 0 : i32
      %dma_start3A_203 = tpu.memref_slice %arg1[%get3A_191, %dma_start3A_201, %dma_start3A_202] : memref<2048x256x256xf32, #tpu.memory_space<any>> -> memref<1x256x256xf32, #tpu.memory_space<any>>
      tpu.enqueue_dma source(%dma_start3A_203 : memref<1x256x256xf32, #tpu.memory_space<any>>) target(%dma_start3A_200 : memref<1x256x256xf32, #tpu.memory_space<vmem>>) target_semaphore(%dma_start3A_195 : memref<!tpu.dma_semaphore, #tpu.memory_space<semaphore_mem>>)
      %get3A_204 = arith.constant 3 : index
      %get3A_205 = memref.load %arg8[%get3A_204] : memref<2056xi32, #tpu.memory_space<smem>>
      %dma_start3A_206 = arith.constant 0 : i32
      %dma_start3A_207 = arith.constant 0 : i32
      %dma_start3A_208 = tpu.memref_slice %arg10[%dma_start3A_207] : memref<8x!tpu.dma_semaphore, #tpu.memory_space<semaphore_mem>> -> memref<1x!tpu.dma_semaphore, #tpu.memory_space<semaphore_mem>>
      %dma_start3A_209 = tpu.memref_squeeze %dma_start3A_208 : memref<1x!tpu.dma_semaphore, #tpu.memory_space<semaphore_mem>> -> memref<!tpu.dma_semaphore, #tpu.memory_space<semaphore_mem>>
      %dma_start3A_210 = arith.constant 3 : i32
      %dma_start3A_211 = arith.constant 0 : i32
      %dma_start3A_212 = arith.constant 0 : i32
      %dma_start3A_213 = tpu.memref_slice %arg6[%dma_start3A_206, %dma_start3A_210, %dma_start3A_211, %dma_start3A_212] : memref<8x8x256x256xf32, #tpu.memory_space<vmem>> -> memref<1x1x256x256xf32, #tpu.memory_space<vmem>>
      %dma_start3A_214 = tpu.memref_squeeze %dma_start3A_213 : memref<1x1x256x256xf32, #tpu.memory_space<vmem>> -> memref<1x256x256xf32, #tpu.memory_space<vmem>>
      %dma_start3A_215 = arith.constant 0 : i32
      %dma_start3A_216 = arith.constant 0 : i32
      %dma_start3A_217 = tpu.memref_slice %arg1[%get3A_205, %dma_start3A_215, %dma_start3A_216] : memref<2048x256x256xf32, #tpu.memory_space<any>> -> memref<1x256x256xf32, #tpu.memory_space<any>>
      tpu.enqueue_dma source(%dma_start3A_217 : memref<1x256x256xf32, #tpu.memory_space<any>>) target(%dma_start3A_214 : memref<1x256x256xf32, #tpu.memory_space<vmem>>) target_semaphore(%dma_start3A_209 : memref<!tpu.dma_semaphore, #tpu.memory_space<semaphore_mem>>)
      %get3A_218 = arith.constant 4 : index
      %get3A_219 = memref.load %arg8[%get3A_218] : memref<2056xi32, #tpu.memory_space<smem>>
      %dma_start3A_220 = arith.constant 0 : i32
      %dma_start3A_221 = arith.constant 0 : i32
      %dma_start3A_222 = tpu.memref_slice %arg10[%dma_start3A_221] : memref<8x!tpu.dma_semaphore, #tpu.memory_space<semaphore_mem>> -> memref<1x!tpu.dma_semaphore, #tpu.memory_space<semaphore_mem>>
      %dma_start3A_223 = tpu.memref_squeeze %dma_start3A_222 : memref<1x!tpu.dma_semaphore, #tpu.memory_space<semaphore_mem>> -> memref<!tpu.dma_semaphore, #tpu.memory_space<semaphore_mem>>
      %dma_start3A_224 = arith.constant 4 : i32
      %dma_start3A_225 = arith.constant 0 : i32
      %dma_start3A_226 = arith.constant 0 : i32
      %dma_start3A_227 = tpu.memref_slice %arg6[%dma_start3A_220, %dma_start3A_224, %dma_start3A_225, %dma_start3A_226] : memref<8x8x256x256xf32, #tpu.memory_space<vmem>> -> memref<1x1x256x256xf32, #tpu.memory_space<vmem>>
      %dma_start3A_228 = tpu.memref_squeeze %dma_start3A_227 : memref<1x1x256x256xf32, #tpu.memory_space<vmem>> -> memref<1x256x256xf32, #tpu.memory_space<vmem>>
      %dma_start3A_229 = arith.constant 0 : i32
      %dma_start3A_230 = arith.constant 0 : i32
      %dma_start3A_231 = tpu.memref_slice %arg1[%get3A_219, %dma_start3A_229, %dma_start3A_230] : memref<2048x256x256xf32, #tpu.memory_space<any>> -> memref<1x256x256xf32, #tpu.memory_space<any>>
      tpu.enqueue_dma source(%dma_start3A_231 : memref<1x256x256xf32, #tpu.memory_space<any>>) target(%dma_start3A_228 : memref<1x256x256xf32, #tpu.memory_space<vmem>>) target_semaphore(%dma_start3A_223 : memref<!tpu.dma_semaphore, #tpu.memory_space<semaphore_mem>>)
      %get3A_232 = arith.constant 5 : index
      %get3A_233 = memref.load %arg8[%get3A_232] : memref<2056xi32, #tpu.memory_space<smem>>
      %dma_start3A_234 = arith.constant 0 : i32
      %dma_start3A_235 = arith.constant 0 : i32
      %dma_start3A_236 = tpu.memref_slice %arg10[%dma_start3A_235] : memref<8x!tpu.dma_semaphore, #tpu.memory_space<semaphore_mem>> -> memref<1x!tpu.dma_semaphore, #tpu.memory_space<semaphore_mem>>
      %dma_start3A_237 = tpu.memref_squeeze %dma_start3A_236 : memref<1x!tpu.dma_semaphore, #tpu.memory_space<semaphore_mem>> -> memref<!tpu.dma_semaphore, #tpu.memory_space<semaphore_mem>>
      %dma_start3A_238 = arith.constant 5 : i32
      %dma_start3A_239 = arith.constant 0 : i32
      %dma_start3A_240 = arith.constant 0 : i32
      %dma_start3A_241 = tpu.memref_slice %arg6[%dma_start3A_234, %dma_start3A_238, %dma_start3A_239, %dma_start3A_240] : memref<8x8x256x256xf32, #tpu.memory_space<vmem>> -> memref<1x1x256x256xf32, #tpu.memory_space<vmem>>
      %dma_start3A_242 = tpu.memref_squeeze %dma_start3A_241 : memref<1x1x256x256xf32, #tpu.memory_space<vmem>> -> memref<1x256x256xf32, #tpu.memory_space<vmem>>
      %dma_start3A_243 = arith.constant 0 : i32
      %dma_start3A_244 = arith.constant 0 : i32
      %dma_start3A_245 = tpu.memref_slice %arg1[%get3A_233, %dma_start3A_243, %dma_start3A_244] : memref<2048x256x256xf32, #tpu.memory_space<any>> -> memref<1x256x256xf32, #tpu.memory_space<any>>
      tpu.enqueue_dma source(%dma_start3A_245 : memref<1x256x256xf32, #tpu.memory_space<any>>) target(%dma_start3A_242 : memref<1x256x256xf32, #tpu.memory_space<vmem>>) target_semaphore(%dma_start3A_237 : memref<!tpu.dma_semaphore, #tpu.memory_space<semaphore_mem>>)
      %get3A_246 = arith.constant 6 : index
      %get3A_247 = memref.load %arg8[%get3A_246] : memref<2056xi32, #tpu.memory_space<smem>>
      %dma_start3A_248 = arith.constant 0 : i32
      %dma_start3A_249 = arith.constant 0 : i32
      %dma_start3A_250 = tpu.memref_slice %arg10[%dma_start3A_249] : memref<8x!tpu.dma_semaphore, #tpu.memory_space<semaphore_mem>> -> memref<1x!tpu.dma_semaphore, #tpu.memory_space<semaphore_mem>>
      %dma_start3A_251 = tpu.memref_squeeze %dma_start3A_250 : memref<1x!tpu.dma_semaphore, #tpu.memory_space<semaphore_mem>> -> memref<!tpu.dma_semaphore, #tpu.memory_space<semaphore_mem>>
      %dma_start3A_252 = arith.constant 6 : i32
      %dma_start3A_253 = arith.constant 0 : i32
      %dma_start3A_254 = arith.constant 0 : i32
      %dma_start3A_255 = tpu.memref_slice %arg6[%dma_start3A_248, %dma_start3A_252, %dma_start3A_253, %dma_start3A_254] : memref<8x8x256x256xf32, #tpu.memory_space<vmem>> -> memref<1x1x256x256xf32, #tpu.memory_space<vmem>>
      %dma_start3A_256 = tpu.memref_squeeze %dma_start3A_255 : memref<1x1x256x256xf32, #tpu.memory_space<vmem>> -> memref<1x256x256xf32, #tpu.memory_space<vmem>>
      %dma_start3A_257 = arith.constant 0 : i32
      %dma_start3A_258 = arith.constant 0 : i32
      %dma_start3A_259 = tpu.memref_slice %arg1[%get3A_247, %dma_start3A_257, %dma_start3A_258] : memref<2048x256x256xf32, #tpu.memory_space<any>> -> memref<1x256x256xf32, #tpu.memory_space<any>>
      tpu.enqueue_dma source(%dma_start3A_259 : memref<1x256x256xf32, #tpu.memory_space<any>>) target(%dma_start3A_256 : memref<1x256x256xf32, #tpu.memory_space<vmem>>) target_semaphore(%dma_start3A_251 : memref<!tpu.dma_semaphore, #tpu.memory_space<semaphore_mem>>)
      %get3A_260 = arith.constant 7 : index
      %get3A_261 = memref.load %arg8[%get3A_260] : memref<2056xi32, #tpu.memory_space<smem>>
      %dma_start3A_262 = arith.constant 0 : i32
      %dma_start3A_263 = arith.constant 0 : i32
      %dma_start3A_264 = tpu.memref_slice %arg10[%dma_start3A_263] : memref<8x!tpu.dma_semaphore, #tpu.memory_space<semaphore_mem>> -> memref<1x!tpu.dma_semaphore, #tpu.memory_space<semaphore_mem>>
      %dma_start3A_265 = tpu.memref_squeeze %dma_start3A_264 : memref<1x!tpu.dma_semaphore, #tpu.memory_space<semaphore_mem>> -> memref<!tpu.dma_semaphore, #tpu.memory_space<semaphore_mem>>
      %dma_start3A_266 = arith.constant 7 : i32
      %dma_start3A_267 = arith.constant 0 : i32
      %dma_start3A_268 = arith.constant 0 : i32
      %dma_start3A_269 = tpu.memref_slice %arg6[%dma_start3A_262, %dma_start3A_266, %dma_start3A_267, %dma_start3A_268] : memref<8x8x256x256xf32, #tpu.memory_space<vmem>> -> memref<1x1x256x256xf32, #tpu.memory_space<vmem>>
      %dma_start3A_270 = tpu.memref_squeeze %dma_start3A_269 : memref<1x1x256x256xf32, #tpu.memory_space<vmem>> -> memref<1x256x256xf32, #tpu.memory_space<vmem>>
      %dma_start3A_271 = arith.constant 0 : i32
      %dma_start3A_272 = arith.constant 0 : i32
      %dma_start3A_273 = tpu.memref_slice %arg1[%get3A_261, %dma_start3A_271, %dma_start3A_272] : memref<2048x256x256xf32, #tpu.memory_space<any>> -> memref<1x256x256xf32, #tpu.memory_space<any>>
      tpu.enqueue_dma source(%dma_start3A_273 : memref<1x256x256xf32, #tpu.memory_space<any>>) target(%dma_start3A_270 : memref<1x256x256xf32, #tpu.memory_space<vmem>>) target_semaphore(%dma_start3A_265 : memref<!tpu.dma_semaphore, #tpu.memory_space<semaphore_mem>>)
    } else {
    }
    %gt3A_110 = arith.constant 1 : i32
    %gt3A_111 = arith.cmpi sgt, %select_n3A_102, %gt3A_110 : i32
    %convert_element_type3A_112 = arith.extui %gt3A_111 : i1 to i32
    %cond3A_113 = arith.constant 0 : i32
    %cond3A_114 = arith.cmpi ne, %convert_element_type3A_112, %cond3A_113 : i32
    scf.if %cond3A_114 {
      %get3A_163 = arith.constant 8 : index
      %get3A_164 = memref.load %arg8[%get3A_163] : memref<2056xi32, #tpu.memory_space<smem>>
      %dma_start3A = arith.constant 1 : i32
      %dma_start3A_165 = arith.constant 1 : i32
      %dma_start3A_166 = tpu.memref_slice %arg10[%dma_start3A_165] : memref<8x!tpu.dma_semaphore, #tpu.memory_space<semaphore_mem>> -> memref<1x!tpu.dma_semaphore, #tpu.memory_space<semaphore_mem>>
      %dma_start3A_167 = tpu.memref_squeeze %dma_start3A_166 : memref<1x!tpu.dma_semaphore, #tpu.memory_space<semaphore_mem>> -> memref<!tpu.dma_semaphore, #tpu.memory_space<semaphore_mem>>
      %dma_start3A_168 = arith.constant 0 : i32
      %dma_start3A_169 = arith.constant 0 : i32
      %dma_start3A_170 = arith.constant 0 : i32
      %dma_start3A_171 = tpu.memref_slice %arg6[%dma_start3A, %dma_start3A_168, %dma_start3A_169, %dma_start3A_170] : memref<8x8x256x256xf32, #tpu.memory_space<vmem>> -> memref<1x1x256x256xf32, #tpu.memory_space<vmem>>
      %dma_start3A_172 = tpu.memref_squeeze %dma_start3A_171 : memref<1x1x256x256xf32, #tpu.memory_space<vmem>> -> memref<1x256x256xf32, #tpu.memory_space<vmem>>
      %dma_start3A_173 = arith.constant 0 : i32
      %dma_start3A_174 = arith.constant 0 : i32
      %dma_start3A_175 = tpu.memref_slice %arg1[%get3A_164, %dma_start3A_173, %dma_start3A_174] : memref<2048x256x256xf32, #tpu.memory_space<any>> -> memref<1x256x256xf32, #tpu.memory_space<any>>
      tpu.enqueue_dma source(%dma_start3A_175 : memref<1x256x256xf32, #tpu.memory_space<any>>) target(%dma_start3A_172 : memref<1x256x256xf32, #tpu.memory_space<vmem>>) target_semaphore(%dma_start3A_167 : memref<!tpu.dma_semaphore, #tpu.memory_space<semaphore_mem>>)
      %get3A_176 = arith.constant 9 : index
      %get3A_177 = memref.load %arg8[%get3A_176] : memref<2056xi32, #tpu.memory_space<smem>>
      %dma_start3A_178 = arith.constant 1 : i32
      %dma_start3A_179 = arith.constant 1 : i32
      %dma_start3A_180 = tpu.memref_slice %arg10[%dma_start3A_179] : memref<8x!tpu.dma_semaphore, #tpu.memory_space<semaphore_mem>> -> memref<1x!tpu.dma_semaphore, #tpu.memory_space<semaphore_mem>>
      %dma_start3A_181 = tpu.memref_squeeze %dma_start3A_180 : memref<1x!tpu.dma_semaphore, #tpu.memory_space<semaphore_mem>> -> memref<!tpu.dma_semaphore, #tpu.memory_space<semaphore_mem>>
      %dma_start3A_182 = arith.constant 1 : i32
      %dma_start3A_183 = arith.constant 0 : i32
      %dma_start3A_184 = arith.constant 0 : i32
      %dma_start3A_185 = tpu.memref_slice %arg6[%dma_start3A_178, %dma_start3A_182, %dma_start3A_183, %dma_start3A_184] : memref<8x8x256x256xf32, #tpu.memory_space<vmem>> -> memref<1x1x256x256xf32, #tpu.memory_space<vmem>>
      %dma_start3A_186 = tpu.memref_squeeze %dma_start3A_185 : memref<1x1x256x256xf32, #tpu.memory_space<vmem>> -> memref<1x256x256xf32, #tpu.memory_space<vmem>>
      %dma_start3A_187 = arith.constant 0 : i32
      %dma_start3A_188 = arith.constant 0 : i32
      %dma_start3A_189 = tpu.memref_slice %arg1[%get3A_177, %dma_start3A_187, %dma_start3A_188] : memref<2048x256x256xf32, #tpu.memory_space<any>> -> memref<1x256x256xf32, #tpu.memory_space<any>>
      tpu.enqueue_dma source(%dma_start3A_189 : memref<1x256x256xf32, #tpu.memory_space<any>>) target(%dma_start3A_186 : memref<1x256x256xf32, #tpu.memory_space<vmem>>) target_semaphore(%dma_start3A_181 : memref<!tpu.dma_semaphore, #tpu.memory_space<semaphore_mem>>)
      %get3A_190 = arith.constant 10 : index
      %get3A_191 = memref.load %arg8[%get3A_190] : memref<2056xi32, #tpu.memory_space<smem>>
      %dma_start3A_192 = arith.constant 1 : i32
      %dma_start3A_193 = arith.constant 1 : i32
      %dma_start3A_194 = tpu.memref_slice %arg10[%dma_start3A_193] : memref<8x!tpu.dma_semaphore, #tpu.memory_space<semaphore_mem>> -> memref<1x!tpu.dma_semaphore, #tpu.memory_space<semaphore_mem>>
      %dma_start3A_195 = tpu.memref_squeeze %dma_start3A_194 : memref<1x!tpu.dma_semaphore, #tpu.memory_space<semaphore_mem>> -> memref<!tpu.dma_semaphore, #tpu.memory_space<semaphore_mem>>
      %dma_start3A_196 = arith.constant 2 : i32
      %dma_start3A_197 = arith.constant 0 : i32
      %dma_start3A_198 = arith.constant 0 : i32
      %dma_start3A_199 = tpu.memref_slice %arg6[%dma_start3A_192, %dma_start3A_196, %dma_start3A_197, %dma_start3A_198] : memref<8x8x256x256xf32, #tpu.memory_space<vmem>> -> memref<1x1x256x256xf32, #tpu.memory_space<vmem>>
      %dma_start3A_200 = tpu.memref_squeeze %dma_start3A_199 : memref<1x1x256x256xf32, #tpu.memory_space<vmem>> -> memref<1x256x256xf32, #tpu.memory_space<vmem>>
      %dma_start3A_201 = arith.constant 0 : i32
      %dma_start3A_202 = arith.constant 0 : i32
      %dma_start3A_203 = tpu.memref_slice %arg1[%get3A_191, %dma_start3A_201, %dma_start3A_202] : memref<2048x256x256xf32, #tpu.memory_space<any>> -> memref<1x256x256xf32, #tpu.memory_space<any>>
      tpu.enqueue_dma source(%dma_start3A_203 : memref<1x256x256xf32, #tpu.memory_space<any>>) target(%dma_start3A_200 : memref<1x256x256xf32, #tpu.memory_space<vmem>>) target_semaphore(%dma_start3A_195 : memref<!tpu.dma_semaphore, #tpu.memory_space<semaphore_mem>>)
      %get3A_204 = arith.constant 11 : index
      %get3A_205 = memref.load %arg8[%get3A_204] : memref<2056xi32, #tpu.memory_space<smem>>
      %dma_start3A_206 = arith.constant 1 : i32
      %dma_start3A_207 = arith.constant 1 : i32
      %dma_start3A_208 = tpu.memref_slice %arg10[%dma_start3A_207] : memref<8x!tpu.dma_semaphore, #tpu.memory_space<semaphore_mem>> -> memref<1x!tpu.dma_semaphore, #tpu.memory_space<semaphore_mem>>
      %dma_start3A_209 = tpu.memref_squeeze %dma_start3A_208 : memref<1x!tpu.dma_semaphore, #tpu.memory_space<semaphore_mem>> -> memref<!tpu.dma_semaphore, #tpu.memory_space<semaphore_mem>>
      %dma_start3A_210 = arith.constant 3 : i32
      %dma_start3A_211 = arith.constant 0 : i32
      %dma_start3A_212 = arith.constant 0 : i32
      %dma_start3A_213 = tpu.memref_slice %arg6[%dma_start3A_206, %dma_start3A_210, %dma_start3A_211, %dma_start3A_212] : memref<8x8x256x256xf32, #tpu.memory_space<vmem>> -> memref<1x1x256x256xf32, #tpu.memory_space<vmem>>
      %dma_start3A_214 = tpu.memref_squeeze %dma_start3A_213 : memref<1x1x256x256xf32, #tpu.memory_space<vmem>> -> memref<1x256x256xf32, #tpu.memory_space<vmem>>
      %dma_start3A_215 = arith.constant 0 : i32
      %dma_start3A_216 = arith.constant 0 : i32
      %dma_start3A_217 = tpu.memref_slice %arg1[%get3A_205, %dma_start3A_215, %dma_start3A_216] : memref<2048x256x256xf32, #tpu.memory_space<any>> -> memref<1x256x256xf32, #tpu.memory_space<any>>
      tpu.enqueue_dma source(%dma_start3A_217 : memref<1x256x256xf32, #tpu.memory_space<any>>) target(%dma_start3A_214 : memref<1x256x256xf32, #tpu.memory_space<vmem>>) target_semaphore(%dma_start3A_209 : memref<!tpu.dma_semaphore, #tpu.memory_space<semaphore_mem>>)
      %get3A_218 = arith.constant 12 : index
      %get3A_219 = memref.load %arg8[%get3A_218] : memref<2056xi32, #tpu.memory_space<smem>>
      %dma_start3A_220 = arith.constant 1 : i32
      %dma_start3A_221 = arith.constant 1 : i32
      %dma_start3A_222 = tpu.memref_slice %arg10[%dma_start3A_221] : memref<8x!tpu.dma_semaphore, #tpu.memory_space<semaphore_mem>> -> memref<1x!tpu.dma_semaphore, #tpu.memory_space<semaphore_mem>>
      %dma_start3A_223 = tpu.memref_squeeze %dma_start3A_222 : memref<1x!tpu.dma_semaphore, #tpu.memory_space<semaphore_mem>> -> memref<!tpu.dma_semaphore, #tpu.memory_space<semaphore_mem>>
      %dma_start3A_224 = arith.constant 4 : i32
      %dma_start3A_225 = arith.constant 0 : i32
      %dma_start3A_226 = arith.constant 0 : i32
      %dma_start3A_227 = tpu.memref_slice %arg6[%dma_start3A_220, %dma_start3A_224, %dma_start3A_225, %dma_start3A_226] : memref<8x8x256x256xf32, #tpu.memory_space<vmem>> -> memref<1x1x256x256xf32, #tpu.memory_space<vmem>>
      %dma_start3A_228 = tpu.memref_squeeze %dma_start3A_227 : memref<1x1x256x256xf32, #tpu.memory_space<vmem>> -> memref<1x256x256xf32, #tpu.memory_space<vmem>>
      %dma_start3A_229 = arith.constant 0 : i32
      %dma_start3A_230 = arith.constant 0 : i32
      %dma_start3A_231 = tpu.memref_slice %arg1[%get3A_219, %dma_start3A_229, %dma_start3A_230] : memref<2048x256x256xf32, #tpu.memory_space<any>> -> memref<1x256x256xf32, #tpu.memory_space<any>>
      tpu.enqueue_dma source(%dma_start3A_231 : memref<1x256x256xf32, #tpu.memory_space<any>>) target(%dma_start3A_228 : memref<1x256x256xf32, #tpu.memory_space<vmem>>) target_semaphore(%dma_start3A_223 : memref<!tpu.dma_semaphore, #tpu.memory_space<semaphore_mem>>)
      %get3A_232 = arith.constant 13 : index
      %get3A_233 = memref.load %arg8[%get3A_232] : memref<2056xi32, #tpu.memory_space<smem>>
      %dma_start3A_234 = arith.constant 1 : i32
      %dma_start3A_235 = arith.constant 1 : i32
      %dma_start3A_236 = tpu.memref_slice %arg10[%dma_start3A_235] : memref<8x!tpu.dma_semaphore, #tpu.memory_space<semaphore_mem>> -> memref<1x!tpu.dma_semaphore, #tpu.memory_space<semaphore_mem>>
      %dma_start3A_237 = tpu.memref_squeeze %dma_start3A_236 : memref<1x!tpu.dma_semaphore, #tpu.memory_space<semaphore_mem>> -> memref<!tpu.dma_semaphore, #tpu.memory_space<semaphore_mem>>
      %dma_start3A_238 = arith.constant 5 : i32
      %dma_start3A_239 = arith.constant 0 : i32
      %dma_start3A_240 = arith.constant 0 : i32
      %dma_start3A_241 = tpu.memref_slice %arg6[%dma_start3A_234, %dma_start3A_238, %dma_start3A_239, %dma_start3A_240] : memref<8x8x256x256xf32, #tpu.memory_space<vmem>> -> memref<1x1x256x256xf32, #tpu.memory_space<vmem>>
      %dma_start3A_242 = tpu.memref_squeeze %dma_start3A_241 : memref<1x1x256x256xf32, #tpu.memory_space<vmem>> -> memref<1x256x256xf32, #tpu.memory_space<vmem>>
      %dma_start3A_243 = arith.constant 0 : i32
      %dma_start3A_244 = arith.constant 0 : i32
      %dma_start3A_245 = tpu.memref_slice %arg1[%get3A_233, %dma_start3A_243, %dma_start3A_244] : memref<2048x256x256xf32, #tpu.memory_space<any>> -> memref<1x256x256xf32, #tpu.memory_space<any>>
      tpu.enqueue_dma source(%dma_start3A_245 : memref<1x256x256xf32, #tpu.memory_space<any>>) target(%dma_start3A_242 : memref<1x256x256xf32, #tpu.memory_space<vmem>>) target_semaphore(%dma_start3A_237 : memref<!tpu.dma_semaphore, #tpu.memory_space<semaphore_mem>>)
      %get3A_246 = arith.constant 14 : index
      %get3A_247 = memref.load %arg8[%get3A_246] : memref<2056xi32, #tpu.memory_space<smem>>
      %dma_start3A_248 = arith.constant 1 : i32
      %dma_start3A_249 = arith.constant 1 : i32
      %dma_start3A_250 = tpu.memref_slice %arg10[%dma_start3A_249] : memref<8x!tpu.dma_semaphore, #tpu.memory_space<semaphore_mem>> -> memref<1x!tpu.dma_semaphore, #tpu.memory_space<semaphore_mem>>
      %dma_start3A_251 = tpu.memref_squeeze %dma_start3A_250 : memref<1x!tpu.dma_semaphore, #tpu.memory_space<semaphore_mem>> -> memref<!tpu.dma_semaphore, #tpu.memory_space<semaphore_mem>>
      %dma_start3A_252 = arith.constant 6 : i32
      %dma_start3A_253 = arith.constant 0 : i32
      %dma_start3A_254 = arith.constant 0 : i32
      %dma_start3A_255 = tpu.memref_slice %arg6[%dma_start3A_248, %dma_start3A_252, %dma_start3A_253, %dma_start3A_254] : memref<8x8x256x256xf32, #tpu.memory_space<vmem>> -> memref<1x1x256x256xf32, #tpu.memory_space<vmem>>
      %dma_start3A_256 = tpu.memref_squeeze %dma_start3A_255 : memref<1x1x256x256xf32, #tpu.memory_space<vmem>> -> memref<1x256x256xf32, #tpu.memory_space<vmem>>
      %dma_start3A_257 = arith.constant 0 : i32
      %dma_start3A_258 = arith.constant 0 : i32
      %dma_start3A_259 = tpu.memref_slice %arg1[%get3A_247, %dma_start3A_257, %dma_start3A_258] : memref<2048x256x256xf32, #tpu.memory_space<any>> -> memref<1x256x256xf32, #tpu.memory_space<any>>
      tpu.enqueue_dma source(%dma_start3A_259 : memref<1x256x256xf32, #tpu.memory_space<any>>) target(%dma_start3A_256 : memref<1x256x256xf32, #tpu.memory_space<vmem>>) target_semaphore(%dma_start3A_251 : memref<!tpu.dma_semaphore, #tpu.memory_space<semaphore_mem>>)
      %get3A_260 = arith.constant 15 : index
      %get3A_261 = memref.load %arg8[%get3A_260] : memref<2056xi32, #tpu.memory_space<smem>>
      %dma_start3A_262 = arith.constant 1 : i32
      %dma_start3A_263 = arith.constant 1 : i32
      %dma_start3A_264 = tpu.memref_slice %arg10[%dma_start3A_263] : memref<8x!tpu.dma_semaphore, #tpu.memory_space<semaphore_mem>> -> memref<1x!tpu.dma_semaphore, #tpu.memory_space<semaphore_mem>>
      %dma_start3A_265 = tpu.memref_squeeze %dma_start3A_264 : memref<1x!tpu.dma_semaphore, #tpu.memory_space<semaphore_mem>> -> memref<!tpu.dma_semaphore, #tpu.memory_space<semaphore_mem>>
      %dma_start3A_266 = arith.constant 7 : i32
      %dma_start3A_267 = arith.constant 0 : i32
      %dma_start3A_268 = arith.constant 0 : i32
      %dma_start3A_269 = tpu.memref_slice %arg6[%dma_start3A_262, %dma_start3A_266, %dma_start3A_267, %dma_start3A_268] : memref<8x8x256x256xf32, #tpu.memory_space<vmem>> -> memref<1x1x256x256xf32, #tpu.memory_space<vmem>>
      %dma_start3A_270 = tpu.memref_squeeze %dma_start3A_269 : memref<1x1x256x256xf32, #tpu.memory_space<vmem>> -> memref<1x256x256xf32, #tpu.memory_space<vmem>>
      %dma_start3A_271 = arith.constant 0 : i32
      %dma_start3A_272 = arith.constant 0 : i32
      %dma_start3A_273 = tpu.memref_slice %arg1[%get3A_261, %dma_start3A_271, %dma_start3A_272] : memref<2048x256x256xf32, #tpu.memory_space<any>> -> memref<1x256x256xf32, #tpu.memory_space<any>>
      tpu.enqueue_dma source(%dma_start3A_273 : memref<1x256x256xf32, #tpu.memory_space<any>>) target(%dma_start3A_270 : memref<1x256x256xf32, #tpu.memory_space<vmem>>) target_semaphore(%dma_start3A_265 : memref<!tpu.dma_semaphore, #tpu.memory_space<semaphore_mem>>)
    } else {
    }
    %gt3A_115 = arith.constant 2 : i32
    %gt3A_116 = arith.cmpi sgt, %select_n3A_102, %gt3A_115 : i32
    %convert_element_type3A_117 = arith.extui %gt3A_116 : i1 to i32
    %cond3A_118 = arith.constant 0 : i32
    %cond3A_119 = arith.cmpi ne, %convert_element_type3A_117, %cond3A_118 : i32
    scf.if %cond3A_119 {
      %get3A_163 = arith.constant 16 : index
      %get3A_164 = memref.load %arg8[%get3A_163] : memref<2056xi32, #tpu.memory_space<smem>>
      %dma_start3A = arith.constant 2 : i32
      %dma_start3A_165 = arith.constant 2 : i32
      %dma_start3A_166 = tpu.memref_slice %arg10[%dma_start3A_165] : memref<8x!tpu.dma_semaphore, #tpu.memory_space<semaphore_mem>> -> memref<1x!tpu.dma_semaphore, #tpu.memory_space<semaphore_mem>>
      %dma_start3A_167 = tpu.memref_squeeze %dma_start3A_166 : memref<1x!tpu.dma_semaphore, #tpu.memory_space<semaphore_mem>> -> memref<!tpu.dma_semaphore, #tpu.memory_space<semaphore_mem>>
      %dma_start3A_168 = arith.constant 0 : i32
      %dma_start3A_169 = arith.constant 0 : i32
      %dma_start3A_170 = arith.constant 0 : i32
      %dma_start3A_171 = tpu.memref_slice %arg6[%dma_start3A, %dma_start3A_168, %dma_start3A_169, %dma_start3A_170] : memref<8x8x256x256xf32, #tpu.memory_space<vmem>> -> memref<1x1x256x256xf32, #tpu.memory_space<vmem>>
      %dma_start3A_172 = tpu.memref_squeeze %dma_start3A_171 : memref<1x1x256x256xf32, #tpu.memory_space<vmem>> -> memref<1x256x256xf32, #tpu.memory_space<vmem>>
      %dma_start3A_173 = arith.constant 0 : i32
      %dma_start3A_174 = arith.constant 0 : i32
      %dma_start3A_175 = tpu.memref_slice %arg1[%get3A_164, %dma_start3A_173, %dma_start3A_174] : memref<2048x256x256xf32, #tpu.memory_space<any>> -> memref<1x256x256xf32, #tpu.memory_space<any>>
      tpu.enqueue_dma source(%dma_start3A_175 : memref<1x256x256xf32, #tpu.memory_space<any>>) target(%dma_start3A_172 : memref<1x256x256xf32, #tpu.memory_space<vmem>>) target_semaphore(%dma_start3A_167 : memref<!tpu.dma_semaphore, #tpu.memory_space<semaphore_mem>>)
      %get3A_176 = arith.constant 17 : index
      %get3A_177 = memref.load %arg8[%get3A_176] : memref<2056xi32, #tpu.memory_space<smem>>
      %dma_start3A_178 = arith.constant 2 : i32
      %dma_start3A_179 = arith.constant 2 : i32
      %dma_start3A_180 = tpu.memref_slice %arg10[%dma_start3A_179] : memref<8x!tpu.dma_semaphore, #tpu.memory_space<semaphore_mem>> -> memref<1x!tpu.dma_semaphore, #tpu.memory_space<semaphore_mem>>
      %dma_start3A_181 = tpu.memref_squeeze %dma_start3A_180 : memref<1x!tpu.dma_semaphore, #tpu.memory_space<semaphore_mem>> -> memref<!tpu.dma_semaphore, #tpu.memory_space<semaphore_mem>>
      %dma_start3A_182 = arith.constant 1 : i32
      %dma_start3A_183 = arith.constant 0 : i32
      %dma_start3A_184 = arith.constant 0 : i32
      %dma_start3A_185 = tpu.memref_slice %arg6[%dma_start3A_178, %dma_start3A_182, %dma_start3A_183, %dma_start3A_184] : memref<8x8x256x256xf32, #tpu.memory_space<vmem>> -> memref<1x1x256x256xf32, #tpu.memory_space<vmem>>
      %dma_start3A_186 = tpu.memref_squeeze %dma_start3A_185 : memref<1x1x256x256xf32, #tpu.memory_space<vmem>> -> memref<1x256x256xf32, #tpu.memory_space<vmem>>
      %dma_start3A_187 = arith.constant 0 : i32
      %dma_start3A_188 = arith.constant 0 : i32
      %dma_start3A_189 = tpu.memref_slice %arg1[%get3A_177, %dma_start3A_187, %dma_start3A_188] : memref<2048x256x256xf32, #tpu.memory_space<any>> -> memref<1x256x256xf32, #tpu.memory_space<any>>
      tpu.enqueue_dma source(%dma_start3A_189 : memref<1x256x256xf32, #tpu.memory_space<any>>) target(%dma_start3A_186 : memref<1x256x256xf32, #tpu.memory_space<vmem>>) target_semaphore(%dma_start3A_181 : memref<!tpu.dma_semaphore, #tpu.memory_space<semaphore_mem>>)
      %get3A_190 = arith.constant 18 : index
      %get3A_191 = memref.load %arg8[%get3A_190] : memref<2056xi32, #tpu.memory_space<smem>>
      %dma_start3A_192 = arith.constant 2 : i32
      %dma_start3A_193 = arith.constant 2 : i32
      %dma_start3A_194 = tpu.memref_slice %arg10[%dma_start3A_193] : memref<8x!tpu.dma_semaphore, #tpu.memory_space<semaphore_mem>> -> memref<1x!tpu.dma_semaphore, #tpu.memory_space<semaphore_mem>>
      %dma_start3A_195 = tpu.memref_squeeze %dma_start3A_194 : memref<1x!tpu.dma_semaphore, #tpu.memory_space<semaphore_mem>> -> memref<!tpu.dma_semaphore, #tpu.memory_space<semaphore_mem>>
      %dma_start3A_196 = arith.constant 2 : i32
      %dma_start3A_197 = arith.constant 0 : i32
      %dma_start3A_198 = arith.constant 0 : i32
      %dma_start3A_199 = tpu.memref_slice %arg6[%dma_start3A_192, %dma_start3A_196, %dma_start3A_197, %dma_start3A_198] : memref<8x8x256x256xf32, #tpu.memory_space<vmem>> -> memref<1x1x256x256xf32, #tpu.memory_space<vmem>>
      %dma_start3A_200 = tpu.memref_squeeze %dma_start3A_199 : memref<1x1x256x256xf32, #tpu.memory_space<vmem>> -> memref<1x256x256xf32, #tpu.memory_space<vmem>>
      %dma_start3A_201 = arith.constant 0 : i32
      %dma_start3A_202 = arith.constant 0 : i32
      %dma_start3A_203 = tpu.memref_slice %arg1[%get3A_191, %dma_start3A_201, %dma_start3A_202] : memref<2048x256x256xf32, #tpu.memory_space<any>> -> memref<1x256x256xf32, #tpu.memory_space<any>>
      tpu.enqueue_dma source(%dma_start3A_203 : memref<1x256x256xf32, #tpu.memory_space<any>>) target(%dma_start3A_200 : memref<1x256x256xf32, #tpu.memory_space<vmem>>) target_semaphore(%dma_start3A_195 : memref<!tpu.dma_semaphore, #tpu.memory_space<semaphore_mem>>)
      %get3A_204 = arith.constant 19 : index
      %get3A_205 = memref.load %arg8[%get3A_204] : memref<2056xi32, #tpu.memory_space<smem>>
      %dma_start3A_206 = arith.constant 2 : i32
      %dma_start3A_207 = arith.constant 2 : i32
      %dma_start3A_208 = tpu.memref_slice %arg10[%dma_start3A_207] : memref<8x!tpu.dma_semaphore, #tpu.memory_space<semaphore_mem>> -> memref<1x!tpu.dma_semaphore, #tpu.memory_space<semaphore_mem>>
      %dma_start3A_209 = tpu.memref_squeeze %dma_start3A_208 : memref<1x!tpu.dma_semaphore, #tpu.memory_space<semaphore_mem>> -> memref<!tpu.dma_semaphore, #tpu.memory_space<semaphore_mem>>
      %dma_start3A_210 = arith.constant 3 : i32
      %dma_start3A_211 = arith.constant 0 : i32
      %dma_start3A_212 = arith.constant 0 : i32
      %dma_start3A_213 = tpu.memref_slice %arg6[%dma_start3A_206, %dma_start3A_210, %dma_start3A_211, %dma_start3A_212] : memref<8x8x256x256xf32, #tpu.memory_space<vmem>> -> memref<1x1x256x256xf32, #tpu.memory_space<vmem>>
      %dma_start3A_214 = tpu.memref_squeeze %dma_start3A_213 : memref<1x1x256x256xf32, #tpu.memory_space<vmem>> -> memref<1x256x256xf32, #tpu.memory_space<vmem>>
      %dma_start3A_215 = arith.constant 0 : i32
      %dma_start3A_216 = arith.constant 0 : i32
      %dma_start3A_217 = tpu.memref_slice %arg1[%get3A_205, %dma_start3A_215, %dma_start3A_216] : memref<2048x256x256xf32, #tpu.memory_space<any>> -> memref<1x256x256xf32, #tpu.memory_space<any>>
      tpu.enqueue_dma source(%dma_start3A_217 : memref<1x256x256xf32, #tpu.memory_space<any>>) target(%dma_start3A_214 : memref<1x256x256xf32, #tpu.memory_space<vmem>>) target_semaphore(%dma_start3A_209 : memref<!tpu.dma_semaphore, #tpu.memory_space<semaphore_mem>>)
      %get3A_218 = arith.constant 20 : index
      %get3A_219 = memref.load %arg8[%get3A_218] : memref<2056xi32, #tpu.memory_space<smem>>
      %dma_start3A_220 = arith.constant 2 : i32
      %dma_start3A_221 = arith.constant 2 : i32
      %dma_start3A_222 = tpu.memref_slice %arg10[%dma_start3A_221] : memref<8x!tpu.dma_semaphore, #tpu.memory_space<semaphore_mem>> -> memref<1x!tpu.dma_semaphore, #tpu.memory_space<semaphore_mem>>
      %dma_start3A_223 = tpu.memref_squeeze %dma_start3A_222 : memref<1x!tpu.dma_semaphore, #tpu.memory_space<semaphore_mem>> -> memref<!tpu.dma_semaphore, #tpu.memory_space<semaphore_mem>>
      %dma_start3A_224 = arith.constant 4 : i32
      %dma_start3A_225 = arith.constant 0 : i32
      %dma_start3A_226 = arith.constant 0 : i32
      %dma_start3A_227 = tpu.memref_slice %arg6[%dma_start3A_220, %dma_start3A_224, %dma_start3A_225, %dma_start3A_226] : memref<8x8x256x256xf32, #tpu.memory_space<vmem>> -> memref<1x1x256x256xf32, #tpu.memory_space<vmem>>
      %dma_start3A_228 = tpu.memref_squeeze %dma_start3A_227 : memref<1x1x256x256xf32, #tpu.memory_space<vmem>> -> memref<1x256x256xf32, #tpu.memory_space<vmem>>
      %dma_start3A_229 = arith.constant 0 : i32
      %dma_start3A_230 = arith.constant 0 : i32
      %dma_start3A_231 = tpu.memref_slice %arg1[%get3A_219, %dma_start3A_229, %dma_start3A_230] : memref<2048x256x256xf32, #tpu.memory_space<any>> -> memref<1x256x256xf32, #tpu.memory_space<any>>
      tpu.enqueue_dma source(%dma_start3A_231 : memref<1x256x256xf32, #tpu.memory_space<any>>) target(%dma_start3A_228 : memref<1x256x256xf32, #tpu.memory_space<vmem>>) target_semaphore(%dma_start3A_223 : memref<!tpu.dma_semaphore, #tpu.memory_space<semaphore_mem>>)
      %get3A_232 = arith.constant 21 : index
      %get3A_233 = memref.load %arg8[%get3A_232] : memref<2056xi32, #tpu.memory_space<smem>>
      %dma_start3A_234 = arith.constant 2 : i32
      %dma_start3A_235 = arith.constant 2 : i32
      %dma_start3A_236 = tpu.memref_slice %arg10[%dma_start3A_235] : memref<8x!tpu.dma_semaphore, #tpu.memory_space<semaphore_mem>> -> memref<1x!tpu.dma_semaphore, #tpu.memory_space<semaphore_mem>>
      %dma_start3A_237 = tpu.memref_squeeze %dma_start3A_236 : memref<1x!tpu.dma_semaphore, #tpu.memory_space<semaphore_mem>> -> memref<!tpu.dma_semaphore, #tpu.memory_space<semaphore_mem>>
      %dma_start3A_238 = arith.constant 5 : i32
      %dma_start3A_239 = arith.constant 0 : i32
      %dma_start3A_240 = arith.constant 0 : i32
      %dma_start3A_241 = tpu.memref_slice %arg6[%dma_start3A_234, %dma_start3A_238, %dma_start3A_239, %dma_start3A_240] : memref<8x8x256x256xf32, #tpu.memory_space<vmem>> -> memref<1x1x256x256xf32, #tpu.memory_space<vmem>>
      %dma_start3A_242 = tpu.memref_squeeze %dma_start3A_241 : memref<1x1x256x256xf32, #tpu.memory_space<vmem>> -> memref<1x256x256xf32, #tpu.memory_space<vmem>>
      %dma_start3A_243 = arith.constant 0 : i32
      %dma_start3A_244 = arith.constant 0 : i32
      %dma_start3A_245 = tpu.memref_slice %arg1[%get3A_233, %dma_start3A_243, %dma_start3A_244] : memref<2048x256x256xf32, #tpu.memory_space<any>> -> memref<1x256x256xf32, #tpu.memory_space<any>>
      tpu.enqueue_dma source(%dma_start3A_245 : memref<1x256x256xf32, #tpu.memory_space<any>>) target(%dma_start3A_242 : memref<1x256x256xf32, #tpu.memory_space<vmem>>) target_semaphore(%dma_start3A_237 : memref<!tpu.dma_semaphore, #tpu.memory_space<semaphore_mem>>)
      %get3A_246 = arith.constant 22 : index
      %get3A_247 = memref.load %arg8[%get3A_246] : memref<2056xi32, #tpu.memory_space<smem>>
      %dma_start3A_248 = arith.constant 2 : i32
      %dma_start3A_249 = arith.constant 2 : i32
      %dma_start3A_250 = tpu.memref_slice %arg10[%dma_start3A_249] : memref<8x!tpu.dma_semaphore, #tpu.memory_space<semaphore_mem>> -> memref<1x!tpu.dma_semaphore, #tpu.memory_space<semaphore_mem>>
      %dma_start3A_251 = tpu.memref_squeeze %dma_start3A_250 : memref<1x!tpu.dma_semaphore, #tpu.memory_space<semaphore_mem>> -> memref<!tpu.dma_semaphore, #tpu.memory_space<semaphore_mem>>
      %dma_start3A_252 = arith.constant 6 : i32
      %dma_start3A_253 = arith.constant 0 : i32
      %dma_start3A_254 = arith.constant 0 : i32
      %dma_start3A_255 = tpu.memref_slice %arg6[%dma_start3A_248, %dma_start3A_252, %dma_start3A_253, %dma_start3A_254] : memref<8x8x256x256xf32, #tpu.memory_space<vmem>> -> memref<1x1x256x256xf32, #tpu.memory_space<vmem>>
      %dma_start3A_256 = tpu.memref_squeeze %dma_start3A_255 : memref<1x1x256x256xf32, #tpu.memory_space<vmem>> -> memref<1x256x256xf32, #tpu.memory_space<vmem>>
      %dma_start3A_257 = arith.constant 0 : i32
      %dma_start3A_258 = arith.constant 0 : i32
      %dma_start3A_259 = tpu.memref_slice %arg1[%get3A_247, %dma_start3A_257, %dma_start3A_258] : memref<2048x256x256xf32, #tpu.memory_space<any>> -> memref<1x256x256xf32, #tpu.memory_space<any>>
      tpu.enqueue_dma source(%dma_start3A_259 : memref<1x256x256xf32, #tpu.memory_space<any>>) target(%dma_start3A_256 : memref<1x256x256xf32, #tpu.memory_space<vmem>>) target_semaphore(%dma_start3A_251 : memref<!tpu.dma_semaphore, #tpu.memory_space<semaphore_mem>>)
      %get3A_260 = arith.constant 23 : index
      %get3A_261 = memref.load %arg8[%get3A_260] : memref<2056xi32, #tpu.memory_space<smem>>
      %dma_start3A_262 = arith.constant 2 : i32
      %dma_start3A_263 = arith.constant 2 : i32
      %dma_start3A_264 = tpu.memref_slice %arg10[%dma_start3A_263] : memref<8x!tpu.dma_semaphore, #tpu.memory_space<semaphore_mem>> -> memref<1x!tpu.dma_semaphore, #tpu.memory_space<semaphore_mem>>
      %dma_start3A_265 = tpu.memref_squeeze %dma_start3A_264 : memref<1x!tpu.dma_semaphore, #tpu.memory_space<semaphore_mem>> -> memref<!tpu.dma_semaphore, #tpu.memory_space<semaphore_mem>>
      %dma_start3A_266 = arith.constant 7 : i32
      %dma_start3A_267 = arith.constant 0 : i32
      %dma_start3A_268 = arith.constant 0 : i32
      %dma_start3A_269 = tpu.memref_slice %arg6[%dma_start3A_262, %dma_start3A_266, %dma_start3A_267, %dma_start3A_268] : memref<8x8x256x256xf32, #tpu.memory_space<vmem>> -> memref<1x1x256x256xf32, #tpu.memory_space<vmem>>
      %dma_start3A_270 = tpu.memref_squeeze %dma_start3A_269 : memref<1x1x256x256xf32, #tpu.memory_space<vmem>> -> memref<1x256x256xf32, #tpu.memory_space<vmem>>
      %dma_start3A_271 = arith.constant 0 : i32
      %dma_start3A_272 = arith.constant 0 : i32
      %dma_start3A_273 = tpu.memref_slice %arg1[%get3A_261, %dma_start3A_271, %dma_start3A_272] : memref<2048x256x256xf32, #tpu.memory_space<any>> -> memref<1x256x256xf32, #tpu.memory_space<any>>
      tpu.enqueue_dma source(%dma_start3A_273 : memref<1x256x256xf32, #tpu.memory_space<any>>) target(%dma_start3A_270 : memref<1x256x256xf32, #tpu.memory_space<vmem>>) target_semaphore(%dma_start3A_265 : memref<!tpu.dma_semaphore, #tpu.memory_space<semaphore_mem>>)
    } else {
    }
    %gt3A_120 = arith.constant 3 : i32
    %gt3A_121 = arith.cmpi sgt, %select_n3A_102, %gt3A_120 : i32
    %convert_element_type3A_122 = arith.extui %gt3A_121 : i1 to i32
    %cond3A_123 = arith.constant 0 : i32
    %cond3A_124 = arith.cmpi ne, %convert_element_type3A_122, %cond3A_123 : i32
    scf.if %cond3A_124 {
      %get3A_163 = arith.constant 24 : index
      %get3A_164 = memref.load %arg8[%get3A_163] : memref<2056xi32, #tpu.memory_space<smem>>
      %dma_start3A = arith.constant 3 : i32
      %dma_start3A_165 = arith.constant 3 : i32
      %dma_start3A_166 = tpu.memref_slice %arg10[%dma_start3A_165] : memref<8x!tpu.dma_semaphore, #tpu.memory_space<semaphore_mem>> -> memref<1x!tpu.dma_semaphore, #tpu.memory_space<semaphore_mem>>
      %dma_start3A_167 = tpu.memref_squeeze %dma_start3A_166 : memref<1x!tpu.dma_semaphore, #tpu.memory_space<semaphore_mem>> -> memref<!tpu.dma_semaphore, #tpu.memory_space<semaphore_mem>>
      %dma_start3A_168 = arith.constant 0 : i32
      %dma_start3A_169 = arith.constant 0 : i32
      %dma_start3A_170 = arith.constant 0 : i32
      %dma_start3A_171 = tpu.memref_slice %arg6[%dma_start3A, %dma_start3A_168, %dma_start3A_169, %dma_start3A_170] : memref<8x8x256x256xf32, #tpu.memory_space<vmem>> -> memref<1x1x256x256xf32, #tpu.memory_space<vmem>>
      %dma_start3A_172 = tpu.memref_squeeze %dma_start3A_171 : memref<1x1x256x256xf32, #tpu.memory_space<vmem>> -> memref<1x256x256xf32, #tpu.memory_space<vmem>>
      %dma_start3A_173 = arith.constant 0 : i32
      %dma_start3A_174 = arith.constant 0 : i32
      %dma_start3A_175 = tpu.memref_slice %arg1[%get3A_164, %dma_start3A_173, %dma_start3A_174] : memref<2048x256x256xf32, #tpu.memory_space<any>> -> memref<1x256x256xf32, #tpu.memory_space<any>>
      tpu.enqueue_dma source(%dma_start3A_175 : memref<1x256x256xf32, #tpu.memory_space<any>>) target(%dma_start3A_172 : memref<1x256x256xf32, #tpu.memory_space<vmem>>) target_semaphore(%dma_start3A_167 : memref<!tpu.dma_semaphore, #tpu.memory_space<semaphore_mem>>)
      %get3A_176 = arith.constant 25 : index
      %get3A_177 = memref.load %arg8[%get3A_176] : memref<2056xi32, #tpu.memory_space<smem>>
      %dma_start3A_178 = arith.constant 3 : i32
      %dma_start3A_179 = arith.constant 3 : i32
      %dma_start3A_180 = tpu.memref_slice %arg10[%dma_start3A_179] : memref<8x!tpu.dma_semaphore, #tpu.memory_space<semaphore_mem>> -> memref<1x!tpu.dma_semaphore, #tpu.memory_space<semaphore_mem>>
      %dma_start3A_181 = tpu.memref_squeeze %dma_start3A_180 : memref<1x!tpu.dma_semaphore, #tpu.memory_space<semaphore_mem>> -> memref<!tpu.dma_semaphore, #tpu.memory_space<semaphore_mem>>
      %dma_start3A_182 = arith.constant 1 : i32
      %dma_start3A_183 = arith.constant 0 : i32
      %dma_start3A_184 = arith.constant 0 : i32
      %dma_start3A_185 = tpu.memref_slice %arg6[%dma_start3A_178, %dma_start3A_182, %dma_start3A_183, %dma_start3A_184] : memref<8x8x256x256xf32, #tpu.memory_space<vmem>> -> memref<1x1x256x256xf32, #tpu.memory_space<vmem>>
      %dma_start3A_186 = tpu.memref_squeeze %dma_start3A_185 : memref<1x1x256x256xf32, #tpu.memory_space<vmem>> -> memref<1x256x256xf32, #tpu.memory_space<vmem>>
      %dma_start3A_187 = arith.constant 0 : i32
      %dma_start3A_188 = arith.constant 0 : i32
      %dma_start3A_189 = tpu.memref_slice %arg1[%get3A_177, %dma_start3A_187, %dma_start3A_188] : memref<2048x256x256xf32, #tpu.memory_space<any>> -> memref<1x256x256xf32, #tpu.memory_space<any>>
      tpu.enqueue_dma source(%dma_start3A_189 : memref<1x256x256xf32, #tpu.memory_space<any>>) target(%dma_start3A_186 : memref<1x256x256xf32, #tpu.memory_space<vmem>>) target_semaphore(%dma_start3A_181 : memref<!tpu.dma_semaphore, #tpu.memory_space<semaphore_mem>>)
      %get3A_190 = arith.constant 26 : index
      %get3A_191 = memref.load %arg8[%get3A_190] : memref<2056xi32, #tpu.memory_space<smem>>
      %dma_start3A_192 = arith.constant 3 : i32
      %dma_start3A_193 = arith.constant 3 : i32
      %dma_start3A_194 = tpu.memref_slice %arg10[%dma_start3A_193] : memref<8x!tpu.dma_semaphore, #tpu.memory_space<semaphore_mem>> -> memref<1x!tpu.dma_semaphore, #tpu.memory_space<semaphore_mem>>
      %dma_start3A_195 = tpu.memref_squeeze %dma_start3A_194 : memref<1x!tpu.dma_semaphore, #tpu.memory_space<semaphore_mem>> -> memref<!tpu.dma_semaphore, #tpu.memory_space<semaphore_mem>>
      %dma_start3A_196 = arith.constant 2 : i32
      %dma_start3A_197 = arith.constant 0 : i32
      %dma_start3A_198 = arith.constant 0 : i32
      %dma_start3A_199 = tpu.memref_slice %arg6[%dma_start3A_192, %dma_start3A_196, %dma_start3A_197, %dma_start3A_198] : memref<8x8x256x256xf32, #tpu.memory_space<vmem>> -> memref<1x1x256x256xf32, #tpu.memory_space<vmem>>
      %dma_start3A_200 = tpu.memref_squeeze %dma_start3A_199 : memref<1x1x256x256xf32, #tpu.memory_space<vmem>> -> memref<1x256x256xf32, #tpu.memory_space<vmem>>
      %dma_start3A_201 = arith.constant 0 : i32
      %dma_start3A_202 = arith.constant 0 : i32
      %dma_start3A_203 = tpu.memref_slice %arg1[%get3A_191, %dma_start3A_201, %dma_start3A_202] : memref<2048x256x256xf32, #tpu.memory_space<any>> -> memref<1x256x256xf32, #tpu.memory_space<any>>
      tpu.enqueue_dma source(%dma_start3A_203 : memref<1x256x256xf32, #tpu.memory_space<any>>) target(%dma_start3A_200 : memref<1x256x256xf32, #tpu.memory_space<vmem>>) target_semaphore(%dma_start3A_195 : memref<!tpu.dma_semaphore, #tpu.memory_space<semaphore_mem>>)
      %get3A_204 = arith.constant 27 : index
      %get3A_205 = memref.load %arg8[%get3A_204] : memref<2056xi32, #tpu.memory_space<smem>>
      %dma_start3A_206 = arith.constant 3 : i32
      %dma_start3A_207 = arith.constant 3 : i32
      %dma_start3A_208 = tpu.memref_slice %arg10[%dma_start3A_207] : memref<8x!tpu.dma_semaphore, #tpu.memory_space<semaphore_mem>> -> memref<1x!tpu.dma_semaphore, #tpu.memory_space<semaphore_mem>>
      %dma_start3A_209 = tpu.memref_squeeze %dma_start3A_208 : memref<1x!tpu.dma_semaphore, #tpu.memory_space<semaphore_mem>> -> memref<!tpu.dma_semaphore, #tpu.memory_space<semaphore_mem>>
      %dma_start3A_210 = arith.constant 3 : i32
      %dma_start3A_211 = arith.constant 0 : i32
      %dma_start3A_212 = arith.constant 0 : i32
      %dma_start3A_213 = tpu.memref_slice %arg6[%dma_start3A_206, %dma_start3A_210, %dma_start3A_211, %dma_start3A_212] : memref<8x8x256x256xf32, #tpu.memory_space<vmem>> -> memref<1x1x256x256xf32, #tpu.memory_space<vmem>>
      %dma_start3A_214 = tpu.memref_squeeze %dma_start3A_213 : memref<1x1x256x256xf32, #tpu.memory_space<vmem>> -> memref<1x256x256xf32, #tpu.memory_space<vmem>>
      %dma_start3A_215 = arith.constant 0 : i32
      %dma_start3A_216 = arith.constant 0 : i32
      %dma_start3A_217 = tpu.memref_slice %arg1[%get3A_205, %dma_start3A_215, %dma_start3A_216] : memref<2048x256x256xf32, #tpu.memory_space<any>> -> memref<1x256x256xf32, #tpu.memory_space<any>>
      tpu.enqueue_dma source(%dma_start3A_217 : memref<1x256x256xf32, #tpu.memory_space<any>>) target(%dma_start3A_214 : memref<1x256x256xf32, #tpu.memory_space<vmem>>) target_semaphore(%dma_start3A_209 : memref<!tpu.dma_semaphore, #tpu.memory_space<semaphore_mem>>)
      %get3A_218 = arith.constant 28 : index
      %get3A_219 = memref.load %arg8[%get3A_218] : memref<2056xi32, #tpu.memory_space<smem>>
      %dma_start3A_220 = arith.constant 3 : i32
      %dma_start3A_221 = arith.constant 3 : i32
      %dma_start3A_222 = tpu.memref_slice %arg10[%dma_start3A_221] : memref<8x!tpu.dma_semaphore, #tpu.memory_space<semaphore_mem>> -> memref<1x!tpu.dma_semaphore, #tpu.memory_space<semaphore_mem>>
      %dma_start3A_223 = tpu.memref_squeeze %dma_start3A_222 : memref<1x!tpu.dma_semaphore, #tpu.memory_space<semaphore_mem>> -> memref<!tpu.dma_semaphore, #tpu.memory_space<semaphore_mem>>
      %dma_start3A_224 = arith.constant 4 : i32
      %dma_start3A_225 = arith.constant 0 : i32
      %dma_start3A_226 = arith.constant 0 : i32
      %dma_start3A_227 = tpu.memref_slice %arg6[%dma_start3A_220, %dma_start3A_224, %dma_start3A_225, %dma_start3A_226] : memref<8x8x256x256xf32, #tpu.memory_space<vmem>> -> memref<1x1x256x256xf32, #tpu.memory_space<vmem>>
      %dma_start3A_228 = tpu.memref_squeeze %dma_start3A_227 : memref<1x1x256x256xf32, #tpu.memory_space<vmem>> -> memref<1x256x256xf32, #tpu.memory_space<vmem>>
      %dma_start3A_229 = arith.constant 0 : i32
      %dma_start3A_230 = arith.constant 0 : i32
      %dma_start3A_231 = tpu.memref_slice %arg1[%get3A_219, %dma_start3A_229, %dma_start3A_230] : memref<2048x256x256xf32, #tpu.memory_space<any>> -> memref<1x256x256xf32, #tpu.memory_space<any>>
      tpu.enqueue_dma source(%dma_start3A_231 : memref<1x256x256xf32, #tpu.memory_space<any>>) target(%dma_start3A_228 : memref<1x256x256xf32, #tpu.memory_space<vmem>>) target_semaphore(%dma_start3A_223 : memref<!tpu.dma_semaphore, #tpu.memory_space<semaphore_mem>>)
      %get3A_232 = arith.constant 29 : index
      %get3A_233 = memref.load %arg8[%get3A_232] : memref<2056xi32, #tpu.memory_space<smem>>
      %dma_start3A_234 = arith.constant 3 : i32
      %dma_start3A_235 = arith.constant 3 : i32
      %dma_start3A_236 = tpu.memref_slice %arg10[%dma_start3A_235] : memref<8x!tpu.dma_semaphore, #tpu.memory_space<semaphore_mem>> -> memref<1x!tpu.dma_semaphore, #tpu.memory_space<semaphore_mem>>
      %dma_start3A_237 = tpu.memref_squeeze %dma_start3A_236 : memref<1x!tpu.dma_semaphore, #tpu.memory_space<semaphore_mem>> -> memref<!tpu.dma_semaphore, #tpu.memory_space<semaphore_mem>>
      %dma_start3A_238 = arith.constant 5 : i32
      %dma_start3A_239 = arith.constant 0 : i32
      %dma_start3A_240 = arith.constant 0 : i32
      %dma_start3A_241 = tpu.memref_slice %arg6[%dma_start3A_234, %dma_start3A_238, %dma_start3A_239, %dma_start3A_240] : memref<8x8x256x256xf32, #tpu.memory_space<vmem>> -> memref<1x1x256x256xf32, #tpu.memory_space<vmem>>
      %dma_start3A_242 = tpu.memref_squeeze %dma_start3A_241 : memref<1x1x256x256xf32, #tpu.memory_space<vmem>> -> memref<1x256x256xf32, #tpu.memory_space<vmem>>
      %dma_start3A_243 = arith.constant 0 : i32
      %dma_start3A_244 = arith.constant 0 : i32
      %dma_start3A_245 = tpu.memref_slice %arg1[%get3A_233, %dma_start3A_243, %dma_start3A_244] : memref<2048x256x256xf32, #tpu.memory_space<any>> -> memref<1x256x256xf32, #tpu.memory_space<any>>
      tpu.enqueue_dma source(%dma_start3A_245 : memref<1x256x256xf32, #tpu.memory_space<any>>) target(%dma_start3A_242 : memref<1x256x256xf32, #tpu.memory_space<vmem>>) target_semaphore(%dma_start3A_237 : memref<!tpu.dma_semaphore, #tpu.memory_space<semaphore_mem>>)
      %get3A_246 = arith.constant 30 : index
      %get3A_247 = memref.load %arg8[%get3A_246] : memref<2056xi32, #tpu.memory_space<smem>>
      %dma_start3A_248 = arith.constant 3 : i32
      %dma_start3A_249 = arith.constant 3 : i32
      %dma_start3A_250 = tpu.memref_slice %arg10[%dma_start3A_249] : memref<8x!tpu.dma_semaphore, #tpu.memory_space<semaphore_mem>> -> memref<1x!tpu.dma_semaphore, #tpu.memory_space<semaphore_mem>>
      %dma_start3A_251 = tpu.memref_squeeze %dma_start3A_250 : memref<1x!tpu.dma_semaphore, #tpu.memory_space<semaphore_mem>> -> memref<!tpu.dma_semaphore, #tpu.memory_space<semaphore_mem>>
      %dma_start3A_252 = arith.constant 6 : i32
      %dma_start3A_253 = arith.constant 0 : i32
      %dma_start3A_254 = arith.constant 0 : i32
      %dma_start3A_255 = tpu.memref_slice %arg6[%dma_start3A_248, %dma_start3A_252, %dma_start3A_253, %dma_start3A_254] : memref<8x8x256x256xf32, #tpu.memory_space<vmem>> -> memref<1x1x256x256xf32, #tpu.memory_space<vmem>>
      %dma_start3A_256 = tpu.memref_squeeze %dma_start3A_255 : memref<1x1x256x256xf32, #tpu.memory_space<vmem>> -> memref<1x256x256xf32, #tpu.memory_space<vmem>>
      %dma_start3A_257 = arith.constant 0 : i32
      %dma_start3A_258 = arith.constant 0 : i32
      %dma_start3A_259 = tpu.memref_slice %arg1[%get3A_247, %dma_start3A_257, %dma_start3A_258] : memref<2048x256x256xf32, #tpu.memory_space<any>> -> memref<1x256x256xf32, #tpu.memory_space<any>>
      tpu.enqueue_dma source(%dma_start3A_259 : memref<1x256x256xf32, #tpu.memory_space<any>>) target(%dma_start3A_256 : memref<1x256x256xf32, #tpu.memory_space<vmem>>) target_semaphore(%dma_start3A_251 : memref<!tpu.dma_semaphore, #tpu.memory_space<semaphore_mem>>)
      %get3A_260 = arith.constant 31 : index
      %get3A_261 = memref.load %arg8[%get3A_260] : memref<2056xi32, #tpu.memory_space<smem>>
      %dma_start3A_262 = arith.constant 3 : i32
      %dma_start3A_263 = arith.constant 3 : i32
      %dma_start3A_264 = tpu.memref_slice %arg10[%dma_start3A_263] : memref<8x!tpu.dma_semaphore, #tpu.memory_space<semaphore_mem>> -> memref<1x!tpu.dma_semaphore, #tpu.memory_space<semaphore_mem>>
      %dma_start3A_265 = tpu.memref_squeeze %dma_start3A_264 : memref<1x!tpu.dma_semaphore, #tpu.memory_space<semaphore_mem>> -> memref<!tpu.dma_semaphore, #tpu.memory_space<semaphore_mem>>
      %dma_start3A_266 = arith.constant 7 : i32
      %dma_start3A_267 = arith.constant 0 : i32
      %dma_start3A_268 = arith.constant 0 : i32
      %dma_start3A_269 = tpu.memref_slice %arg6[%dma_start3A_262, %dma_start3A_266, %dma_start3A_267, %dma_start3A_268] : memref<8x8x256x256xf32, #tpu.memory_space<vmem>> -> memref<1x1x256x256xf32, #tpu.memory_space<vmem>>
      %dma_start3A_270 = tpu.memref_squeeze %dma_start3A_269 : memref<1x1x256x256xf32, #tpu.memory_space<vmem>> -> memref<1x256x256xf32, #tpu.memory_space<vmem>>
      %dma_start3A_271 = arith.constant 0 : i32
      %dma_start3A_272 = arith.constant 0 : i32
      %dma_start3A_273 = tpu.memref_slice %arg1[%get3A_261, %dma_start3A_271, %dma_start3A_272] : memref<2048x256x256xf32, #tpu.memory_space<any>> -> memref<1x256x256xf32, #tpu.memory_space<any>>
      tpu.enqueue_dma source(%dma_start3A_273 : memref<1x256x256xf32, #tpu.memory_space<any>>) target(%dma_start3A_270 : memref<1x256x256xf32, #tpu.memory_space<vmem>>) target_semaphore(%dma_start3A_265 : memref<!tpu.dma_semaphore, #tpu.memory_space<semaphore_mem>>)
    } else {
    }
    %gt3A_125 = arith.constant 4 : i32
    %gt3A_126 = arith.cmpi sgt, %select_n3A_102, %gt3A_125 : i32
    %convert_element_type3A_127 = arith.extui %gt3A_126 : i1 to i32
    %cond3A_128 = arith.constant 0 : i32
    %cond3A_129 = arith.cmpi ne, %convert_element_type3A_127, %cond3A_128 : i32
    scf.if %cond3A_129 {
      %get3A_163 = arith.constant 32 : index
      %get3A_164 = memref.load %arg8[%get3A_163] : memref<2056xi32, #tpu.memory_space<smem>>
      %dma_start3A = arith.constant 4 : i32
      %dma_start3A_165 = arith.constant 4 : i32
      %dma_start3A_166 = tpu.memref_slice %arg10[%dma_start3A_165] : memref<8x!tpu.dma_semaphore, #tpu.memory_space<semaphore_mem>> -> memref<1x!tpu.dma_semaphore, #tpu.memory_space<semaphore_mem>>
      %dma_start3A_167 = tpu.memref_squeeze %dma_start3A_166 : memref<1x!tpu.dma_semaphore, #tpu.memory_space<semaphore_mem>> -> memref<!tpu.dma_semaphore, #tpu.memory_space<semaphore_mem>>
      %dma_start3A_168 = arith.constant 0 : i32
      %dma_start3A_169 = arith.constant 0 : i32
      %dma_start3A_170 = arith.constant 0 : i32
      %dma_start3A_171 = tpu.memref_slice %arg6[%dma_start3A, %dma_start3A_168, %dma_start3A_169, %dma_start3A_170] : memref<8x8x256x256xf32, #tpu.memory_space<vmem>> -> memref<1x1x256x256xf32, #tpu.memory_space<vmem>>
      %dma_start3A_172 = tpu.memref_squeeze %dma_start3A_171 : memref<1x1x256x256xf32, #tpu.memory_space<vmem>> -> memref<1x256x256xf32, #tpu.memory_space<vmem>>
      %dma_start3A_173 = arith.constant 0 : i32
      %dma_start3A_174 = arith.constant 0 : i32
      %dma_start3A_175 = tpu.memref_slice %arg1[%get3A_164, %dma_start3A_173, %dma_start3A_174] : memref<2048x256x256xf32, #tpu.memory_space<any>> -> memref<1x256x256xf32, #tpu.memory_space<any>>
      tpu.enqueue_dma source(%dma_start3A_175 : memref<1x256x256xf32, #tpu.memory_space<any>>) target(%dma_start3A_172 : memref<1x256x256xf32, #tpu.memory_space<vmem>>) target_semaphore(%dma_start3A_167 : memref<!tpu.dma_semaphore, #tpu.memory_space<semaphore_mem>>)
      %get3A_176 = arith.constant 33 : index
      %get3A_177 = memref.load %arg8[%get3A_176] : memref<2056xi32, #tpu.memory_space<smem>>
      %dma_start3A_178 = arith.constant 4 : i32
      %dma_start3A_179 = arith.constant 4 : i32
      %dma_start3A_180 = tpu.memref_slice %arg10[%dma_start3A_179] : memref<8x!tpu.dma_semaphore, #tpu.memory_space<semaphore_mem>> -> memref<1x!tpu.dma_semaphore, #tpu.memory_space<semaphore_mem>>
      %dma_start3A_181 = tpu.memref_squeeze %dma_start3A_180 : memref<1x!tpu.dma_semaphore, #tpu.memory_space<semaphore_mem>> -> memref<!tpu.dma_semaphore, #tpu.memory_space<semaphore_mem>>
      %dma_start3A_182 = arith.constant 1 : i32
      %dma_start3A_183 = arith.constant 0 : i32
      %dma_start3A_184 = arith.constant 0 : i32
      %dma_start3A_185 = tpu.memref_slice %arg6[%dma_start3A_178, %dma_start3A_182, %dma_start3A_183, %dma_start3A_184] : memref<8x8x256x256xf32, #tpu.memory_space<vmem>> -> memref<1x1x256x256xf32, #tpu.memory_space<vmem>>
      %dma_start3A_186 = tpu.memref_squeeze %dma_start3A_185 : memref<1x1x256x256xf32, #tpu.memory_space<vmem>> -> memref<1x256x256xf32, #tpu.memory_space<vmem>>
      %dma_start3A_187 = arith.constant 0 : i32
      %dma_start3A_188 = arith.constant 0 : i32
      %dma_start3A_189 = tpu.memref_slice %arg1[%get3A_177, %dma_start3A_187, %dma_start3A_188] : memref<2048x256x256xf32, #tpu.memory_space<any>> -> memref<1x256x256xf32, #tpu.memory_space<any>>
      tpu.enqueue_dma source(%dma_start3A_189 : memref<1x256x256xf32, #tpu.memory_space<any>>) target(%dma_start3A_186 : memref<1x256x256xf32, #tpu.memory_space<vmem>>) target_semaphore(%dma_start3A_181 : memref<!tpu.dma_semaphore, #tpu.memory_space<semaphore_mem>>)
      %get3A_190 = arith.constant 34 : index
      %get3A_191 = memref.load %arg8[%get3A_190] : memref<2056xi32, #tpu.memory_space<smem>>
      %dma_start3A_192 = arith.constant 4 : i32
      %dma_start3A_193 = arith.constant 4 : i32
      %dma_start3A_194 = tpu.memref_slice %arg10[%dma_start3A_193] : memref<8x!tpu.dma_semaphore, #tpu.memory_space<semaphore_mem>> -> memref<1x!tpu.dma_semaphore, #tpu.memory_space<semaphore_mem>>
      %dma_start3A_195 = tpu.memref_squeeze %dma_start3A_194 : memref<1x!tpu.dma_semaphore, #tpu.memory_space<semaphore_mem>> -> memref<!tpu.dma_semaphore, #tpu.memory_space<semaphore_mem>>
      %dma_start3A_196 = arith.constant 2 : i32
      %dma_start3A_197 = arith.constant 0 : i32
      %dma_start3A_198 = arith.constant 0 : i32
      %dma_start3A_199 = tpu.memref_slice %arg6[%dma_start3A_192, %dma_start3A_196, %dma_start3A_197, %dma_start3A_198] : memref<8x8x256x256xf32, #tpu.memory_space<vmem>> -> memref<1x1x256x256xf32, #tpu.memory_space<vmem>>
      %dma_start3A_200 = tpu.memref_squeeze %dma_start3A_199 : memref<1x1x256x256xf32, #tpu.memory_space<vmem>> -> memref<1x256x256xf32, #tpu.memory_space<vmem>>
      %dma_start3A_201 = arith.constant 0 : i32
      %dma_start3A_202 = arith.constant 0 : i32
      %dma_start3A_203 = tpu.memref_slice %arg1[%get3A_191, %dma_start3A_201, %dma_start3A_202] : memref<2048x256x256xf32, #tpu.memory_space<any>> -> memref<1x256x256xf32, #tpu.memory_space<any>>
      tpu.enqueue_dma source(%dma_start3A_203 : memref<1x256x256xf32, #tpu.memory_space<any>>) target(%dma_start3A_200 : memref<1x256x256xf32, #tpu.memory_space<vmem>>) target_semaphore(%dma_start3A_195 : memref<!tpu.dma_semaphore, #tpu.memory_space<semaphore_mem>>)
      %get3A_204 = arith.constant 35 : index
      %get3A_205 = memref.load %arg8[%get3A_204] : memref<2056xi32, #tpu.memory_space<smem>>
      %dma_start3A_206 = arith.constant 4 : i32
      %dma_start3A_207 = arith.constant 4 : i32
      %dma_start3A_208 = tpu.memref_slice %arg10[%dma_start3A_207] : memref<8x!tpu.dma_semaphore, #tpu.memory_space<semaphore_mem>> -> memref<1x!tpu.dma_semaphore, #tpu.memory_space<semaphore_mem>>
      %dma_start3A_209 = tpu.memref_squeeze %dma_start3A_208 : memref<1x!tpu.dma_semaphore, #tpu.memory_space<semaphore_mem>> -> memref<!tpu.dma_semaphore, #tpu.memory_space<semaphore_mem>>
      %dma_start3A_210 = arith.constant 3 : i32
      %dma_start3A_211 = arith.constant 0 : i32
      %dma_start3A_212 = arith.constant 0 : i32
      %dma_start3A_213 = tpu.memref_slice %arg6[%dma_start3A_206, %dma_start3A_210, %dma_start3A_211, %dma_start3A_212] : memref<8x8x256x256xf32, #tpu.memory_space<vmem>> -> memref<1x1x256x256xf32, #tpu.memory_space<vmem>>
      %dma_start3A_214 = tpu.memref_squeeze %dma_start3A_213 : memref<1x1x256x256xf32, #tpu.memory_space<vmem>> -> memref<1x256x256xf32, #tpu.memory_space<vmem>>
      %dma_start3A_215 = arith.constant 0 : i32
      %dma_start3A_216 = arith.constant 0 : i32
      %dma_start3A_217 = tpu.memref_slice %arg1[%get3A_205, %dma_start3A_215, %dma_start3A_216] : memref<2048x256x256xf32, #tpu.memory_space<any>> -> memref<1x256x256xf32, #tpu.memory_space<any>>
      tpu.enqueue_dma source(%dma_start3A_217 : memref<1x256x256xf32, #tpu.memory_space<any>>) target(%dma_start3A_214 : memref<1x256x256xf32, #tpu.memory_space<vmem>>) target_semaphore(%dma_start3A_209 : memref<!tpu.dma_semaphore, #tpu.memory_space<semaphore_mem>>)
      %get3A_218 = arith.constant 36 : index
      %get3A_219 = memref.load %arg8[%get3A_218] : memref<2056xi32, #tpu.memory_space<smem>>
      %dma_start3A_220 = arith.constant 4 : i32
      %dma_start3A_221 = arith.constant 4 : i32
      %dma_start3A_222 = tpu.memref_slice %arg10[%dma_start3A_221] : memref<8x!tpu.dma_semaphore, #tpu.memory_space<semaphore_mem>> -> memref<1x!tpu.dma_semaphore, #tpu.memory_space<semaphore_mem>>
      %dma_start3A_223 = tpu.memref_squeeze %dma_start3A_222 : memref<1x!tpu.dma_semaphore, #tpu.memory_space<semaphore_mem>> -> memref<!tpu.dma_semaphore, #tpu.memory_space<semaphore_mem>>
      %dma_start3A_224 = arith.constant 4 : i32
      %dma_start3A_225 = arith.constant 0 : i32
      %dma_start3A_226 = arith.constant 0 : i32
      %dma_start3A_227 = tpu.memref_slice %arg6[%dma_start3A_220, %dma_start3A_224, %dma_start3A_225, %dma_start3A_226] : memref<8x8x256x256xf32, #tpu.memory_space<vmem>> -> memref<1x1x256x256xf32, #tpu.memory_space<vmem>>
      %dma_start3A_228 = tpu.memref_squeeze %dma_start3A_227 : memref<1x1x256x256xf32, #tpu.memory_space<vmem>> -> memref<1x256x256xf32, #tpu.memory_space<vmem>>
      %dma_start3A_229 = arith.constant 0 : i32
      %dma_start3A_230 = arith.constant 0 : i32
      %dma_start3A_231 = tpu.memref_slice %arg1[%get3A_219, %dma_start3A_229, %dma_start3A_230] : memref<2048x256x256xf32, #tpu.memory_space<any>> -> memref<1x256x256xf32, #tpu.memory_space<any>>
      tpu.enqueue_dma source(%dma_start3A_231 : memref<1x256x256xf32, #tpu.memory_space<any>>) target(%dma_start3A_228 : memref<1x256x256xf32, #tpu.memory_space<vmem>>) target_semaphore(%dma_start3A_223 : memref<!tpu.dma_semaphore, #tpu.memory_space<semaphore_mem>>)
      %get3A_232 = arith.constant 37 : index
      %get3A_233 = memref.load %arg8[%get3A_232] : memref<2056xi32, #tpu.memory_space<smem>>
      %dma_start3A_234 = arith.constant 4 : i32
      %dma_start3A_235 = arith.constant 4 : i32
      %dma_start3A_236 = tpu.memref_slice %arg10[%dma_start3A_235] : memref<8x!tpu.dma_semaphore, #tpu.memory_space<semaphore_mem>> -> memref<1x!tpu.dma_semaphore, #tpu.memory_space<semaphore_mem>>
      %dma_start3A_237 = tpu.memref_squeeze %dma_start3A_236 : memref<1x!tpu.dma_semaphore, #tpu.memory_space<semaphore_mem>> -> memref<!tpu.dma_semaphore, #tpu.memory_space<semaphore_mem>>
      %dma_start3A_238 = arith.constant 5 : i32
      %dma_start3A_239 = arith.constant 0 : i32
      %dma_start3A_240 = arith.constant 0 : i32
      %dma_start3A_241 = tpu.memref_slice %arg6[%dma_start3A_234, %dma_start3A_238, %dma_start3A_239, %dma_start3A_240] : memref<8x8x256x256xf32, #tpu.memory_space<vmem>> -> memref<1x1x256x256xf32, #tpu.memory_space<vmem>>
      %dma_start3A_242 = tpu.memref_squeeze %dma_start3A_241 : memref<1x1x256x256xf32, #tpu.memory_space<vmem>> -> memref<1x256x256xf32, #tpu.memory_space<vmem>>
      %dma_start3A_243 = arith.constant 0 : i32
      %dma_start3A_244 = arith.constant 0 : i32
      %dma_start3A_245 = tpu.memref_slice %arg1[%get3A_233, %dma_start3A_243, %dma_start3A_244] : memref<2048x256x256xf32, #tpu.memory_space<any>> -> memref<1x256x256xf32, #tpu.memory_space<any>>
      tpu.enqueue_dma source(%dma_start3A_245 : memref<1x256x256xf32, #tpu.memory_space<any>>) target(%dma_start3A_242 : memref<1x256x256xf32, #tpu.memory_space<vmem>>) target_semaphore(%dma_start3A_237 : memref<!tpu.dma_semaphore, #tpu.memory_space<semaphore_mem>>)
      %get3A_246 = arith.constant 38 : index
      %get3A_247 = memref.load %arg8[%get3A_246] : memref<2056xi32, #tpu.memory_space<smem>>
      %dma_start3A_248 = arith.constant 4 : i32
      %dma_start3A_249 = arith.constant 4 : i32
      %dma_start3A_250 = tpu.memref_slice %arg10[%dma_start3A_249] : memref<8x!tpu.dma_semaphore, #tpu.memory_space<semaphore_mem>> -> memref<1x!tpu.dma_semaphore, #tpu.memory_space<semaphore_mem>>
      %dma_start3A_251 = tpu.memref_squeeze %dma_start3A_250 : memref<1x!tpu.dma_semaphore, #tpu.memory_space<semaphore_mem>> -> memref<!tpu.dma_semaphore, #tpu.memory_space<semaphore_mem>>
      %dma_start3A_252 = arith.constant 6 : i32
      %dma_start3A_253 = arith.constant 0 : i32
      %dma_start3A_254 = arith.constant 0 : i32
      %dma_start3A_255 = tpu.memref_slice %arg6[%dma_start3A_248, %dma_start3A_252, %dma_start3A_253, %dma_start3A_254] : memref<8x8x256x256xf32, #tpu.memory_space<vmem>> -> memref<1x1x256x256xf32, #tpu.memory_space<vmem>>
      %dma_start3A_256 = tpu.memref_squeeze %dma_start3A_255 : memref<1x1x256x256xf32, #tpu.memory_space<vmem>> -> memref<1x256x256xf32, #tpu.memory_space<vmem>>
      %dma_start3A_257 = arith.constant 0 : i32
      %dma_start3A_258 = arith.constant 0 : i32
      %dma_start3A_259 = tpu.memref_slice %arg1[%get3A_247, %dma_start3A_257, %dma_start3A_258] : memref<2048x256x256xf32, #tpu.memory_space<any>> -> memref<1x256x256xf32, #tpu.memory_space<any>>
      tpu.enqueue_dma source(%dma_start3A_259 : memref<1x256x256xf32, #tpu.memory_space<any>>) target(%dma_start3A_256 : memref<1x256x256xf32, #tpu.memory_space<vmem>>) target_semaphore(%dma_start3A_251 : memref<!tpu.dma_semaphore, #tpu.memory_space<semaphore_mem>>)
      %get3A_260 = arith.constant 39 : index
      %get3A_261 = memref.load %arg8[%get3A_260] : memref<2056xi32, #tpu.memory_space<smem>>
      %dma_start3A_262 = arith.constant 4 : i32
      %dma_start3A_263 = arith.constant 4 : i32
      %dma_start3A_264 = tpu.memref_slice %arg10[%dma_start3A_263] : memref<8x!tpu.dma_semaphore, #tpu.memory_space<semaphore_mem>> -> memref<1x!tpu.dma_semaphore, #tpu.memory_space<semaphore_mem>>
      %dma_start3A_265 = tpu.memref_squeeze %dma_start3A_264 : memref<1x!tpu.dma_semaphore, #tpu.memory_space<semaphore_mem>> -> memref<!tpu.dma_semaphore, #tpu.memory_space<semaphore_mem>>
      %dma_start3A_266 = arith.constant 7 : i32
      %dma_start3A_267 = arith.constant 0 : i32
      %dma_start3A_268 = arith.constant 0 : i32
      %dma_start3A_269 = tpu.memref_slice %arg6[%dma_start3A_262, %dma_start3A_266, %dma_start3A_267, %dma_start3A_268] : memref<8x8x256x256xf32, #tpu.memory_space<vmem>> -> memref<1x1x256x256xf32, #tpu.memory_space<vmem>>
      %dma_start3A_270 = tpu.memref_squeeze %dma_start3A_269 : memref<1x1x256x256xf32, #tpu.memory_space<vmem>> -> memref<1x256x256xf32, #tpu.memory_space<vmem>>
      %dma_start3A_271 = arith.constant 0 : i32
      %dma_start3A_272 = arith.constant 0 : i32
      %dma_start3A_273 = tpu.memref_slice %arg1[%get3A_261, %dma_start3A_271, %dma_start3A_272] : memref<2048x256x256xf32, #tpu.memory_space<any>> -> memref<1x256x256xf32, #tpu.memory_space<any>>
      tpu.enqueue_dma source(%dma_start3A_273 : memref<1x256x256xf32, #tpu.memory_space<any>>) target(%dma_start3A_270 : memref<1x256x256xf32, #tpu.memory_space<vmem>>) target_semaphore(%dma_start3A_265 : memref<!tpu.dma_semaphore, #tpu.memory_space<semaphore_mem>>)
    } else {
    }
    %gt3A_130 = arith.constant 5 : i32
    %gt3A_131 = arith.cmpi sgt, %select_n3A_102, %gt3A_130 : i32
    %convert_element_type3A_132 = arith.extui %gt3A_131 : i1 to i32
    %cond3A_133 = arith.constant 0 : i32
    %cond3A_134 = arith.cmpi ne, %convert_element_type3A_132, %cond3A_133 : i32
    scf.if %cond3A_134 {
      %get3A_163 = arith.constant 40 : index
      %get3A_164 = memref.load %arg8[%get3A_163] : memref<2056xi32, #tpu.memory_space<smem>>
      %dma_start3A = arith.constant 5 : i32
      %dma_start3A_165 = arith.constant 5 : i32
      %dma_start3A_166 = tpu.memref_slice %arg10[%dma_start3A_165] : memref<8x!tpu.dma_semaphore, #tpu.memory_space<semaphore_mem>> -> memref<1x!tpu.dma_semaphore, #tpu.memory_space<semaphore_mem>>
      %dma_start3A_167 = tpu.memref_squeeze %dma_start3A_166 : memref<1x!tpu.dma_semaphore, #tpu.memory_space<semaphore_mem>> -> memref<!tpu.dma_semaphore, #tpu.memory_space<semaphore_mem>>
      %dma_start3A_168 = arith.constant 0 : i32
      %dma_start3A_169 = arith.constant 0 : i32
      %dma_start3A_170 = arith.constant 0 : i32
      %dma_start3A_171 = tpu.memref_slice %arg6[%dma_start3A, %dma_start3A_168, %dma_start3A_169, %dma_start3A_170] : memref<8x8x256x256xf32, #tpu.memory_space<vmem>> -> memref<1x1x256x256xf32, #tpu.memory_space<vmem>>
      %dma_start3A_172 = tpu.memref_squeeze %dma_start3A_171 : memref<1x1x256x256xf32, #tpu.memory_space<vmem>> -> memref<1x256x256xf32, #tpu.memory_space<vmem>>
      %dma_start3A_173 = arith.constant 0 : i32
      %dma_start3A_174 = arith.constant 0 : i32
      %dma_start3A_175 = tpu.memref_slice %arg1[%get3A_164, %dma_start3A_173, %dma_start3A_174] : memref<2048x256x256xf32, #tpu.memory_space<any>> -> memref<1x256x256xf32, #tpu.memory_space<any>>
      tpu.enqueue_dma source(%dma_start3A_175 : memref<1x256x256xf32, #tpu.memory_space<any>>) target(%dma_start3A_172 : memref<1x256x256xf32, #tpu.memory_space<vmem>>) target_semaphore(%dma_start3A_167 : memref<!tpu.dma_semaphore, #tpu.memory_space<semaphore_mem>>)
      %get3A_176 = arith.constant 41 : index
      %get3A_177 = memref.load %arg8[%get3A_176] : memref<2056xi32, #tpu.memory_space<smem>>
      %dma_start3A_178 = arith.constant 5 : i32
      %dma_start3A_179 = arith.constant 5 : i32
      %dma_start3A_180 = tpu.memref_slice %arg10[%dma_start3A_179] : memref<8x!tpu.dma_semaphore, #tpu.memory_space<semaphore_mem>> -> memref<1x!tpu.dma_semaphore, #tpu.memory_space<semaphore_mem>>
      %dma_start3A_181 = tpu.memref_squeeze %dma_start3A_180 : memref<1x!tpu.dma_semaphore, #tpu.memory_space<semaphore_mem>> -> memref<!tpu.dma_semaphore, #tpu.memory_space<semaphore_mem>>
      %dma_start3A_182 = arith.constant 1 : i32
      %dma_start3A_183 = arith.constant 0 : i32
      %dma_start3A_184 = arith.constant 0 : i32
      %dma_start3A_185 = tpu.memref_slice %arg6[%dma_start3A_178, %dma_start3A_182, %dma_start3A_183, %dma_start3A_184] : memref<8x8x256x256xf32, #tpu.memory_space<vmem>> -> memref<1x1x256x256xf32, #tpu.memory_space<vmem>>
      %dma_start3A_186 = tpu.memref_squeeze %dma_start3A_185 : memref<1x1x256x256xf32, #tpu.memory_space<vmem>> -> memref<1x256x256xf32, #tpu.memory_space<vmem>>
      %dma_start3A_187 = arith.constant 0 : i32
      %dma_start3A_188 = arith.constant 0 : i32
      %dma_start3A_189 = tpu.memref_slice %arg1[%get3A_177, %dma_start3A_187, %dma_start3A_188] : memref<2048x256x256xf32, #tpu.memory_space<any>> -> memref<1x256x256xf32, #tpu.memory_space<any>>
      tpu.enqueue_dma source(%dma_start3A_189 : memref<1x256x256xf32, #tpu.memory_space<any>>) target(%dma_start3A_186 : memref<1x256x256xf32, #tpu.memory_space<vmem>>) target_semaphore(%dma_start3A_181 : memref<!tpu.dma_semaphore, #tpu.memory_space<semaphore_mem>>)
      %get3A_190 = arith.constant 42 : index
      %get3A_191 = memref.load %arg8[%get3A_190] : memref<2056xi32, #tpu.memory_space<smem>>
      %dma_start3A_192 = arith.constant 5 : i32
      %dma_start3A_193 = arith.constant 5 : i32
      %dma_start3A_194 = tpu.memref_slice %arg10[%dma_start3A_193] : memref<8x!tpu.dma_semaphore, #tpu.memory_space<semaphore_mem>> -> memref<1x!tpu.dma_semaphore, #tpu.memory_space<semaphore_mem>>
      %dma_start3A_195 = tpu.memref_squeeze %dma_start3A_194 : memref<1x!tpu.dma_semaphore, #tpu.memory_space<semaphore_mem>> -> memref<!tpu.dma_semaphore, #tpu.memory_space<semaphore_mem>>
      %dma_start3A_196 = arith.constant 2 : i32
      %dma_start3A_197 = arith.constant 0 : i32
      %dma_start3A_198 = arith.constant 0 : i32
      %dma_start3A_199 = tpu.memref_slice %arg6[%dma_start3A_192, %dma_start3A_196, %dma_start3A_197, %dma_start3A_198] : memref<8x8x256x256xf32, #tpu.memory_space<vmem>> -> memref<1x1x256x256xf32, #tpu.memory_space<vmem>>
      %dma_start3A_200 = tpu.memref_squeeze %dma_start3A_199 : memref<1x1x256x256xf32, #tpu.memory_space<vmem>> -> memref<1x256x256xf32, #tpu.memory_space<vmem>>
      %dma_start3A_201 = arith.constant 0 : i32
      %dma_start3A_202 = arith.constant 0 : i32
      %dma_start3A_203 = tpu.memref_slice %arg1[%get3A_191, %dma_start3A_201, %dma_start3A_202] : memref<2048x256x256xf32, #tpu.memory_space<any>> -> memref<1x256x256xf32, #tpu.memory_space<any>>
      tpu.enqueue_dma source(%dma_start3A_203 : memref<1x256x256xf32, #tpu.memory_space<any>>) target(%dma_start3A_200 : memref<1x256x256xf32, #tpu.memory_space<vmem>>) target_semaphore(%dma_start3A_195 : memref<!tpu.dma_semaphore, #tpu.memory_space<semaphore_mem>>)
      %get3A_204 = arith.constant 43 : index
      %get3A_205 = memref.load %arg8[%get3A_204] : memref<2056xi32, #tpu.memory_space<smem>>
      %dma_start3A_206 = arith.constant 5 : i32
      %dma_start3A_207 = arith.constant 5 : i32
      %dma_start3A_208 = tpu.memref_slice %arg10[%dma_start3A_207] : memref<8x!tpu.dma_semaphore, #tpu.memory_space<semaphore_mem>> -> memref<1x!tpu.dma_semaphore, #tpu.memory_space<semaphore_mem>>
      %dma_start3A_209 = tpu.memref_squeeze %dma_start3A_208 : memref<1x!tpu.dma_semaphore, #tpu.memory_space<semaphore_mem>> -> memref<!tpu.dma_semaphore, #tpu.memory_space<semaphore_mem>>
      %dma_start3A_210 = arith.constant 3 : i32
      %dma_start3A_211 = arith.constant 0 : i32
      %dma_start3A_212 = arith.constant 0 : i32
      %dma_start3A_213 = tpu.memref_slice %arg6[%dma_start3A_206, %dma_start3A_210, %dma_start3A_211, %dma_start3A_212] : memref<8x8x256x256xf32, #tpu.memory_space<vmem>> -> memref<1x1x256x256xf32, #tpu.memory_space<vmem>>
      %dma_start3A_214 = tpu.memref_squeeze %dma_start3A_213 : memref<1x1x256x256xf32, #tpu.memory_space<vmem>> -> memref<1x256x256xf32, #tpu.memory_space<vmem>>
      %dma_start3A_215 = arith.constant 0 : i32
      %dma_start3A_216 = arith.constant 0 : i32
      %dma_start3A_217 = tpu.memref_slice %arg1[%get3A_205, %dma_start3A_215, %dma_start3A_216] : memref<2048x256x256xf32, #tpu.memory_space<any>> -> memref<1x256x256xf32, #tpu.memory_space<any>>
      tpu.enqueue_dma source(%dma_start3A_217 : memref<1x256x256xf32, #tpu.memory_space<any>>) target(%dma_start3A_214 : memref<1x256x256xf32, #tpu.memory_space<vmem>>) target_semaphore(%dma_start3A_209 : memref<!tpu.dma_semaphore, #tpu.memory_space<semaphore_mem>>)
      %get3A_218 = arith.constant 44 : index
      %get3A_219 = memref.load %arg8[%get3A_218] : memref<2056xi32, #tpu.memory_space<smem>>
      %dma_start3A_220 = arith.constant 5 : i32
      %dma_start3A_221 = arith.constant 5 : i32
      %dma_start3A_222 = tpu.memref_slice %arg10[%dma_start3A_221] : memref<8x!tpu.dma_semaphore, #tpu.memory_space<semaphore_mem>> -> memref<1x!tpu.dma_semaphore, #tpu.memory_space<semaphore_mem>>
      %dma_start3A_223 = tpu.memref_squeeze %dma_start3A_222 : memref<1x!tpu.dma_semaphore, #tpu.memory_space<semaphore_mem>> -> memref<!tpu.dma_semaphore, #tpu.memory_space<semaphore_mem>>
      %dma_start3A_224 = arith.constant 4 : i32
      %dma_start3A_225 = arith.constant 0 : i32
      %dma_start3A_226 = arith.constant 0 : i32
      %dma_start3A_227 = tpu.memref_slice %arg6[%dma_start3A_220, %dma_start3A_224, %dma_start3A_225, %dma_start3A_226] : memref<8x8x256x256xf32, #tpu.memory_space<vmem>> -> memref<1x1x256x256xf32, #tpu.memory_space<vmem>>
      %dma_start3A_228 = tpu.memref_squeeze %dma_start3A_227 : memref<1x1x256x256xf32, #tpu.memory_space<vmem>> -> memref<1x256x256xf32, #tpu.memory_space<vmem>>
      %dma_start3A_229 = arith.constant 0 : i32
      %dma_start3A_230 = arith.constant 0 : i32
      %dma_start3A_231 = tpu.memref_slice %arg1[%get3A_219, %dma_start3A_229, %dma_start3A_230] : memref<2048x256x256xf32, #tpu.memory_space<any>> -> memref<1x256x256xf32, #tpu.memory_space<any>>
      tpu.enqueue_dma source(%dma_start3A_231 : memref<1x256x256xf32, #tpu.memory_space<any>>) target(%dma_start3A_228 : memref<1x256x256xf32, #tpu.memory_space<vmem>>) target_semaphore(%dma_start3A_223 : memref<!tpu.dma_semaphore, #tpu.memory_space<semaphore_mem>>)
      %get3A_232 = arith.constant 45 : index
      %get3A_233 = memref.load %arg8[%get3A_232] : memref<2056xi32, #tpu.memory_space<smem>>
      %dma_start3A_234 = arith.constant 5 : i32
      %dma_start3A_235 = arith.constant 5 : i32
      %dma_start3A_236 = tpu.memref_slice %arg10[%dma_start3A_235] : memref<8x!tpu.dma_semaphore, #tpu.memory_space<semaphore_mem>> -> memref<1x!tpu.dma_semaphore, #tpu.memory_space<semaphore_mem>>
      %dma_start3A_237 = tpu.memref_squeeze %dma_start3A_236 : memref<1x!tpu.dma_semaphore, #tpu.memory_space<semaphore_mem>> -> memref<!tpu.dma_semaphore, #tpu.memory_space<semaphore_mem>>
      %dma_start3A_238 = arith.constant 5 : i32
      %dma_start3A_239 = arith.constant 0 : i32
      %dma_start3A_240 = arith.constant 0 : i32
      %dma_start3A_241 = tpu.memref_slice %arg6[%dma_start3A_234, %dma_start3A_238, %dma_start3A_239, %dma_start3A_240] : memref<8x8x256x256xf32, #tpu.memory_space<vmem>> -> memref<1x1x256x256xf32, #tpu.memory_space<vmem>>
      %dma_start3A_242 = tpu.memref_squeeze %dma_start3A_241 : memref<1x1x256x256xf32, #tpu.memory_space<vmem>> -> memref<1x256x256xf32, #tpu.memory_space<vmem>>
      %dma_start3A_243 = arith.constant 0 : i32
      %dma_start3A_244 = arith.constant 0 : i32
      %dma_start3A_245 = tpu.memref_slice %arg1[%get3A_233, %dma_start3A_243, %dma_start3A_244] : memref<2048x256x256xf32, #tpu.memory_space<any>> -> memref<1x256x256xf32, #tpu.memory_space<any>>
      tpu.enqueue_dma source(%dma_start3A_245 : memref<1x256x256xf32, #tpu.memory_space<any>>) target(%dma_start3A_242 : memref<1x256x256xf32, #tpu.memory_space<vmem>>) target_semaphore(%dma_start3A_237 : memref<!tpu.dma_semaphore, #tpu.memory_space<semaphore_mem>>)
      %get3A_246 = arith.constant 46 : index
      %get3A_247 = memref.load %arg8[%get3A_246] : memref<2056xi32, #tpu.memory_space<smem>>
      %dma_start3A_248 = arith.constant 5 : i32
      %dma_start3A_249 = arith.constant 5 : i32
      %dma_start3A_250 = tpu.memref_slice %arg10[%dma_start3A_249] : memref<8x!tpu.dma_semaphore, #tpu.memory_space<semaphore_mem>> -> memref<1x!tpu.dma_semaphore, #tpu.memory_space<semaphore_mem>>
      %dma_start3A_251 = tpu.memref_squeeze %dma_start3A_250 : memref<1x!tpu.dma_semaphore, #tpu.memory_space<semaphore_mem>> -> memref<!tpu.dma_semaphore, #tpu.memory_space<semaphore_mem>>
      %dma_start3A_252 = arith.constant 6 : i32
      %dma_start3A_253 = arith.constant 0 : i32
      %dma_start3A_254 = arith.constant 0 : i32
      %dma_start3A_255 = tpu.memref_slice %arg6[%dma_start3A_248, %dma_start3A_252, %dma_start3A_253, %dma_start3A_254] : memref<8x8x256x256xf32, #tpu.memory_space<vmem>> -> memref<1x1x256x256xf32, #tpu.memory_space<vmem>>
      %dma_start3A_256 = tpu.memref_squeeze %dma_start3A_255 : memref<1x1x256x256xf32, #tpu.memory_space<vmem>> -> memref<1x256x256xf32, #tpu.memory_space<vmem>>
      %dma_start3A_257 = arith.constant 0 : i32
      %dma_start3A_258 = arith.constant 0 : i32
      %dma_start3A_259 = tpu.memref_slice %arg1[%get3A_247, %dma_start3A_257, %dma_start3A_258] : memref<2048x256x256xf32, #tpu.memory_space<any>> -> memref<1x256x256xf32, #tpu.memory_space<any>>
      tpu.enqueue_dma source(%dma_start3A_259 : memref<1x256x256xf32, #tpu.memory_space<any>>) target(%dma_start3A_256 : memref<1x256x256xf32, #tpu.memory_space<vmem>>) target_semaphore(%dma_start3A_251 : memref<!tpu.dma_semaphore, #tpu.memory_space<semaphore_mem>>)
      %get3A_260 = arith.constant 47 : index
      %get3A_261 = memref.load %arg8[%get3A_260] : memref<2056xi32, #tpu.memory_space<smem>>
      %dma_start3A_262 = arith.constant 5 : i32
      %dma_start3A_263 = arith.constant 5 : i32
      %dma_start3A_264 = tpu.memref_slice %arg10[%dma_start3A_263] : memref<8x!tpu.dma_semaphore, #tpu.memory_space<semaphore_mem>> -> memref<1x!tpu.dma_semaphore, #tpu.memory_space<semaphore_mem>>
      %dma_start3A_265 = tpu.memref_squeeze %dma_start3A_264 : memref<1x!tpu.dma_semaphore, #tpu.memory_space<semaphore_mem>> -> memref<!tpu.dma_semaphore, #tpu.memory_space<semaphore_mem>>
      %dma_start3A_266 = arith.constant 7 : i32
      %dma_start3A_267 = arith.constant 0 : i32
      %dma_start3A_268 = arith.constant 0 : i32
      %dma_start3A_269 = tpu.memref_slice %arg6[%dma_start3A_262, %dma_start3A_266, %dma_start3A_267, %dma_start3A_268] : memref<8x8x256x256xf32, #tpu.memory_space<vmem>> -> memref<1x1x256x256xf32, #tpu.memory_space<vmem>>
      %dma_start3A_270 = tpu.memref_squeeze %dma_start3A_269 : memref<1x1x256x256xf32, #tpu.memory_space<vmem>> -> memref<1x256x256xf32, #tpu.memory_space<vmem>>
      %dma_start3A_271 = arith.constant 0 : i32
      %dma_start3A_272 = arith.constant 0 : i32
      %dma_start3A_273 = tpu.memref_slice %arg1[%get3A_261, %dma_start3A_271, %dma_start3A_272] : memref<2048x256x256xf32, #tpu.memory_space<any>> -> memref<1x256x256xf32, #tpu.memory_space<any>>
      tpu.enqueue_dma source(%dma_start3A_273 : memref<1x256x256xf32, #tpu.memory_space<any>>) target(%dma_start3A_270 : memref<1x256x256xf32, #tpu.memory_space<vmem>>) target_semaphore(%dma_start3A_265 : memref<!tpu.dma_semaphore, #tpu.memory_space<semaphore_mem>>)
    } else {
    }
    %gt3A_135 = arith.constant 6 : i32
    %gt3A_136 = arith.cmpi sgt, %select_n3A_102, %gt3A_135 : i32
    %convert_element_type3A_137 = arith.extui %gt3A_136 : i1 to i32
    %cond3A_138 = arith.constant 0 : i32
    %cond3A_139 = arith.cmpi ne, %convert_element_type3A_137, %cond3A_138 : i32
    scf.if %cond3A_139 {
      %get3A_163 = arith.constant 48 : index
      %get3A_164 = memref.load %arg8[%get3A_163] : memref<2056xi32, #tpu.memory_space<smem>>
      %dma_start3A = arith.constant 6 : i32
      %dma_start3A_165 = arith.constant 6 : i32
      %dma_start3A_166 = tpu.memref_slice %arg10[%dma_start3A_165] : memref<8x!tpu.dma_semaphore, #tpu.memory_space<semaphore_mem>> -> memref<1x!tpu.dma_semaphore, #tpu.memory_space<semaphore_mem>>
      %dma_start3A_167 = tpu.memref_squeeze %dma_start3A_166 : memref<1x!tpu.dma_semaphore, #tpu.memory_space<semaphore_mem>> -> memref<!tpu.dma_semaphore, #tpu.memory_space<semaphore_mem>>
      %dma_start3A_168 = arith.constant 0 : i32
      %dma_start3A_169 = arith.constant 0 : i32
      %dma_start3A_170 = arith.constant 0 : i32
      %dma_start3A_171 = tpu.memref_slice %arg6[%dma_start3A, %dma_start3A_168, %dma_start3A_169, %dma_start3A_170] : memref<8x8x256x256xf32, #tpu.memory_space<vmem>> -> memref<1x1x256x256xf32, #tpu.memory_space<vmem>>
      %dma_start3A_172 = tpu.memref_squeeze %dma_start3A_171 : memref<1x1x256x256xf32, #tpu.memory_space<vmem>> -> memref<1x256x256xf32, #tpu.memory_space<vmem>>
      %dma_start3A_173 = arith.constant 0 : i32
      %dma_start3A_174 = arith.constant 0 : i32
      %dma_start3A_175 = tpu.memref_slice %arg1[%get3A_164, %dma_start3A_173, %dma_start3A_174] : memref<2048x256x256xf32, #tpu.memory_space<any>> -> memref<1x256x256xf32, #tpu.memory_space<any>>
      tpu.enqueue_dma source(%dma_start3A_175 : memref<1x256x256xf32, #tpu.memory_space<any>>) target(%dma_start3A_172 : memref<1x256x256xf32, #tpu.memory_space<vmem>>) target_semaphore(%dma_start3A_167 : memref<!tpu.dma_semaphore, #tpu.memory_space<semaphore_mem>>)
      %get3A_176 = arith.constant 49 : index
      %get3A_177 = memref.load %arg8[%get3A_176] : memref<2056xi32, #tpu.memory_space<smem>>
      %dma_start3A_178 = arith.constant 6 : i32
      %dma_start3A_179 = arith.constant 6 : i32
      %dma_start3A_180 = tpu.memref_slice %arg10[%dma_start3A_179] : memref<8x!tpu.dma_semaphore, #tpu.memory_space<semaphore_mem>> -> memref<1x!tpu.dma_semaphore, #tpu.memory_space<semaphore_mem>>
      %dma_start3A_181 = tpu.memref_squeeze %dma_start3A_180 : memref<1x!tpu.dma_semaphore, #tpu.memory_space<semaphore_mem>> -> memref<!tpu.dma_semaphore, #tpu.memory_space<semaphore_mem>>
      %dma_start3A_182 = arith.constant 1 : i32
      %dma_start3A_183 = arith.constant 0 : i32
      %dma_start3A_184 = arith.constant 0 : i32
      %dma_start3A_185 = tpu.memref_slice %arg6[%dma_start3A_178, %dma_start3A_182, %dma_start3A_183, %dma_start3A_184] : memref<8x8x256x256xf32, #tpu.memory_space<vmem>> -> memref<1x1x256x256xf32, #tpu.memory_space<vmem>>
      %dma_start3A_186 = tpu.memref_squeeze %dma_start3A_185 : memref<1x1x256x256xf32, #tpu.memory_space<vmem>> -> memref<1x256x256xf32, #tpu.memory_space<vmem>>
      %dma_start3A_187 = arith.constant 0 : i32
      %dma_start3A_188 = arith.constant 0 : i32
      %dma_start3A_189 = tpu.memref_slice %arg1[%get3A_177, %dma_start3A_187, %dma_start3A_188] : memref<2048x256x256xf32, #tpu.memory_space<any>> -> memref<1x256x256xf32, #tpu.memory_space<any>>
      tpu.enqueue_dma source(%dma_start3A_189 : memref<1x256x256xf32, #tpu.memory_space<any>>) target(%dma_start3A_186 : memref<1x256x256xf32, #tpu.memory_space<vmem>>) target_semaphore(%dma_start3A_181 : memref<!tpu.dma_semaphore, #tpu.memory_space<semaphore_mem>>)
      %get3A_190 = arith.constant 50 : index
      %get3A_191 = memref.load %arg8[%get3A_190] : memref<2056xi32, #tpu.memory_space<smem>>
      %dma_start3A_192 = arith.constant 6 : i32
      %dma_start3A_193 = arith.constant 6 : i32
      %dma_start3A_194 = tpu.memref_slice %arg10[%dma_start3A_193] : memref<8x!tpu.dma_semaphore, #tpu.memory_space<semaphore_mem>> -> memref<1x!tpu.dma_semaphore, #tpu.memory_space<semaphore_mem>>
      %dma_start3A_195 = tpu.memref_squeeze %dma_start3A_194 : memref<1x!tpu.dma_semaphore, #tpu.memory_space<semaphore_mem>> -> memref<!tpu.dma_semaphore, #tpu.memory_space<semaphore_mem>>
      %dma_start3A_196 = arith.constant 2 : i32
      %dma_start3A_197 = arith.constant 0 : i32
      %dma_start3A_198 = arith.constant 0 : i32
      %dma_start3A_199 = tpu.memref_slice %arg6[%dma_start3A_192, %dma_start3A_196, %dma_start3A_197, %dma_start3A_198] : memref<8x8x256x256xf32, #tpu.memory_space<vmem>> -> memref<1x1x256x256xf32, #tpu.memory_space<vmem>>
      %dma_start3A_200 = tpu.memref_squeeze %dma_start3A_199 : memref<1x1x256x256xf32, #tpu.memory_space<vmem>> -> memref<1x256x256xf32, #tpu.memory_space<vmem>>
      %dma_start3A_201 = arith.constant 0 : i32
      %dma_start3A_202 = arith.constant 0 : i32
      %dma_start3A_203 = tpu.memref_slice %arg1[%get3A_191, %dma_start3A_201, %dma_start3A_202] : memref<2048x256x256xf32, #tpu.memory_space<any>> -> memref<1x256x256xf32, #tpu.memory_space<any>>
      tpu.enqueue_dma source(%dma_start3A_203 : memref<1x256x256xf32, #tpu.memory_space<any>>) target(%dma_start3A_200 : memref<1x256x256xf32, #tpu.memory_space<vmem>>) target_semaphore(%dma_start3A_195 : memref<!tpu.dma_semaphore, #tpu.memory_space<semaphore_mem>>)
      %get3A_204 = arith.constant 51 : index
      %get3A_205 = memref.load %arg8[%get3A_204] : memref<2056xi32, #tpu.memory_space<smem>>
      %dma_start3A_206 = arith.constant 6 : i32
      %dma_start3A_207 = arith.constant 6 : i32
      %dma_start3A_208 = tpu.memref_slice %arg10[%dma_start3A_207] : memref<8x!tpu.dma_semaphore, #tpu.memory_space<semaphore_mem>> -> memref<1x!tpu.dma_semaphore, #tpu.memory_space<semaphore_mem>>
      %dma_start3A_209 = tpu.memref_squeeze %dma_start3A_208 : memref<1x!tpu.dma_semaphore, #tpu.memory_space<semaphore_mem>> -> memref<!tpu.dma_semaphore, #tpu.memory_space<semaphore_mem>>
      %dma_start3A_210 = arith.constant 3 : i32
      %dma_start3A_211 = arith.constant 0 : i32
      %dma_start3A_212 = arith.constant 0 : i32
      %dma_start3A_213 = tpu.memref_slice %arg6[%dma_start3A_206, %dma_start3A_210, %dma_start3A_211, %dma_start3A_212] : memref<8x8x256x256xf32, #tpu.memory_space<vmem>> -> memref<1x1x256x256xf32, #tpu.memory_space<vmem>>
      %dma_start3A_214 = tpu.memref_squeeze %dma_start3A_213 : memref<1x1x256x256xf32, #tpu.memory_space<vmem>> -> memref<1x256x256xf32, #tpu.memory_space<vmem>>
      %dma_start3A_215 = arith.constant 0 : i32
      %dma_start3A_216 = arith.constant 0 : i32
      %dma_start3A_217 = tpu.memref_slice %arg1[%get3A_205, %dma_start3A_215, %dma_start3A_216] : memref<2048x256x256xf32, #tpu.memory_space<any>> -> memref<1x256x256xf32, #tpu.memory_space<any>>
      tpu.enqueue_dma source(%dma_start3A_217 : memref<1x256x256xf32, #tpu.memory_space<any>>) target(%dma_start3A_214 : memref<1x256x256xf32, #tpu.memory_space<vmem>>) target_semaphore(%dma_start3A_209 : memref<!tpu.dma_semaphore, #tpu.memory_space<semaphore_mem>>)
      %get3A_218 = arith.constant 52 : index
      %get3A_219 = memref.load %arg8[%get3A_218] : memref<2056xi32, #tpu.memory_space<smem>>
      %dma_start3A_220 = arith.constant 6 : i32
      %dma_start3A_221 = arith.constant 6 : i32
      %dma_start3A_222 = tpu.memref_slice %arg10[%dma_start3A_221] : memref<8x!tpu.dma_semaphore, #tpu.memory_space<semaphore_mem>> -> memref<1x!tpu.dma_semaphore, #tpu.memory_space<semaphore_mem>>
      %dma_start3A_223 = tpu.memref_squeeze %dma_start3A_222 : memref<1x!tpu.dma_semaphore, #tpu.memory_space<semaphore_mem>> -> memref<!tpu.dma_semaphore, #tpu.memory_space<semaphore_mem>>
      %dma_start3A_224 = arith.constant 4 : i32
      %dma_start3A_225 = arith.constant 0 : i32
      %dma_start3A_226 = arith.constant 0 : i32
      %dma_start3A_227 = tpu.memref_slice %arg6[%dma_start3A_220, %dma_start3A_224, %dma_start3A_225, %dma_start3A_226] : memref<8x8x256x256xf32, #tpu.memory_space<vmem>> -> memref<1x1x256x256xf32, #tpu.memory_space<vmem>>
      %dma_start3A_228 = tpu.memref_squeeze %dma_start3A_227 : memref<1x1x256x256xf32, #tpu.memory_space<vmem>> -> memref<1x256x256xf32, #tpu.memory_space<vmem>>
      %dma_start3A_229 = arith.constant 0 : i32
      %dma_start3A_230 = arith.constant 0 : i32
      %dma_start3A_231 = tpu.memref_slice %arg1[%get3A_219, %dma_start3A_229, %dma_start3A_230] : memref<2048x256x256xf32, #tpu.memory_space<any>> -> memref<1x256x256xf32, #tpu.memory_space<any>>
      tpu.enqueue_dma source(%dma_start3A_231 : memref<1x256x256xf32, #tpu.memory_space<any>>) target(%dma_start3A_228 : memref<1x256x256xf32, #tpu.memory_space<vmem>>) target_semaphore(%dma_start3A_223 : memref<!tpu.dma_semaphore, #tpu.memory_space<semaphore_mem>>)
      %get3A_232 = arith.constant 53 : index
      %get3A_233 = memref.load %arg8[%get3A_232] : memref<2056xi32, #tpu.memory_space<smem>>
      %dma_start3A_234 = arith.constant 6 : i32
      %dma_start3A_235 = arith.constant 6 : i32
      %dma_start3A_236 = tpu.memref_slice %arg10[%dma_start3A_235] : memref<8x!tpu.dma_semaphore, #tpu.memory_space<semaphore_mem>> -> memref<1x!tpu.dma_semaphore, #tpu.memory_space<semaphore_mem>>
      %dma_start3A_237 = tpu.memref_squeeze %dma_start3A_236 : memref<1x!tpu.dma_semaphore, #tpu.memory_space<semaphore_mem>> -> memref<!tpu.dma_semaphore, #tpu.memory_space<semaphore_mem>>
      %dma_start3A_238 = arith.constant 5 : i32
      %dma_start3A_239 = arith.constant 0 : i32
      %dma_start3A_240 = arith.constant 0 : i32
      %dma_start3A_241 = tpu.memref_slice %arg6[%dma_start3A_234, %dma_start3A_238, %dma_start3A_239, %dma_start3A_240] : memref<8x8x256x256xf32, #tpu.memory_space<vmem>> -> memref<1x1x256x256xf32, #tpu.memory_space<vmem>>
      %dma_start3A_242 = tpu.memref_squeeze %dma_start3A_241 : memref<1x1x256x256xf32, #tpu.memory_space<vmem>> -> memref<1x256x256xf32, #tpu.memory_space<vmem>>
      %dma_start3A_243 = arith.constant 0 : i32
      %dma_start3A_244 = arith.constant 0 : i32
      %dma_start3A_245 = tpu.memref_slice %arg1[%get3A_233, %dma_start3A_243, %dma_start3A_244] : memref<2048x256x256xf32, #tpu.memory_space<any>> -> memref<1x256x256xf32, #tpu.memory_space<any>>
      tpu.enqueue_dma source(%dma_start3A_245 : memref<1x256x256xf32, #tpu.memory_space<any>>) target(%dma_start3A_242 : memref<1x256x256xf32, #tpu.memory_space<vmem>>) target_semaphore(%dma_start3A_237 : memref<!tpu.dma_semaphore, #tpu.memory_space<semaphore_mem>>)
      %get3A_246 = arith.constant 54 : index
      %get3A_247 = memref.load %arg8[%get3A_246] : memref<2056xi32, #tpu.memory_space<smem>>
      %dma_start3A_248 = arith.constant 6 : i32
      %dma_start3A_249 = arith.constant 6 : i32
      %dma_start3A_250 = tpu.memref_slice %arg10[%dma_start3A_249] : memref<8x!tpu.dma_semaphore, #tpu.memory_space<semaphore_mem>> -> memref<1x!tpu.dma_semaphore, #tpu.memory_space<semaphore_mem>>
      %dma_start3A_251 = tpu.memref_squeeze %dma_start3A_250 : memref<1x!tpu.dma_semaphore, #tpu.memory_space<semaphore_mem>> -> memref<!tpu.dma_semaphore, #tpu.memory_space<semaphore_mem>>
      %dma_start3A_252 = arith.constant 6 : i32
      %dma_start3A_253 = arith.constant 0 : i32
      %dma_start3A_254 = arith.constant 0 : i32
      %dma_start3A_255 = tpu.memref_slice %arg6[%dma_start3A_248, %dma_start3A_252, %dma_start3A_253, %dma_start3A_254] : memref<8x8x256x256xf32, #tpu.memory_space<vmem>> -> memref<1x1x256x256xf32, #tpu.memory_space<vmem>>
      %dma_start3A_256 = tpu.memref_squeeze %dma_start3A_255 : memref<1x1x256x256xf32, #tpu.memory_space<vmem>> -> memref<1x256x256xf32, #tpu.memory_space<vmem>>
      %dma_start3A_257 = arith.constant 0 : i32
      %dma_start3A_258 = arith.constant 0 : i32
      %dma_start3A_259 = tpu.memref_slice %arg1[%get3A_247, %dma_start3A_257, %dma_start3A_258] : memref<2048x256x256xf32, #tpu.memory_space<any>> -> memref<1x256x256xf32, #tpu.memory_space<any>>
      tpu.enqueue_dma source(%dma_start3A_259 : memref<1x256x256xf32, #tpu.memory_space<any>>) target(%dma_start3A_256 : memref<1x256x256xf32, #tpu.memory_space<vmem>>) target_semaphore(%dma_start3A_251 : memref<!tpu.dma_semaphore, #tpu.memory_space<semaphore_mem>>)
      %get3A_260 = arith.constant 55 : index
      %get3A_261 = memref.load %arg8[%get3A_260] : memref<2056xi32, #tpu.memory_space<smem>>
      %dma_start3A_262 = arith.constant 6 : i32
      %dma_start3A_263 = arith.constant 6 : i32
      %dma_start3A_264 = tpu.memref_slice %arg10[%dma_start3A_263] : memref<8x!tpu.dma_semaphore, #tpu.memory_space<semaphore_mem>> -> memref<1x!tpu.dma_semaphore, #tpu.memory_space<semaphore_mem>>
      %dma_start3A_265 = tpu.memref_squeeze %dma_start3A_264 : memref<1x!tpu.dma_semaphore, #tpu.memory_space<semaphore_mem>> -> memref<!tpu.dma_semaphore, #tpu.memory_space<semaphore_mem>>
      %dma_start3A_266 = arith.constant 7 : i32
      %dma_start3A_267 = arith.constant 0 : i32
      %dma_start3A_268 = arith.constant 0 : i32
      %dma_start3A_269 = tpu.memref_slice %arg6[%dma_start3A_262, %dma_start3A_266, %dma_start3A_267, %dma_start3A_268] : memref<8x8x256x256xf32, #tpu.memory_space<vmem>> -> memref<1x1x256x256xf32, #tpu.memory_space<vmem>>
      %dma_start3A_270 = tpu.memref_squeeze %dma_start3A_269 : memref<1x1x256x256xf32, #tpu.memory_space<vmem>> -> memref<1x256x256xf32, #tpu.memory_space<vmem>>
      %dma_start3A_271 = arith.constant 0 : i32
      %dma_start3A_272 = arith.constant 0 : i32
      %dma_start3A_273 = tpu.memref_slice %arg1[%get3A_261, %dma_start3A_271, %dma_start3A_272] : memref<2048x256x256xf32, #tpu.memory_space<any>> -> memref<1x256x256xf32, #tpu.memory_space<any>>
      tpu.enqueue_dma source(%dma_start3A_273 : memref<1x256x256xf32, #tpu.memory_space<any>>) target(%dma_start3A_270 : memref<1x256x256xf32, #tpu.memory_space<vmem>>) target_semaphore(%dma_start3A_265 : memref<!tpu.dma_semaphore, #tpu.memory_space<semaphore_mem>>)
    } else {
    }
    %while3A = arith.constant 0 : i32
    %while3A_140 = arith.constant 0 : i32
    %while3A_141 = arith.subi %select_n3A_102, %while3A_140 : i32
    %while3A_142 = arith.addi %while3A_140, %while3A_141 : i32
    %while3A_143 = arith.constant 1 : i32
    %while3A_144 = arith.divsi %while3A_141, %while3A_143 : i32
    %while3A_145 = arith.muli %while3A_144, %while3A_143 : i32
    %while3A_146 = arith.addi %while3A_140, %while3A_145 : i32
    %while3A_147 = arith.constant 1 : i32
    scf.for %while3A_163 = %while3A_140 to %while3A_146 step %while3A_147  : i32 {
      %rem3A_164 = arith.constant 8 : i32
      %rem3A_165 = arith.remsi %while3A_163, %rem3A_164 : i32
      %add3A_166 = arith.constant 8 : i32
      %add3A_167 = arith.addi %while3A_163, %add3A_166 : i32
      %sub3A_168 = arith.constant 1 : i32
      %sub3A_169 = arith.subi %add3A_167, %sub3A_168 : i32
      %lt3A = arith.cmpi slt, %sub3A_169, %select_n3A_102 : i32
      %convert_element_type3A_170 = arith.extui %lt3A : i1 to i32
      %cond3A_171 = arith.constant 0 : i32
      %cond3A_172 = arith.cmpi ne, %convert_element_type3A_170, %cond3A_171 : i32
      scf.if %cond3A_172 {
        %add3A_484 = arith.constant 8 : i32
        %add3A_485 = arith.addi %while3A_163, %add3A_484 : i32
        %sub3A_486 = arith.constant 1 : i32
        %sub3A_487 = arith.subi %add3A_485, %sub3A_486 : i32
        %add3A_488 = arith.constant 8 : i32
        %add3A_489 = arith.addi %while3A_163, %add3A_488 : i32
        %sub3A_490 = arith.constant 1 : i32
        %sub3A_491 = arith.subi %add3A_489, %sub3A_490 : i32
        %rem3A_492 = arith.constant 8 : i32
        %rem3A_493 = arith.remsi %sub3A_491, %rem3A_492 : i32
        %mul3A_494 = arith.constant 8 : i32
        %mul3A_495 = arith.muli %sub3A_487, %mul3A_494 : i32
        %add3A_496 = arith.constant 0 : i32
        %add3A_497 = arith.addi %mul3A_495, %add3A_496 : i32
        %get3A_498 = arith.index_cast %add3A_497 : i32 to index
        %get3A_499 = memref.load %arg8[%get3A_498] : memref<2056xi32, #tpu.memory_space<smem>>
        %dma_start3A = tpu.memref_slice %arg10[%rem3A_493] : memref<8x!tpu.dma_semaphore, #tpu.memory_space<semaphore_mem>> -> memref<1x!tpu.dma_semaphore, #tpu.memory_space<semaphore_mem>>
        %dma_start3A_500 = tpu.memref_squeeze %dma_start3A : memref<1x!tpu.dma_semaphore, #tpu.memory_space<semaphore_mem>> -> memref<!tpu.dma_semaphore, #tpu.memory_space<semaphore_mem>>
        %dma_start3A_501 = arith.constant 0 : i32
        %dma_start3A_502 = arith.constant 0 : i32
        %dma_start3A_503 = arith.constant 0 : i32
        %dma_start3A_504 = tpu.memref_slice %arg6[%rem3A_493, %dma_start3A_501, %dma_start3A_502, %dma_start3A_503] : memref<8x8x256x256xf32, #tpu.memory_space<vmem>> -> memref<1x1x256x256xf32, #tpu.memory_space<vmem>>
        %dma_start3A_505 = tpu.memref_squeeze %dma_start3A_504 : memref<1x1x256x256xf32, #tpu.memory_space<vmem>> -> memref<1x256x256xf32, #tpu.memory_space<vmem>>
        %dma_start3A_506 = arith.constant 0 : i32
        %dma_start3A_507 = arith.constant 0 : i32
        %dma_start3A_508 = tpu.memref_slice %arg1[%get3A_499, %dma_start3A_506, %dma_start3A_507] : memref<2048x256x256xf32, #tpu.memory_space<any>> -> memref<1x256x256xf32, #tpu.memory_space<any>>
        tpu.enqueue_dma source(%dma_start3A_508 : memref<1x256x256xf32, #tpu.memory_space<any>>) target(%dma_start3A_505 : memref<1x256x256xf32, #tpu.memory_space<vmem>>) target_semaphore(%dma_start3A_500 : memref<!tpu.dma_semaphore, #tpu.memory_space<semaphore_mem>>)
        %mul3A_509 = arith.constant 8 : i32
        %mul3A_510 = arith.muli %sub3A_487, %mul3A_509 : i32
        %add3A_511 = arith.constant 1 : i32
        %add3A_512 = arith.addi %mul3A_510, %add3A_511 : i32
        %get3A_513 = arith.index_cast %add3A_512 : i32 to index
        %get3A_514 = memref.load %arg8[%get3A_513] : memref<2056xi32, #tpu.memory_space<smem>>
        %dma_start3A_515 = tpu.memref_slice %arg10[%rem3A_493] : memref<8x!tpu.dma_semaphore, #tpu.memory_space<semaphore_mem>> -> memref<1x!tpu.dma_semaphore, #tpu.memory_space<semaphore_mem>>
        %dma_start3A_516 = tpu.memref_squeeze %dma_start3A_515 : memref<1x!tpu.dma_semaphore, #tpu.memory_space<semaphore_mem>> -> memref<!tpu.dma_semaphore, #tpu.memory_space<semaphore_mem>>
        %dma_start3A_517 = arith.constant 1 : i32
        %dma_start3A_518 = arith.constant 0 : i32
        %dma_start3A_519 = arith.constant 0 : i32
        %dma_start3A_520 = tpu.memref_slice %arg6[%rem3A_493, %dma_start3A_517, %dma_start3A_518, %dma_start3A_519] : memref<8x8x256x256xf32, #tpu.memory_space<vmem>> -> memref<1x1x256x256xf32, #tpu.memory_space<vmem>>
        %dma_start3A_521 = tpu.memref_squeeze %dma_start3A_520 : memref<1x1x256x256xf32, #tpu.memory_space<vmem>> -> memref<1x256x256xf32, #tpu.memory_space<vmem>>
        %dma_start3A_522 = arith.constant 0 : i32
        %dma_start3A_523 = arith.constant 0 : i32
        %dma_start3A_524 = tpu.memref_slice %arg1[%get3A_514, %dma_start3A_522, %dma_start3A_523] : memref<2048x256x256xf32, #tpu.memory_space<any>> -> memref<1x256x256xf32, #tpu.memory_space<any>>
        tpu.enqueue_dma source(%dma_start3A_524 : memref<1x256x256xf32, #tpu.memory_space<any>>) target(%dma_start3A_521 : memref<1x256x256xf32, #tpu.memory_space<vmem>>) target_semaphore(%dma_start3A_516 : memref<!tpu.dma_semaphore, #tpu.memory_space<semaphore_mem>>)
        %mul3A_525 = arith.constant 8 : i32
        %mul3A_526 = arith.muli %sub3A_487, %mul3A_525 : i32
        %add3A_527 = arith.constant 2 : i32
        %add3A_528 = arith.addi %mul3A_526, %add3A_527 : i32
        %get3A_529 = arith.index_cast %add3A_528 : i32 to index
        %get3A_530 = memref.load %arg8[%get3A_529] : memref<2056xi32, #tpu.memory_space<smem>>
        %dma_start3A_531 = tpu.memref_slice %arg10[%rem3A_493] : memref<8x!tpu.dma_semaphore, #tpu.memory_space<semaphore_mem>> -> memref<1x!tpu.dma_semaphore, #tpu.memory_space<semaphore_mem>>
        %dma_start3A_532 = tpu.memref_squeeze %dma_start3A_531 : memref<1x!tpu.dma_semaphore, #tpu.memory_space<semaphore_mem>> -> memref<!tpu.dma_semaphore, #tpu.memory_space<semaphore_mem>>
        %dma_start3A_533 = arith.constant 2 : i32
        %dma_start3A_534 = arith.constant 0 : i32
        %dma_start3A_535 = arith.constant 0 : i32
        %dma_start3A_536 = tpu.memref_slice %arg6[%rem3A_493, %dma_start3A_533, %dma_start3A_534, %dma_start3A_535] : memref<8x8x256x256xf32, #tpu.memory_space<vmem>> -> memref<1x1x256x256xf32, #tpu.memory_space<vmem>>
        %dma_start3A_537 = tpu.memref_squeeze %dma_start3A_536 : memref<1x1x256x256xf32, #tpu.memory_space<vmem>> -> memref<1x256x256xf32, #tpu.memory_space<vmem>>
        %dma_start3A_538 = arith.constant 0 : i32
        %dma_start3A_539 = arith.constant 0 : i32
        %dma_start3A_540 = tpu.memref_slice %arg1[%get3A_530, %dma_start3A_538, %dma_start3A_539] : memref<2048x256x256xf32, #tpu.memory_space<any>> -> memref<1x256x256xf32, #tpu.memory_space<any>>
        tpu.enqueue_dma source(%dma_start3A_540 : memref<1x256x256xf32, #tpu.memory_space<any>>) target(%dma_start3A_537 : memref<1x256x256xf32, #tpu.memory_space<vmem>>) target_semaphore(%dma_start3A_532 : memref<!tpu.dma_semaphore, #tpu.memory_space<semaphore_mem>>)
        %mul3A_541 = arith.constant 8 : i32
        %mul3A_542 = arith.muli %sub3A_487, %mul3A_541 : i32
        %add3A_543 = arith.constant 3 : i32
        %add3A_544 = arith.addi %mul3A_542, %add3A_543 : i32
        %get3A_545 = arith.index_cast %add3A_544 : i32 to index
        %get3A_546 = memref.load %arg8[%get3A_545] : memref<2056xi32, #tpu.memory_space<smem>>
        %dma_start3A_547 = tpu.memref_slice %arg10[%rem3A_493] : memref<8x!tpu.dma_semaphore, #tpu.memory_space<semaphore_mem>> -> memref<1x!tpu.dma_semaphore, #tpu.memory_space<semaphore_mem>>
        %dma_start3A_548 = tpu.memref_squeeze %dma_start3A_547 : memref<1x!tpu.dma_semaphore, #tpu.memory_space<semaphore_mem>> -> memref<!tpu.dma_semaphore, #tpu.memory_space<semaphore_mem>>
        %dma_start3A_549 = arith.constant 3 : i32
        %dma_start3A_550 = arith.constant 0 : i32
        %dma_start3A_551 = arith.constant 0 : i32
        %dma_start3A_552 = tpu.memref_slice %arg6[%rem3A_493, %dma_start3A_549, %dma_start3A_550, %dma_start3A_551] : memref<8x8x256x256xf32, #tpu.memory_space<vmem>> -> memref<1x1x256x256xf32, #tpu.memory_space<vmem>>
        %dma_start3A_553 = tpu.memref_squeeze %dma_start3A_552 : memref<1x1x256x256xf32, #tpu.memory_space<vmem>> -> memref<1x256x256xf32, #tpu.memory_space<vmem>>
        %dma_start3A_554 = arith.constant 0 : i32
        %dma_start3A_555 = arith.constant 0 : i32
        %dma_start3A_556 = tpu.memref_slice %arg1[%get3A_546, %dma_start3A_554, %dma_start3A_555] : memref<2048x256x256xf32, #tpu.memory_space<any>> -> memref<1x256x256xf32, #tpu.memory_space<any>>
        tpu.enqueue_dma source(%dma_start3A_556 : memref<1x256x256xf32, #tpu.memory_space<any>>) target(%dma_start3A_553 : memref<1x256x256xf32, #tpu.memory_space<vmem>>) target_semaphore(%dma_start3A_548 : memref<!tpu.dma_semaphore, #tpu.memory_space<semaphore_mem>>)
        %mul3A_557 = arith.constant 8 : i32
        %mul3A_558 = arith.muli %sub3A_487, %mul3A_557 : i32
        %add3A_559 = arith.constant 4 : i32
        %add3A_560 = arith.addi %mul3A_558, %add3A_559 : i32
        %get3A_561 = arith.index_cast %add3A_560 : i32 to index
        %get3A_562 = memref.load %arg8[%get3A_561] : memref<2056xi32, #tpu.memory_space<smem>>
        %dma_start3A_563 = tpu.memref_slice %arg10[%rem3A_493] : memref<8x!tpu.dma_semaphore, #tpu.memory_space<semaphore_mem>> -> memref<1x!tpu.dma_semaphore, #tpu.memory_space<semaphore_mem>>
        %dma_start3A_564 = tpu.memref_squeeze %dma_start3A_563 : memref<1x!tpu.dma_semaphore, #tpu.memory_space<semaphore_mem>> -> memref<!tpu.dma_semaphore, #tpu.memory_space<semaphore_mem>>
        %dma_start3A_565 = arith.constant 4 : i32
        %dma_start3A_566 = arith.constant 0 : i32
        %dma_start3A_567 = arith.constant 0 : i32
        %dma_start3A_568 = tpu.memref_slice %arg6[%rem3A_493, %dma_start3A_565, %dma_start3A_566, %dma_start3A_567] : memref<8x8x256x256xf32, #tpu.memory_space<vmem>> -> memref<1x1x256x256xf32, #tpu.memory_space<vmem>>
        %dma_start3A_569 = tpu.memref_squeeze %dma_start3A_568 : memref<1x1x256x256xf32, #tpu.memory_space<vmem>> -> memref<1x256x256xf32, #tpu.memory_space<vmem>>
        %dma_start3A_570 = arith.constant 0 : i32
        %dma_start3A_571 = arith.constant 0 : i32
        %dma_start3A_572 = tpu.memref_slice %arg1[%get3A_562, %dma_start3A_570, %dma_start3A_571] : memref<2048x256x256xf32, #tpu.memory_space<any>> -> memref<1x256x256xf32, #tpu.memory_space<any>>
        tpu.enqueue_dma source(%dma_start3A_572 : memref<1x256x256xf32, #tpu.memory_space<any>>) target(%dma_start3A_569 : memref<1x256x256xf32, #tpu.memory_space<vmem>>) target_semaphore(%dma_start3A_564 : memref<!tpu.dma_semaphore, #tpu.memory_space<semaphore_mem>>)
        %mul3A_573 = arith.constant 8 : i32
        %mul3A_574 = arith.muli %sub3A_487, %mul3A_573 : i32
        %add3A_575 = arith.constant 5 : i32
        %add3A_576 = arith.addi %mul3A_574, %add3A_575 : i32
        %get3A_577 = arith.index_cast %add3A_576 : i32 to index
        %get3A_578 = memref.load %arg8[%get3A_577] : memref<2056xi32, #tpu.memory_space<smem>>
        %dma_start3A_579 = tpu.memref_slice %arg10[%rem3A_493] : memref<8x!tpu.dma_semaphore, #tpu.memory_space<semaphore_mem>> -> memref<1x!tpu.dma_semaphore, #tpu.memory_space<semaphore_mem>>
        %dma_start3A_580 = tpu.memref_squeeze %dma_start3A_579 : memref<1x!tpu.dma_semaphore, #tpu.memory_space<semaphore_mem>> -> memref<!tpu.dma_semaphore, #tpu.memory_space<semaphore_mem>>
        %dma_start3A_581 = arith.constant 5 : i32
        %dma_start3A_582 = arith.constant 0 : i32
        %dma_start3A_583 = arith.constant 0 : i32
        %dma_start3A_584 = tpu.memref_slice %arg6[%rem3A_493, %dma_start3A_581, %dma_start3A_582, %dma_start3A_583] : memref<8x8x256x256xf32, #tpu.memory_space<vmem>> -> memref<1x1x256x256xf32, #tpu.memory_space<vmem>>
        %dma_start3A_585 = tpu.memref_squeeze %dma_start3A_584 : memref<1x1x256x256xf32, #tpu.memory_space<vmem>> -> memref<1x256x256xf32, #tpu.memory_space<vmem>>
        %dma_start3A_586 = arith.constant 0 : i32
        %dma_start3A_587 = arith.constant 0 : i32
        %dma_start3A_588 = tpu.memref_slice %arg1[%get3A_578, %dma_start3A_586, %dma_start3A_587] : memref<2048x256x256xf32, #tpu.memory_space<any>> -> memref<1x256x256xf32, #tpu.memory_space<any>>
        tpu.enqueue_dma source(%dma_start3A_588 : memref<1x256x256xf32, #tpu.memory_space<any>>) target(%dma_start3A_585 : memref<1x256x256xf32, #tpu.memory_space<vmem>>) target_semaphore(%dma_start3A_580 : memref<!tpu.dma_semaphore, #tpu.memory_space<semaphore_mem>>)
        %mul3A_589 = arith.constant 8 : i32
        %mul3A_590 = arith.muli %sub3A_487, %mul3A_589 : i32
        %add3A_591 = arith.constant 6 : i32
        %add3A_592 = arith.addi %mul3A_590, %add3A_591 : i32
        %get3A_593 = arith.index_cast %add3A_592 : i32 to index
        %get3A_594 = memref.load %arg8[%get3A_593] : memref<2056xi32, #tpu.memory_space<smem>>
        %dma_start3A_595 = tpu.memref_slice %arg10[%rem3A_493] : memref<8x!tpu.dma_semaphore, #tpu.memory_space<semaphore_mem>> -> memref<1x!tpu.dma_semaphore, #tpu.memory_space<semaphore_mem>>
        %dma_start3A_596 = tpu.memref_squeeze %dma_start3A_595 : memref<1x!tpu.dma_semaphore, #tpu.memory_space<semaphore_mem>> -> memref<!tpu.dma_semaphore, #tpu.memory_space<semaphore_mem>>
        %dma_start3A_597 = arith.constant 6 : i32
        %dma_start3A_598 = arith.constant 0 : i32
        %dma_start3A_599 = arith.constant 0 : i32
        %dma_start3A_600 = tpu.memref_slice %arg6[%rem3A_493, %dma_start3A_597, %dma_start3A_598, %dma_start3A_599] : memref<8x8x256x256xf32, #tpu.memory_space<vmem>> -> memref<1x1x256x256xf32, #tpu.memory_space<vmem>>
        %dma_start3A_601 = tpu.memref_squeeze %dma_start3A_600 : memref<1x1x256x256xf32, #tpu.memory_space<vmem>> -> memref<1x256x256xf32, #tpu.memory_space<vmem>>
        %dma_start3A_602 = arith.constant 0 : i32
        %dma_start3A_603 = arith.constant 0 : i32
        %dma_start3A_604 = tpu.memref_slice %arg1[%get3A_594, %dma_start3A_602, %dma_start3A_603] : memref<2048x256x256xf32, #tpu.memory_space<any>> -> memref<1x256x256xf32, #tpu.memory_space<any>>
        tpu.enqueue_dma source(%dma_start3A_604 : memref<1x256x256xf32, #tpu.memory_space<any>>) target(%dma_start3A_601 : memref<1x256x256xf32, #tpu.memory_space<vmem>>) target_semaphore(%dma_start3A_596 : memref<!tpu.dma_semaphore, #tpu.memory_space<semaphore_mem>>)
        %mul3A_605 = arith.constant 8 : i32
        %mul3A_606 = arith.muli %sub3A_487, %mul3A_605 : i32
        %add3A_607 = arith.constant 7 : i32
        %add3A_608 = arith.addi %mul3A_606, %add3A_607 : i32
        %get3A_609 = arith.index_cast %add3A_608 : i32 to index
        %get3A_610 = memref.load %arg8[%get3A_609] : memref<2056xi32, #tpu.memory_space<smem>>
        %dma_start3A_611 = tpu.memref_slice %arg10[%rem3A_493] : memref<8x!tpu.dma_semaphore, #tpu.memory_space<semaphore_mem>> -> memref<1x!tpu.dma_semaphore, #tpu.memory_space<semaphore_mem>>
        %dma_start3A_612 = tpu.memref_squeeze %dma_start3A_611 : memref<1x!tpu.dma_semaphore, #tpu.memory_space<semaphore_mem>> -> memref<!tpu.dma_semaphore, #tpu.memory_space<semaphore_mem>>
        %dma_start3A_613 = arith.constant 7 : i32
        %dma_start3A_614 = arith.constant 0 : i32
        %dma_start3A_615 = arith.constant 0 : i32
        %dma_start3A_616 = tpu.memref_slice %arg6[%rem3A_493, %dma_start3A_613, %dma_start3A_614, %dma_start3A_615] : memref<8x8x256x256xf32, #tpu.memory_space<vmem>> -> memref<1x1x256x256xf32, #tpu.memory_space<vmem>>
        %dma_start3A_617 = tpu.memref_squeeze %dma_start3A_616 : memref<1x1x256x256xf32, #tpu.memory_space<vmem>> -> memref<1x256x256xf32, #tpu.memory_space<vmem>>
        %dma_start3A_618 = arith.constant 0 : i32
        %dma_start3A_619 = arith.constant 0 : i32
        %dma_start3A_620 = tpu.memref_slice %arg1[%get3A_610, %dma_start3A_618, %dma_start3A_619] : memref<2048x256x256xf32, #tpu.memory_space<any>> -> memref<1x256x256xf32, #tpu.memory_space<any>>
        tpu.enqueue_dma source(%dma_start3A_620 : memref<1x256x256xf32, #tpu.memory_space<any>>) target(%dma_start3A_617 : memref<1x256x256xf32, #tpu.memory_space<vmem>>) target_semaphore(%dma_start3A_612 : memref<!tpu.dma_semaphore, #tpu.memory_space<semaphore_mem>>)
      } else {
      }
      %mul3A = arith.constant 8 : i32
      %mul3A_173 = arith.muli %while3A_163, %mul3A : i32
      %add3A_174 = arith.constant 0 : i32
      %add3A_175 = arith.addi %mul3A_173, %add3A_174 : i32
      %get3A_176 = arith.index_cast %add3A_175 : i32 to index
      %get3A_177 = memref.load %arg8[%get3A_176] : memref<2056xi32, #tpu.memory_space<smem>>
      %dma_wait3A = tpu.memref_slice %arg10[%rem3A_165] : memref<8x!tpu.dma_semaphore, #tpu.memory_space<semaphore_mem>> -> memref<1x!tpu.dma_semaphore, #tpu.memory_space<semaphore_mem>>
      %dma_wait3A_178 = tpu.memref_squeeze %dma_wait3A : memref<1x!tpu.dma_semaphore, #tpu.memory_space<semaphore_mem>> -> memref<!tpu.dma_semaphore, #tpu.memory_space<semaphore_mem>>
      %dma_wait3A_179 = arith.constant 0 : i32
      %dma_wait3A_180 = arith.constant 0 : i32
      %dma_wait3A_181 = arith.constant 0 : i32
      %dma_wait3A_182 = tpu.memref_slice %arg6[%rem3A_165, %dma_wait3A_179, %dma_wait3A_180, %dma_wait3A_181] : memref<8x8x256x256xf32, #tpu.memory_space<vmem>> -> memref<1x1x256x256xf32, #tpu.memory_space<vmem>>
      %dma_wait3A_183 = tpu.memref_squeeze %dma_wait3A_182 : memref<1x1x256x256xf32, #tpu.memory_space<vmem>> -> memref<1x256x256xf32, #tpu.memory_space<vmem>>
      %dma_wait3A_184 = arith.constant 0 : i32
      %dma_wait3A_185 = arith.constant 0 : i32
      %dma_wait3A_186 = tpu.memref_slice %arg1[%get3A_177, %dma_wait3A_184, %dma_wait3A_185] : memref<2048x256x256xf32, #tpu.memory_space<any>> -> memref<1x256x256xf32, #tpu.memory_space<any>>
      tpu.wait_dma2 semaphore(%dma_wait3A_178 : memref<!tpu.dma_semaphore, #tpu.memory_space<semaphore_mem>>) src(%dma_wait3A_186 : memref<1x256x256xf32, #tpu.memory_space<any>>) dst(%dma_wait3A_183 : memref<1x256x256xf32, #tpu.memory_space<vmem>>)
      %mul3A_187 = arith.constant 8 : i32
      %mul3A_188 = arith.muli %while3A_163, %mul3A_187 : i32
      %add3A_189 = arith.constant 1 : i32
      %add3A_190 = arith.addi %mul3A_188, %add3A_189 : i32
      %get3A_191 = arith.index_cast %add3A_190 : i32 to index
      %get3A_192 = memref.load %arg8[%get3A_191] : memref<2056xi32, #tpu.memory_space<smem>>
      %dma_wait3A_193 = tpu.memref_slice %arg10[%rem3A_165] : memref<8x!tpu.dma_semaphore, #tpu.memory_space<semaphore_mem>> -> memref<1x!tpu.dma_semaphore, #tpu.memory_space<semaphore_mem>>
      %dma_wait3A_194 = tpu.memref_squeeze %dma_wait3A_193 : memref<1x!tpu.dma_semaphore, #tpu.memory_space<semaphore_mem>> -> memref<!tpu.dma_semaphore, #tpu.memory_space<semaphore_mem>>
      %dma_wait3A_195 = arith.constant 1 : i32
      %dma_wait3A_196 = arith.constant 0 : i32
      %dma_wait3A_197 = arith.constant 0 : i32
      %dma_wait3A_198 = tpu.memref_slice %arg6[%rem3A_165, %dma_wait3A_195, %dma_wait3A_196, %dma_wait3A_197] : memref<8x8x256x256xf32, #tpu.memory_space<vmem>> -> memref<1x1x256x256xf32, #tpu.memory_space<vmem>>
      %dma_wait3A_199 = tpu.memref_squeeze %dma_wait3A_198 : memref<1x1x256x256xf32, #tpu.memory_space<vmem>> -> memref<1x256x256xf32, #tpu.memory_space<vmem>>
      %dma_wait3A_200 = arith.constant 0 : i32
      %dma_wait3A_201 = arith.constant 0 : i32
      %dma_wait3A_202 = tpu.memref_slice %arg1[%get3A_192, %dma_wait3A_200, %dma_wait3A_201] : memref<2048x256x256xf32, #tpu.memory_space<any>> -> memref<1x256x256xf32, #tpu.memory_space<any>>
      tpu.wait_dma2 semaphore(%dma_wait3A_194 : memref<!tpu.dma_semaphore, #tpu.memory_space<semaphore_mem>>) src(%dma_wait3A_202 : memref<1x256x256xf32, #tpu.memory_space<any>>) dst(%dma_wait3A_199 : memref<1x256x256xf32, #tpu.memory_space<vmem>>)
      %mul3A_203 = arith.constant 8 : i32
      %mul3A_204 = arith.muli %while3A_163, %mul3A_203 : i32
      %add3A_205 = arith.constant 2 : i32
      %add3A_206 = arith.addi %mul3A_204, %add3A_205 : i32
      %get3A_207 = arith.index_cast %add3A_206 : i32 to index
      %get3A_208 = memref.load %arg8[%get3A_207] : memref<2056xi32, #tpu.memory_space<smem>>
      %dma_wait3A_209 = tpu.memref_slice %arg10[%rem3A_165] : memref<8x!tpu.dma_semaphore, #tpu.memory_space<semaphore_mem>> -> memref<1x!tpu.dma_semaphore, #tpu.memory_space<semaphore_mem>>
      %dma_wait3A_210 = tpu.memref_squeeze %dma_wait3A_209 : memref<1x!tpu.dma_semaphore, #tpu.memory_space<semaphore_mem>> -> memref<!tpu.dma_semaphore, #tpu.memory_space<semaphore_mem>>
      %dma_wait3A_211 = arith.constant 2 : i32
      %dma_wait3A_212 = arith.constant 0 : i32
      %dma_wait3A_213 = arith.constant 0 : i32
      %dma_wait3A_214 = tpu.memref_slice %arg6[%rem3A_165, %dma_wait3A_211, %dma_wait3A_212, %dma_wait3A_213] : memref<8x8x256x256xf32, #tpu.memory_space<vmem>> -> memref<1x1x256x256xf32, #tpu.memory_space<vmem>>
      %dma_wait3A_215 = tpu.memref_squeeze %dma_wait3A_214 : memref<1x1x256x256xf32, #tpu.memory_space<vmem>> -> memref<1x256x256xf32, #tpu.memory_space<vmem>>
      %dma_wait3A_216 = arith.constant 0 : i32
      %dma_wait3A_217 = arith.constant 0 : i32
      %dma_wait3A_218 = tpu.memref_slice %arg1[%get3A_208, %dma_wait3A_216, %dma_wait3A_217] : memref<2048x256x256xf32, #tpu.memory_space<any>> -> memref<1x256x256xf32, #tpu.memory_space<any>>
      tpu.wait_dma2 semaphore(%dma_wait3A_210 : memref<!tpu.dma_semaphore, #tpu.memory_space<semaphore_mem>>) src(%dma_wait3A_218 : memref<1x256x256xf32, #tpu.memory_space<any>>) dst(%dma_wait3A_215 : memref<1x256x256xf32, #tpu.memory_space<vmem>>)
      %mul3A_219 = arith.constant 8 : i32
      %mul3A_220 = arith.muli %while3A_163, %mul3A_219 : i32
      %add3A_221 = arith.constant 3 : i32
      %add3A_222 = arith.addi %mul3A_220, %add3A_221 : i32
      %get3A_223 = arith.index_cast %add3A_222 : i32 to index
      %get3A_224 = memref.load %arg8[%get3A_223] : memref<2056xi32, #tpu.memory_space<smem>>
      %dma_wait3A_225 = tpu.memref_slice %arg10[%rem3A_165] : memref<8x!tpu.dma_semaphore, #tpu.memory_space<semaphore_mem>> -> memref<1x!tpu.dma_semaphore, #tpu.memory_space<semaphore_mem>>
      %dma_wait3A_226 = tpu.memref_squeeze %dma_wait3A_225 : memref<1x!tpu.dma_semaphore, #tpu.memory_space<semaphore_mem>> -> memref<!tpu.dma_semaphore, #tpu.memory_space<semaphore_mem>>
      %dma_wait3A_227 = arith.constant 3 : i32
      %dma_wait3A_228 = arith.constant 0 : i32
      %dma_wait3A_229 = arith.constant 0 : i32
      %dma_wait3A_230 = tpu.memref_slice %arg6[%rem3A_165, %dma_wait3A_227, %dma_wait3A_228, %dma_wait3A_229] : memref<8x8x256x256xf32, #tpu.memory_space<vmem>> -> memref<1x1x256x256xf32, #tpu.memory_space<vmem>>
      %dma_wait3A_231 = tpu.memref_squeeze %dma_wait3A_230 : memref<1x1x256x256xf32, #tpu.memory_space<vmem>> -> memref<1x256x256xf32, #tpu.memory_space<vmem>>
      %dma_wait3A_232 = arith.constant 0 : i32
      %dma_wait3A_233 = arith.constant 0 : i32
      %dma_wait3A_234 = tpu.memref_slice %arg1[%get3A_224, %dma_wait3A_232, %dma_wait3A_233] : memref<2048x256x256xf32, #tpu.memory_space<any>> -> memref<1x256x256xf32, #tpu.memory_space<any>>
      tpu.wait_dma2 semaphore(%dma_wait3A_226 : memref<!tpu.dma_semaphore, #tpu.memory_space<semaphore_mem>>) src(%dma_wait3A_234 : memref<1x256x256xf32, #tpu.memory_space<any>>) dst(%dma_wait3A_231 : memref<1x256x256xf32, #tpu.memory_space<vmem>>)
      %mul3A_235 = arith.constant 8 : i32
      %mul3A_236 = arith.muli %while3A_163, %mul3A_235 : i32
      %add3A_237 = arith.constant 4 : i32
      %add3A_238 = arith.addi %mul3A_236, %add3A_237 : i32
      %get3A_239 = arith.index_cast %add3A_238 : i32 to index
      %get3A_240 = memref.load %arg8[%get3A_239] : memref<2056xi32, #tpu.memory_space<smem>>
      %dma_wait3A_241 = tpu.memref_slice %arg10[%rem3A_165] : memref<8x!tpu.dma_semaphore, #tpu.memory_space<semaphore_mem>> -> memref<1x!tpu.dma_semaphore, #tpu.memory_space<semaphore_mem>>
      %dma_wait3A_242 = tpu.memref_squeeze %dma_wait3A_241 : memref<1x!tpu.dma_semaphore, #tpu.memory_space<semaphore_mem>> -> memref<!tpu.dma_semaphore, #tpu.memory_space<semaphore_mem>>
      %dma_wait3A_243 = arith.constant 4 : i32
      %dma_wait3A_244 = arith.constant 0 : i32
      %dma_wait3A_245 = arith.constant 0 : i32
      %dma_wait3A_246 = tpu.memref_slice %arg6[%rem3A_165, %dma_wait3A_243, %dma_wait3A_244, %dma_wait3A_245] : memref<8x8x256x256xf32, #tpu.memory_space<vmem>> -> memref<1x1x256x256xf32, #tpu.memory_space<vmem>>
      %dma_wait3A_247 = tpu.memref_squeeze %dma_wait3A_246 : memref<1x1x256x256xf32, #tpu.memory_space<vmem>> -> memref<1x256x256xf32, #tpu.memory_space<vmem>>
      %dma_wait3A_248 = arith.constant 0 : i32
      %dma_wait3A_249 = arith.constant 0 : i32
      %dma_wait3A_250 = tpu.memref_slice %arg1[%get3A_240, %dma_wait3A_248, %dma_wait3A_249] : memref<2048x256x256xf32, #tpu.memory_space<any>> -> memref<1x256x256xf32, #tpu.memory_space<any>>
      tpu.wait_dma2 semaphore(%dma_wait3A_242 : memref<!tpu.dma_semaphore, #tpu.memory_space<semaphore_mem>>) src(%dma_wait3A_250 : memref<1x256x256xf32, #tpu.memory_space<any>>) dst(%dma_wait3A_247 : memref<1x256x256xf32, #tpu.memory_space<vmem>>)
      %mul3A_251 = arith.constant 8 : i32
      %mul3A_252 = arith.muli %while3A_163, %mul3A_251 : i32
      %add3A_253 = arith.constant 5 : i32
      %add3A_254 = arith.addi %mul3A_252, %add3A_253 : i32
      %get3A_255 = arith.index_cast %add3A_254 : i32 to index
      %get3A_256 = memref.load %arg8[%get3A_255] : memref<2056xi32, #tpu.memory_space<smem>>
      %dma_wait3A_257 = tpu.memref_slice %arg10[%rem3A_165] : memref<8x!tpu.dma_semaphore, #tpu.memory_space<semaphore_mem>> -> memref<1x!tpu.dma_semaphore, #tpu.memory_space<semaphore_mem>>
      %dma_wait3A_258 = tpu.memref_squeeze %dma_wait3A_257 : memref<1x!tpu.dma_semaphore, #tpu.memory_space<semaphore_mem>> -> memref<!tpu.dma_semaphore, #tpu.memory_space<semaphore_mem>>
      %dma_wait3A_259 = arith.constant 5 : i32
      %dma_wait3A_260 = arith.constant 0 : i32
      %dma_wait3A_261 = arith.constant 0 : i32
      %dma_wait3A_262 = tpu.memref_slice %arg6[%rem3A_165, %dma_wait3A_259, %dma_wait3A_260, %dma_wait3A_261] : memref<8x8x256x256xf32, #tpu.memory_space<vmem>> -> memref<1x1x256x256xf32, #tpu.memory_space<vmem>>
      %dma_wait3A_263 = tpu.memref_squeeze %dma_wait3A_262 : memref<1x1x256x256xf32, #tpu.memory_space<vmem>> -> memref<1x256x256xf32, #tpu.memory_space<vmem>>
      %dma_wait3A_264 = arith.constant 0 : i32
      %dma_wait3A_265 = arith.constant 0 : i32
      %dma_wait3A_266 = tpu.memref_slice %arg1[%get3A_256, %dma_wait3A_264, %dma_wait3A_265] : memref<2048x256x256xf32, #tpu.memory_space<any>> -> memref<1x256x256xf32, #tpu.memory_space<any>>
      tpu.wait_dma2 semaphore(%dma_wait3A_258 : memref<!tpu.dma_semaphore, #tpu.memory_space<semaphore_mem>>) src(%dma_wait3A_266 : memref<1x256x256xf32, #tpu.memory_space<any>>) dst(%dma_wait3A_263 : memref<1x256x256xf32, #tpu.memory_space<vmem>>)
      %mul3A_267 = arith.constant 8 : i32
      %mul3A_268 = arith.muli %while3A_163, %mul3A_267 : i32
      %add3A_269 = arith.constant 6 : i32
      %add3A_270 = arith.addi %mul3A_268, %add3A_269 : i32
      %get3A_271 = arith.index_cast %add3A_270 : i32 to index
      %get3A_272 = memref.load %arg8[%get3A_271] : memref<2056xi32, #tpu.memory_space<smem>>
      %dma_wait3A_273 = tpu.memref_slice %arg10[%rem3A_165] : memref<8x!tpu.dma_semaphore, #tpu.memory_space<semaphore_mem>> -> memref<1x!tpu.dma_semaphore, #tpu.memory_space<semaphore_mem>>
      %dma_wait3A_274 = tpu.memref_squeeze %dma_wait3A_273 : memref<1x!tpu.dma_semaphore, #tpu.memory_space<semaphore_mem>> -> memref<!tpu.dma_semaphore, #tpu.memory_space<semaphore_mem>>
      %dma_wait3A_275 = arith.constant 6 : i32
      %dma_wait3A_276 = arith.constant 0 : i32
      %dma_wait3A_277 = arith.constant 0 : i32
      %dma_wait3A_278 = tpu.memref_slice %arg6[%rem3A_165, %dma_wait3A_275, %dma_wait3A_276, %dma_wait3A_277] : memref<8x8x256x256xf32, #tpu.memory_space<vmem>> -> memref<1x1x256x256xf32, #tpu.memory_space<vmem>>
      %dma_wait3A_279 = tpu.memref_squeeze %dma_wait3A_278 : memref<1x1x256x256xf32, #tpu.memory_space<vmem>> -> memref<1x256x256xf32, #tpu.memory_space<vmem>>
      %dma_wait3A_280 = arith.constant 0 : i32
      %dma_wait3A_281 = arith.constant 0 : i32
      %dma_wait3A_282 = tpu.memref_slice %arg1[%get3A_272, %dma_wait3A_280, %dma_wait3A_281] : memref<2048x256x256xf32, #tpu.memory_space<any>> -> memref<1x256x256xf32, #tpu.memory_space<any>>
      tpu.wait_dma2 semaphore(%dma_wait3A_274 : memref<!tpu.dma_semaphore, #tpu.memory_space<semaphore_mem>>) src(%dma_wait3A_282 : memref<1x256x256xf32, #tpu.memory_space<any>>) dst(%dma_wait3A_279 : memref<1x256x256xf32, #tpu.memory_space<vmem>>)
      %mul3A_283 = arith.constant 8 : i32
      %mul3A_284 = arith.muli %while3A_163, %mul3A_283 : i32
      %add3A_285 = arith.constant 7 : i32
      %add3A_286 = arith.addi %mul3A_284, %add3A_285 : i32
      %get3A_287 = arith.index_cast %add3A_286 : i32 to index
      %get3A_288 = memref.load %arg8[%get3A_287] : memref<2056xi32, #tpu.memory_space<smem>>
      %dma_wait3A_289 = tpu.memref_slice %arg10[%rem3A_165] : memref<8x!tpu.dma_semaphore, #tpu.memory_space<semaphore_mem>> -> memref<1x!tpu.dma_semaphore, #tpu.memory_space<semaphore_mem>>
      %dma_wait3A_290 = tpu.memref_squeeze %dma_wait3A_289 : memref<1x!tpu.dma_semaphore, #tpu.memory_space<semaphore_mem>> -> memref<!tpu.dma_semaphore, #tpu.memory_space<semaphore_mem>>
      %dma_wait3A_291 = arith.constant 7 : i32
      %dma_wait3A_292 = arith.constant 0 : i32
      %dma_wait3A_293 = arith.constant 0 : i32
      %dma_wait3A_294 = tpu.memref_slice %arg6[%rem3A_165, %dma_wait3A_291, %dma_wait3A_292, %dma_wait3A_293] : memref<8x8x256x256xf32, #tpu.memory_space<vmem>> -> memref<1x1x256x256xf32, #tpu.memory_space<vmem>>
      %dma_wait3A_295 = tpu.memref_squeeze %dma_wait3A_294 : memref<1x1x256x256xf32, #tpu.memory_space<vmem>> -> memref<1x256x256xf32, #tpu.memory_space<vmem>>
      %dma_wait3A_296 = arith.constant 0 : i32
      %dma_wait3A_297 = arith.constant 0 : i32
      %dma_wait3A_298 = tpu.memref_slice %arg1[%get3A_288, %dma_wait3A_296, %dma_wait3A_297] : memref<2048x256x256xf32, #tpu.memory_space<any>> -> memref<1x256x256xf32, #tpu.memory_space<any>>
      tpu.wait_dma2 semaphore(%dma_wait3A_290 : memref<!tpu.dma_semaphore, #tpu.memory_space<semaphore_mem>>) src(%dma_wait3A_298 : memref<1x256x256xf32, #tpu.memory_space<any>>) dst(%dma_wait3A_295 : memref<1x256x256xf32, #tpu.memory_space<vmem>>)
      %broadcast_in_dim3A_299 = arith.constant 0.000000e+00 : f32
      %broadcast_in_dim3A_300 = vector.broadcast %broadcast_in_dim3A_299 : f32 to vector<1x256xf32>
      %mul3A_301 = arith.constant 8 : i32
      %mul3A_302 = arith.muli %while3A_163, %mul3A_301 : i32
      %add3A_303 = arith.constant 0 : i32
      %add3A_304 = arith.addi %mul3A_302, %add3A_303 : i32
      %get3A_305 = arith.index_cast %add3A_304 : i32 to index
      %get3A_306 = memref.load %arg8[%get3A_305] : memref<2056xi32, #tpu.memory_space<smem>>
      %get3A_307 = arith.index_cast %add3A_304 : i32 to index
      %get3A_308 = memref.load %arg9[%get3A_307] : memref<2056xf32, #tpu.memory_space<smem>>
      %get3A_309 = arith.index_cast %get3A_306 : i32 to index
      %get3A_310 = arith.constant 0 : index
      %get3A_311 = vector.load %arg2[%get3A_309, %get3A_310] : memref<2048x256xf32, #tpu.memory_space<vmem>>, vector<1x256xf32>
      %mul3A_312 = vector.broadcast %get3A_308 : f32 to vector<1x256xf32>
      %mul3A_313 = arith.mulf %get3A_311, %mul3A_312 : vector<1x256xf32>
      %get3A_314 = arith.index_cast %rem3A_165 : i32 to index
      %get3A_315 = arith.constant 0 : index
      %get3A_316 = arith.constant 0 : index
      %get3A_317 = arith.constant 0 : index
      %get3A_318 = vector.load %arg6[%get3A_314, %get3A_315, %get3A_316, %get3A_317] : memref<8x8x256x256xf32, #tpu.memory_space<vmem>>, vector<1x1x256x256xf32>
      %get3A_319 = vector.shape_cast %get3A_318 : vector<1x1x256x256xf32> to vector<256x256xf32>
      %dot_general3A_320 = arith.constant dense<0.000000e+00> : vector<1x256xf32>
      %dot_general3A_321 = tpu.matmul %mul3A_313, %get3A_319, %dot_general3A_320 {dimension_numbers = #tpu.dot_dimension_numbers<[1], [1], [0], [0], [0, 0, 1, 0], [], []>, transpose_lhs_hint = false} : vector<1x256xf32>, vector<256x256xf32>, vector<1x256xf32> -> vector<1x256xf32>
      %add3A_322 = arith.addf %broadcast_in_dim3A_300, %dot_general3A_321 : vector<1x256xf32>
      %mul3A_323 = arith.constant 8 : i32
      %mul3A_324 = arith.muli %while3A_163, %mul3A_323 : i32
      %add3A_325 = arith.constant 1 : i32
      %add3A_326 = arith.addi %mul3A_324, %add3A_325 : i32
      %get3A_327 = arith.index_cast %add3A_326 : i32 to index
      %get3A_328 = memref.load %arg8[%get3A_327] : memref<2056xi32, #tpu.memory_space<smem>>
      %get3A_329 = arith.index_cast %add3A_326 : i32 to index
      %get3A_330 = memref.load %arg9[%get3A_329] : memref<2056xf32, #tpu.memory_space<smem>>
      %get3A_331 = arith.index_cast %get3A_328 : i32 to index
      %get3A_332 = arith.constant 0 : index
      %get3A_333 = vector.load %arg2[%get3A_331, %get3A_332] : memref<2048x256xf32, #tpu.memory_space<vmem>>, vector<1x256xf32>
      %mul3A_334 = vector.broadcast %get3A_330 : f32 to vector<1x256xf32>
      %mul3A_335 = arith.mulf %get3A_333, %mul3A_334 : vector<1x256xf32>
      %get3A_336 = arith.index_cast %rem3A_165 : i32 to index
      %get3A_337 = arith.constant 1 : index
      %get3A_338 = arith.constant 0 : index
      %get3A_339 = arith.constant 0 : index
      %get3A_340 = vector.load %arg6[%get3A_336, %get3A_337, %get3A_338, %get3A_339] : memref<8x8x256x256xf32, #tpu.memory_space<vmem>>, vector<1x1x256x256xf32>
      %get3A_341 = vector.shape_cast %get3A_340 : vector<1x1x256x256xf32> to vector<256x256xf32>
      %dot_general3A_342 = arith.constant dense<0.000000e+00> : vector<1x256xf32>
      %dot_general3A_343 = tpu.matmul %mul3A_335, %get3A_341, %dot_general3A_342 {dimension_numbers = #tpu.dot_dimension_numbers<[1], [1], [0], [0], [0, 0, 1, 0], [], []>, transpose_lhs_hint = false} : vector<1x256xf32>, vector<256x256xf32>, vector<1x256xf32> -> vector<1x256xf32>
      %add3A_344 = arith.addf %add3A_322, %dot_general3A_343 : vector<1x256xf32>
      %mul3A_345 = arith.constant 8 : i32
      %mul3A_346 = arith.muli %while3A_163, %mul3A_345 : i32
      %add3A_347 = arith.constant 2 : i32
      %add3A_348 = arith.addi %mul3A_346, %add3A_347 : i32
      %get3A_349 = arith.index_cast %add3A_348 : i32 to index
      %get3A_350 = memref.load %arg8[%get3A_349] : memref<2056xi32, #tpu.memory_space<smem>>
      %get3A_351 = arith.index_cast %add3A_348 : i32 to index
      %get3A_352 = memref.load %arg9[%get3A_351] : memref<2056xf32, #tpu.memory_space<smem>>
      %get3A_353 = arith.index_cast %get3A_350 : i32 to index
      %get3A_354 = arith.constant 0 : index
      %get3A_355 = vector.load %arg2[%get3A_353, %get3A_354] : memref<2048x256xf32, #tpu.memory_space<vmem>>, vector<1x256xf32>
      %mul3A_356 = vector.broadcast %get3A_352 : f32 to vector<1x256xf32>
      %mul3A_357 = arith.mulf %get3A_355, %mul3A_356 : vector<1x256xf32>
      %get3A_358 = arith.index_cast %rem3A_165 : i32 to index
      %get3A_359 = arith.constant 2 : index
      %get3A_360 = arith.constant 0 : index
      %get3A_361 = arith.constant 0 : index
      %get3A_362 = vector.load %arg6[%get3A_358, %get3A_359, %get3A_360, %get3A_361] : memref<8x8x256x256xf32, #tpu.memory_space<vmem>>, vector<1x1x256x256xf32>
      %get3A_363 = vector.shape_cast %get3A_362 : vector<1x1x256x256xf32> to vector<256x256xf32>
      %dot_general3A_364 = arith.constant dense<0.000000e+00> : vector<1x256xf32>
      %dot_general3A_365 = tpu.matmul %mul3A_357, %get3A_363, %dot_general3A_364 {dimension_numbers = #tpu.dot_dimension_numbers<[1], [1], [0], [0], [0, 0, 1, 0], [], []>, transpose_lhs_hint = false} : vector<1x256xf32>, vector<256x256xf32>, vector<1x256xf32> -> vector<1x256xf32>
      %add3A_366 = arith.addf %add3A_344, %dot_general3A_365 : vector<1x256xf32>
      %mul3A_367 = arith.constant 8 : i32
      %mul3A_368 = arith.muli %while3A_163, %mul3A_367 : i32
      %add3A_369 = arith.constant 3 : i32
      %add3A_370 = arith.addi %mul3A_368, %add3A_369 : i32
      %get3A_371 = arith.index_cast %add3A_370 : i32 to index
      %get3A_372 = memref.load %arg8[%get3A_371] : memref<2056xi32, #tpu.memory_space<smem>>
      %get3A_373 = arith.index_cast %add3A_370 : i32 to index
      %get3A_374 = memref.load %arg9[%get3A_373] : memref<2056xf32, #tpu.memory_space<smem>>
      %get3A_375 = arith.index_cast %get3A_372 : i32 to index
      %get3A_376 = arith.constant 0 : index
      %get3A_377 = vector.load %arg2[%get3A_375, %get3A_376] : memref<2048x256xf32, #tpu.memory_space<vmem>>, vector<1x256xf32>
      %mul3A_378 = vector.broadcast %get3A_374 : f32 to vector<1x256xf32>
      %mul3A_379 = arith.mulf %get3A_377, %mul3A_378 : vector<1x256xf32>
      %get3A_380 = arith.index_cast %rem3A_165 : i32 to index
      %get3A_381 = arith.constant 3 : index
      %get3A_382 = arith.constant 0 : index
      %get3A_383 = arith.constant 0 : index
      %get3A_384 = vector.load %arg6[%get3A_380, %get3A_381, %get3A_382, %get3A_383] : memref<8x8x256x256xf32, #tpu.memory_space<vmem>>, vector<1x1x256x256xf32>
      %get3A_385 = vector.shape_cast %get3A_384 : vector<1x1x256x256xf32> to vector<256x256xf32>
      %dot_general3A_386 = arith.constant dense<0.000000e+00> : vector<1x256xf32>
      %dot_general3A_387 = tpu.matmul %mul3A_379, %get3A_385, %dot_general3A_386 {dimension_numbers = #tpu.dot_dimension_numbers<[1], [1], [0], [0], [0, 0, 1, 0], [], []>, transpose_lhs_hint = false} : vector<1x256xf32>, vector<256x256xf32>, vector<1x256xf32> -> vector<1x256xf32>
      %add3A_388 = arith.addf %add3A_366, %dot_general3A_387 : vector<1x256xf32>
      %mul3A_389 = arith.constant 8 : i32
      %mul3A_390 = arith.muli %while3A_163, %mul3A_389 : i32
      %add3A_391 = arith.constant 4 : i32
      %add3A_392 = arith.addi %mul3A_390, %add3A_391 : i32
      %get3A_393 = arith.index_cast %add3A_392 : i32 to index
      %get3A_394 = memref.load %arg8[%get3A_393] : memref<2056xi32, #tpu.memory_space<smem>>
      %get3A_395 = arith.index_cast %add3A_392 : i32 to index
      %get3A_396 = memref.load %arg9[%get3A_395] : memref<2056xf32, #tpu.memory_space<smem>>
      %get3A_397 = arith.index_cast %get3A_394 : i32 to index
      %get3A_398 = arith.constant 0 : index
      %get3A_399 = vector.load %arg2[%get3A_397, %get3A_398] : memref<2048x256xf32, #tpu.memory_space<vmem>>, vector<1x256xf32>
      %mul3A_400 = vector.broadcast %get3A_396 : f32 to vector<1x256xf32>
      %mul3A_401 = arith.mulf %get3A_399, %mul3A_400 : vector<1x256xf32>
      %get3A_402 = arith.index_cast %rem3A_165 : i32 to index
      %get3A_403 = arith.constant 4 : index
      %get3A_404 = arith.constant 0 : index
      %get3A_405 = arith.constant 0 : index
      %get3A_406 = vector.load %arg6[%get3A_402, %get3A_403, %get3A_404, %get3A_405] : memref<8x8x256x256xf32, #tpu.memory_space<vmem>>, vector<1x1x256x256xf32>
      %get3A_407 = vector.shape_cast %get3A_406 : vector<1x1x256x256xf32> to vector<256x256xf32>
      %dot_general3A_408 = arith.constant dense<0.000000e+00> : vector<1x256xf32>
      %dot_general3A_409 = tpu.matmul %mul3A_401, %get3A_407, %dot_general3A_408 {dimension_numbers = #tpu.dot_dimension_numbers<[1], [1], [0], [0], [0, 0, 1, 0], [], []>, transpose_lhs_hint = false} : vector<1x256xf32>, vector<256x256xf32>, vector<1x256xf32> -> vector<1x256xf32>
      %add3A_410 = arith.addf %add3A_388, %dot_general3A_409 : vector<1x256xf32>
      %mul3A_411 = arith.constant 8 : i32
      %mul3A_412 = arith.muli %while3A_163, %mul3A_411 : i32
      %add3A_413 = arith.constant 5 : i32
      %add3A_414 = arith.addi %mul3A_412, %add3A_413 : i32
      %get3A_415 = arith.index_cast %add3A_414 : i32 to index
      %get3A_416 = memref.load %arg8[%get3A_415] : memref<2056xi32, #tpu.memory_space<smem>>
      %get3A_417 = arith.index_cast %add3A_414 : i32 to index
      %get3A_418 = memref.load %arg9[%get3A_417] : memref<2056xf32, #tpu.memory_space<smem>>
      %get3A_419 = arith.index_cast %get3A_416 : i32 to index
      %get3A_420 = arith.constant 0 : index
      %get3A_421 = vector.load %arg2[%get3A_419, %get3A_420] : memref<2048x256xf32, #tpu.memory_space<vmem>>, vector<1x256xf32>
      %mul3A_422 = vector.broadcast %get3A_418 : f32 to vector<1x256xf32>
      %mul3A_423 = arith.mulf %get3A_421, %mul3A_422 : vector<1x256xf32>
      %get3A_424 = arith.index_cast %rem3A_165 : i32 to index
      %get3A_425 = arith.constant 5 : index
      %get3A_426 = arith.constant 0 : index
      %get3A_427 = arith.constant 0 : index
      %get3A_428 = vector.load %arg6[%get3A_424, %get3A_425, %get3A_426, %get3A_427] : memref<8x8x256x256xf32, #tpu.memory_space<vmem>>, vector<1x1x256x256xf32>
      %get3A_429 = vector.shape_cast %get3A_428 : vector<1x1x256x256xf32> to vector<256x256xf32>
      %dot_general3A_430 = arith.constant dense<0.000000e+00> : vector<1x256xf32>
      %dot_general3A_431 = tpu.matmul %mul3A_423, %get3A_429, %dot_general3A_430 {dimension_numbers = #tpu.dot_dimension_numbers<[1], [1], [0], [0], [0, 0, 1, 0], [], []>, transpose_lhs_hint = false} : vector<1x256xf32>, vector<256x256xf32>, vector<1x256xf32> -> vector<1x256xf32>
      %add3A_432 = arith.addf %add3A_410, %dot_general3A_431 : vector<1x256xf32>
      %mul3A_433 = arith.constant 8 : i32
      %mul3A_434 = arith.muli %while3A_163, %mul3A_433 : i32
      %add3A_435 = arith.constant 6 : i32
      %add3A_436 = arith.addi %mul3A_434, %add3A_435 : i32
      %get3A_437 = arith.index_cast %add3A_436 : i32 to index
      %get3A_438 = memref.load %arg8[%get3A_437] : memref<2056xi32, #tpu.memory_space<smem>>
      %get3A_439 = arith.index_cast %add3A_436 : i32 to index
      %get3A_440 = memref.load %arg9[%get3A_439] : memref<2056xf32, #tpu.memory_space<smem>>
      %get3A_441 = arith.index_cast %get3A_438 : i32 to index
      %get3A_442 = arith.constant 0 : index
      %get3A_443 = vector.load %arg2[%get3A_441, %get3A_442] : memref<2048x256xf32, #tpu.memory_space<vmem>>, vector<1x256xf32>
      %mul3A_444 = vector.broadcast %get3A_440 : f32 to vector<1x256xf32>
      %mul3A_445 = arith.mulf %get3A_443, %mul3A_444 : vector<1x256xf32>
      %get3A_446 = arith.index_cast %rem3A_165 : i32 to index
      %get3A_447 = arith.constant 6 : index
      %get3A_448 = arith.constant 0 : index
      %get3A_449 = arith.constant 0 : index
      %get3A_450 = vector.load %arg6[%get3A_446, %get3A_447, %get3A_448, %get3A_449] : memref<8x8x256x256xf32, #tpu.memory_space<vmem>>, vector<1x1x256x256xf32>
      %get3A_451 = vector.shape_cast %get3A_450 : vector<1x1x256x256xf32> to vector<256x256xf32>
      %dot_general3A_452 = arith.constant dense<0.000000e+00> : vector<1x256xf32>
      %dot_general3A_453 = tpu.matmul %mul3A_445, %get3A_451, %dot_general3A_452 {dimension_numbers = #tpu.dot_dimension_numbers<[1], [1], [0], [0], [0, 0, 1, 0], [], []>, transpose_lhs_hint = false} : vector<1x256xf32>, vector<256x256xf32>, vector<1x256xf32> -> vector<1x256xf32>
      %add3A_454 = arith.addf %add3A_432, %dot_general3A_453 : vector<1x256xf32>
      %mul3A_455 = arith.constant 8 : i32
      %mul3A_456 = arith.muli %while3A_163, %mul3A_455 : i32
      %add3A_457 = arith.constant 7 : i32
      %add3A_458 = arith.addi %mul3A_456, %add3A_457 : i32
      %get3A_459 = arith.index_cast %add3A_458 : i32 to index
      %get3A_460 = memref.load %arg8[%get3A_459] : memref<2056xi32, #tpu.memory_space<smem>>
      %get3A_461 = arith.index_cast %add3A_458 : i32 to index
      %get3A_462 = memref.load %arg9[%get3A_461] : memref<2056xf32, #tpu.memory_space<smem>>
      %get3A_463 = arith.index_cast %get3A_460 : i32 to index
      %get3A_464 = arith.constant 0 : index
      %get3A_465 = vector.load %arg2[%get3A_463, %get3A_464] : memref<2048x256xf32, #tpu.memory_space<vmem>>, vector<1x256xf32>
      %mul3A_466 = vector.broadcast %get3A_462 : f32 to vector<1x256xf32>
      %mul3A_467 = arith.mulf %get3A_465, %mul3A_466 : vector<1x256xf32>
      %get3A_468 = arith.index_cast %rem3A_165 : i32 to index
      %get3A_469 = arith.constant 7 : index
      %get3A_470 = arith.constant 0 : index
      %get3A_471 = arith.constant 0 : index
      %get3A_472 = vector.load %arg6[%get3A_468, %get3A_469, %get3A_470, %get3A_471] : memref<8x8x256x256xf32, #tpu.memory_space<vmem>>, vector<1x1x256x256xf32>
      %get3A_473 = vector.shape_cast %get3A_472 : vector<1x1x256x256xf32> to vector<256x256xf32>
      %dot_general3A_474 = arith.constant dense<0.000000e+00> : vector<1x256xf32>
      %dot_general3A_475 = tpu.matmul %mul3A_467, %get3A_473, %dot_general3A_474 {dimension_numbers = #tpu.dot_dimension_numbers<[1], [1], [0], [0], [0, 0, 1, 0], [], []>, transpose_lhs_hint = false} : vector<1x256xf32>, vector<256x256xf32>, vector<1x256xf32> -> vector<1x256xf32>
      %add3A_476 = arith.addf %add3A_454, %dot_general3A_475 : vector<1x256xf32>
      %get3A_477 = arith.constant 0 : index
      %get3A_478 = arith.constant 0 : index
      %get3A_479 = vector.load %arg7[%get3A_477, %get3A_478] : memref<1x256xf32, #tpu.memory_space<vmem>>, vector<1x256xf32>
      %add3A_480 = arith.addf %get3A_479, %add3A_476 : vector<1x256xf32>
      %swap3A_481 = arith.constant 0 : index
      %swap3A_482 = arith.constant 0 : index
      %swap3A_483 = vector.load %arg7[%swap3A_481, %swap3A_482] : memref<1x256xf32, #tpu.memory_space<vmem>>, vector<1x256xf32>
      tpu.vector_store %arg7[%swap3A_481, %swap3A_482], %add3A_480 {strides = array<i32>} : memref<1x256xf32, #tpu.memory_space<vmem>>, vector<1x256xf32>,
    }
    %while3A_148 = arith.constant 1 : i32
    scf.for %while3A_163 = %while3A_146 to %while3A_142 step %while3A_148  : i32 {
      %rem3A_164 = arith.constant 8 : i32
      %rem3A_165 = arith.remsi %while3A_163, %rem3A_164 : i32
      %add3A_166 = arith.constant 8 : i32
      %add3A_167 = arith.addi %while3A_163, %add3A_166 : i32
      %sub3A_168 = arith.constant 1 : i32
      %sub3A_169 = arith.subi %add3A_167, %sub3A_168 : i32
      %lt3A = arith.cmpi slt, %sub3A_169, %select_n3A_102 : i32
      %convert_element_type3A_170 = arith.extui %lt3A : i1 to i32
      %cond3A_171 = arith.constant 0 : i32
      %cond3A_172 = arith.cmpi ne, %convert_element_type3A_170, %cond3A_171 : i32
      scf.if %cond3A_172 {
        %add3A_484 = arith.constant 8 : i32
        %add3A_485 = arith.addi %while3A_163, %add3A_484 : i32
        %sub3A_486 = arith.constant 1 : i32
        %sub3A_487 = arith.subi %add3A_485, %sub3A_486 : i32
        %add3A_488 = arith.constant 8 : i32
        %add3A_489 = arith.addi %while3A_163, %add3A_488 : i32
        %sub3A_490 = arith.constant 1 : i32
        %sub3A_491 = arith.subi %add3A_489, %sub3A_490 : i32
        %rem3A_492 = arith.constant 8 : i32
        %rem3A_493 = arith.remsi %sub3A_491, %rem3A_492 : i32
        %mul3A_494 = arith.constant 8 : i32
        %mul3A_495 = arith.muli %sub3A_487, %mul3A_494 : i32
        %add3A_496 = arith.constant 0 : i32
        %add3A_497 = arith.addi %mul3A_495, %add3A_496 : i32
        %get3A_498 = arith.index_cast %add3A_497 : i32 to index
        %get3A_499 = memref.load %arg8[%get3A_498] : memref<2056xi32, #tpu.memory_space<smem>>
        %dma_start3A = tpu.memref_slice %arg10[%rem3A_493] : memref<8x!tpu.dma_semaphore, #tpu.memory_space<semaphore_mem>> -> memref<1x!tpu.dma_semaphore, #tpu.memory_space<semaphore_mem>>
        %dma_start3A_500 = tpu.memref_squeeze %dma_start3A : memref<1x!tpu.dma_semaphore, #tpu.memory_space<semaphore_mem>> -> memref<!tpu.dma_semaphore, #tpu.memory_space<semaphore_mem>>
        %dma_start3A_501 = arith.constant 0 : i32
        %dma_start3A_502 = arith.constant 0 : i32
        %dma_start3A_503 = arith.constant 0 : i32
        %dma_start3A_504 = tpu.memref_slice %arg6[%rem3A_493, %dma_start3A_501, %dma_start3A_502, %dma_start3A_503] : memref<8x8x256x256xf32, #tpu.memory_space<vmem>> -> memref<1x1x256x256xf32, #tpu.memory_space<vmem>>
        %dma_start3A_505 = tpu.memref_squeeze %dma_start3A_504 : memref<1x1x256x256xf32, #tpu.memory_space<vmem>> -> memref<1x256x256xf32, #tpu.memory_space<vmem>>
        %dma_start3A_506 = arith.constant 0 : i32
        %dma_start3A_507 = arith.constant 0 : i32
        %dma_start3A_508 = tpu.memref_slice %arg1[%get3A_499, %dma_start3A_506, %dma_start3A_507] : memref<2048x256x256xf32, #tpu.memory_space<any>> -> memref<1x256x256xf32, #tpu.memory_space<any>>
        tpu.enqueue_dma source(%dma_start3A_508 : memref<1x256x256xf32, #tpu.memory_space<any>>) target(%dma_start3A_505 : memref<1x256x256xf32, #tpu.memory_space<vmem>>) target_semaphore(%dma_start3A_500 : memref<!tpu.dma_semaphore, #tpu.memory_space<semaphore_mem>>)
        %mul3A_509 = arith.constant 8 : i32
        %mul3A_510 = arith.muli %sub3A_487, %mul3A_509 : i32
        %add3A_511 = arith.constant 1 : i32
        %add3A_512 = arith.addi %mul3A_510, %add3A_511 : i32
        %get3A_513 = arith.index_cast %add3A_512 : i32 to index
        %get3A_514 = memref.load %arg8[%get3A_513] : memref<2056xi32, #tpu.memory_space<smem>>
        %dma_start3A_515 = tpu.memref_slice %arg10[%rem3A_493] : memref<8x!tpu.dma_semaphore, #tpu.memory_space<semaphore_mem>> -> memref<1x!tpu.dma_semaphore, #tpu.memory_space<semaphore_mem>>
        %dma_start3A_516 = tpu.memref_squeeze %dma_start3A_515 : memref<1x!tpu.dma_semaphore, #tpu.memory_space<semaphore_mem>> -> memref<!tpu.dma_semaphore, #tpu.memory_space<semaphore_mem>>
        %dma_start3A_517 = arith.constant 1 : i32
        %dma_start3A_518 = arith.constant 0 : i32
        %dma_start3A_519 = arith.constant 0 : i32
        %dma_start3A_520 = tpu.memref_slice %arg6[%rem3A_493, %dma_start3A_517, %dma_start3A_518, %dma_start3A_519] : memref<8x8x256x256xf32, #tpu.memory_space<vmem>> -> memref<1x1x256x256xf32, #tpu.memory_space<vmem>>
        %dma_start3A_521 = tpu.memref_squeeze %dma_start3A_520 : memref<1x1x256x256xf32, #tpu.memory_space<vmem>> -> memref<1x256x256xf32, #tpu.memory_space<vmem>>
        %dma_start3A_522 = arith.constant 0 : i32
        %dma_start3A_523 = arith.constant 0 : i32
        %dma_start3A_524 = tpu.memref_slice %arg1[%get3A_514, %dma_start3A_522, %dma_start3A_523] : memref<2048x256x256xf32, #tpu.memory_space<any>> -> memref<1x256x256xf32, #tpu.memory_space<any>>
        tpu.enqueue_dma source(%dma_start3A_524 : memref<1x256x256xf32, #tpu.memory_space<any>>) target(%dma_start3A_521 : memref<1x256x256xf32, #tpu.memory_space<vmem>>) target_semaphore(%dma_start3A_516 : memref<!tpu.dma_semaphore, #tpu.memory_space<semaphore_mem>>)
        %mul3A_525 = arith.constant 8 : i32
        %mul3A_526 = arith.muli %sub3A_487, %mul3A_525 : i32
        %add3A_527 = arith.constant 2 : i32
        %add3A_528 = arith.addi %mul3A_526, %add3A_527 : i32
        %get3A_529 = arith.index_cast %add3A_528 : i32 to index
        %get3A_530 = memref.load %arg8[%get3A_529] : memref<2056xi32, #tpu.memory_space<smem>>
        %dma_start3A_531 = tpu.memref_slice %arg10[%rem3A_493] : memref<8x!tpu.dma_semaphore, #tpu.memory_space<semaphore_mem>> -> memref<1x!tpu.dma_semaphore, #tpu.memory_space<semaphore_mem>>
        %dma_start3A_532 = tpu.memref_squeeze %dma_start3A_531 : memref<1x!tpu.dma_semaphore, #tpu.memory_space<semaphore_mem>> -> memref<!tpu.dma_semaphore, #tpu.memory_space<semaphore_mem>>
        %dma_start3A_533 = arith.constant 2 : i32
        %dma_start3A_534 = arith.constant 0 : i32
        %dma_start3A_535 = arith.constant 0 : i32
        %dma_start3A_536 = tpu.memref_slice %arg6[%rem3A_493, %dma_start3A_533, %dma_start3A_534, %dma_start3A_535] : memref<8x8x256x256xf32, #tpu.memory_space<vmem>> -> memref<1x1x256x256xf32, #tpu.memory_space<vmem>>
        %dma_start3A_537 = tpu.memref_squeeze %dma_start3A_536 : memref<1x1x256x256xf32, #tpu.memory_space<vmem>> -> memref<1x256x256xf32, #tpu.memory_space<vmem>>
        %dma_start3A_538 = arith.constant 0 : i32
        %dma_start3A_539 = arith.constant 0 : i32
        %dma_start3A_540 = tpu.memref_slice %arg1[%get3A_530, %dma_start3A_538, %dma_start3A_539] : memref<2048x256x256xf32, #tpu.memory_space<any>> -> memref<1x256x256xf32, #tpu.memory_space<any>>
        tpu.enqueue_dma source(%dma_start3A_540 : memref<1x256x256xf32, #tpu.memory_space<any>>) target(%dma_start3A_537 : memref<1x256x256xf32, #tpu.memory_space<vmem>>) target_semaphore(%dma_start3A_532 : memref<!tpu.dma_semaphore, #tpu.memory_space<semaphore_mem>>)
        %mul3A_541 = arith.constant 8 : i32
        %mul3A_542 = arith.muli %sub3A_487, %mul3A_541 : i32
        %add3A_543 = arith.constant 3 : i32
        %add3A_544 = arith.addi %mul3A_542, %add3A_543 : i32
        %get3A_545 = arith.index_cast %add3A_544 : i32 to index
        %get3A_546 = memref.load %arg8[%get3A_545] : memref<2056xi32, #tpu.memory_space<smem>>
        %dma_start3A_547 = tpu.memref_slice %arg10[%rem3A_493] : memref<8x!tpu.dma_semaphore, #tpu.memory_space<semaphore_mem>> -> memref<1x!tpu.dma_semaphore, #tpu.memory_space<semaphore_mem>>
        %dma_start3A_548 = tpu.memref_squeeze %dma_start3A_547 : memref<1x!tpu.dma_semaphore, #tpu.memory_space<semaphore_mem>> -> memref<!tpu.dma_semaphore, #tpu.memory_space<semaphore_mem>>
        %dma_start3A_549 = arith.constant 3 : i32
        %dma_start3A_550 = arith.constant 0 : i32
        %dma_start3A_551 = arith.constant 0 : i32
        %dma_start3A_552 = tpu.memref_slice %arg6[%rem3A_493, %dma_start3A_549, %dma_start3A_550, %dma_start3A_551] : memref<8x8x256x256xf32, #tpu.memory_space<vmem>> -> memref<1x1x256x256xf32, #tpu.memory_space<vmem>>
        %dma_start3A_553 = tpu.memref_squeeze %dma_start3A_552 : memref<1x1x256x256xf32, #tpu.memory_space<vmem>> -> memref<1x256x256xf32, #tpu.memory_space<vmem>>
        %dma_start3A_554 = arith.constant 0 : i32
        %dma_start3A_555 = arith.constant 0 : i32
        %dma_start3A_556 = tpu.memref_slice %arg1[%get3A_546, %dma_start3A_554, %dma_start3A_555] : memref<2048x256x256xf32, #tpu.memory_space<any>> -> memref<1x256x256xf32, #tpu.memory_space<any>>
        tpu.enqueue_dma source(%dma_start3A_556 : memref<1x256x256xf32, #tpu.memory_space<any>>) target(%dma_start3A_553 : memref<1x256x256xf32, #tpu.memory_space<vmem>>) target_semaphore(%dma_start3A_548 : memref<!tpu.dma_semaphore, #tpu.memory_space<semaphore_mem>>)
        %mul3A_557 = arith.constant 8 : i32
        %mul3A_558 = arith.muli %sub3A_487, %mul3A_557 : i32
        %add3A_559 = arith.constant 4 : i32
        %add3A_560 = arith.addi %mul3A_558, %add3A_559 : i32
        %get3A_561 = arith.index_cast %add3A_560 : i32 to index
        %get3A_562 = memref.load %arg8[%get3A_561] : memref<2056xi32, #tpu.memory_space<smem>>
        %dma_start3A_563 = tpu.memref_slice %arg10[%rem3A_493] : memref<8x!tpu.dma_semaphore, #tpu.memory_space<semaphore_mem>> -> memref<1x!tpu.dma_semaphore, #tpu.memory_space<semaphore_mem>>
        %dma_start3A_564 = tpu.memref_squeeze %dma_start3A_563 : memref<1x!tpu.dma_semaphore, #tpu.memory_space<semaphore_mem>> -> memref<!tpu.dma_semaphore, #tpu.memory_space<semaphore_mem>>
        %dma_start3A_565 = arith.constant 4 : i32
        %dma_start3A_566 = arith.constant 0 : i32
        %dma_start3A_567 = arith.constant 0 : i32
        %dma_start3A_568 = tpu.memref_slice %arg6[%rem3A_493, %dma_start3A_565, %dma_start3A_566, %dma_start3A_567] : memref<8x8x256x256xf32, #tpu.memory_space<vmem>> -> memref<1x1x256x256xf32, #tpu.memory_space<vmem>>
        %dma_start3A_569 = tpu.memref_squeeze %dma_start3A_568 : memref<1x1x256x256xf32, #tpu.memory_space<vmem>> -> memref<1x256x256xf32, #tpu.memory_space<vmem>>
        %dma_start3A_570 = arith.constant 0 : i32
        %dma_start3A_571 = arith.constant 0 : i32
        %dma_start3A_572 = tpu.memref_slice %arg1[%get3A_562, %dma_start3A_570, %dma_start3A_571] : memref<2048x256x256xf32, #tpu.memory_space<any>> -> memref<1x256x256xf32, #tpu.memory_space<any>>
        tpu.enqueue_dma source(%dma_start3A_572 : memref<1x256x256xf32, #tpu.memory_space<any>>) target(%dma_start3A_569 : memref<1x256x256xf32, #tpu.memory_space<vmem>>) target_semaphore(%dma_start3A_564 : memref<!tpu.dma_semaphore, #tpu.memory_space<semaphore_mem>>)
        %mul3A_573 = arith.constant 8 : i32
        %mul3A_574 = arith.muli %sub3A_487, %mul3A_573 : i32
        %add3A_575 = arith.constant 5 : i32
        %add3A_576 = arith.addi %mul3A_574, %add3A_575 : i32
        %get3A_577 = arith.index_cast %add3A_576 : i32 to index
        %get3A_578 = memref.load %arg8[%get3A_577] : memref<2056xi32, #tpu.memory_space<smem>>
        %dma_start3A_579 = tpu.memref_slice %arg10[%rem3A_493] : memref<8x!tpu.dma_semaphore, #tpu.memory_space<semaphore_mem>> -> memref<1x!tpu.dma_semaphore, #tpu.memory_space<semaphore_mem>>
        %dma_start3A_580 = tpu.memref_squeeze %dma_start3A_579 : memref<1x!tpu.dma_semaphore, #tpu.memory_space<semaphore_mem>> -> memref<!tpu.dma_semaphore, #tpu.memory_space<semaphore_mem>>
        %dma_start3A_581 = arith.constant 5 : i32
        %dma_start3A_582 = arith.constant 0 : i32
        %dma_start3A_583 = arith.constant 0 : i32
        %dma_start3A_584 = tpu.memref_slice %arg6[%rem3A_493, %dma_start3A_581, %dma_start3A_582, %dma_start3A_583] : memref<8x8x256x256xf32, #tpu.memory_space<vmem>> -> memref<1x1x256x256xf32, #tpu.memory_space<vmem>>
        %dma_start3A_585 = tpu.memref_squeeze %dma_start3A_584 : memref<1x1x256x256xf32, #tpu.memory_space<vmem>> -> memref<1x256x256xf32, #tpu.memory_space<vmem>>
        %dma_start3A_586 = arith.constant 0 : i32
        %dma_start3A_587 = arith.constant 0 : i32
        %dma_start3A_588 = tpu.memref_slice %arg1[%get3A_578, %dma_start3A_586, %dma_start3A_587] : memref<2048x256x256xf32, #tpu.memory_space<any>> -> memref<1x256x256xf32, #tpu.memory_space<any>>
        tpu.enqueue_dma source(%dma_start3A_588 : memref<1x256x256xf32, #tpu.memory_space<any>>) target(%dma_start3A_585 : memref<1x256x256xf32, #tpu.memory_space<vmem>>) target_semaphore(%dma_start3A_580 : memref<!tpu.dma_semaphore, #tpu.memory_space<semaphore_mem>>)
        %mul3A_589 = arith.constant 8 : i32
        %mul3A_590 = arith.muli %sub3A_487, %mul3A_589 : i32
        %add3A_591 = arith.constant 6 : i32
        %add3A_592 = arith.addi %mul3A_590, %add3A_591 : i32
        %get3A_593 = arith.index_cast %add3A_592 : i32 to index
        %get3A_594 = memref.load %arg8[%get3A_593] : memref<2056xi32, #tpu.memory_space<smem>>
        %dma_start3A_595 = tpu.memref_slice %arg10[%rem3A_493] : memref<8x!tpu.dma_semaphore, #tpu.memory_space<semaphore_mem>> -> memref<1x!tpu.dma_semaphore, #tpu.memory_space<semaphore_mem>>
        %dma_start3A_596 = tpu.memref_squeeze %dma_start3A_595 : memref<1x!tpu.dma_semaphore, #tpu.memory_space<semaphore_mem>> -> memref<!tpu.dma_semaphore, #tpu.memory_space<semaphore_mem>>
        %dma_start3A_597 = arith.constant 6 : i32
        %dma_start3A_598 = arith.constant 0 : i32
        %dma_start3A_599 = arith.constant 0 : i32
        %dma_start3A_600 = tpu.memref_slice %arg6[%rem3A_493, %dma_start3A_597, %dma_start3A_598, %dma_start3A_599] : memref<8x8x256x256xf32, #tpu.memory_space<vmem>> -> memref<1x1x256x256xf32, #tpu.memory_space<vmem>>
        %dma_start3A_601 = tpu.memref_squeeze %dma_start3A_600 : memref<1x1x256x256xf32, #tpu.memory_space<vmem>> -> memref<1x256x256xf32, #tpu.memory_space<vmem>>
        %dma_start3A_602 = arith.constant 0 : i32
        %dma_start3A_603 = arith.constant 0 : i32
        %dma_start3A_604 = tpu.memref_slice %arg1[%get3A_594, %dma_start3A_602, %dma_start3A_603] : memref<2048x256x256xf32, #tpu.memory_space<any>> -> memref<1x256x256xf32, #tpu.memory_space<any>>
        tpu.enqueue_dma source(%dma_start3A_604 : memref<1x256x256xf32, #tpu.memory_space<any>>) target(%dma_start3A_601 : memref<1x256x256xf32, #tpu.memory_space<vmem>>) target_semaphore(%dma_start3A_596 : memref<!tpu.dma_semaphore, #tpu.memory_space<semaphore_mem>>)
        %mul3A_605 = arith.constant 8 : i32
        %mul3A_606 = arith.muli %sub3A_487, %mul3A_605 : i32
        %add3A_607 = arith.constant 7 : i32
        %add3A_608 = arith.addi %mul3A_606, %add3A_607 : i32
        %get3A_609 = arith.index_cast %add3A_608 : i32 to index
        %get3A_610 = memref.load %arg8[%get3A_609] : memref<2056xi32, #tpu.memory_space<smem>>
        %dma_start3A_611 = tpu.memref_slice %arg10[%rem3A_493] : memref<8x!tpu.dma_semaphore, #tpu.memory_space<semaphore_mem>> -> memref<1x!tpu.dma_semaphore, #tpu.memory_space<semaphore_mem>>
        %dma_start3A_612 = tpu.memref_squeeze %dma_start3A_611 : memref<1x!tpu.dma_semaphore, #tpu.memory_space<semaphore_mem>> -> memref<!tpu.dma_semaphore, #tpu.memory_space<semaphore_mem>>
        %dma_start3A_613 = arith.constant 7 : i32
        %dma_start3A_614 = arith.constant 0 : i32
        %dma_start3A_615 = arith.constant 0 : i32
        %dma_start3A_616 = tpu.memref_slice %arg6[%rem3A_493, %dma_start3A_613, %dma_start3A_614, %dma_start3A_615] : memref<8x8x256x256xf32, #tpu.memory_space<vmem>> -> memref<1x1x256x256xf32, #tpu.memory_space<vmem>>
        %dma_start3A_617 = tpu.memref_squeeze %dma_start3A_616 : memref<1x1x256x256xf32, #tpu.memory_space<vmem>> -> memref<1x256x256xf32, #tpu.memory_space<vmem>>
        %dma_start3A_618 = arith.constant 0 : i32
        %dma_start3A_619 = arith.constant 0 : i32
        %dma_start3A_620 = tpu.memref_slice %arg1[%get3A_610, %dma_start3A_618, %dma_start3A_619] : memref<2048x256x256xf32, #tpu.memory_space<any>> -> memref<1x256x256xf32, #tpu.memory_space<any>>
        tpu.enqueue_dma source(%dma_start3A_620 : memref<1x256x256xf32, #tpu.memory_space<any>>) target(%dma_start3A_617 : memref<1x256x256xf32, #tpu.memory_space<vmem>>) target_semaphore(%dma_start3A_612 : memref<!tpu.dma_semaphore, #tpu.memory_space<semaphore_mem>>)
      } else {
      }
      %mul3A = arith.constant 8 : i32
      %mul3A_173 = arith.muli %while3A_163, %mul3A : i32
      %add3A_174 = arith.constant 0 : i32
      %add3A_175 = arith.addi %mul3A_173, %add3A_174 : i32
      %get3A_176 = arith.index_cast %add3A_175 : i32 to index
      %get3A_177 = memref.load %arg8[%get3A_176] : memref<2056xi32, #tpu.memory_space<smem>>
      %dma_wait3A = tpu.memref_slice %arg10[%rem3A_165] : memref<8x!tpu.dma_semaphore, #tpu.memory_space<semaphore_mem>> -> memref<1x!tpu.dma_semaphore, #tpu.memory_space<semaphore_mem>>
      %dma_wait3A_178 = tpu.memref_squeeze %dma_wait3A : memref<1x!tpu.dma_semaphore, #tpu.memory_space<semaphore_mem>> -> memref<!tpu.dma_semaphore, #tpu.memory_space<semaphore_mem>>
      %dma_wait3A_179 = arith.constant 0 : i32
      %dma_wait3A_180 = arith.constant 0 : i32
      %dma_wait3A_181 = arith.constant 0 : i32
      %dma_wait3A_182 = tpu.memref_slice %arg6[%rem3A_165, %dma_wait3A_179, %dma_wait3A_180, %dma_wait3A_181] : memref<8x8x256x256xf32, #tpu.memory_space<vmem>> -> memref<1x1x256x256xf32, #tpu.memory_space<vmem>>
      %dma_wait3A_183 = tpu.memref_squeeze %dma_wait3A_182 : memref<1x1x256x256xf32, #tpu.memory_space<vmem>> -> memref<1x256x256xf32, #tpu.memory_space<vmem>>
      %dma_wait3A_184 = arith.constant 0 : i32
      %dma_wait3A_185 = arith.constant 0 : i32
      %dma_wait3A_186 = tpu.memref_slice %arg1[%get3A_177, %dma_wait3A_184, %dma_wait3A_185] : memref<2048x256x256xf32, #tpu.memory_space<any>> -> memref<1x256x256xf32, #tpu.memory_space<any>>
      tpu.wait_dma2 semaphore(%dma_wait3A_178 : memref<!tpu.dma_semaphore, #tpu.memory_space<semaphore_mem>>) src(%dma_wait3A_186 : memref<1x256x256xf32, #tpu.memory_space<any>>) dst(%dma_wait3A_183 : memref<1x256x256xf32, #tpu.memory_space<vmem>>)
      %mul3A_187 = arith.constant 8 : i32
      %mul3A_188 = arith.muli %while3A_163, %mul3A_187 : i32
      %add3A_189 = arith.constant 1 : i32
      %add3A_190 = arith.addi %mul3A_188, %add3A_189 : i32
      %get3A_191 = arith.index_cast %add3A_190 : i32 to index
      %get3A_192 = memref.load %arg8[%get3A_191] : memref<2056xi32, #tpu.memory_space<smem>>
      %dma_wait3A_193 = tpu.memref_slice %arg10[%rem3A_165] : memref<8x!tpu.dma_semaphore, #tpu.memory_space<semaphore_mem>> -> memref<1x!tpu.dma_semaphore, #tpu.memory_space<semaphore_mem>>
      %dma_wait3A_194 = tpu.memref_squeeze %dma_wait3A_193 : memref<1x!tpu.dma_semaphore, #tpu.memory_space<semaphore_mem>> -> memref<!tpu.dma_semaphore, #tpu.memory_space<semaphore_mem>>
      %dma_wait3A_195 = arith.constant 1 : i32
      %dma_wait3A_196 = arith.constant 0 : i32
      %dma_wait3A_197 = arith.constant 0 : i32
      %dma_wait3A_198 = tpu.memref_slice %arg6[%rem3A_165, %dma_wait3A_195, %dma_wait3A_196, %dma_wait3A_197] : memref<8x8x256x256xf32, #tpu.memory_space<vmem>> -> memref<1x1x256x256xf32, #tpu.memory_space<vmem>>
      %dma_wait3A_199 = tpu.memref_squeeze %dma_wait3A_198 : memref<1x1x256x256xf32, #tpu.memory_space<vmem>> -> memref<1x256x256xf32, #tpu.memory_space<vmem>>
      %dma_wait3A_200 = arith.constant 0 : i32
      %dma_wait3A_201 = arith.constant 0 : i32
      %dma_wait3A_202 = tpu.memref_slice %arg1[%get3A_192, %dma_wait3A_200, %dma_wait3A_201] : memref<2048x256x256xf32, #tpu.memory_space<any>> -> memref<1x256x256xf32, #tpu.memory_space<any>>
      tpu.wait_dma2 semaphore(%dma_wait3A_194 : memref<!tpu.dma_semaphore, #tpu.memory_space<semaphore_mem>>) src(%dma_wait3A_202 : memref<1x256x256xf32, #tpu.memory_space<any>>) dst(%dma_wait3A_199 : memref<1x256x256xf32, #tpu.memory_space<vmem>>)
      %mul3A_203 = arith.constant 8 : i32
      %mul3A_204 = arith.muli %while3A_163, %mul3A_203 : i32
      %add3A_205 = arith.constant 2 : i32
      %add3A_206 = arith.addi %mul3A_204, %add3A_205 : i32
      %get3A_207 = arith.index_cast %add3A_206 : i32 to index
      %get3A_208 = memref.load %arg8[%get3A_207] : memref<2056xi32, #tpu.memory_space<smem>>
      %dma_wait3A_209 = tpu.memref_slice %arg10[%rem3A_165] : memref<8x!tpu.dma_semaphore, #tpu.memory_space<semaphore_mem>> -> memref<1x!tpu.dma_semaphore, #tpu.memory_space<semaphore_mem>>
      %dma_wait3A_210 = tpu.memref_squeeze %dma_wait3A_209 : memref<1x!tpu.dma_semaphore, #tpu.memory_space<semaphore_mem>> -> memref<!tpu.dma_semaphore, #tpu.memory_space<semaphore_mem>>
      %dma_wait3A_211 = arith.constant 2 : i32
      %dma_wait3A_212 = arith.constant 0 : i32
      %dma_wait3A_213 = arith.constant 0 : i32
      %dma_wait3A_214 = tpu.memref_slice %arg6[%rem3A_165, %dma_wait3A_211, %dma_wait3A_212, %dma_wait3A_213] : memref<8x8x256x256xf32, #tpu.memory_space<vmem>> -> memref<1x1x256x256xf32, #tpu.memory_space<vmem>>
      %dma_wait3A_215 = tpu.memref_squeeze %dma_wait3A_214 : memref<1x1x256x256xf32, #tpu.memory_space<vmem>> -> memref<1x256x256xf32, #tpu.memory_space<vmem>>
      %dma_wait3A_216 = arith.constant 0 : i32
      %dma_wait3A_217 = arith.constant 0 : i32
      %dma_wait3A_218 = tpu.memref_slice %arg1[%get3A_208, %dma_wait3A_216, %dma_wait3A_217] : memref<2048x256x256xf32, #tpu.memory_space<any>> -> memref<1x256x256xf32, #tpu.memory_space<any>>
      tpu.wait_dma2 semaphore(%dma_wait3A_210 : memref<!tpu.dma_semaphore, #tpu.memory_space<semaphore_mem>>) src(%dma_wait3A_218 : memref<1x256x256xf32, #tpu.memory_space<any>>) dst(%dma_wait3A_215 : memref<1x256x256xf32, #tpu.memory_space<vmem>>)
      %mul3A_219 = arith.constant 8 : i32
      %mul3A_220 = arith.muli %while3A_163, %mul3A_219 : i32
      %add3A_221 = arith.constant 3 : i32
      %add3A_222 = arith.addi %mul3A_220, %add3A_221 : i32
      %get3A_223 = arith.index_cast %add3A_222 : i32 to index
      %get3A_224 = memref.load %arg8[%get3A_223] : memref<2056xi32, #tpu.memory_space<smem>>
      %dma_wait3A_225 = tpu.memref_slice %arg10[%rem3A_165] : memref<8x!tpu.dma_semaphore, #tpu.memory_space<semaphore_mem>> -> memref<1x!tpu.dma_semaphore, #tpu.memory_space<semaphore_mem>>
      %dma_wait3A_226 = tpu.memref_squeeze %dma_wait3A_225 : memref<1x!tpu.dma_semaphore, #tpu.memory_space<semaphore_mem>> -> memref<!tpu.dma_semaphore, #tpu.memory_space<semaphore_mem>>
      %dma_wait3A_227 = arith.constant 3 : i32
      %dma_wait3A_228 = arith.constant 0 : i32
      %dma_wait3A_229 = arith.constant 0 : i32
      %dma_wait3A_230 = tpu.memref_slice %arg6[%rem3A_165, %dma_wait3A_227, %dma_wait3A_228, %dma_wait3A_229] : memref<8x8x256x256xf32, #tpu.memory_space<vmem>> -> memref<1x1x256x256xf32, #tpu.memory_space<vmem>>
      %dma_wait3A_231 = tpu.memref_squeeze %dma_wait3A_230 : memref<1x1x256x256xf32, #tpu.memory_space<vmem>> -> memref<1x256x256xf32, #tpu.memory_space<vmem>>
      %dma_wait3A_232 = arith.constant 0 : i32
      %dma_wait3A_233 = arith.constant 0 : i32
      %dma_wait3A_234 = tpu.memref_slice %arg1[%get3A_224, %dma_wait3A_232, %dma_wait3A_233] : memref<2048x256x256xf32, #tpu.memory_space<any>> -> memref<1x256x256xf32, #tpu.memory_space<any>>
      tpu.wait_dma2 semaphore(%dma_wait3A_226 : memref<!tpu.dma_semaphore, #tpu.memory_space<semaphore_mem>>) src(%dma_wait3A_234 : memref<1x256x256xf32, #tpu.memory_space<any>>) dst(%dma_wait3A_231 : memref<1x256x256xf32, #tpu.memory_space<vmem>>)
      %mul3A_235 = arith.constant 8 : i32
      %mul3A_236 = arith.muli %while3A_163, %mul3A_235 : i32
      %add3A_237 = arith.constant 4 : i32
      %add3A_238 = arith.addi %mul3A_236, %add3A_237 : i32
      %get3A_239 = arith.index_cast %add3A_238 : i32 to index
      %get3A_240 = memref.load %arg8[%get3A_239] : memref<2056xi32, #tpu.memory_space<smem>>
      %dma_wait3A_241 = tpu.memref_slice %arg10[%rem3A_165] : memref<8x!tpu.dma_semaphore, #tpu.memory_space<semaphore_mem>> -> memref<1x!tpu.dma_semaphore, #tpu.memory_space<semaphore_mem>>
      %dma_wait3A_242 = tpu.memref_squeeze %dma_wait3A_241 : memref<1x!tpu.dma_semaphore, #tpu.memory_space<semaphore_mem>> -> memref<!tpu.dma_semaphore, #tpu.memory_space<semaphore_mem>>
      %dma_wait3A_243 = arith.constant 4 : i32
      %dma_wait3A_244 = arith.constant 0 : i32
      %dma_wait3A_245 = arith.constant 0 : i32
      %dma_wait3A_246 = tpu.memref_slice %arg6[%rem3A_165, %dma_wait3A_243, %dma_wait3A_244, %dma_wait3A_245] : memref<8x8x256x256xf32, #tpu.memory_space<vmem>> -> memref<1x1x256x256xf32, #tpu.memory_space<vmem>>
      %dma_wait3A_247 = tpu.memref_squeeze %dma_wait3A_246 : memref<1x1x256x256xf32, #tpu.memory_space<vmem>> -> memref<1x256x256xf32, #tpu.memory_space<vmem>>
      %dma_wait3A_248 = arith.constant 0 : i32
      %dma_wait3A_249 = arith.constant 0 : i32
      %dma_wait3A_250 = tpu.memref_slice %arg1[%get3A_240, %dma_wait3A_248, %dma_wait3A_249] : memref<2048x256x256xf32, #tpu.memory_space<any>> -> memref<1x256x256xf32, #tpu.memory_space<any>>
      tpu.wait_dma2 semaphore(%dma_wait3A_242 : memref<!tpu.dma_semaphore, #tpu.memory_space<semaphore_mem>>) src(%dma_wait3A_250 : memref<1x256x256xf32, #tpu.memory_space<any>>) dst(%dma_wait3A_247 : memref<1x256x256xf32, #tpu.memory_space<vmem>>)
      %mul3A_251 = arith.constant 8 : i32
      %mul3A_252 = arith.muli %while3A_163, %mul3A_251 : i32
      %add3A_253 = arith.constant 5 : i32
      %add3A_254 = arith.addi %mul3A_252, %add3A_253 : i32
      %get3A_255 = arith.index_cast %add3A_254 : i32 to index
      %get3A_256 = memref.load %arg8[%get3A_255] : memref<2056xi32, #tpu.memory_space<smem>>
      %dma_wait3A_257 = tpu.memref_slice %arg10[%rem3A_165] : memref<8x!tpu.dma_semaphore, #tpu.memory_space<semaphore_mem>> -> memref<1x!tpu.dma_semaphore, #tpu.memory_space<semaphore_mem>>
      %dma_wait3A_258 = tpu.memref_squeeze %dma_wait3A_257 : memref<1x!tpu.dma_semaphore, #tpu.memory_space<semaphore_mem>> -> memref<!tpu.dma_semaphore, #tpu.memory_space<semaphore_mem>>
      %dma_wait3A_259 = arith.constant 5 : i32
      %dma_wait3A_260 = arith.constant 0 : i32
      %dma_wait3A_261 = arith.constant 0 : i32
      %dma_wait3A_262 = tpu.memref_slice %arg6[%rem3A_165, %dma_wait3A_259, %dma_wait3A_260, %dma_wait3A_261] : memref<8x8x256x256xf32, #tpu.memory_space<vmem>> -> memref<1x1x256x256xf32, #tpu.memory_space<vmem>>
      %dma_wait3A_263 = tpu.memref_squeeze %dma_wait3A_262 : memref<1x1x256x256xf32, #tpu.memory_space<vmem>> -> memref<1x256x256xf32, #tpu.memory_space<vmem>>
      %dma_wait3A_264 = arith.constant 0 : i32
      %dma_wait3A_265 = arith.constant 0 : i32
      %dma_wait3A_266 = tpu.memref_slice %arg1[%get3A_256, %dma_wait3A_264, %dma_wait3A_265] : memref<2048x256x256xf32, #tpu.memory_space<any>> -> memref<1x256x256xf32, #tpu.memory_space<any>>
      tpu.wait_dma2 semaphore(%dma_wait3A_258 : memref<!tpu.dma_semaphore, #tpu.memory_space<semaphore_mem>>) src(%dma_wait3A_266 : memref<1x256x256xf32, #tpu.memory_space<any>>) dst(%dma_wait3A_263 : memref<1x256x256xf32, #tpu.memory_space<vmem>>)
      %mul3A_267 = arith.constant 8 : i32
      %mul3A_268 = arith.muli %while3A_163, %mul3A_267 : i32
      %add3A_269 = arith.constant 6 : i32
      %add3A_270 = arith.addi %mul3A_268, %add3A_269 : i32
      %get3A_271 = arith.index_cast %add3A_270 : i32 to index
      %get3A_272 = memref.load %arg8[%get3A_271] : memref<2056xi32, #tpu.memory_space<smem>>
      %dma_wait3A_273 = tpu.memref_slice %arg10[%rem3A_165] : memref<8x!tpu.dma_semaphore, #tpu.memory_space<semaphore_mem>> -> memref<1x!tpu.dma_semaphore, #tpu.memory_space<semaphore_mem>>
      %dma_wait3A_274 = tpu.memref_squeeze %dma_wait3A_273 : memref<1x!tpu.dma_semaphore, #tpu.memory_space<semaphore_mem>> -> memref<!tpu.dma_semaphore, #tpu.memory_space<semaphore_mem>>
      %dma_wait3A_275 = arith.constant 6 : i32
      %dma_wait3A_276 = arith.constant 0 : i32
      %dma_wait3A_277 = arith.constant 0 : i32
      %dma_wait3A_278 = tpu.memref_slice %arg6[%rem3A_165, %dma_wait3A_275, %dma_wait3A_276, %dma_wait3A_277] : memref<8x8x256x256xf32, #tpu.memory_space<vmem>> -> memref<1x1x256x256xf32, #tpu.memory_space<vmem>>
      %dma_wait3A_279 = tpu.memref_squeeze %dma_wait3A_278 : memref<1x1x256x256xf32, #tpu.memory_space<vmem>> -> memref<1x256x256xf32, #tpu.memory_space<vmem>>
      %dma_wait3A_280 = arith.constant 0 : i32
      %dma_wait3A_281 = arith.constant 0 : i32
      %dma_wait3A_282 = tpu.memref_slice %arg1[%get3A_272, %dma_wait3A_280, %dma_wait3A_281] : memref<2048x256x256xf32, #tpu.memory_space<any>> -> memref<1x256x256xf32, #tpu.memory_space<any>>
      tpu.wait_dma2 semaphore(%dma_wait3A_274 : memref<!tpu.dma_semaphore, #tpu.memory_space<semaphore_mem>>) src(%dma_wait3A_282 : memref<1x256x256xf32, #tpu.memory_space<any>>) dst(%dma_wait3A_279 : memref<1x256x256xf32, #tpu.memory_space<vmem>>)
      %mul3A_283 = arith.constant 8 : i32
      %mul3A_284 = arith.muli %while3A_163, %mul3A_283 : i32
      %add3A_285 = arith.constant 7 : i32
      %add3A_286 = arith.addi %mul3A_284, %add3A_285 : i32
      %get3A_287 = arith.index_cast %add3A_286 : i32 to index
      %get3A_288 = memref.load %arg8[%get3A_287] : memref<2056xi32, #tpu.memory_space<smem>>
      %dma_wait3A_289 = tpu.memref_slice %arg10[%rem3A_165] : memref<8x!tpu.dma_semaphore, #tpu.memory_space<semaphore_mem>> -> memref<1x!tpu.dma_semaphore, #tpu.memory_space<semaphore_mem>>
      %dma_wait3A_290 = tpu.memref_squeeze %dma_wait3A_289 : memref<1x!tpu.dma_semaphore, #tpu.memory_space<semaphore_mem>> -> memref<!tpu.dma_semaphore, #tpu.memory_space<semaphore_mem>>
      %dma_wait3A_291 = arith.constant 7 : i32
      %dma_wait3A_292 = arith.constant 0 : i32
      %dma_wait3A_293 = arith.constant 0 : i32
      %dma_wait3A_294 = tpu.memref_slice %arg6[%rem3A_165, %dma_wait3A_291, %dma_wait3A_292, %dma_wait3A_293] : memref<8x8x256x256xf32, #tpu.memory_space<vmem>> -> memref<1x1x256x256xf32, #tpu.memory_space<vmem>>
      %dma_wait3A_295 = tpu.memref_squeeze %dma_wait3A_294 : memref<1x1x256x256xf32, #tpu.memory_space<vmem>> -> memref<1x256x256xf32, #tpu.memory_space<vmem>>
      %dma_wait3A_296 = arith.constant 0 : i32
      %dma_wait3A_297 = arith.constant 0 : i32
      %dma_wait3A_298 = tpu.memref_slice %arg1[%get3A_288, %dma_wait3A_296, %dma_wait3A_297] : memref<2048x256x256xf32, #tpu.memory_space<any>> -> memref<1x256x256xf32, #tpu.memory_space<any>>
      tpu.wait_dma2 semaphore(%dma_wait3A_290 : memref<!tpu.dma_semaphore, #tpu.memory_space<semaphore_mem>>) src(%dma_wait3A_298 : memref<1x256x256xf32, #tpu.memory_space<any>>) dst(%dma_wait3A_295 : memref<1x256x256xf32, #tpu.memory_space<vmem>>)
      %broadcast_in_dim3A_299 = arith.constant 0.000000e+00 : f32
      %broadcast_in_dim3A_300 = vector.broadcast %broadcast_in_dim3A_299 : f32 to vector<1x256xf32>
      %mul3A_301 = arith.constant 8 : i32
      %mul3A_302 = arith.muli %while3A_163, %mul3A_301 : i32
      %add3A_303 = arith.constant 0 : i32
      %add3A_304 = arith.addi %mul3A_302, %add3A_303 : i32
      %get3A_305 = arith.index_cast %add3A_304 : i32 to index
      %get3A_306 = memref.load %arg8[%get3A_305] : memref<2056xi32, #tpu.memory_space<smem>>
      %get3A_307 = arith.index_cast %add3A_304 : i32 to index
      %get3A_308 = memref.load %arg9[%get3A_307] : memref<2056xf32, #tpu.memory_space<smem>>
      %get3A_309 = arith.index_cast %get3A_306 : i32 to index
      %get3A_310 = arith.constant 0 : index
      %get3A_311 = vector.load %arg2[%get3A_309, %get3A_310] : memref<2048x256xf32, #tpu.memory_space<vmem>>, vector<1x256xf32>
      %mul3A_312 = vector.broadcast %get3A_308 : f32 to vector<1x256xf32>
      %mul3A_313 = arith.mulf %get3A_311, %mul3A_312 : vector<1x256xf32>
      %get3A_314 = arith.index_cast %rem3A_165 : i32 to index
      %get3A_315 = arith.constant 0 : index
      %get3A_316 = arith.constant 0 : index
      %get3A_317 = arith.constant 0 : index
      %get3A_318 = vector.load %arg6[%get3A_314, %get3A_315, %get3A_316, %get3A_317] : memref<8x8x256x256xf32, #tpu.memory_space<vmem>>, vector<1x1x256x256xf32>
      %get3A_319 = vector.shape_cast %get3A_318 : vector<1x1x256x256xf32> to vector<256x256xf32>
      %dot_general3A_320 = arith.constant dense<0.000000e+00> : vector<1x256xf32>
      %dot_general3A_321 = tpu.matmul %mul3A_313, %get3A_319, %dot_general3A_320 {dimension_numbers = #tpu.dot_dimension_numbers<[1], [1], [0], [0], [0, 0, 1, 0], [], []>, transpose_lhs_hint = false} : vector<1x256xf32>, vector<256x256xf32>, vector<1x256xf32> -> vector<1x256xf32>
      %add3A_322 = arith.addf %broadcast_in_dim3A_300, %dot_general3A_321 : vector<1x256xf32>
      %mul3A_323 = arith.constant 8 : i32
      %mul3A_324 = arith.muli %while3A_163, %mul3A_323 : i32
      %add3A_325 = arith.constant 1 : i32
      %add3A_326 = arith.addi %mul3A_324, %add3A_325 : i32
      %get3A_327 = arith.index_cast %add3A_326 : i32 to index
      %get3A_328 = memref.load %arg8[%get3A_327] : memref<2056xi32, #tpu.memory_space<smem>>
      %get3A_329 = arith.index_cast %add3A_326 : i32 to index
      %get3A_330 = memref.load %arg9[%get3A_329] : memref<2056xf32, #tpu.memory_space<smem>>
      %get3A_331 = arith.index_cast %get3A_328 : i32 to index
      %get3A_332 = arith.constant 0 : index
      %get3A_333 = vector.load %arg2[%get3A_331, %get3A_332] : memref<2048x256xf32, #tpu.memory_space<vmem>>, vector<1x256xf32>
      %mul3A_334 = vector.broadcast %get3A_330 : f32 to vector<1x256xf32>
      %mul3A_335 = arith.mulf %get3A_333, %mul3A_334 : vector<1x256xf32>
      %get3A_336 = arith.index_cast %rem3A_165 : i32 to index
      %get3A_337 = arith.constant 1 : index
      %get3A_338 = arith.constant 0 : index
      %get3A_339 = arith.constant 0 : index
      %get3A_340 = vector.load %arg6[%get3A_336, %get3A_337, %get3A_338, %get3A_339] : memref<8x8x256x256xf32, #tpu.memory_space<vmem>>, vector<1x1x256x256xf32>
      %get3A_341 = vector.shape_cast %get3A_340 : vector<1x1x256x256xf32> to vector<256x256xf32>
      %dot_general3A_342 = arith.constant dense<0.000000e+00> : vector<1x256xf32>
      %dot_general3A_343 = tpu.matmul %mul3A_335, %get3A_341, %dot_general3A_342 {dimension_numbers = #tpu.dot_dimension_numbers<[1], [1], [0], [0], [0, 0, 1, 0], [], []>, transpose_lhs_hint = false} : vector<1x256xf32>, vector<256x256xf32>, vector<1x256xf32> -> vector<1x256xf32>
      %add3A_344 = arith.addf %add3A_322, %dot_general3A_343 : vector<1x256xf32>
      %mul3A_345 = arith.constant 8 : i32
      %mul3A_346 = arith.muli %while3A_163, %mul3A_345 : i32
      %add3A_347 = arith.constant 2 : i32
      %add3A_348 = arith.addi %mul3A_346, %add3A_347 : i32
      %get3A_349 = arith.index_cast %add3A_348 : i32 to index
      %get3A_350 = memref.load %arg8[%get3A_349] : memref<2056xi32, #tpu.memory_space<smem>>
      %get3A_351 = arith.index_cast %add3A_348 : i32 to index
      %get3A_352 = memref.load %arg9[%get3A_351] : memref<2056xf32, #tpu.memory_space<smem>>
      %get3A_353 = arith.index_cast %get3A_350 : i32 to index
      %get3A_354 = arith.constant 0 : index
      %get3A_355 = vector.load %arg2[%get3A_353, %get3A_354] : memref<2048x256xf32, #tpu.memory_space<vmem>>, vector<1x256xf32>
      %mul3A_356 = vector.broadcast %get3A_352 : f32 to vector<1x256xf32>
      %mul3A_357 = arith.mulf %get3A_355, %mul3A_356 : vector<1x256xf32>
      %get3A_358 = arith.index_cast %rem3A_165 : i32 to index
      %get3A_359 = arith.constant 2 : index
      %get3A_360 = arith.constant 0 : index
      %get3A_361 = arith.constant 0 : index
      %get3A_362 = vector.load %arg6[%get3A_358, %get3A_359, %get3A_360, %get3A_361] : memref<8x8x256x256xf32, #tpu.memory_space<vmem>>, vector<1x1x256x256xf32>
      %get3A_363 = vector.shape_cast %get3A_362 : vector<1x1x256x256xf32> to vector<256x256xf32>
      %dot_general3A_364 = arith.constant dense<0.000000e+00> : vector<1x256xf32>
      %dot_general3A_365 = tpu.matmul %mul3A_357, %get3A_363, %dot_general3A_364 {dimension_numbers = #tpu.dot_dimension_numbers<[1], [1], [0], [0], [0, 0, 1, 0], [], []>, transpose_lhs_hint = false} : vector<1x256xf32>, vector<256x256xf32>, vector<1x256xf32> -> vector<1x256xf32>
      %add3A_366 = arith.addf %add3A_344, %dot_general3A_365 : vector<1x256xf32>
      %mul3A_367 = arith.constant 8 : i32
      %mul3A_368 = arith.muli %while3A_163, %mul3A_367 : i32
      %add3A_369 = arith.constant 3 : i32
      %add3A_370 = arith.addi %mul3A_368, %add3A_369 : i32
      %get3A_371 = arith.index_cast %add3A_370 : i32 to index
      %get3A_372 = memref.load %arg8[%get3A_371] : memref<2056xi32, #tpu.memory_space<smem>>
      %get3A_373 = arith.index_cast %add3A_370 : i32 to index
      %get3A_374 = memref.load %arg9[%get3A_373] : memref<2056xf32, #tpu.memory_space<smem>>
      %get3A_375 = arith.index_cast %get3A_372 : i32 to index
      %get3A_376 = arith.constant 0 : index
      %get3A_377 = vector.load %arg2[%get3A_375, %get3A_376] : memref<2048x256xf32, #tpu.memory_space<vmem>>, vector<1x256xf32>
      %mul3A_378 = vector.broadcast %get3A_374 : f32 to vector<1x256xf32>
      %mul3A_379 = arith.mulf %get3A_377, %mul3A_378 : vector<1x256xf32>
      %get3A_380 = arith.index_cast %rem3A_165 : i32 to index
      %get3A_381 = arith.constant 3 : index
      %get3A_382 = arith.constant 0 : index
      %get3A_383 = arith.constant 0 : index
      %get3A_384 = vector.load %arg6[%get3A_380, %get3A_381, %get3A_382, %get3A_383] : memref<8x8x256x256xf32, #tpu.memory_space<vmem>>, vector<1x1x256x256xf32>
      %get3A_385 = vector.shape_cast %get3A_384 : vector<1x1x256x256xf32> to vector<256x256xf32>
      %dot_general3A_386 = arith.constant dense<0.000000e+00> : vector<1x256xf32>
      %dot_general3A_387 = tpu.matmul %mul3A_379, %get3A_385, %dot_general3A_386 {dimension_numbers = #tpu.dot_dimension_numbers<[1], [1], [0], [0], [0, 0, 1, 0], [], []>, transpose_lhs_hint = false} : vector<1x256xf32>, vector<256x256xf32>, vector<1x256xf32> -> vector<1x256xf32>
      %add3A_388 = arith.addf %add3A_366, %dot_general3A_387 : vector<1x256xf32>
      %mul3A_389 = arith.constant 8 : i32
      %mul3A_390 = arith.muli %while3A_163, %mul3A_389 : i32
      %add3A_391 = arith.constant 4 : i32
      %add3A_392 = arith.addi %mul3A_390, %add3A_391 : i32
      %get3A_393 = arith.index_cast %add3A_392 : i32 to index
      %get3A_394 = memref.load %arg8[%get3A_393] : memref<2056xi32, #tpu.memory_space<smem>>
      %get3A_395 = arith.index_cast %add3A_392 : i32 to index
      %get3A_396 = memref.load %arg9[%get3A_395] : memref<2056xf32, #tpu.memory_space<smem>>
      %get3A_397 = arith.index_cast %get3A_394 : i32 to index
      %get3A_398 = arith.constant 0 : index
      %get3A_399 = vector.load %arg2[%get3A_397, %get3A_398] : memref<2048x256xf32, #tpu.memory_space<vmem>>, vector<1x256xf32>
      %mul3A_400 = vector.broadcast %get3A_396 : f32 to vector<1x256xf32>
      %mul3A_401 = arith.mulf %get3A_399, %mul3A_400 : vector<1x256xf32>
      %get3A_402 = arith.index_cast %rem3A_165 : i32 to index
      %get3A_403 = arith.constant 4 : index
      %get3A_404 = arith.constant 0 : index
      %get3A_405 = arith.constant 0 : index
      %get3A_406 = vector.load %arg6[%get3A_402, %get3A_403, %get3A_404, %get3A_405] : memref<8x8x256x256xf32, #tpu.memory_space<vmem>>, vector<1x1x256x256xf32>
      %get3A_407 = vector.shape_cast %get3A_406 : vector<1x1x256x256xf32> to vector<256x256xf32>
      %dot_general3A_408 = arith.constant dense<0.000000e+00> : vector<1x256xf32>
      %dot_general3A_409 = tpu.matmul %mul3A_401, %get3A_407, %dot_general3A_408 {dimension_numbers = #tpu.dot_dimension_numbers<[1], [1], [0], [0], [0, 0, 1, 0], [], []>, transpose_lhs_hint = false} : vector<1x256xf32>, vector<256x256xf32>, vector<1x256xf32> -> vector<1x256xf32>
      %add3A_410 = arith.addf %add3A_388, %dot_general3A_409 : vector<1x256xf32>
      %mul3A_411 = arith.constant 8 : i32
      %mul3A_412 = arith.muli %while3A_163, %mul3A_411 : i32
      %add3A_413 = arith.constant 5 : i32
      %add3A_414 = arith.addi %mul3A_412, %add3A_413 : i32
      %get3A_415 = arith.index_cast %add3A_414 : i32 to index
      %get3A_416 = memref.load %arg8[%get3A_415] : memref<2056xi32, #tpu.memory_space<smem>>
      %get3A_417 = arith.index_cast %add3A_414 : i32 to index
      %get3A_418 = memref.load %arg9[%get3A_417] : memref<2056xf32, #tpu.memory_space<smem>>
      %get3A_419 = arith.index_cast %get3A_416 : i32 to index
      %get3A_420 = arith.constant 0 : index
      %get3A_421 = vector.load %arg2[%get3A_419, %get3A_420] : memref<2048x256xf32, #tpu.memory_space<vmem>>, vector<1x256xf32>
      %mul3A_422 = vector.broadcast %get3A_418 : f32 to vector<1x256xf32>
      %mul3A_423 = arith.mulf %get3A_421, %mul3A_422 : vector<1x256xf32>
      %get3A_424 = arith.index_cast %rem3A_165 : i32 to index
      %get3A_425 = arith.constant 5 : index
      %get3A_426 = arith.constant 0 : index
      %get3A_427 = arith.constant 0 : index
      %get3A_428 = vector.load %arg6[%get3A_424, %get3A_425, %get3A_426, %get3A_427] : memref<8x8x256x256xf32, #tpu.memory_space<vmem>>, vector<1x1x256x256xf32>
      %get3A_429 = vector.shape_cast %get3A_428 : vector<1x1x256x256xf32> to vector<256x256xf32>
      %dot_general3A_430 = arith.constant dense<0.000000e+00> : vector<1x256xf32>
      %dot_general3A_431 = tpu.matmul %mul3A_423, %get3A_429, %dot_general3A_430 {dimension_numbers = #tpu.dot_dimension_numbers<[1], [1], [0], [0], [0, 0, 1, 0], [], []>, transpose_lhs_hint = false} : vector<1x256xf32>, vector<256x256xf32>, vector<1x256xf32> -> vector<1x256xf32>
      %add3A_432 = arith.addf %add3A_410, %dot_general3A_431 : vector<1x256xf32>
      %mul3A_433 = arith.constant 8 : i32
      %mul3A_434 = arith.muli %while3A_163, %mul3A_433 : i32
      %add3A_435 = arith.constant 6 : i32
      %add3A_436 = arith.addi %mul3A_434, %add3A_435 : i32
      %get3A_437 = arith.index_cast %add3A_436 : i32 to index
      %get3A_438 = memref.load %arg8[%get3A_437] : memref<2056xi32, #tpu.memory_space<smem>>
      %get3A_439 = arith.index_cast %add3A_436 : i32 to index
      %get3A_440 = memref.load %arg9[%get3A_439] : memref<2056xf32, #tpu.memory_space<smem>>
      %get3A_441 = arith.index_cast %get3A_438 : i32 to index
      %get3A_442 = arith.constant 0 : index
      %get3A_443 = vector.load %arg2[%get3A_441, %get3A_442] : memref<2048x256xf32, #tpu.memory_space<vmem>>, vector<1x256xf32>
      %mul3A_444 = vector.broadcast %get3A_440 : f32 to vector<1x256xf32>
      %mul3A_445 = arith.mulf %get3A_443, %mul3A_444 : vector<1x256xf32>
      %get3A_446 = arith.index_cast %rem3A_165 : i32 to index
      %get3A_447 = arith.constant 6 : index
      %get3A_448 = arith.constant 0 : index
      %get3A_449 = arith.constant 0 : index
      %get3A_450 = vector.load %arg6[%get3A_446, %get3A_447, %get3A_448, %get3A_449] : memref<8x8x256x256xf32, #tpu.memory_space<vmem>>, vector<1x1x256x256xf32>
      %get3A_451 = vector.shape_cast %get3A_450 : vector<1x1x256x256xf32> to vector<256x256xf32>
      %dot_general3A_452 = arith.constant dense<0.000000e+00> : vector<1x256xf32>
      %dot_general3A_453 = tpu.matmul %mul3A_445, %get3A_451, %dot_general3A_452 {dimension_numbers = #tpu.dot_dimension_numbers<[1], [1], [0], [0], [0, 0, 1, 0], [], []>, transpose_lhs_hint = false} : vector<1x256xf32>, vector<256x256xf32>, vector<1x256xf32> -> vector<1x256xf32>
      %add3A_454 = arith.addf %add3A_432, %dot_general3A_453 : vector<1x256xf32>
      %mul3A_455 = arith.constant 8 : i32
      %mul3A_456 = arith.muli %while3A_163, %mul3A_455 : i32
      %add3A_457 = arith.constant 7 : i32
      %add3A_458 = arith.addi %mul3A_456, %add3A_457 : i32
      %get3A_459 = arith.index_cast %add3A_458 : i32 to index
      %get3A_460 = memref.load %arg8[%get3A_459] : memref<2056xi32, #tpu.memory_space<smem>>
      %get3A_461 = arith.index_cast %add3A_458 : i32 to index
      %get3A_462 = memref.load %arg9[%get3A_461] : memref<2056xf32, #tpu.memory_space<smem>>
      %get3A_463 = arith.index_cast %get3A_460 : i32 to index
      %get3A_464 = arith.constant 0 : index
      %get3A_465 = vector.load %arg2[%get3A_463, %get3A_464] : memref<2048x256xf32, #tpu.memory_space<vmem>>, vector<1x256xf32>
      %mul3A_466 = vector.broadcast %get3A_462 : f32 to vector<1x256xf32>
      %mul3A_467 = arith.mulf %get3A_465, %mul3A_466 : vector<1x256xf32>
      %get3A_468 = arith.index_cast %rem3A_165 : i32 to index
      %get3A_469 = arith.constant 7 : index
      %get3A_470 = arith.constant 0 : index
      %get3A_471 = arith.constant 0 : index
      %get3A_472 = vector.load %arg6[%get3A_468, %get3A_469, %get3A_470, %get3A_471] : memref<8x8x256x256xf32, #tpu.memory_space<vmem>>, vector<1x1x256x256xf32>
      %get3A_473 = vector.shape_cast %get3A_472 : vector<1x1x256x256xf32> to vector<256x256xf32>
      %dot_general3A_474 = arith.constant dense<0.000000e+00> : vector<1x256xf32>
      %dot_general3A_475 = tpu.matmul %mul3A_467, %get3A_473, %dot_general3A_474 {dimension_numbers = #tpu.dot_dimension_numbers<[1], [1], [0], [0], [0, 0, 1, 0], [], []>, transpose_lhs_hint = false} : vector<1x256xf32>, vector<256x256xf32>, vector<1x256xf32> -> vector<1x256xf32>
      %add3A_476 = arith.addf %add3A_454, %dot_general3A_475 : vector<1x256xf32>
      %get3A_477 = arith.constant 0 : index
      %get3A_478 = arith.constant 0 : index
      %get3A_479 = vector.load %arg7[%get3A_477, %get3A_478] : memref<1x256xf32, #tpu.memory_space<vmem>>, vector<1x256xf32>
      %add3A_480 = arith.addf %get3A_479, %add3A_476 : vector<1x256xf32>
      %swap3A_481 = arith.constant 0 : index
      %swap3A_482 = arith.constant 0 : index
      %swap3A_483 = vector.load %arg7[%swap3A_481, %swap3A_482] : memref<1x256xf32, #tpu.memory_space<vmem>>, vector<1x256xf32>
      tpu.vector_store %arg7[%swap3A_481, %swap3A_482], %add3A_480 {strides = array<i32>} : memref<1x256xf32, #tpu.memory_space<vmem>>, vector<1x256xf32>,
    }
    %get3A_149 = arith.constant 0 : index
    %get3A_150 = arith.constant 0 : index
    %get3A_151 = vector.load %arg3[%get3A_149, %get3A_150] : memref<1x2048xf32, #tpu.memory_space<vmem>>, vector<1x2048xf32>
    %get3A_152 = arith.constant 0 : index
    %get3A_153 = arith.constant 0 : index
    %get3A_154 = vector.load %arg4[%get3A_152, %get3A_153] : memref<256x2048xf32, #tpu.memory_space<vmem>>, vector<256x2048xf32>
    %dot_general3A = arith.constant dense<0.000000e+00> : vector<1x256xf32>
    %dot_general3A_155 = tpu.matmul %get3A_151, %get3A_154, %dot_general3A {dimension_numbers = #tpu.dot_dimension_numbers<[1], [1], [0], [0], [0, 0, 1, 0], [], []>, transpose_lhs_hint = false} : vector<1x2048xf32>, vector<256x2048xf32>, vector<1x256xf32> -> vector<1x256xf32>
    %get3A_156 = arith.constant 0 : index
    %get3A_157 = arith.constant 0 : index
    %get3A_158 = vector.load %arg7[%get3A_156, %get3A_157] : memref<1x256xf32, #tpu.memory_space<vmem>>, vector<1x256xf32>
    %add3A_159 = arith.addf %dot_general3A_155, %get3A_158 : vector<1x256xf32>
    %swap3A_160 = arith.constant 0 : index
    %swap3A_161 = arith.constant 0 : index
    %swap3A_162 = vector.load %arg5[%swap3A_160, %swap3A_161] : memref<1x256xf32, #tpu.memory_space<vmem>>, vector<1x256xf32>
    tpu.vector_store %arg5[%swap3A_160, %swap3A_161], %add3A_159 {strides = array<i32>} : memref<1x256xf32, #tpu.memory_space<vmem>>, vector<1x256xf32>,
    return
  }
}

</mosaic_0001>

<sc_bundles>
// kernel: kernel.5.cloned.1.call-start
scs
__scs_entry_jumppad:
0x0: {  	(pc) =	sbr.rel $0x88, $3  }
0x1: {  	(tag) =	ssettag $0x0;
	lr =	simm.s32 $0x1  }
0x2: {  	[smem:$0x3F9B] =	sst lr;
	_ =	strace $0xD0000000  }
0x3: {  	_ = 	snop  }
0x4: {  	_ = 	snop  }
0x5: {  	_ = 	snop  }
0x6: {  	_ = 	snop  }
0x7: {  	_ = 	snop  }
__scs_overlays_trampoline_lowered:
0x8: {  	[smem:$0x3FAA] =	sst s0  }
0x9: {  	[smem:$0x3FAB] =	sst s1  }
0xa: {  	[smem:$0x3FAC] =	sst s2  }
0xb: {  	[smem:$0x3FAD] =	sst s3  }
0xc: {  	[smem:$0x3FAE] =	sst s4  }
0xd: {  	[smem:$0x3FAF] =	sst s5  }
0xe: {  	[smem:$0x3FB0] =	sst s6  }
0xf: {  	[smem:$0x3FB1] =	sst s7  }
0x10: {  	[smem:$0x3FB2] =	sst s8  }
0x11: {  	[smem:$0x3FB3] =	sst s9;
	s0 =	simm.s32 @!p0 $0x0  }
0x12: {  	s1 =	sld [smem:$0x3F99];
	s0 =	simm.s32 @p0 $0x1  }
0x13: {  	[smem:$0x3FB4] =	sst s0;
	s0 =	simm.s32 @!p1 $0x0  }
0x14: {  	s2 =	sld [smem:$0x3F98];
	s0 =	simm.s32 @p1 $0x1  }
0x15: {  	[smem:$0x3FB5] =	sst s0;
	s0 =	simm.s32 @!p2 $0x0  }
0x16: {  	s3 =	sld [smem:$0x3FDB];
	s0 =	simm.s32 @p2 $0x1  }
0x17: {  	s4 =	simm.s32 $0x1BF5;
	[smem:$0x3FB7] =	sst s0  }
0x18: {  	s0 =	sld [smem:$0x3F9A];
	_ =	swait.ge [sflag:s4], $0x0  }
0x19: {  	s7 =	sld [smem:$0x3F9B]  }
0x1a: {  	s8 =	sadd.s32 $0xFFFFE003, lr  }
0x1b: {  	s9 =	sadd.s32 $0xFFFFFEF7, lr;
	s5 =	simm.s32 $0xFFFFFFFF;
	p2 =	slt.u32 s8, $0xFFFFF086  }
0x1c: {  	p1 =	slt.u32 s9, $0xF7A;
	s5 =	simm.s32 @!p2 $0x0  }
0x1d: {  	s5 =	simm.s32 @p1 $0x1;
	p0 =	seq.s32 s7, s2  }
0x1e: {  	s7 =	smul.u32 @!p0 $0xF7A, s2;
	p2 =	seq.s32 @!p0 s5, $0x0  }
0x1f: {  	s9 =	smul.u32 $0xF7A, s1;
	s8 =	simm.s32 @!p0 $0x1BF5;
	p2 =	por !p2, p0  }
0x20: {  	[sflag:s8] =	ssyncset.s32 @!p0 $0xFFFFF086;
	s6 =	sadd.s32 @!p0 s3, s7;
	s7 =	simm.s32 @!p0 $0x108  }
0x21: {  	s3 =	sadd.s32 s3, s9;
	s6 =	sadd.s32 @!p0 $0x88, s6;
	s7 =	simm.s32 @p2 $0x1082  }
0x22: {  	[simem:s7], [sflag:s8] =	dma.local @!p0 [hbm:s6], $0xF7A  }
0x23: {  	s9 =	sor.u32 $0xD0000000, s2;
	s6 =	simm.s32 $0x108;
	_ =	swait.ge @!p0 [sflag:s8], $0x0  }
0x24: {  	s3 =	sadd.s32 $0x88, s3;
	s6 =	simm.s32 @!p1 $0x1082;
	[sflag:s4] =	ssyncset.s32 $0xFFFFF086  }
0x25: {  	[simem:s6], [sflag:s4] =	dma.local [hbm:s3], $0xF7A  }
0x26: {  	[smem:$0x3F9B] =	sst s1;
	(tag) =	ssettag s2;
	_ =	strace s9  }
0x27: {  	s1 =	sld [smem:$0x3FAB]  }
0x28: {  	s2 =	sld [smem:$0x3FAC]  }
0x29: {  	s4 =	sld [smem:$0x3FAE]  }
0x2a: {  	p0 =	seq.s32 s5, $0x0;
	s5 =	sld [smem:$0x3FAF]  }
0x2b: {  	s6 =	sld [smem:$0x3FB0]  }
0x2c: {  	s7 =	sld [smem:$0x3FB1]  }
0x2d: {  	s3 =	simm.s32 $0x108;
	s8 =	sld [smem:$0x3FB2]  }
0x2e: {  	s3 =	simm.s32 @!p0 $0x1082;
	s9 =	sld [smem:$0x3FB3]  }
0x2f: {  	lr =	sadd.s32 s0, s3;
	s0 =	sld [smem:$0x3FAA]  }
0x30: {  	s3 =	sld [smem:$0x3FAD]  }
0x31: {  	[smem:$0x3FB6] =	sst s10  }
0x32: {  	s10 =	sld [smem:$0x3FB4];
	_ =	sdelay $0x3  }
0x33: {  	p0 =	seq.s32 s10, $0x1;
	s10 =	sld [smem:$0x3FB6];
	_ =	sdelay $0x3  }
0x34: {  	[smem:$0x3FB6] =	sst s10  }
0x35: {  	s10 =	sld [smem:$0x3FB5];
	_ =	sdelay $0x3  }
0x36: {  	p1 =	seq.s32 s10, $0x1;
	s10 =	sld [smem:$0x3FB6];
	_ =	sdelay $0x3  }
0x37: {  	[smem:$0x3FB6] =	sst s10  }
0x38: {  	s10 =	sld [smem:$0x3FB7]  }
0x39: {  	_ = 	snop;
	(pc) =	sbr.ind lr, $3  }
0x3a: {  	_ = 	snop  }
0x3b: {  	_ = 	snop  }
0x3c: {  	p2 =	seq.s32 s10, $0x1;
	s10 =	sld [smem:$0x3FB6]  }
0x3d: {  	_ =	shalt  }
0x3e: {  	_ =	shalt  }
0x3f: {  	_ =	shalt  }
0x40: {  	_ =	shalt  }
0x41: {  	_ =	shalt  }
0x42: {  	_ =	shalt  }
0x43: {  	_ =	shalt  }
0x44: {  	_ =	shalt  }
0x45: {  	_ =	shalt  }
0x46: {  	_ =	shalt  }
0x47: {  	_ =	shalt  }
0x48: {  	_ =	shalt  }
0x49: {  	_ =	shalt  }
0x4a: {  	_ =	shalt  }
0x4b: {  	_ =	shalt  }
0x4c: {  	_ =	shalt  }
0x4d: {  	_ =	shalt  }
0x4e: {  	_ =	shalt  }
0x4f: {  	_ =	shalt  }
0x50: {  	_ =	shalt  }
0x51: {  	_ =	shalt  }
0x52: {  	_ =	shalt  }
0x53: {  	_ =	shalt  }
0x54: {  	_ =	shalt  }
0x55: {  	_ =	shalt  }
0x56: {  	_ =	shalt  }
0x57: {  	_ =	shalt  }
0x58: {  	_ =	shalt  }
0x59: {  	_ =	shalt  }
0x5a: {  	_ =	shalt  }
0x5b: {  	_ =	shalt  }
0x5c: {  	_ =	shalt  }
0x5d: {  	_ =	shalt  }
0x5e: {  	_ =	shalt  }
0x5f: {  	_ =	shalt  }
0x60: {  	_ =	shalt  }
0x61: {  	_ =	shalt  }
0x62: {  	_ =	shalt  }
0x63: {  	_ =	shalt  }
0x64: {  	_ =	shalt  }
0x65: {  	_ =	shalt  }
0x66: {  	_ =	shalt  }
0x67: {  	_ =	shalt  }
0x68: {  	_ =	shalt  }
0x69: {  	_ =	shalt  }
0x6a: {  	_ =	shalt  }
0x6b: {  	_ =	shalt  }
0x6c: {  	_ =	shalt  }
0x6d: {  	_ =	shalt  }
0x6e: {  	_ =	shalt  }
0x6f: {  	_ =	shalt  }
0x70: {  	_ =	shalt  }
0x71: {  	_ =	shalt  }
0x72: {  	_ =	shalt  }
0x73: {  	_ =	shalt  }
0x74: {  	_ =	shalt  }
0x75: {  	_ =	shalt  }
0x76: {  	_ =	shalt  }
0x77: {  	_ =	shalt  }
0x78: {  	_ =	shalt  }
0x79: {  	_ =	shalt  }
0x7a: {  	_ =	shalt  }
0x7b: {  	_ =	shalt  }
0x7c: {  	_ =	shalt  }
0x7d: {  	_ =	shalt  }
0x7e: {  	_ =	shalt  }
0x7f: {  	_ =	shalt  }
0x80: {  	_ =	shalt  }
0x81: {  	_ =	shalt  }
0x82: {  	_ =	shalt  }
0x83: {  	_ =	shalt  }
0x84: {  	_ =	shalt  }
0x85: {  	_ =	shalt  }
0x86: {  	_ =	shalt  }
0x87: {  	_ =	shalt  }
.Lfunc_end0:
.L_simem_size_0:
called_computation_lowered:
.L_overlay_start_0:
0x88: {  	s2 =	sld [smem:$0x3FD9]  }
0x89: {  	s3 =	sld [smem:$0x3FFE];
	_ =	sdelay $0x1  }
0x8a: {  	s1 =	srdreg.scid  }
0x8b: {  	s0 =	sand.u32 $0x1, s1  }
0x8c: {  	s17 =	sshll.u32 s0, $0xA;
	s2 =	sadd.s32 s3, s2  }
0x8d: {  	s2 =	sadd.s32 s2, s17  }
0x8e: {  	[smem:$0x3FC2] =	sst s2  }
0x8f: {  	_ = 	snop  }
0x90: {  	s2 =	sld [smem:$0x3FC8]  }
0x91: {  	s18 =	sld [smem:$0x3FC5]  }
0x92: {  	s4 =	sld [smem:$0x3FC4];
	(tm) =	ssettm $0x1  }
0x93: {  	s5 =	sld [smem:$0x3FFB];
	_ =	sdelay $0x3  }
0x94: {  	_ =	strace s5  }
0x95: {  	s5 =	sld [smem:$0x3FFC];
	_ =	sdelay $0x3  }
0x96: {  	_ =	strace s5  }
0x97: {  	s5 =	sld [smem:$0x3FFD];
	_ =	sdelay $0x3  }
0x98: {  	_ =	strace s5  }
0x99: {  	_ =	strace $0x8FFFFFFF  }
0x9a: {  	s19 =	sld [smem:$0x3FDB];
	_ =	sdelay $0x1  }
0x9b: {  	s6 =	simm.s32 $_scs_section_size  }
0x9c: {  	s7 =	simm.s32 $_size__tile_overlayer_lowered;
	s8 =	simm.s32 $_tile_overlayer_lowered  }
0x9d: {  	s22 =	simm.s32 $0x1BFF;
	s21 =	sshll.u32 s8, $0x1;
	s5 =	sadd.s32 s6, s19  }
0x9e: {  	s9 =	simm.s32 $0x0;
	s20 =	sshll.u32 s7, $0x1;
	s7 =	sadd.s32 s21, s5  }
0x9f: {  	[timem:s9], [sflag:s22] =	dma.local [hbm:s7], s20  }
0xa0: {  	_ =	swait.ge [sflag:s22], s20  }
0xa1: {  	s6 =	ssub.s32 $0x0, s20;
	[sflag:s22] =	ssyncset.done $0x0  }
0xa2: {  	[sflag:s22] =	ssyncadd.s32 s6;
	_ =	sdelay $0x1  }
0xa3: {  	s23 =	simm.s32 $0x1B8B  }
0xa4: {  	_ =	swait.ge [sflag:s23], $0x1  }
0xa5: {  	[sflag:s23] =	ssyncset.done $0x0  }
0xa6: {  	s25 =	simm.s32 $0x1B8E;
	s24 =	sld [smem:$0x3FFE];
	[sflag:s23] =	ssyncadd.s32 $0xFFFFFFFF  }
0xa7: {  	s26 =	simm.s32 $execute0_lowered;
	[smem:$0x3FD2] =	sst s25  }
0xa8: {  	s7 =	sshll.u32 s26, $0x1;
	_ =	strace $0x80000046;
	[dreg:$0x1] =	wrdreg $0xFFFFFFFF  }
0xa9: {  	s28 =	simm.s32 $_size_execute0_lowered;
	s5 =	sadd.s32 s5, s7;
	[dreg:$0x0] =	wrdreg $0x0  }
0xaa: {  	s7 =	sshll.u32 s28, $0x1;
	[dreg:$0x2] =	wrdreg s5  }
0xab: {  	[dreg:$0x3] =	wrdreg s7  }
0xac: {  	[dreg:$0x4] =	wrdreg $0xC0  }
0xad: {  	_ =	task [dreg:s9], $0x5FFFF  }
0xae: {  	[dreg:$0x1] =	wrdreg $0xFFFFFFFF  }
0xaf: {  	[dreg:$0x0] =	wrdreg $0x60  }
0xb0: {  	[dreg:$0x2] =	wrdreg s4  }
0xb1: {  	[dreg:$0x3] =	wrdreg s2  }
0xb2: {  	[dreg:$0x4] =	wrdreg s18  }
0xb3: {  	[dreg:$0x5] =	wrdreg s24  }
0xb4: {  	[dreg:$0x6] =	wrdreg $0x9  }
0xb5: {  	_ =	task.clear_ibuf [dreg:s9], $0x7FFFF;
	_ =	strace $0x90000046  }
0xb6: {  	s29 =	simm.s32 $0x9;
	_ =	strace $0x80000048  }
0xb7: {  	_ =	swait.ge [sflag:s29], $0x1  }
0xb8: {  	[sflag:s29] =	ssyncadd.s32 $0xFFFFFFFF  }
0xb9: {  	_ =	strace $0x90000048  }
0xba: {  	_ =	sfence  }
0xbb: {  	s30 =	sld [smem:$0x0];
	_ =	sdelay $0x2  }
0xbc: {  	s31 =	sshll.u32 s1, $0xD;
	s1 =	sshrl.u32 s1, $0x2  }
0xbd: {  	s3 =	sand.u32 $0x4000, s31;
	s1 =	sadd.s32 s1, s30  }
0xbe: {  	s0 =	sor.u32 s3, s0;
	s1 =	sshll.u32 s1, $0x11  }
0xbf: {  	s0 =	sor.u32 s1, s0  }
0xc0: {  	s0 =	sadd.s32 $0x8F2B, s0  }
0xc1: {  	[sflag:s0] =	ssyncadd.remote.s32 $0x1  }
0xc2: {  	_ =	sfence.sel $0xFFFF  }
0xc3: {  	[dreg:$0x0] =	wrdreg $0xFFFFFFFF;
	(pc) =	sbr.abs _section_cstart, $3  }
0xc4: {  	[dreg:$0x1] =	wrdreg $0xFFFFFFFF  }
0xc5: {  	_ =	task.clear_ibuf [dreg:s9], $0x2FFFF;
	_ =	strace $0x9FFFFFFF  }
0xc6: {  	(tm) =	ssettm $0x7FFFFFFF  }
0xc7: {  	_ =	shalt  }
tec
execute0_lowered:
.L_overlay_start_1:
0x0: {  	(tag) =	ssettag $0x1  }
0x1: {  	s1 =	rddreg [dreg:$0x0]  }
0x2: {  	s8 =	rddreg [dreg:$0x1]  }
0x3: {  	s2 =	srdreg.scid;
	s3 =	rddreg [dreg:$0x2]  }
0x4: {  	s0 =	stileid.u32;
	s7 =	rddreg [dreg:$0x3]  }
0x5: {  	s4 =	simm.s32 $0x0;
	s13 =	simm.s32 $0x5;
	s14 =	simm.s32 $0x880  }
0x6: {  	s15 =	simm.s32 $0x2080;
	s16 =	simm.s32 $0x6080;
	s17 =	simm.s32 $0xA080  }
0x7: {  	s18 =	simm.s32 $0x12080;
	s6 =	sand.u32 $0x1, s2;
	s31 =	sshll.u32 s0, $0x1  }
0x8: {  	s19 =	simm.s32 $0x0;
	s2 =	rddreg [dreg:$0x4];
	s9 =	sor.u32 s6, s31  }
0x9: {  	[smem:$0x7FF] =	sst s4;
	s6 =	ssub.s32 $0x2, s6;
	s5 =	smul.u32 $0xB, s9  }
0xa: {  	_ =	strace $0x80000047;
	s10 =	smul.u32 $0x160, s9;
	s11 =	sshll.u32 s9, $0xC  }
0xb: {  	s12 =	sshrl.u32 s6, $0x1;
	s9 =	smul.u32 $0x16000, s9;
	s11 =	sadd.s32 s11, s7  }
0xc: {  	s12 =	ssub.s32 s6, s12;
	s6 =	sand.u32 $0x7, s5;
	s10 =	sand.u32 $0x3F00, s10  }
0xd: {  	s7 =	sadd.s32 s3, s9;
	s11 =	sadd.s32 $0x1000, s11;
	s12 =	smax.u32 s12, $0x1  }
0xe: {  	v0 =	vimm.f32 $0.0e+00;
	v1 =	vmov s5;
	s8 =	sadd.s32 s8, s10;
	s9 =	sadd.s32 $0x800, s7;
	s10 =	sadd.s32 $0x1000, s7  }
.LBB2_1:
0xf: {  	[tilespmem:s4], [sflag:$0x5] =	stream.linear.gather [hbm4b:s1+s4], $0x800, $0x38;
	[tilespmem:$0x1A080] =	vst v63  }
0x10: {  	_ =	swait.ge [sflag:s13], $0x800  }
0x11: {  	[sflag:s13] =	ssyncset.done $0x0  }
0x12: {  	[sflag:s13] =	ssyncadd.s32 $0xFFFFF800  }
0x13: {  	[tilespmem:s14], [sflag:$0x5] =	stream.linear.gather [hbm4b:s8+s4], $0x1800, $0x38;
	[tilespmem:$0x1A080] =	vst v63  }
0x14: {  	_ =	swait.ge [sflag:s13], $0x1800  }
0x15: {  	[sflag:s13] =	ssyncset.done $0x0  }
0x16: {  	s20 =	simm.s32 $0x200;
	s21 =	simm.s32 $0x0;
	[sflag:s13] =	ssyncadd.s32 $0xFFFFE800  }
.LBB2_2:
0x17: {  	p0 =	sne.s32 s20, $0x1FE00;
	[tilespmem:s21+$0x12080] =	vst v0;
	s21 =	smov.u32 s20;
	s20 =	sadd.s32 $0x200, s20  }
.Ltmp0:
0x18: {  	(pc) =	sbr.rel @p0 .LBB2_2-.Ltmp0, $2  }
0x19: {  	_ =	sdelay $0x2  }
0x1a: {  	s21 =	sshra.s32 s21, $0x2  }
0x1b: {  	[tilespmem:s21+$0x12080] =	vst v0;
	s20 =	simm.s32 $0x0  }
0x1c: {  	[tilespmem:s15], [sflag:$0x1] =	stream.linear.gather [hbm4b:s7+s20], $0x4000, $0x38;
	[tilespmem:$0x1A080] =	vst v63  }
0x1d: {  	_ = 	snop  }
0x1e: {  	[tilespmem:s16], [sflag:$0x2] =	stream.linear.gather [hbm4b:s9+s20], $0x4000, $0x38;
	[tilespmem:$0x1A080] =	vst v63  }
0x1f: {  	s21 =	simm.s32 $0x0;
	s22 =	simm.s32 $0x0  }
0x20: {  	[tilespmem:s17], [sflag:$0x3] =	stream.linear.gather [hbm4b:s10+s20], $0x4000, $0x38;
	[tilespmem:$0x1A080] =	vst v63  }
.LBB2_4:
0x21: {  	p0 =	sgt.u32 s22, $0x28  }
0x22: {  	s23 =	sadd.s32 @!p0 $0x3, s22  }
0x23: {  	s25 =	sand.u32 $0x3, s22;
	s24 =	sshrl.u32 @!p0 s23, $0x2;
	s23 =	sand.u32 @!p0 $0x3, s23  }
0x24: {  	s24 =	sadd.s32 @!p0 s5, s24;
	s26 =	sshll.u32 @!p0 s23, $0xB;
	s28 =	sshll.u32 @!p0 s23, $0xE  }
0x25: {  	s23 =	sadd.s32 @!p0 $0x1, s23;
	s24 =	sshll.u32 @!p0 s24, $0xD;
	s26 =	sadd.s32 @!p0 s3, s26  }
0x26: {  	s28 =	sor.u32 @!p0 $0x2080, s28;
	s24 =	sadd.s32 @!p0 s24, s26;
	s26 =	simm.s32 @!p0 $0x0  }
0x27: {  	[tilespmem:s28], [sflag:s23] =	stream.linear.gather @!p0 [hbm4b:s24+s26], $0x4000, $0x38;
	[tilespmem:$0x1A080] =	vst v63  }
0x28: {  	s24 =	sadd.s32 $0x1, s25  }
0x29: {  	_ =	swait.ge [sflag:s24], $0x4000  }
0x2a: {  	[sflag:s24] =	ssyncset.done $0x0  }
0x2b: {  	s26 =	sshrl.u32 s22, $0x2;
	[sflag:s24] =	ssyncadd.s32 $0xFFFFC000  }
0x2c: {  	v2 =	vld.idx.msk [tilespmem:v1+s26+$0x0 ss:$0x1], $0xffff;
	_ =	sdelay $0x4  }
0x2d: {  	(v2sf) =	vpush v2, $0x0;
	_ =	sdelay $0x8  }
0x2e: {  	s26 =	sadd.s32 s6, s26  }
0x2f: {  	s25 =	sshll.u32 s25, $0xE;
	s24 =	sshll.u32 s26, $0x8;
	s23 =	sshll.u32 s26, $0x7  }
0x30: {  	s26 =	simm.s32 $0x0;
	s24 =	sand.u32 $0x1800, s24;
	s23 =	sand.u32 $0x380, s23  }
0x31: {  	s24 =	sor.u32 s23, s24;
	s23 =	sor.u32 $0x2080, s25;
	s25 =	sand.u32 $0x3800, s20  }
0x32: {  	s26 =	sand.u32 $0x200, s26;
	s25 =	sadd.s32 s25, s23;
	v2 =	vld [tilespmem:s24+$0x880]  }
0x33: {  	v3 =	vld [tilespmem:s24+$0x890];
	s26 =	sadd.s32 s26, s25  }
0x34: {  	v4 =	vld [tilespmem:s26+$0x0];
	s28 =	spop (v2sf)  }
0x35: {  	v5 =	vld [tilespmem:s24+$0x8A0];
	s28 =	smax.f32 s28, $0.0e+00  }
0x36: {  	v6 =	vld [tilespmem:s26+$0x10];
	s28 =	smin.f32 s28, $1.000000000e+00  }
0x37: {  	v7 =	vld [tilespmem:s24+$0x8B0];
	v2 =	vmul.f32 s28, v2  }
0x38: {  	v8 =	vld [tilespmem:s26+$0x20]  }
0x39: {  	v9 =	vld [tilespmem:s24+$0x8C0];
	v3 =	vmul.f32 s28, v3;
	v10 =	vmul.f32 v4, v2  }
0x3a: {  	v11 =	vld [tilespmem:s26+$0x30]  }
0x3b: {  	v12 =	vld [tilespmem:s24+$0x8D0];
	v4 =	vmul.f32 s28, v5;
	v6 =	vmul.f32 v6, v3;
	v10 =	vadd.f32 $0.0e+00, v10  }
0x3c: {  	v13 =	vld [tilespmem:s26+$0x40]  }
0x3d: {  	v14 =	vld [tilespmem:s24+$0x8E0];
	v5 =	vmul.f32 s28, v7;
	v7 =	vmul.f32 v8, v4;
	v8 =	vadd.f32 v6, v10  }
0x3e: {  	v10 =	vld [tilespmem:s26+$0x50]  }
0x3f: {  	v15 =	vld [tilespmem:s26+$0x60];
	v11 =	vmul.f32 v11, v5;
	v6 =	vmul.f32 s28, v9;
	v8 =	vadd.f32 v7, v8  }
0x40: {  	v9 =	vld [tilespmem:s24+$0x8F0]  }
0x41: {  	v16 =	vld [tilespmem:s26+$0x70];
	v7 =	vmul.f32 s28, v12;
	v13 =	vmul.f32 v13, v6;
	v11 =	vadd.f32 v11, v8  }
0x42: {  	v12 =	vld [tilespmem:s24+$0xC80]  }
0x43: {  	v8 =	vmul.f32 s28, v14;
	v14 =	vld [tilespmem:s24+$0xC90];
	v10 =	vmul.f32 v10, v7;
	v11 =	vadd.f32 v13, v11  }
0x44: {  	v13 =	vld [tilespmem:s26+$0x400]  }
0x45: {  	v17 =	vld [tilespmem:s24+$0xCA0];
	v9 =	vmul.f32 s28, v9;
	v15 =	vmul.f32 v15, v8;
	v11 =	vadd.f32 v10, v11  }
0x46: {  	v18 =	vld [tilespmem:s26+$0x410]  }
0x47: {  	v19 =	vld [tilespmem:s24+$0xCB0];
	v10 =	vmul.f32 s28, v12;
	v12 =	vmul.f32 v16, v9;
	v15 =	vadd.f32 v15, v11  }
0x48: {  	v16 =	vld [tilespmem:s26+$0x420]  }
0x49: {  	v20 =	vld [tilespmem:s26+$0x430];
	v11 =	vmul.f32 s28, v14;
	v13 =	vmul.f32 v13, v10;
	v15 =	vadd.f32 v12, v15  }
0x4a: {  	v14 =	vld [tilespmem:s24+$0xCC0]  }
0x4b: {  	v21 =	vld [tilespmem:s26+$0x440];
	v12 =	vmul.f32 s28, v17;
	v18 =	vmul.f32 v18, v11;
	v15 =	vadd.f32 v13, v15  }
0x4c: {  	v17 =	vld [tilespmem:s24+$0xCD0]  }
0x4d: {  	v13 =	vmul.f32 s28, v19;
	v19 =	vld [tilespmem:s24+$0xCE0];
	v16 =	vmul.f32 v16, v12;
	v15 =	vadd.f32 v18, v15  }
0x4e: {  	v18 =	vld [tilespmem:s26+$0x450]  }
0x4f: {  	v22 =	vld [tilespmem:s24+$0xCF0];
	v14 =	vmul.f32 s28, v14;
	v20 =	vmul.f32 v20, v13;
	v16 =	vadd.f32 v16, v15  }
0x50: {  	v23 =	vld [tilespmem:s26+$0x460]  }
0x51: {  	v15 =	vmul.f32 s28, v17;
	v17 =	vadd.f32 v20, v16;
	v20 =	vmul.f32 v21, v14  }
0x52: {  	v42 =	vld [tilespmem:s26+$0x470]  }
0x53: {  	v16 =	vmul.f32 s28, v19;
	v18 =	vmul.f32 v18, v15;
	v19 =	vadd.f32 v20, v17;
	_ =	sdelay $0x1  }
0x54: {  	v17 =	vmul.f32 s28, v22;
	v18 =	vadd.f32 v18, v19;
	v19 =	vmul.f32 v23, v16;
	_ =	sdelay $0x1  }
0x55: {  	v18 =	vadd.f32 v19, v18;
	v19 =	vmul.f32 v42, v17  }
0x56: {  	s26 =	sand.u32 $0x3, s21  }
0x57: {  	s24 =	sshll.u32 s26, $0xD;
	s26 =	simm.s32 $0x80;
	v18 =	vadd.f32 v19, v18  }
0x58: {  	s24 =	sadd.s32 $0x12200, s24;
	s26 =	sand.u32 $0x280, s26  }
0x59: {  	s26 =	sadd.s32 s26, s25;
	[tilespmem:s24+$0xFFFFFE80] =	vst.add.f32.msk $0xffff, v18  }
0x5a: {  	v18 =	vld [tilespmem:s26+$0x0];
	_ =	sdelay $0x1  }
0x5b: {  	v19 =	vld [tilespmem:s26+$0x10];
	_ =	sdelay $0x1  }
0x5c: {  	v20 =	vld [tilespmem:s26+$0x20]  }
0x5d: {  	v18 =	vmul.f32 v18, v2  }
0x5e: {  	v43 =	vld [tilespmem:s26+$0x30]  }
0x5f: {  	v19 =	vmul.f32 v19, v3;
	v18 =	vadd.f32 $0.0e+00, v18  }
0x60: {  	v44 =	vld [tilespmem:s26+$0x40]  }
0x61: {  	v20 =	vmul.f32 v20, v4;
	v18 =	vadd.f32 v19, v18  }
0x62: {  	v19 =	vld [tilespmem:s26+$0x50]  }
0x63: {  	v21 =	vmul.f32 v43, v5;
	v18 =	vadd.f32 v20, v18  }
0x64: {  	v20 =	vld [tilespmem:s26+$0x60]  }
0x65: {  	v22 =	vmul.f32 v44, v6;
	v18 =	vadd.f32 v21, v18  }
0x66: {  	v45 =	vld [tilespmem:s26+$0x70]  }
0x67: {  	v19 =	vmul.f32 v19, v7;
	v18 =	vadd.f32 v22, v18  }
0x68: {  	v46 =	vld [tilespmem:s26+$0x400]  }
0x69: {  	v20 =	vmul.f32 v20, v8;
	v18 =	vadd.f32 v19, v18  }
0x6a: {  	v19 =	vld [tilespmem:s26+$0x410]  }
0x6b: {  	v21 =	vmul.f32 v45, v9;
	v18 =	vadd.f32 v20, v18  }
0x6c: {  	v20 =	vld [tilespmem:s26+$0x420]  }
0x6d: {  	v22 =	vmul.f32 v46, v10;
	v18 =	vadd.f32 v21, v18  }
0x6e: {  	v47 =	vld [tilespmem:s26+$0x430]  }
0x6f: {  	v19 =	vmul.f32 v19, v11;
	v18 =	vadd.f32 v22, v18  }
0x70: {  	v48 =	vld [tilespmem:s26+$0x440]  }
0x71: {  	v20 =	vmul.f32 v20, v12;
	v18 =	vadd.f32 v19, v18  }
0x72: {  	v19 =	vld [tilespmem:s26+$0x450]  }
0x73: {  	v21 =	vmul.f32 v47, v13;
	v18 =	vadd.f32 v20, v18  }
0x74: {  	v20 =	vld [tilespmem:s26+$0x460]  }
0x75: {  	v22 =	vmul.f32 v48, v14;
	v18 =	vadd.f32 v21, v18  }
0x76: {  	v49 =	vld [tilespmem:s26+$0x470]  }
0x77: {  	v19 =	vmul.f32 v19, v15;
	v18 =	vadd.f32 v22, v18;
	_ =	sdelay $0x1  }
0x78: {  	v20 =	vmul.f32 v20, v16;
	v18 =	vadd.f32 v19, v18;
	_ =	sdelay $0x1  }
0x79: {  	v19 =	vmul.f32 v49, v17;
	v18 =	vadd.f32 v20, v18;
	_ =	sdelay $0x1  }
0x7a: {  	s26 =	simm.s32 $0x100;
	v18 =	vadd.f32 v19, v18  }
0x7b: {  	s26 =	sand.u32 $0x300, s26  }
0x7c: {  	s26 =	sadd.s32 s26, s25;
	[tilespmem:s24+$0xFFFFFF00] =	vst.add.f32.msk $0xffff, v18  }
0x7d: {  	v18 =	vld [tilespmem:s26+$0x0];
	_ =	sdelay $0x1  }
0x7e: {  	v19 =	vld [tilespmem:s26+$0x10];
	_ =	sdelay $0x1  }
0x7f: {  	v20 =	vld [tilespmem:s26+$0x20]  }
0x80: {  	v18 =	vmul.f32 v18, v2  }
0x81: {  	v50 =	vld [tilespmem:s26+$0x30]  }
0x82: {  	v19 =	vmul.f32 v19, v3;
	v18 =	vadd.f32 $0.0e+00, v18  }
0x83: {  	v51 =	vld [tilespmem:s26+$0x40]  }
0x84: {  	v20 =	vmul.f32 v20, v4;
	v18 =	vadd.f32 v19, v18  }
0x85: {  	v19 =	vld [tilespmem:s26+$0x50]  }
0x86: {  	v21 =	vmul.f32 v50, v5;
	v18 =	vadd.f32 v20, v18  }
0x87: {  	v20 =	vld [tilespmem:s26+$0x60]  }
0x88: {  	v22 =	vmul.f32 v51, v6;
	v18 =	vadd.f32 v21, v18  }
0x89: {  	v52 =	vld [tilespmem:s26+$0x70]  }
0x8a: {  	v19 =	vmul.f32 v19, v7;
	v18 =	vadd.f32 v22, v18  }
0x8b: {  	v53 =	vld [tilespmem:s26+$0x400]  }
0x8c: {  	v20 =	vmul.f32 v20, v8;
	v18 =	vadd.f32 v19, v18  }
0x8d: {  	v19 =	vld [tilespmem:s26+$0x410]  }
0x8e: {  	v21 =	vmul.f32 v52, v9;
	v18 =	vadd.f32 v20, v18  }
0x8f: {  	v20 =	vld [tilespmem:s26+$0x420]  }
0x90: {  	v22 =	vmul.f32 v53, v10;
	v18 =	vadd.f32 v21, v18  }
0x91: {  	v54 =	vld [tilespmem:s26+$0x430]  }
0x92: {  	v19 =	vmul.f32 v19, v11;
	v18 =	vadd.f32 v22, v18  }
0x93: {  	v55 =	vld [tilespmem:s26+$0x440]  }
0x94: {  	v20 =	vmul.f32 v20, v12;
	v18 =	vadd.f32 v19, v18  }
0x95: {  	v19 =	vld [tilespmem:s26+$0x450]  }
0x96: {  	v21 =	vmul.f32 v54, v13;
	v18 =	vadd.f32 v20, v18  }
0x97: {  	v20 =	vld [tilespmem:s26+$0x460]  }
0x98: {  	v22 =	vmul.f32 v55, v14;
	v18 =	vadd.f32 v21, v18  }
0x99: {  	v56 =	vld [tilespmem:s26+$0x470]  }
0x9a: {  	v19 =	vmul.f32 v19, v15;
	v18 =	vadd.f32 v22, v18;
	_ =	sdelay $0x1  }
0x9b: {  	v20 =	vmul.f32 v20, v16;
	v18 =	vadd.f32 v19, v18;
	_ =	sdelay $0x1  }
0x9c: {  	v19 =	vmul.f32 v56, v17;
	v18 =	vadd.f32 v20, v18;
	_ =	sdelay $0x1  }
0x9d: {  	s26 =	simm.s32 $0x180;
	v18 =	vadd.f32 v19, v18  }
0x9e: {  	s26 =	sand.u32 $0x380, s26  }
0x9f: {  	s25 =	sadd.s32 s26, s25;
	[tilespmem:s24+$0xFFFFFF80] =	vst.add.f32.msk $0xffff, v18  }
0xa0: {  	v18 =	vld [tilespmem:s25+$0x0];
	_ =	sdelay $0x1  }
0xa1: {  	v19 =	vld [tilespmem:s25+$0x10];
	_ =	sdelay $0x1  }
0xa2: {  	v20 =	vld [tilespmem:s25+$0x20]  }
0xa3: {  	v18 =	vmul.f32 v18, v2  }
0xa4: {  	v57 =	vld [tilespmem:s25+$0x30]  }
0xa5: {  	v19 =	vmul.f32 v19, v3;
	v18 =	vadd.f32 $0.0e+00, v18  }
0xa6: {  	v58 =	vld [tilespmem:s25+$0x40]  }
0xa7: {  	v20 =	vmul.f32 v20, v4;
	v18 =	vadd.f32 v19, v18  }
0xa8: {  	v19 =	vld [tilespmem:s25+$0x50]  }
0xa9: {  	v21 =	vmul.f32 v57, v5;
	v18 =	vadd.f32 v20, v18  }
0xaa: {  	v20 =	vld [tilespmem:s25+$0x60]  }
0xab: {  	v22 =	vmul.f32 v58, v6;
	v18 =	vadd.f32 v21, v18  }
0xac: {  	v59 =	vld [tilespmem:s25+$0x70]  }
0xad: {  	v19 =	vmul.f32 v19, v7;
	v18 =	vadd.f32 v22, v18  }
0xae: {  	v60 =	vld [tilespmem:s25+$0x400]  }
0xaf: {  	v20 =	vmul.f32 v20, v8;
	v18 =	vadd.f32 v19, v18  }
0xb0: {  	v19 =	vld [tilespmem:s25+$0x410]  }
0xb1: {  	v21 =	vmul.f32 v59, v9;
	v18 =	vadd.f32 v20, v18  }
0xb2: {  	v20 =	vld [tilespmem:s25+$0x420]  }
0xb3: {  	v22 =	vmul.f32 v60, v10;
	v18 =	vadd.f32 v21, v18  }
0xb4: {  	v61 =	vld [tilespmem:s25+$0x430]  }
0xb5: {  	v19 =	vmul.f32 v19, v11;
	v18 =	vadd.f32 v22, v18  }
0xb6: {  	v62 =	vld [tilespmem:s25+$0x440]  }
0xb7: {  	v20 =	vmul.f32 v20, v12;
	v18 =	vadd.f32 v19, v18  }
0xb8: {  	v19 =	vld [tilespmem:s25+$0x450]  }
0xb9: {  	v21 =	vmul.f32 v61, v13;
	v18 =	vadd.f32 v20, v18  }
0xba: {  	v20 =	vld [tilespmem:s25+$0x460]  }
0xbb: {  	v22 =	vmul.f32 v62, v14;
	v18 =	vadd.f32 v21, v18  }
0xbc: {  	v63 =	vld [tilespmem:s25+$0x470]  }
0xbd: {  	v19 =	vmul.f32 v19, v15;
	v18 =	vadd.f32 v22, v18;
	_ =	sdelay $0x1  }
0xbe: {  	v20 =	vmul.f32 v20, v16;
	v18 =	vadd.f32 v19, v18;
	_ =	sdelay $0x1  }
0xbf: {  	s30 =	simm.s32 $0x200;
	s28 =	simm.s32 $0x400;
	v19 =	vmul.f32 v63, v17;
	v18 =	vadd.f32 v20, v18  }
0xc0: {  	s29 =	simm.s32 $0x4;
	s31 =	sand.u32 $0x200, s30;
	s26 =	sand.u32 $0x3800, s28  }
0xc1: {  	s30 =	smov.u32 s24;
	s26 =	sadd.s32 s26, s23;
	s25 =	simm.s32 $0x380;
	v18 =	vadd.f32 v19, v18  }
.LBB2_5:
0xc2: {  	s29 =	sadd.s32 $0x4, s29;
	s31 =	sadd.s32 s31, s26;
	s24 =	sadd.s32 $0x200, s24  }
0xc3: {  	p0 =	slt.u32 s29, $0x3C;
	[tilespmem:s30+$0x0] =	vst.add.f32.msk $0xffff, v18;
	s30 =	smov.u32 s24  }
0xc4: {  	v18 =	vld [tilespmem:s31+$0x0];
	_ =	sdelay $0x1  }
0xc5: {  	v19 =	vld [tilespmem:s31+$0x10]  }
0xc6: {  	v20 =	vld [tilespmem:s31+$0x20];
	_ =	sdelay $0x1  }
0xc7: {  	v18 =	vmul.f32 v18, v2;
	v21 =	vld [tilespmem:s31+$0x30];
	_ =	sdelay $0x1  }
0xc8: {  	v18 =	vadd.f32 $0.0e+00, v18;
	v19 =	vmul.f32 v19, v3  }
0xc9: {  	v20 =	vmul.f32 v20, v4;
	v22 =	vld [tilespmem:s31+$0x40]  }
0xca: {  	v18 =	vadd.f32 v19, v18;
	v19 =	vld [tilespmem:s31+$0x50]  }
0xcb: {  	v21 =	vmul.f32 v21, v5  }
0xcc: {  	v18 =	vadd.f32 v20, v18;
	v20 =	vld [tilespmem:s31+$0x60];
	_ =	sdelay $0x1  }
0xcd: {  	v18 =	vadd.f32 v21, v18;
	v21 =	vmul.f32 v22, v6;
	v22 =	vld [tilespmem:s31+$0x70]  }
0xce: {  	v19 =	vmul.f32 v19, v7  }
0xcf: {  	v18 =	vadd.f32 v21, v18;
	v21 =	vld [tilespmem:s31+$0x400]  }
0xd0: {  	v20 =	vmul.f32 v20, v8  }
0xd1: {  	v18 =	vadd.f32 v19, v18  }
0xd2: {  	v19 =	vmul.f32 v22, v9;
	v22 =	vld [tilespmem:s31+$0x410]  }
0xd3: {  	v18 =	vadd.f32 v20, v18  }
0xd4: {  	v20 =	vmul.f32 v21, v10;
	v21 =	vld [tilespmem:s31+$0x420]  }
0xd5: {  	v18 =	vadd.f32 v19, v18  }
0xd6: {  	v19 =	vld [tilespmem:s31+$0x430]  }
0xd7: {  	v18 =	vadd.f32 v20, v18;
	v20 =	vmul.f32 v22, v11  }
0xd8: {  	v22 =	vld [tilespmem:s31+$0x440]  }
0xd9: {  	v18 =	vadd.f32 v20, v18;
	v20 =	vmul.f32 v21, v12  }
0xda: {  	v21 =	vld [tilespmem:s31+$0x450]  }
0xdb: {  	v18 =	vadd.f32 v20, v18;
	v19 =	vmul.f32 v19, v13  }
0xdc: {  	v20 =	vld [tilespmem:s31+$0x460]  }
0xdd: {  	v18 =	vadd.f32 v19, v18;
	v19 =	vmul.f32 v22, v14  }
0xde: {  	v22 =	vld [tilespmem:s31+$0x470]  }
0xdf: {  	v18 =	vadd.f32 v19, v18;
	v19 =	vmul.f32 v21, v15;
	_ =	sdelay $0x1  }
0xe0: {  	v18 =	vadd.f32 v19, v18;
	v19 =	vmul.f32 v20, v16;
	_ =	sdelay $0x1  }
0xe1: {  	v18 =	vadd.f32 v19, v18;
	v19 =	vmul.f32 v22, v17  }
0xe2: {  	s31 =	sadd.s32 $0xFFFFFF00, s25  }
0xe3: {  	s31 =	sand.u32 $0x280, s31;
	v18 =	vadd.f32 v19, v18  }
0xe4: {  	s31 =	sadd.s32 s31, s26  }
0xe5: {  	[tilespmem:s24+$0xFFFFFE80] =	vst.add.f32.msk $0xffff, v18  }
0xe6: {  	v18 =	vld [tilespmem:s31+$0x0]  }
0xe7: {  	v19 =	vld [tilespmem:s31+$0x10];
	_ =	sdelay $0x1  }
0xe8: {  	v20 =	vld [tilespmem:s31+$0x20];
	_ =	sdelay $0x1  }
0xe9: {  	v18 =	vmul.f32 v18, v2;
	v21 =	vld [tilespmem:s31+$0x30]  }
0xea: {  	v19 =	vmul.f32 v19, v3  }
0xeb: {  	v18 =	vadd.f32 $0.0e+00, v18;
	v22 =	vld [tilespmem:s31+$0x40]  }
0xec: {  	v20 =	vmul.f32 v20, v4  }
0xed: {  	v18 =	vadd.f32 v19, v18;
	v19 =	vld [tilespmem:s31+$0x50]  }
0xee: {  	v21 =	vmul.f32 v21, v5  }
0xef: {  	v18 =	vadd.f32 v20, v18;
	v20 =	vld [tilespmem:s31+$0x60]  }
0xf0: {  	v22 =	vmul.f32 v22, v6  }
0xf1: {  	v18 =	vadd.f32 v21, v18;
	v21 =	vld [tilespmem:s31+$0x70]  }
0xf2: {  	v19 =	vmul.f32 v19, v7  }
0xf3: {  	v18 =	vadd.f32 v22, v18;
	v22 =	vld [tilespmem:s31+$0x400]  }
0xf4: {  	v20 =	vmul.f32 v20, v8  }
0xf5: {  	v18 =	vadd.f32 v19, v18;
	v19 =	vld [tilespmem:s31+$0x410]  }
0xf6: {  	v21 =	vmul.f32 v21, v9  }
0xf7: {  	v18 =	vadd.f32 v20, v18;
	v20 =	vld [tilespmem:s31+$0x420]  }
0xf8: {  	v22 =	vmul.f32 v22, v10  }
0xf9: {  	v18 =	vadd.f32 v21, v18;
	v21 =	vld [tilespmem:s31+$0x430]  }
0xfa: {  	v19 =	vmul.f32 v19, v11  }
0xfb: {  	v18 =	vadd.f32 v22, v18;
	v22 =	vld [tilespmem:s31+$0x440]  }
0xfc: {  	v20 =	vmul.f32 v20, v12  }
0xfd: {  	v18 =	vadd.f32 v19, v18;
	v19 =	vld [tilespmem:s31+$0x450]  }
0xfe: {  	v21 =	vmul.f32 v21, v13  }
0xff: {  	v18 =	vadd.f32 v20, v18;
	v20 =	vld [tilespmem:s31+$0x460]  }
0x100: {  	v22 =	vmul.f32 v22, v14  }
0x101: {  	v18 =	vadd.f32 v21, v18;
	v21 =	vld [tilespmem:s31+$0x470]  }
0x102: {  	v19 =	vmul.f32 v19, v15  }
0x103: {  	v18 =	vadd.f32 v22, v18  }
0x104: {  	v20 =	vmul.f32 v20, v16  }
0x105: {  	v18 =	vadd.f32 v19, v18  }
0x106: {  	v19 =	vmul.f32 v21, v17  }
0x107: {  	v18 =	vadd.f32 v20, v18  }
0x108: {  	s31 =	sadd.s32 $0xFFFFFF80, s25  }
0x109: {  	s31 =	sand.u32 $0x300, s31;
	v18 =	vadd.f32 v19, v18  }
0x10a: {  	s31 =	sadd.s32 s31, s26  }
0x10b: {  	[tilespmem:s24+$0xFFFFFF00] =	vst.add.f32.msk $0xffff, v18  }
0x10c: {  	v18 =	vld [tilespmem:s31+$0x0]  }
0x10d: {  	v19 =	vld [tilespmem:s31+$0x10];
	_ =	sdelay $0x1  }
0x10e: {  	v20 =	vld [tilespmem:s31+$0x20];
	_ =	sdelay $0x1  }
0x10f: {  	v18 =	vmul.f32 v18, v2;
	v21 =	vld [tilespmem:s31+$0x30]  }
0x110: {  	v19 =	vmul.f32 v19, v3  }
0x111: {  	v18 =	vadd.f32 $0.0e+00, v18;
	v22 =	vld [tilespmem:s31+$0x40]  }
0x112: {  	v20 =	vmul.f32 v20, v4  }
0x113: {  	v18 =	vadd.f32 v19, v18;
	v19 =	vld [tilespmem:s31+$0x50]  }
0x114: {  	v21 =	vmul.f32 v21, v5  }
0x115: {  	v18 =	vadd.f32 v20, v18;
	v20 =	vld [tilespmem:s31+$0x60]  }
0x116: {  	v22 =	vmul.f32 v22, v6  }
0x117: {  	v18 =	vadd.f32 v21, v18;
	v21 =	vld [tilespmem:s31+$0x70]  }
0x118: {  	v19 =	vmul.f32 v19, v7  }
0x119: {  	v18 =	vadd.f32 v22, v18;
	v22 =	vld [tilespmem:s31+$0x400]  }
0x11a: {  	v20 =	vmul.f32 v20, v8  }
0x11b: {  	v18 =	vadd.f32 v19, v18;
	v19 =	vld [tilespmem:s31+$0x410]  }
0x11c: {  	v21 =	vmul.f32 v21, v9  }
0x11d: {  	v18 =	vadd.f32 v20, v18;
	v20 =	vld [tilespmem:s31+$0x420]  }
0x11e: {  	v22 =	vmul.f32 v22, v10  }
0x11f: {  	v18 =	vadd.f32 v21, v18;
	v21 =	vld [tilespmem:s31+$0x430]  }
0x120: {  	v19 =	vmul.f32 v19, v11  }
0x121: {  	v18 =	vadd.f32 v22, v18;
	v22 =	vld [tilespmem:s31+$0x440]  }
0x122: {  	v20 =	vmul.f32 v20, v12  }
0x123: {  	v18 =	vadd.f32 v19, v18;
	v19 =	vld [tilespmem:s31+$0x450]  }
0x124: {  	v21 =	vmul.f32 v21, v13  }
0x125: {  	v18 =	vadd.f32 v20, v18;
	v20 =	vld [tilespmem:s31+$0x460]  }
0x126: {  	v22 =	vmul.f32 v22, v14  }
0x127: {  	v18 =	vadd.f32 v21, v18;
	v21 =	vld [tilespmem:s31+$0x470]  }
0x128: {  	v19 =	vmul.f32 v19, v15  }
0x129: {  	v18 =	vadd.f32 v22, v18  }
0x12a: {  	v20 =	vmul.f32 v20, v16  }
0x12b: {  	v18 =	vadd.f32 v19, v18  }
0x12c: {  	v19 =	vmul.f32 v21, v17  }
0x12d: {  	v18 =	vadd.f32 v20, v18;
	_ =	sdelay $0x1  }
0x12e: {  	s31 =	sand.u32 $0x380, s25;
	v18 =	vadd.f32 v19, v18  }
0x12f: {  	s26 =	sadd.s32 s31, s26  }
0x130: {  	[tilespmem:s24+$0xFFFFFF80] =	vst.add.f32.msk $0xffff, v18  }
0x131: {  	v18 =	vld [tilespmem:s26+$0x0]  }
0x132: {  	v19 =	vld [tilespmem:s26+$0x10]  }
0x133: {  	v20 =	vld [tilespmem:s26+$0x20]  }
0x134: {  	v21 =	vld [tilespmem:s26+$0x30]  }
0x135: {  	v22 =	vld [tilespmem:s26+$0x40]  }
0x136: {  	v18 =	vmul.f32 v18, v2;
	v23 =	vld [tilespmem:s26+$0x50]  }
0x137: {  	v19 =	vmul.f32 v19, v3;
	v24 =	vld [tilespmem:s26+$0x60]  }
0x138: {  	v18 =	vadd.f32 $0.0e+00, v18;
	v25 =	vld [tilespmem:s26+$0x70]  }
0x139: {  	v20 =	vmul.f32 v20, v4;
	v26 =	vld [tilespmem:s26+$0x400]  }
0x13a: {  	v18 =	vadd.f32 v19, v18;
	v19 =	vld [tilespmem:s26+$0x410]  }
0x13b: {  	v21 =	vmul.f32 v21, v5;
	v27 =	vld [tilespmem:s26+$0x420]  }
0x13c: {  	v18 =	vadd.f32 v20, v18;
	v20 =	vld [tilespmem:s26+$0x430]  }
0x13d: {  	v22 =	vmul.f32 v22, v6;
	v28 =	vld [tilespmem:s26+$0x440]  }
0x13e: {  	v18 =	vadd.f32 v21, v18;
	v21 =	vld [tilespmem:s26+$0x450]  }
0x13f: {  	v23 =	vmul.f32 v23, v7;
	v29 =	vld [tilespmem:s26+$0x460]  }
0x140: {  	v18 =	vadd.f32 v22, v18;
	v22 =	vld [tilespmem:s26+$0x470]  }
0x141: {  	v24 =	vmul.f32 v24, v8  }
0x142: {  	v18 =	vadd.f32 v23, v18  }
0x143: {  	v23 =	vmul.f32 v25, v9  }
0x144: {  	v18 =	vadd.f32 v24, v18  }
0x145: {  	v24 =	vmul.f32 v26, v10  }
0x146: {  	v18 =	vadd.f32 v23, v18  }
0x147: {  	v19 =	vmul.f32 v19, v11  }
0x148: {  	v18 =	vadd.f32 v24, v18  }
0x149: {  	v23 =	vmul.f32 v27, v12  }
0x14a: {  	v18 =	vadd.f32 v19, v18  }
0x14b: {  	v19 =	vmul.f32 v20, v13  }
0x14c: {  	v18 =	vadd.f32 v23, v18  }
0x14d: {  	v20 =	vmul.f32 v28, v14  }
0x14e: {  	v18 =	vadd.f32 v19, v18  }
0x14f: {  	v19 =	vmul.f32 v21, v15  }
0x150: {  	v18 =	vadd.f32 v20, v18  }
0x151: {  	v20 =	vmul.f32 v29, v16  }
.Ltmp1:
0x152: {  	v18 =	vadd.f32 v19, v18;
	(pc) =	sbr.rel @p0 .LBB2_5-.Ltmp1, $4  }
0x153: {  	v19 =	vmul.f32 v22, v17  }
0x154: {  	s28 =	sadd.s32 $0x400, s28;
	s25 =	sadd.s32 $0x200, s25;
	v18 =	vadd.f32 v20, v18  }
0x155: {  	s31 =	sadd.s32 $0xFFFFFE80, s25;
	s26 =	sand.u32 $0x3800, s28  }
0x156: {  	s31 =	sand.u32 $0x200, s31;
	s26 =	sadd.s32 s26, s23;
	v18 =	vadd.f32 v19, v18  }
0x157: {  	_ = 	snop  }
0x158: {  	s23 =	sadd.s32 s31, s26;
	[tilespmem:s30+$0x0] =	vst.add.f32.msk $0xffff, v18  }
0x159: {  	v18 =	vld [tilespmem:s23+$0x0];
	_ =	sdelay $0x1  }
0x15a: {  	v19 =	vld [tilespmem:s23+$0x10];
	_ =	sdelay $0x1  }
0x15b: {  	v20 =	vld [tilespmem:s23+$0x20]  }
0x15c: {  	v18 =	vmul.f32 v18, v2  }
0x15d: {  	v21 =	vld [tilespmem:s23+$0x30]  }
0x15e: {  	v19 =	vmul.f32 v19, v3;
	v18 =	vadd.f32 $0.0e+00, v18  }
0x15f: {  	v22 =	vld [tilespmem:s23+$0x40]  }
0x160: {  	v20 =	vmul.f32 v20, v4;
	v18 =	vadd.f32 v19, v18  }
0x161: {  	v39 =	vld [tilespmem:s23+$0x50]  }
0x162: {  	v21 =	vmul.f32 v21, v5;
	v18 =	vadd.f32 v20, v18  }
0x163: {  	v40 =	vld [tilespmem:s23+$0x60]  }
0x164: {  	v41 =	vmul.f32 v22, v6;
	v18 =	vadd.f32 v21, v18  }
0x165: {  	v42 =	vld [tilespmem:s23+$0x70]  }
0x166: {  	v19 =	vmul.f32 v39, v7;
	v18 =	vadd.f32 v41, v18  }
0x167: {  	v43 =	vld [tilespmem:s23+$0x400]  }
0x168: {  	v20 =	vmul.f32 v40, v8;
	v18 =	vadd.f32 v19, v18  }
0x169: {  	v44 =	vld [tilespmem:s23+$0x410]  }
0x16a: {  	v22 =	vmul.f32 v42, v9;
	v18 =	vadd.f32 v20, v18  }
0x16b: {  	v45 =	vld [tilespmem:s23+$0x420]  }
0x16c: {  	v21 =	vmul.f32 v43, v10;
	v18 =	vadd.f32 v22, v18  }
0x16d: {  	v46 =	vld [tilespmem:s23+$0x430]  }
0x16e: {  	v19 =	vmul.f32 v44, v11;
	v18 =	vadd.f32 v21, v18  }
0x16f: {  	v47 =	vld [tilespmem:s23+$0x440]  }
0x170: {  	v48 =	vmul.f32 v45, v12;
	v18 =	vadd.f32 v19, v18  }
0x171: {  	v49 =	vld [tilespmem:s23+$0x450]  }
0x172: {  	v50 =	vmul.f32 v46, v13;
	v18 =	vadd.f32 v48, v18  }
0x173: {  	v51 =	vld [tilespmem:s23+$0x460]  }
0x174: {  	v52 =	vmul.f32 v47, v14;
	v18 =	vadd.f32 v50, v18  }
0x175: {  	v53 =	vld [tilespmem:s23+$0x470]  }
0x176: {  	v54 =	vmul.f32 v49, v15;
	v18 =	vadd.f32 v52, v18;
	_ =	sdelay $0x1  }
0x177: {  	v55 =	vmul.f32 v51, v16;
	v18 =	vadd.f32 v54, v18;
	_ =	sdelay $0x1  }
0x178: {  	v56 =	vmul.f32 v53, v17;
	v18 =	vadd.f32 v55, v18;
	_ =	sdelay $0x1  }
0x179: {  	s28 =	sadd.s32 $0xFFFFFF00, s25;
	v18 =	vadd.f32 v56, v18  }
0x17a: {  	s29 =	sand.u32 $0x280, s28;
	s23 =	sadd.s32 $0x200, s24  }
0x17b: {  	s24 =	sadd.s32 s29, s26;
	[tilespmem:s23+$0xFFFFFE80] =	vst.add.f32.msk $0xffff, v18  }
0x17c: {  	v18 =	vld [tilespmem:s24+$0x0];
	_ =	sdelay $0x1  }
0x17d: {  	v57 =	vld [tilespmem:s24+$0x10];
	_ =	sdelay $0x1  }
0x17e: {  	v58 =	vld [tilespmem:s24+$0x20]  }
0x17f: {  	v18 =	vmul.f32 v18, v2  }
0x180: {  	v59 =	vld [tilespmem:s24+$0x30]  }
0x181: {  	v19 =	vmul.f32 v57, v3;
	v18 =	vadd.f32 $0.0e+00, v18  }
0x182: {  	v60 =	vld [tilespmem:s24+$0x40]  }
0x183: {  	v20 =	vmul.f32 v58, v4;
	v18 =	vadd.f32 v19, v18  }
0x184: {  	v61 =	vld [tilespmem:s24+$0x50]  }
0x185: {  	v21 =	vmul.f32 v59, v5;
	v18 =	vadd.f32 v20, v18  }
0x186: {  	v62 =	vld [tilespmem:s24+$0x60]  }
0x187: {  	v22 =	vmul.f32 v60, v6;
	v18 =	vadd.f32 v21, v18  }
0x188: {  	v63 =	vld [tilespmem:s24+$0x70]  }
0x189: {  	v19 =	vmul.f32 v61, v7;
	v18 =	vadd.f32 v22, v18  }
0x18a: {  	v24 =	vld [tilespmem:s24+$0x400]  }
0x18b: {  	v20 =	vmul.f32 v62, v8;
	v18 =	vadd.f32 v19, v18  }
0x18c: {  	v25 =	vld [tilespmem:s24+$0x410]  }
0x18d: {  	v21 =	vmul.f32 v63, v9;
	v18 =	vadd.f32 v20, v18  }
0x18e: {  	v26 =	vld [tilespmem:s24+$0x420]  }
0x18f: {  	v22 =	vmul.f32 v24, v10;
	v18 =	vadd.f32 v21, v18  }
0x190: {  	v27 =	vld [tilespmem:s24+$0x430]  }
0x191: {  	v19 =	vmul.f32 v25, v11;
	v18 =	vadd.f32 v22, v18  }
0x192: {  	v28 =	vld [tilespmem:s24+$0x440]  }
0x193: {  	v20 =	vmul.f32 v26, v12;
	v18 =	vadd.f32 v19, v18  }
0x194: {  	v29 =	vld [tilespmem:s24+$0x450]  }
0x195: {  	v21 =	vmul.f32 v27, v13;
	v18 =	vadd.f32 v20, v18  }
0x196: {  	v30 =	vld [tilespmem:s24+$0x460]  }
0x197: {  	v22 =	vmul.f32 v28, v14;
	v18 =	vadd.f32 v21, v18  }
0x198: {  	v31 =	vld [tilespmem:s24+$0x470]  }
0x199: {  	v19 =	vmul.f32 v29, v15;
	v18 =	vadd.f32 v22, v18;
	_ =	sdelay $0x1  }
0x19a: {  	v20 =	vmul.f32 v30, v16;
	v18 =	vadd.f32 v19, v18;
	_ =	sdelay $0x1  }
0x19b: {  	v32 =	vmul.f32 v31, v17;
	v18 =	vadd.f32 v20, v18;
	_ =	sdelay $0x1  }
0x19c: {  	s30 =	sadd.s32 $0xFFFFFF80, s25;
	v18 =	vadd.f32 v32, v18  }
0x19d: {  	s24 =	sand.u32 $0x300, s30  }
0x19e: {  	s24 =	sadd.s32 s24, s26;
	[tilespmem:s23+$0xFFFFFF00] =	vst.add.f32.msk $0xffff, v18  }
0x19f: {  	v18 =	vld [tilespmem:s24+$0x0];
	_ =	sdelay $0x1  }
0x1a0: {  	v33 =	vld [tilespmem:s24+$0x10];
	_ =	sdelay $0x1  }
0x1a1: {  	v34 =	vld [tilespmem:s24+$0x20]  }
0x1a2: {  	v18 =	vmul.f32 v18, v2  }
0x1a3: {  	v35 =	vld [tilespmem:s24+$0x30]  }
0x1a4: {  	v19 =	vmul.f32 v33, v3;
	v18 =	vadd.f32 $0.0e+00, v18  }
0x1a5: {  	v36 =	vld [tilespmem:s24+$0x40]  }
0x1a6: {  	v20 =	vmul.f32 v34, v4;
	v18 =	vadd.f32 v19, v18  }
0x1a7: {  	v37 =	vld [tilespmem:s24+$0x50]  }
0x1a8: {  	v21 =	vmul.f32 v35, v5;
	v18 =	vadd.f32 v20, v18  }
0x1a9: {  	v38 =	vld [tilespmem:s24+$0x60]  }
0x1aa: {  	v22 =	vmul.f32 v36, v6;
	v18 =	vadd.f32 v21, v18  }
0x1ab: {  	v39 =	vld [tilespmem:s24+$0x70]  }
0x1ac: {  	v19 =	vmul.f32 v37, v7;
	v18 =	vadd.f32 v22, v18  }
0x1ad: {  	v40 =	vld [tilespmem:s24+$0x400]  }
0x1ae: {  	v20 =	vmul.f32 v38, v8;
	v18 =	vadd.f32 v19, v18  }
0x1af: {  	v41 =	vld [tilespmem:s24+$0x410]  }
0x1b0: {  	v21 =	vmul.f32 v39, v9;
	v18 =	vadd.f32 v20, v18  }
0x1b1: {  	v42 =	vld [tilespmem:s24+$0x420]  }
0x1b2: {  	v22 =	vmul.f32 v40, v10;
	v18 =	vadd.f32 v21, v18  }
0x1b3: {  	v43 =	vld [tilespmem:s24+$0x430]  }
0x1b4: {  	v19 =	vmul.f32 v41, v11;
	v18 =	vadd.f32 v22, v18  }
0x1b5: {  	v44 =	vld [tilespmem:s24+$0x440]  }
0x1b6: {  	v20 =	vmul.f32 v42, v12;
	v18 =	vadd.f32 v19, v18  }
0x1b7: {  	v45 =	vld [tilespmem:s24+$0x450]  }
0x1b8: {  	v21 =	vmul.f32 v43, v13;
	v18 =	vadd.f32 v20, v18  }
0x1b9: {  	v46 =	vld [tilespmem:s24+$0x460]  }
0x1ba: {  	v22 =	vmul.f32 v44, v14;
	v18 =	vadd.f32 v21, v18  }
0x1bb: {  	v47 =	vld [tilespmem:s24+$0x470]  }
0x1bc: {  	v19 =	vmul.f32 v45, v15;
	v18 =	vadd.f32 v22, v18;
	_ =	sdelay $0x1  }
0x1bd: {  	v20 =	vmul.f32 v46, v16;
	v18 =	vadd.f32 v19, v18;
	_ =	sdelay $0x1  }
0x1be: {  	v48 =	vmul.f32 v47, v17;
	v18 =	vadd.f32 v20, v18;
	_ =	sdelay $0x1  }
0x1bf: {  	v18 =	vadd.f32 v48, v18  }
0x1c0: {  	s31 =	sand.u32 $0x380, s25  }
0x1c1: {  	s24 =	sadd.s32 s31, s26;
	[tilespmem:s23+$0xFFFFFF80] =	vst.add.f32.msk $0xffff, v18  }
0x1c2: {  	v18 =	vld [tilespmem:s24+$0x0];
	_ =	sdelay $0x1  }
0x1c3: {  	v49 =	vld [tilespmem:s24+$0x10];
	_ =	sdelay $0x1  }
0x1c4: {  	v50 =	vld [tilespmem:s24+$0x20]  }
0x1c5: {  	v2 =	vmul.f32 v18, v2  }
0x1c6: {  	v51 =	vld [tilespmem:s24+$0x30]  }
0x1c7: {  	v3 =	vmul.f32 v49, v3;
	v2 =	vadd.f32 $0.0e+00, v2  }
0x1c8: {  	v52 =	vld [tilespmem:s24+$0x40]  }
0x1c9: {  	v53 =	vmul.f32 v50, v4;
	v2 =	vadd.f32 v3, v2  }
0x1ca: {  	v3 =	vld [tilespmem:s24+$0x50]  }
0x1cb: {  	v54 =	vmul.f32 v51, v5;
	v2 =	vadd.f32 v53, v2  }
0x1cc: {  	v55 =	vld [tilespmem:s24+$0x60]  }
0x1cd: {  	v56 =	vmul.f32 v52, v6;
	v2 =	vadd.f32 v54, v2  }
0x1ce: {  	v57 =	vld [tilespmem:s24+$0x70]  }
0x1cf: {  	v3 =	vmul.f32 v3, v7;
	v2 =	vadd.f32 v56, v2  }
0x1d0: {  	v58 =	vld [tilespmem:s24+$0x400]  }
0x1d1: {  	v4 =	vmul.f32 v55, v8;
	v2 =	vadd.f32 v3, v2  }
0x1d2: {  	v3 =	vld [tilespmem:s24+$0x410]  }
0x1d3: {  	v5 =	vmul.f32 v57, v9;
	v2 =	vadd.f32 v4, v2  }
0x1d4: {  	v59 =	vld [tilespmem:s24+$0x420]  }
0x1d5: {  	v6 =	vmul.f32 v58, v10;
	v2 =	vadd.f32 v5, v2  }
0x1d6: {  	v60 =	vld [tilespmem:s24+$0x430]  }
0x1d7: {  	v3 =	vmul.f32 v3, v11;
	v2 =	vadd.f32 v6, v2  }
0x1d8: {  	v61 =	vld [tilespmem:s24+$0x440]  }
0x1d9: {  	v4 =	vmul.f32 v59, v12;
	v2 =	vadd.f32 v3, v2  }
0x1da: {  	v3 =	vld [tilespmem:s24+$0x450]  }
0x1db: {  	v5 =	vmul.f32 v60, v13;
	v2 =	vadd.f32 v4, v2  }
0x1dc: {  	v62 =	vld [tilespmem:s24+$0x460]  }
0x1dd: {  	v6 =	vmul.f32 v61, v14;
	v2 =	vadd.f32 v5, v2  }
0x1de: {  	v63 =	vld [tilespmem:s24+$0x470]  }
0x1df: {  	v3 =	vmul.f32 v3, v15;
	v2 =	vadd.f32 v6, v2;
	_ =	sdelay $0x1  }
0x1e0: {  	s22 =	sadd.s32 $0x1, s22;
	v4 =	vmul.f32 v62, v16;
	v2 =	vadd.f32 v3, v2  }
0x1e1: {  	p0 =	sne.s32 s22, $0x2C  }
.Ltmp2:
0x1e2: {  	v3 =	vmul.f32 v63, v17;
	v2 =	vadd.f32 v4, v2;
	(pc) =	sbr.rel @p0 .LBB2_4-.Ltmp2, $3  }
0x1e3: {  	_ = 	snop  }
0x1e4: {  	v2 =	vadd.f32 v3, v2;
	_ =	sdelay $0x1  }
0x1e5: {  	s21 =	sadd.s32 $0x1, s21;
	[tilespmem:s23+$0x0] =	vst.add.f32.msk $0xffff, v2  }
0x1e6: {  	s19 =	sadd.s32 $0x1, s19  }
0x1e7: {  	p0 =	sne.s32 s19, s12  }
.Ltmp3:
0x1e8: {  	_ = 	snop;
	(pc) =	sbr.rel @p0 .LBB2_1-.Ltmp3, $4  }
0x1e9: {  	[hbm4b:s11+s4] =	stream.linear.scatter [tilespmem:s18], [sflag:$0x5], $0x8000, $0x38;
	[tilespmem:$0x1A080] =	vst v63  }
0x1ea: {  	_ =	swait.ge [sflag:s13], $0x8000  }
0x1eb: {  	[sflag:s13] =	ssyncset.done $0x0  }
0x1ec: {  	[sflag:s13] =	ssyncadd.s32 $0xFFFF8000  }
0x1ed: {  	_ =	sfence.sel $0x180000  }
0x1ee: {  	[bflag:$0x0] =	sbarrier.arrive $0xFFFF  }
0x1ef: {  	p0 =	sne.s32 s0, $0x0;
	_ =	strace $0x90000047  }
0x1f0: {  	s0 =	sadd.s32 @!p0 $0x100000, s2;
	[bflag:$0x2] =	sbarrier.arrive $0xFFFF  }
0x1f1: {  	[sflag:s0] =	ssyncadd.tile.s32 @!p0 $0x1;
	_ =	shalt  }
.Lfunc_end2:
_tile_overlayer_lowered:
.L_overlay_start_2:
0x1f2: {  	(tag) =	ssettag $0x2  }
0x1f3: {  	s0 =	rddreg [dreg:$0x0];
	s2 =	stileid.u32  }
0x1f4: {  	s1 =	rddreg [dreg:$0x1];
	p0 =	sne.s32 s2, $0x0  }
0x1f5: {  	s3 =	rddreg [dreg:$0x2];
	[bflag:$0x3] =	sbarrier.arrive $0xFFFF;
	s2 =	simm.s32 @!p0 $0x1C05  }
0x1f6: {  	[timem:s3], [sflag:s2] =	dma.local @!p0 [hbm:s0], s1  }
0x1f7: {  	s0 =	simm.s32 @!p0 $0x5  }
0x1f8: {  	_ =	swait.ge @!p0 [sflag:s0], s1  }
0x1f9: {  	s1 =	ssub.s32 @!p0 $0x0, s1;
	[sflag:s0] =	ssyncset.done @!p0 $0x0  }
0x1fa: {  	[sflag:s0] =	ssyncadd.s32 @!p0 s1  }
0x1fb: {  	[bflag:$0x3] =	sbarrier.arrive $0xFFFF  }
0x1fc: {  	_ =	shalt  }

</sc_bundles>
